<compile_context>
chip_gen: v7x
topology: tpu7x:2x2x1
jax: 0.10.2.dev20260603
libtpu: 0.0.44.dev20260713+nightly
codegen_flags: <defaults>
</compile_context>

<pallas_src>
import jax
import jax.numpy as jnp
from jax import lax
from jax.experimental import pallas as pl
from jax.experimental.pallas import tpu as pltpu
from jax.experimental.pallas import tpu_sc as plsc

B = 16384
D = 32
WD = 1e-05
NC = 2
NS = 16
NW = NC * NS
BPW = B // NW
HALF = BPW // 2
L = 16
K = 128


def _bpr_body(u_hbm, i_hbm, j_hbm, w_hbm, h_hbm, out_hbm,
              u_v, i_v, j_v, ue2, ie2, je2, tbuf, out_v, sem):
    wid = lax.axis_index("s") * NC + lax.axis_index("c")
    base = wid * BPW

    pltpu.sync_copy(u_hbm.at[pl.ds(base, BPW)], u_v)
    pltpu.sync_copy(i_hbm.at[pl.ds(base, BPW)], i_v)
    pltpu.sync_copy(j_hbm.at[pl.ds(base, BPW)], j_v)

    third = jnp.float32(1.0 / 3.0)
    fifth = jnp.float32(1.0 / 5.0)
    seventh = jnp.float32(1.0 / 7.0)
    zero = jnp.zeros((L,), jnp.float32)
    lanes = lax.iota(jnp.int32, L)

    def row_term(rloc):
        t = zero
        for h in range(D // L):
            ue = ue2[rloc, pl.ds(h * L, L)]
            ie = ie2[rloc, pl.ds(h * L, L)]
            je = je2[rloc, pl.ds(h * L, L)]
            x = ue * (ie - je)
            e = jnp.exp(-jnp.abs(x))
            s = e / (e + 2.0)
            s2 = s * s
            log1p = (2.0 * s) * (1.0 + s2 * (third + s2 * (fifth + s2 * seventh)))
            logsig = jnp.minimum(x, zero) - log1p
            sq = ue * ue + ie * ie + je * je
            t = t + (jnp.float32(WD / D) * sq - jnp.float32(1.0 / D) * logsig)
        return t

    for half in range(2):
        roff = half * HALF

        def fire_group(g, _):
            rl0 = g * L
            uv = u_v[pl.ds(roff + rl0, L)]
            iv = i_v[pl.ds(roff + rl0, L)]
            jv = j_v[pl.ds(roff + rl0, L)]
            for k in range(L):
                dst = pl.ds(rl0 + k, 1)
                pltpu.async_copy(w_hbm.at[pl.ds(uv[k], 1), :], ue2.at[dst, :], sem)
                pltpu.async_copy(h_hbm.at[pl.ds(iv[k], 1), :], ie2.at[dst, :], sem)
                pltpu.async_copy(h_hbm.at[pl.ds(jv[k], 1), :], je2.at[dst, :], sem)
            return _

        def drain(r, _):
            d0 = pl.ds(0, 1)
            pltpu.make_async_copy(w_hbm.at[d0, :], ue2.at[d0, :], sem).wait()
            pltpu.make_async_copy(h_hbm.at[d0, :], ie2.at[d0, :], sem).wait()
            pltpu.make_async_copy(h_hbm.at[d0, :], je2.at[d0, :], sem).wait()
            return _

        def gather_chunk(c, _):
            g0 = c * (K // L)
            lax.fori_loop(g0, g0 + K // L, fire_group, None)
            lax.fori_loop(0, K, drain, None)
            return _

        lax.fori_loop(0, HALF // K, gather_chunk, None)

        def row_body(g, _):
            rl0 = g * 4
            for k in range(4):
                rloc = rl0 + k
                plsc.store_scatter(tbuf, [lanes * BPW + (roff + rloc)],
                                   row_term(rloc))
            return _

        lax.fori_loop(0, HALF // 4, row_body, None)

    def sum_body(c, _):
        r0 = c * L
        acc = tbuf[pl.ds(r0, L)]
        for l in range(1, L):
            acc = acc + tbuf[pl.ds(l * BPW + r0, L)]
        out_v[pl.ds(r0, L)] = acc
        return _

    lax.fori_loop(0, BPW // L, sum_body, None)
    pltpu.sync_copy(out_v, out_hbm.at[pl.ds(base, BPW)])


@jax.jit
def _bpr_sc(u, i, j, w, h):
    mesh = plsc.VectorSubcoreMesh(core_axis_name="c", subcore_axis_name="s",
                                  num_cores=NC, num_subcores=NS)
    return pl.kernel(
        _bpr_body,
        out_type=jax.ShapeDtypeStruct((B,), jnp.float32),
        mesh=mesh,
        scratch_types=[
            pltpu.VMEM((BPW,), jnp.int32),
            pltpu.VMEM((BPW,), jnp.int32),
            pltpu.VMEM((BPW,), jnp.int32),
            pltpu.VMEM((HALF, D), jnp.float32),
            pltpu.VMEM((HALF, D), jnp.float32),
            pltpu.VMEM((HALF, D), jnp.float32),
            pltpu.VMEM((L * BPW,), jnp.float32),
            pltpu.VMEM((BPW,), jnp.float32),
            pltpu.SemaphoreType.DMA,
        ],
        compiler_params=pltpu.CompilerParams(needs_layout_passes=False),
    )(u, i, j, w, h)


def kernel(u, i, j, W, H):
    return _bpr_sc(u.astype(jnp.int32), i.astype(jnp.int32),
                   j.astype(jnp.int32), W, H)

# --- scband reference (transcript-rebuilt; emitter-appended) ---
"""Pipeline reference for scband-bpr-86431921865199 (READ-ONLY COPY).

The authoritative reference and input builder live on the scoring server;
editing this copy changes nothing except your own understanding.
"""

import jax, jax.numpy as jnp
import numpy as np

B = 16384
USERS = 1000000
ITEMS = 1000000
D = 32
WD = 1e-05

def setup_inputs(seed: int = 0):
    key = jax.random.key(seed)
    k1, k2, k3, k4, k5 = jax.random.split(key, 5)
    u = jax.random.randint(k1, (B,), 0, USERS, dtype=jnp.int64) if jax.config.jax_enable_x64 else jax.random.randint(k1, (B,), 0, USERS).astype(jnp.int32)
    i = jax.random.randint(k2, (B,), 0, ITEMS).astype(u.dtype)
    j = jax.random.randint(k3, (B,), 0, ITEMS).astype(u.dtype)
    # xavier_normal init: std = sqrt(2 / (fan_in + fan_out))
    W = jax.random.normal(k4, (USERS, D), dtype=jnp.float32) * np.sqrt(2.0 / (USERS + D))
    H = jax.random.normal(k5, (ITEMS, D), dtype=jnp.float32) * np.sqrt(2.0 / (ITEMS + D))
    return {"u": u, "i": i, "j": j, "W": W, "H": H}

def reference(u, i, j, W, H):
    # reshape indices to [B, 1] as in the torch module
    u2 = u.reshape(u.shape[0], 1)
    i2 = i.reshape(i.shape[0], 1)
    j2 = j.reshape(j.shape[0], 1)
    # fancy-index gathers -> [B, 1, D]
    ue = W[u2]
    ie = H[i2]
    je = H[j2]
    # mul then sum over dim=1 (size-1 middle dim) -> [B, D]
    x_ui = (ue * ie).sum(axis=1)
    x_uj = (ue * je).sum(axis=1)
    x_uij = x_ui - x_uj
    log_prob = jax.nn.log_sigmoid(x_uij).mean(axis=1)  # [B]
    # norm over dim=1 of [B,1,D] -> [B,D]; squared, mean over dim=1 -> [B]
    reg = WD * (
        (jnp.linalg.norm(ue, axis=1) ** 2).mean(axis=1)
        + (jnp.linalg.norm(ie, axis=1) ** 2).mean(axis=1)
        + (jnp.linalg.norm(je, axis=1) ** 2).mean(axis=1)
    )
    return -log_prob + reg

if __name__ == "__main__":
    import jax
    _d = setup_inputs()
    print(jax.jit(kernel)(*tuple(_d.values())))

</pallas_src>

<mosaic_0001>
#map = affine_map<(d0, d1) -> (0)>
#map1 = affine_map<(d0, d1) -> (0, 0)>
module attributes {stable_mosaic.version = 14 : i64} {
  func.func @_bpr_body(%arg0: i32, %arg1: i32, %arg2: memref<16384xi32, #tpu.memory_space<hbm>>, %arg3: memref<16384xi32, #tpu.memory_space<hbm>>, %arg4: memref<16384xi32, #tpu.memory_space<hbm>>, %arg5: memref<1000000x32xf32, #tpu.memory_space<hbm>>, %arg6: memref<1000000x32xf32, #tpu.memory_space<hbm>>, %arg7: memref<16384xf32, #tpu.memory_space<hbm>>, %arg8: memref<512xi32, #tpu.memory_space<vmem>>, %arg9: memref<512xi32, #tpu.memory_space<vmem>>, %arg10: memref<512xi32, #tpu.memory_space<vmem>>, %arg11: memref<256x32xf32, #tpu.memory_space<vmem>>, %arg12: memref<256x32xf32, #tpu.memory_space<vmem>>, %arg13: memref<256x32xf32, #tpu.memory_space<vmem>>, %arg14: memref<8192xf32, #tpu.memory_space<vmem>>, %arg15: memref<512xf32, #tpu.memory_space<vmem>>, %arg16: memref<!tpu.dma_semaphore, #tpu.memory_space<semaphore_mem>>) attributes {dimension_semantics = [#tpu.dimension_semantics<core_parallel>, #tpu.dimension_semantics<subcore_parallel>], iteration_bounds = array<i64: 2, 16>, scalar_prefetch = 0 : i64, scratch_operands = 9 : i64, tpu.core_type = #tpu.core_type<sc_vector_subcore>, window_params = [{transform_indices = #map}, {transform_indices = #map}, {transform_indices = #map}, {transform_indices = #map1}, {transform_indices = #map1}, {transform_indices = #map}]} {
    %mul3A = arith.constant 2 : i32
    %mul3A_0 = arith.muli %arg1, %mul3A : i32
    %add3A = arith.addi %mul3A_0, %arg0 : i32
    %mul3A_1 = arith.constant 512 : i32
    %mul3A_2 = arith.muli %add3A, %mul3A_1 : i32
    "tpu.region"() ({
      %run_scoped3A = tpu.sem_alloc : memref<!tpu.dma_semaphore, #tpu.memory_space<semaphore_mem>>
      %dma_start3A = tpu.memref_slice %arg2[%mul3A_2] : memref<16384xi32, #tpu.memory_space<hbm>> -> memref<512xi32, #tpu.memory_space<hbm>>
      %dma_start3A_34 = tpu.memref_slice %arg2[%mul3A_2] : memref<16384xi32, #tpu.memory_space<hbm>> -> memref<512xi32, #tpu.memory_space<hbm>>
      tpu.enqueue_dma source(%dma_start3A_34 : memref<512xi32, #tpu.memory_space<hbm>>) target(%arg8 : memref<512xi32, #tpu.memory_space<vmem>>) target_semaphore(%run_scoped3A : memref<!tpu.dma_semaphore, #tpu.memory_space<semaphore_mem>>)
      %dma_wait3A = tpu.memref_slice %arg2[%mul3A_2] : memref<16384xi32, #tpu.memory_space<hbm>> -> memref<512xi32, #tpu.memory_space<hbm>>
      %dma_wait3A_35 = tpu.memref_slice %arg2[%mul3A_2] : memref<16384xi32, #tpu.memory_space<hbm>> -> memref<512xi32, #tpu.memory_space<hbm>>
      tpu.wait_dma2 semaphore(%run_scoped3A : memref<!tpu.dma_semaphore, #tpu.memory_space<semaphore_mem>>) src(%dma_wait3A_35 : memref<512xi32, #tpu.memory_space<hbm>>) dst(%arg8 : memref<512xi32, #tpu.memory_space<vmem>>)
      tpu.yield
    }) : () -> ()
    "tpu.region"() ({
      %run_scoped3A = tpu.sem_alloc : memref<!tpu.dma_semaphore, #tpu.memory_space<semaphore_mem>>
      %dma_start3A = tpu.memref_slice %arg3[%mul3A_2] : memref<16384xi32, #tpu.memory_space<hbm>> -> memref<512xi32, #tpu.memory_space<hbm>>
      %dma_start3A_34 = tpu.memref_slice %arg3[%mul3A_2] : memref<16384xi32, #tpu.memory_space<hbm>> -> memref<512xi32, #tpu.memory_space<hbm>>
      tpu.enqueue_dma source(%dma_start3A_34 : memref<512xi32, #tpu.memory_space<hbm>>) target(%arg9 : memref<512xi32, #tpu.memory_space<vmem>>) target_semaphore(%run_scoped3A : memref<!tpu.dma_semaphore, #tpu.memory_space<semaphore_mem>>)
      %dma_wait3A = tpu.memref_slice %arg3[%mul3A_2] : memref<16384xi32, #tpu.memory_space<hbm>> -> memref<512xi32, #tpu.memory_space<hbm>>
      %dma_wait3A_35 = tpu.memref_slice %arg3[%mul3A_2] : memref<16384xi32, #tpu.memory_space<hbm>> -> memref<512xi32, #tpu.memory_space<hbm>>
      tpu.wait_dma2 semaphore(%run_scoped3A : memref<!tpu.dma_semaphore, #tpu.memory_space<semaphore_mem>>) src(%dma_wait3A_35 : memref<512xi32, #tpu.memory_space<hbm>>) dst(%arg9 : memref<512xi32, #tpu.memory_space<vmem>>)
      tpu.yield
    }) : () -> ()
    "tpu.region"() ({
      %run_scoped3A = tpu.sem_alloc : memref<!tpu.dma_semaphore, #tpu.memory_space<semaphore_mem>>
      %dma_start3A = tpu.memref_slice %arg4[%mul3A_2] : memref<16384xi32, #tpu.memory_space<hbm>> -> memref<512xi32, #tpu.memory_space<hbm>>
      %dma_start3A_34 = tpu.memref_slice %arg4[%mul3A_2] : memref<16384xi32, #tpu.memory_space<hbm>> -> memref<512xi32, #tpu.memory_space<hbm>>
      tpu.enqueue_dma source(%dma_start3A_34 : memref<512xi32, #tpu.memory_space<hbm>>) target(%arg10 : memref<512xi32, #tpu.memory_space<vmem>>) target_semaphore(%run_scoped3A : memref<!tpu.dma_semaphore, #tpu.memory_space<semaphore_mem>>)
      %dma_wait3A = tpu.memref_slice %arg4[%mul3A_2] : memref<16384xi32, #tpu.memory_space<hbm>> -> memref<512xi32, #tpu.memory_space<hbm>>
      %dma_wait3A_35 = tpu.memref_slice %arg4[%mul3A_2] : memref<16384xi32, #tpu.memory_space<hbm>> -> memref<512xi32, #tpu.memory_space<hbm>>
      tpu.wait_dma2 semaphore(%run_scoped3A : memref<!tpu.dma_semaphore, #tpu.memory_space<semaphore_mem>>) src(%dma_wait3A_35 : memref<512xi32, #tpu.memory_space<hbm>>) dst(%arg10 : memref<512xi32, #tpu.memory_space<vmem>>)
      tpu.yield
    }) : () -> ()
    %broadcast_in_dim3A = arith.constant 0.000000e+00 : f32
    %broadcast_in_dim3A_3 = vector.broadcast %broadcast_in_dim3A : f32 to vector<16xf32>
    %iota3A = tpu.iota {dimensions = array<i32: 0>} : vector<16xi32>
    %scan3A = arith.constant 0 : i32
    %scan3A_4 = arith.constant 2 : i32
    %scan3A_5 = arith.addi %scan3A, %scan3A_4 : i32
    %scan3A_6 = arith.constant 1 : i32
    scf.for %scan3A_34 = %scan3A to %scan3A_5 step %scan3A_6  : i32 {
      %mul3A_35 = arith.constant 8 : i32
      %mul3A_36 = arith.muli %scan3A_34, %mul3A_35 : i32
      %add3A_37 = arith.constant 8 : i32
      %add3A_38 = arith.addi %mul3A_36, %add3A_37 : i32
      %while3A = arith.subi %add3A_38, %mul3A_36 : i32
      %while3A_39 = arith.addi %mul3A_36, %while3A : i32
      %while3A_40 = arith.constant 1 : i32
      %while3A_41 = arith.divsi %while3A, %while3A_40 : i32
      %while3A_42 = arith.muli %while3A_41, %while3A_40 : i32
      %while3A_43 = arith.addi %mul3A_36, %while3A_42 : i32
      %while3A_44 = arith.constant 1 : i32
      scf.for %while3A_51 = %mul3A_36 to %while3A_43 step %while3A_44  : i32 {
        %mul3A_52 = arith.constant 16 : i32
        %mul3A_53 = arith.muli %while3A_51, %mul3A_52 : i32
        %add3A_54 = arith.constant 0 : i32
        %add3A_55 = arith.addi %add3A_54, %mul3A_53 : i32
        %get3A = arith.index_cast %add3A_55 : i32 to index
        %get3A_56 = tpu.vector_load %arg8[%get3A] {strides = array<i32>} : memref<512xi32, #tpu.memory_space<vmem>>, vector<16xi32>,
        %add3A_57 = arith.constant 0 : i32
        %add3A_58 = arith.addi %add3A_57, %mul3A_53 : i32
        %get3A_59 = arith.index_cast %add3A_58 : i32 to index
        %get3A_60 = tpu.vector_load %arg9[%get3A_59] {strides = array<i32>} : memref<512xi32, #tpu.memory_space<vmem>>, vector<16xi32>,
        %add3A_61 = arith.constant 0 : i32
        %add3A_62 = arith.addi %add3A_61, %mul3A_53 : i32
        %get3A_63 = arith.index_cast %add3A_62 : i32 to index
        %get3A_64 = tpu.vector_load %arg10[%get3A_63] {strides = array<i32>} : memref<512xi32, #tpu.memory_space<vmem>>, vector<16xi32>,
        %add3A_65 = arith.constant 0 : i32
        %add3A_66 = arith.addi %mul3A_53, %add3A_65 : i32
        %slice3A = vector.extract_strided_slice %get3A_56 {offsets = [0], sizes = [1], strides = [1]} : vector<16xi32> to vector<1xi32>
        %squeeze3A = vector.extract %slice3A[0] : i32 from vector<1xi32>
        %dma_start3A = arith.constant 0 : i32
        %dma_start3A_67 = tpu.memref_slice %arg11[%add3A_66, %dma_start3A] : memref<256x32xf32, #tpu.memory_space<vmem>> -> memref<1x32xf32, #tpu.memory_space<vmem>>
        %dma_start3A_68 = arith.constant 0 : i32
        %dma_start3A_69 = tpu.memref_slice %arg5[%squeeze3A, %dma_start3A_68] : memref<1000000x32xf32, #tpu.memory_space<hbm>> -> memref<1x32xf32, #tpu.memory_space<hbm>>
        %dma_start3A_70 = arith.constant 0 : i32
        %dma_start3A_71 = tpu.memref_slice %arg11[%add3A_66, %dma_start3A_70] : memref<256x32xf32, #tpu.memory_space<vmem>> -> memref<1x32xf32, #tpu.memory_space<vmem>>
        %dma_start3A_72 = arith.constant 0 : i32
        %dma_start3A_73 = tpu.memref_slice %arg5[%squeeze3A, %dma_start3A_72] : memref<1000000x32xf32, #tpu.memory_space<hbm>> -> memref<1x32xf32, #tpu.memory_space<hbm>>
        tpu.enqueue_dma source(%dma_start3A_73 : memref<1x32xf32, #tpu.memory_space<hbm>>) target(%dma_start3A_71 : memref<1x32xf32, #tpu.memory_space<vmem>>) target_semaphore(%arg16 : memref<!tpu.dma_semaphore, #tpu.memory_space<semaphore_mem>>)
        %slice3A_74 = vector.extract_strided_slice %get3A_60 {offsets = [0], sizes = [1], strides = [1]} : vector<16xi32> to vector<1xi32>
        %squeeze3A_75 = vector.extract %slice3A_74[0] : i32 from vector<1xi32>
        %dma_start3A_76 = arith.constant 0 : i32
        %dma_start3A_77 = tpu.memref_slice %arg12[%add3A_66, %dma_start3A_76] : memref<256x32xf32, #tpu.memory_space<vmem>> -> memref<1x32xf32, #tpu.memory_space<vmem>>
        %dma_start3A_78 = arith.constant 0 : i32
        %dma_start3A_79 = tpu.memref_slice %arg6[%squeeze3A_75, %dma_start3A_78] : memref<1000000x32xf32, #tpu.memory_space<hbm>> -> memref<1x32xf32, #tpu.memory_space<hbm>>
        %dma_start3A_80 = arith.constant 0 : i32
        %dma_start3A_81 = tpu.memref_slice %arg12[%add3A_66, %dma_start3A_80] : memref<256x32xf32, #tpu.memory_space<vmem>> -> memref<1x32xf32, #tpu.memory_space<vmem>>
        %dma_start3A_82 = arith.constant 0 : i32
        %dma_start3A_83 = tpu.memref_slice %arg6[%squeeze3A_75, %dma_start3A_82] : memref<1000000x32xf32, #tpu.memory_space<hbm>> -> memref<1x32xf32, #tpu.memory_space<hbm>>
        tpu.enqueue_dma source(%dma_start3A_83 : memref<1x32xf32, #tpu.memory_space<hbm>>) target(%dma_start3A_81 : memref<1x32xf32, #tpu.memory_space<vmem>>) target_semaphore(%arg16 : memref<!tpu.dma_semaphore, #tpu.memory_space<semaphore_mem>>)
        %slice3A_84 = vector.extract_strided_slice %get3A_64 {offsets = [0], sizes = [1], strides = [1]} : vector<16xi32> to vector<1xi32>
        %squeeze3A_85 = vector.extract %slice3A_84[0] : i32 from vector<1xi32>
        %dma_start3A_86 = arith.constant 0 : i32
        %dma_start3A_87 = tpu.memref_slice %arg13[%add3A_66, %dma_start3A_86] : memref<256x32xf32, #tpu.memory_space<vmem>> -> memref<1x32xf32, #tpu.memory_space<vmem>>
        %dma_start3A_88 = arith.constant 0 : i32
        %dma_start3A_89 = tpu.memref_slice %arg6[%squeeze3A_85, %dma_start3A_88] : memref<1000000x32xf32, #tpu.memory_space<hbm>> -> memref<1x32xf32, #tpu.memory_space<hbm>>
        %dma_start3A_90 = arith.constant 0 : i32
        %dma_start3A_91 = tpu.memref_slice %arg13[%add3A_66, %dma_start3A_90] : memref<256x32xf32, #tpu.memory_space<vmem>> -> memref<1x32xf32, #tpu.memory_space<vmem>>
        %dma_start3A_92 = arith.constant 0 : i32
        %dma_start3A_93 = tpu.memref_slice %arg6[%squeeze3A_85, %dma_start3A_92] : memref<1000000x32xf32, #tpu.memory_space<hbm>> -> memref<1x32xf32, #tpu.memory_space<hbm>>
        tpu.enqueue_dma source(%dma_start3A_93 : memref<1x32xf32, #tpu.memory_space<hbm>>) target(%dma_start3A_91 : memref<1x32xf32, #tpu.memory_space<vmem>>) target_semaphore(%arg16 : memref<!tpu.dma_semaphore, #tpu.memory_space<semaphore_mem>>)
        %add3A_94 = arith.constant 1 : i32
        %add3A_95 = arith.addi %mul3A_53, %add3A_94 : i32
        %slice3A_96 = vector.extract_strided_slice %get3A_56 {offsets = [1], sizes = [1], strides = [1]} : vector<16xi32> to vector<1xi32>
        %squeeze3A_97 = vector.extract %slice3A_96[0] : i32 from vector<1xi32>
        %dma_start3A_98 = arith.constant 0 : i32
        %dma_start3A_99 = tpu.memref_slice %arg11[%add3A_95, %dma_start3A_98] : memref<256x32xf32, #tpu.memory_space<vmem>> -> memref<1x32xf32, #tpu.memory_space<vmem>>
        %dma_start3A_100 = arith.constant 0 : i32
        %dma_start3A_101 = tpu.memref_slice %arg5[%squeeze3A_97, %dma_start3A_100] : memref<1000000x32xf32, #tpu.memory_space<hbm>> -> memref<1x32xf32, #tpu.memory_space<hbm>>
        %dma_start3A_102 = arith.constant 0 : i32
        %dma_start3A_103 = tpu.memref_slice %arg11[%add3A_95, %dma_start3A_102] : memref<256x32xf32, #tpu.memory_space<vmem>> -> memref<1x32xf32, #tpu.memory_space<vmem>>
        %dma_start3A_104 = arith.constant 0 : i32
        %dma_start3A_105 = tpu.memref_slice %arg5[%squeeze3A_97, %dma_start3A_104] : memref<1000000x32xf32, #tpu.memory_space<hbm>> -> memref<1x32xf32, #tpu.memory_space<hbm>>
        tpu.enqueue_dma source(%dma_start3A_105 : memref<1x32xf32, #tpu.memory_space<hbm>>) target(%dma_start3A_103 : memref<1x32xf32, #tpu.memory_space<vmem>>) target_semaphore(%arg16 : memref<!tpu.dma_semaphore, #tpu.memory_space<semaphore_mem>>)
        %slice3A_106 = vector.extract_strided_slice %get3A_60 {offsets = [1], sizes = [1], strides = [1]} : vector<16xi32> to vector<1xi32>
        %squeeze3A_107 = vector.extract %slice3A_106[0] : i32 from vector<1xi32>
        %dma_start3A_108 = arith.constant 0 : i32
        %dma_start3A_109 = tpu.memref_slice %arg12[%add3A_95, %dma_start3A_108] : memref<256x32xf32, #tpu.memory_space<vmem>> -> memref<1x32xf32, #tpu.memory_space<vmem>>
        %dma_start3A_110 = arith.constant 0 : i32
        %dma_start3A_111 = tpu.memref_slice %arg6[%squeeze3A_107, %dma_start3A_110] : memref<1000000x32xf32, #tpu.memory_space<hbm>> -> memref<1x32xf32, #tpu.memory_space<hbm>>
        %dma_start3A_112 = arith.constant 0 : i32
        %dma_start3A_113 = tpu.memref_slice %arg12[%add3A_95, %dma_start3A_112] : memref<256x32xf32, #tpu.memory_space<vmem>> -> memref<1x32xf32, #tpu.memory_space<vmem>>
        %dma_start3A_114 = arith.constant 0 : i32
        %dma_start3A_115 = tpu.memref_slice %arg6[%squeeze3A_107, %dma_start3A_114] : memref<1000000x32xf32, #tpu.memory_space<hbm>> -> memref<1x32xf32, #tpu.memory_space<hbm>>
        tpu.enqueue_dma source(%dma_start3A_115 : memref<1x32xf32, #tpu.memory_space<hbm>>) target(%dma_start3A_113 : memref<1x32xf32, #tpu.memory_space<vmem>>) target_semaphore(%arg16 : memref<!tpu.dma_semaphore, #tpu.memory_space<semaphore_mem>>)
        %slice3A_116 = vector.extract_strided_slice %get3A_64 {offsets = [1], sizes = [1], strides = [1]} : vector<16xi32> to vector<1xi32>
        %squeeze3A_117 = vector.extract %slice3A_116[0] : i32 from vector<1xi32>
        %dma_start3A_118 = arith.constant 0 : i32
        %dma_start3A_119 = tpu.memref_slice %arg13[%add3A_95, %dma_start3A_118] : memref<256x32xf32, #tpu.memory_space<vmem>> -> memref<1x32xf32, #tpu.memory_space<vmem>>
        %dma_start3A_120 = arith.constant 0 : i32
        %dma_start3A_121 = tpu.memref_slice %arg6[%squeeze3A_117, %dma_start3A_120] : memref<1000000x32xf32, #tpu.memory_space<hbm>> -> memref<1x32xf32, #tpu.memory_space<hbm>>
        %dma_start3A_122 = arith.constant 0 : i32
        %dma_start3A_123 = tpu.memref_slice %arg13[%add3A_95, %dma_start3A_122] : memref<256x32xf32, #tpu.memory_space<vmem>> -> memref<1x32xf32, #tpu.memory_space<vmem>>
        %dma_start3A_124 = arith.constant 0 : i32
        %dma_start3A_125 = tpu.memref_slice %arg6[%squeeze3A_117, %dma_start3A_124] : memref<1000000x32xf32, #tpu.memory_space<hbm>> -> memref<1x32xf32, #tpu.memory_space<hbm>>
        tpu.enqueue_dma source(%dma_start3A_125 : memref<1x32xf32, #tpu.memory_space<hbm>>) target(%dma_start3A_123 : memref<1x32xf32, #tpu.memory_space<vmem>>) target_semaphore(%arg16 : memref<!tpu.dma_semaphore, #tpu.memory_space<semaphore_mem>>)
        %add3A_126 = arith.constant 2 : i32
        %add3A_127 = arith.addi %mul3A_53, %add3A_126 : i32
        %slice3A_128 = vector.extract_strided_slice %get3A_56 {offsets = [2], sizes = [1], strides = [1]} : vector<16xi32> to vector<1xi32>
        %squeeze3A_129 = vector.extract %slice3A_128[0] : i32 from vector<1xi32>
        %dma_start3A_130 = arith.constant 0 : i32
        %dma_start3A_131 = tpu.memref_slice %arg11[%add3A_127, %dma_start3A_130] : memref<256x32xf32, #tpu.memory_space<vmem>> -> memref<1x32xf32, #tpu.memory_space<vmem>>
        %dma_start3A_132 = arith.constant 0 : i32
        %dma_start3A_133 = tpu.memref_slice %arg5[%squeeze3A_129, %dma_start3A_132] : memref<1000000x32xf32, #tpu.memory_space<hbm>> -> memref<1x32xf32, #tpu.memory_space<hbm>>
        %dma_start3A_134 = arith.constant 0 : i32
        %dma_start3A_135 = tpu.memref_slice %arg11[%add3A_127, %dma_start3A_134] : memref<256x32xf32, #tpu.memory_space<vmem>> -> memref<1x32xf32, #tpu.memory_space<vmem>>
        %dma_start3A_136 = arith.constant 0 : i32
        %dma_start3A_137 = tpu.memref_slice %arg5[%squeeze3A_129, %dma_start3A_136] : memref<1000000x32xf32, #tpu.memory_space<hbm>> -> memref<1x32xf32, #tpu.memory_space<hbm>>
        tpu.enqueue_dma source(%dma_start3A_137 : memref<1x32xf32, #tpu.memory_space<hbm>>) target(%dma_start3A_135 : memref<1x32xf32, #tpu.memory_space<vmem>>) target_semaphore(%arg16 : memref<!tpu.dma_semaphore, #tpu.memory_space<semaphore_mem>>)
        %slice3A_138 = vector.extract_strided_slice %get3A_60 {offsets = [2], sizes = [1], strides = [1]} : vector<16xi32> to vector<1xi32>
        %squeeze3A_139 = vector.extract %slice3A_138[0] : i32 from vector<1xi32>
        %dma_start3A_140 = arith.constant 0 : i32
        %dma_start3A_141 = tpu.memref_slice %arg12[%add3A_127, %dma_start3A_140] : memref<256x32xf32, #tpu.memory_space<vmem>> -> memref<1x32xf32, #tpu.memory_space<vmem>>
        %dma_start3A_142 = arith.constant 0 : i32
        %dma_start3A_143 = tpu.memref_slice %arg6[%squeeze3A_139, %dma_start3A_142] : memref<1000000x32xf32, #tpu.memory_space<hbm>> -> memref<1x32xf32, #tpu.memory_space<hbm>>
        %dma_start3A_144 = arith.constant 0 : i32
        %dma_start3A_145 = tpu.memref_slice %arg12[%add3A_127, %dma_start3A_144] : memref<256x32xf32, #tpu.memory_space<vmem>> -> memref<1x32xf32, #tpu.memory_space<vmem>>
        %dma_start3A_146 = arith.constant 0 : i32
        %dma_start3A_147 = tpu.memref_slice %arg6[%squeeze3A_139, %dma_start3A_146] : memref<1000000x32xf32, #tpu.memory_space<hbm>> -> memref<1x32xf32, #tpu.memory_space<hbm>>
        tpu.enqueue_dma source(%dma_start3A_147 : memref<1x32xf32, #tpu.memory_space<hbm>>) target(%dma_start3A_145 : memref<1x32xf32, #tpu.memory_space<vmem>>) target_semaphore(%arg16 : memref<!tpu.dma_semaphore, #tpu.memory_space<semaphore_mem>>)
        %slice3A_148 = vector.extract_strided_slice %get3A_64 {offsets = [2], sizes = [1], strides = [1]} : vector<16xi32> to vector<1xi32>
        %squeeze3A_149 = vector.extract %slice3A_148[0] : i32 from vector<1xi32>
        %dma_start3A_150 = arith.constant 0 : i32
        %dma_start3A_151 = tpu.memref_slice %arg13[%add3A_127, %dma_start3A_150] : memref<256x32xf32, #tpu.memory_space<vmem>> -> memref<1x32xf32, #tpu.memory_space<vmem>>
        %dma_start3A_152 = arith.constant 0 : i32
        %dma_start3A_153 = tpu.memref_slice %arg6[%squeeze3A_149, %dma_start3A_152] : memref<1000000x32xf32, #tpu.memory_space<hbm>> -> memref<1x32xf32, #tpu.memory_space<hbm>>
        %dma_start3A_154 = arith.constant 0 : i32
        %dma_start3A_155 = tpu.memref_slice %arg13[%add3A_127, %dma_start3A_154] : memref<256x32xf32, #tpu.memory_space<vmem>> -> memref<1x32xf32, #tpu.memory_space<vmem>>
        %dma_start3A_156 = arith.constant 0 : i32
        %dma_start3A_157 = tpu.memref_slice %arg6[%squeeze3A_149, %dma_start3A_156] : memref<1000000x32xf32, #tpu.memory_space<hbm>> -> memref<1x32xf32, #tpu.memory_space<hbm>>
        tpu.enqueue_dma source(%dma_start3A_157 : memref<1x32xf32, #tpu.memory_space<hbm>>) target(%dma_start3A_155 : memref<1x32xf32, #tpu.memory_space<vmem>>) target_semaphore(%arg16 : memref<!tpu.dma_semaphore, #tpu.memory_space<semaphore_mem>>)
        %add3A_158 = arith.constant 3 : i32
        %add3A_159 = arith.addi %mul3A_53, %add3A_158 : i32
        %slice3A_160 = vector.extract_strided_slice %get3A_56 {offsets = [3], sizes = [1], strides = [1]} : vector<16xi32> to vector<1xi32>
        %squeeze3A_161 = vector.extract %slice3A_160[0] : i32 from vector<1xi32>
        %dma_start3A_162 = arith.constant 0 : i32
        %dma_start3A_163 = tpu.memref_slice %arg11[%add3A_159, %dma_start3A_162] : memref<256x32xf32, #tpu.memory_space<vmem>> -> memref<1x32xf32, #tpu.memory_space<vmem>>
        %dma_start3A_164 = arith.constant 0 : i32
        %dma_start3A_165 = tpu.memref_slice %arg5[%squeeze3A_161, %dma_start3A_164] : memref<1000000x32xf32, #tpu.memory_space<hbm>> -> memref<1x32xf32, #tpu.memory_space<hbm>>
        %dma_start3A_166 = arith.constant 0 : i32
        %dma_start3A_167 = tpu.memref_slice %arg11[%add3A_159, %dma_start3A_166] : memref<256x32xf32, #tpu.memory_space<vmem>> -> memref<1x32xf32, #tpu.memory_space<vmem>>
        %dma_start3A_168 = arith.constant 0 : i32
        %dma_start3A_169 = tpu.memref_slice %arg5[%squeeze3A_161, %dma_start3A_168] : memref<1000000x32xf32, #tpu.memory_space<hbm>> -> memref<1x32xf32, #tpu.memory_space<hbm>>
        tpu.enqueue_dma source(%dma_start3A_169 : memref<1x32xf32, #tpu.memory_space<hbm>>) target(%dma_start3A_167 : memref<1x32xf32, #tpu.memory_space<vmem>>) target_semaphore(%arg16 : memref<!tpu.dma_semaphore, #tpu.memory_space<semaphore_mem>>)
        %slice3A_170 = vector.extract_strided_slice %get3A_60 {offsets = [3], sizes = [1], strides = [1]} : vector<16xi32> to vector<1xi32>
        %squeeze3A_171 = vector.extract %slice3A_170[0] : i32 from vector<1xi32>
        %dma_start3A_172 = arith.constant 0 : i32
        %dma_start3A_173 = tpu.memref_slice %arg12[%add3A_159, %dma_start3A_172] : memref<256x32xf32, #tpu.memory_space<vmem>> -> memref<1x32xf32, #tpu.memory_space<vmem>>
        %dma_start3A_174 = arith.constant 0 : i32
        %dma_start3A_175 = tpu.memref_slice %arg6[%squeeze3A_171, %dma_start3A_174] : memref<1000000x32xf32, #tpu.memory_space<hbm>> -> memref<1x32xf32, #tpu.memory_space<hbm>>
        %dma_start3A_176 = arith.constant 0 : i32
        %dma_start3A_177 = tpu.memref_slice %arg12[%add3A_159, %dma_start3A_176] : memref<256x32xf32, #tpu.memory_space<vmem>> -> memref<1x32xf32, #tpu.memory_space<vmem>>
        %dma_start3A_178 = arith.constant 0 : i32
        %dma_start3A_179 = tpu.memref_slice %arg6[%squeeze3A_171, %dma_start3A_178] : memref<1000000x32xf32, #tpu.memory_space<hbm>> -> memref<1x32xf32, #tpu.memory_space<hbm>>
        tpu.enqueue_dma source(%dma_start3A_179 : memref<1x32xf32, #tpu.memory_space<hbm>>) target(%dma_start3A_177 : memref<1x32xf32, #tpu.memory_space<vmem>>) target_semaphore(%arg16 : memref<!tpu.dma_semaphore, #tpu.memory_space<semaphore_mem>>)
        %slice3A_180 = vector.extract_strided_slice %get3A_64 {offsets = [3], sizes = [1], strides = [1]} : vector<16xi32> to vector<1xi32>
        %squeeze3A_181 = vector.extract %slice3A_180[0] : i32 from vector<1xi32>
        %dma_start3A_182 = arith.constant 0 : i32
        %dma_start3A_183 = tpu.memref_slice %arg13[%add3A_159, %dma_start3A_182] : memref<256x32xf32, #tpu.memory_space<vmem>> -> memref<1x32xf32, #tpu.memory_space<vmem>>
        %dma_start3A_184 = arith.constant 0 : i32
        %dma_start3A_185 = tpu.memref_slice %arg6[%squeeze3A_181, %dma_start3A_184] : memref<1000000x32xf32, #tpu.memory_space<hbm>> -> memref<1x32xf32, #tpu.memory_space<hbm>>
        %dma_start3A_186 = arith.constant 0 : i32
        %dma_start3A_187 = tpu.memref_slice %arg13[%add3A_159, %dma_start3A_186] : memref<256x32xf32, #tpu.memory_space<vmem>> -> memref<1x32xf32, #tpu.memory_space<vmem>>
        %dma_start3A_188 = arith.constant 0 : i32
        %dma_start3A_189 = tpu.memref_slice %arg6[%squeeze3A_181, %dma_start3A_188] : memref<1000000x32xf32, #tpu.memory_space<hbm>> -> memref<1x32xf32, #tpu.memory_space<hbm>>
        tpu.enqueue_dma source(%dma_start3A_189 : memref<1x32xf32, #tpu.memory_space<hbm>>) target(%dma_start3A_187 : memref<1x32xf32, #tpu.memory_space<vmem>>) target_semaphore(%arg16 : memref<!tpu.dma_semaphore, #tpu.memory_space<semaphore_mem>>)
        %add3A_190 = arith.constant 4 : i32
        %add3A_191 = arith.addi %mul3A_53, %add3A_190 : i32
        %slice3A_192 = vector.extract_strided_slice %get3A_56 {offsets = [4], sizes = [1], strides = [1]} : vector<16xi32> to vector<1xi32>
        %squeeze3A_193 = vector.extract %slice3A_192[0] : i32 from vector<1xi32>
        %dma_start3A_194 = arith.constant 0 : i32
        %dma_start3A_195 = tpu.memref_slice %arg11[%add3A_191, %dma_start3A_194] : memref<256x32xf32, #tpu.memory_space<vmem>> -> memref<1x32xf32, #tpu.memory_space<vmem>>
        %dma_start3A_196 = arith.constant 0 : i32
        %dma_start3A_197 = tpu.memref_slice %arg5[%squeeze3A_193, %dma_start3A_196] : memref<1000000x32xf32, #tpu.memory_space<hbm>> -> memref<1x32xf32, #tpu.memory_space<hbm>>
        %dma_start3A_198 = arith.constant 0 : i32
        %dma_start3A_199 = tpu.memref_slice %arg11[%add3A_191, %dma_start3A_198] : memref<256x32xf32, #tpu.memory_space<vmem>> -> memref<1x32xf32, #tpu.memory_space<vmem>>
        %dma_start3A_200 = arith.constant 0 : i32
        %dma_start3A_201 = tpu.memref_slice %arg5[%squeeze3A_193, %dma_start3A_200] : memref<1000000x32xf32, #tpu.memory_space<hbm>> -> memref<1x32xf32, #tpu.memory_space<hbm>>
        tpu.enqueue_dma source(%dma_start3A_201 : memref<1x32xf32, #tpu.memory_space<hbm>>) target(%dma_start3A_199 : memref<1x32xf32, #tpu.memory_space<vmem>>) target_semaphore(%arg16 : memref<!tpu.dma_semaphore, #tpu.memory_space<semaphore_mem>>)
        %slice3A_202 = vector.extract_strided_slice %get3A_60 {offsets = [4], sizes = [1], strides = [1]} : vector<16xi32> to vector<1xi32>
        %squeeze3A_203 = vector.extract %slice3A_202[0] : i32 from vector<1xi32>
        %dma_start3A_204 = arith.constant 0 : i32
        %dma_start3A_205 = tpu.memref_slice %arg12[%add3A_191, %dma_start3A_204] : memref<256x32xf32, #tpu.memory_space<vmem>> -> memref<1x32xf32, #tpu.memory_space<vmem>>
        %dma_start3A_206 = arith.constant 0 : i32
        %dma_start3A_207 = tpu.memref_slice %arg6[%squeeze3A_203, %dma_start3A_206] : memref<1000000x32xf32, #tpu.memory_space<hbm>> -> memref<1x32xf32, #tpu.memory_space<hbm>>
        %dma_start3A_208 = arith.constant 0 : i32
        %dma_start3A_209 = tpu.memref_slice %arg12[%add3A_191, %dma_start3A_208] : memref<256x32xf32, #tpu.memory_space<vmem>> -> memref<1x32xf32, #tpu.memory_space<vmem>>
        %dma_start3A_210 = arith.constant 0 : i32
        %dma_start3A_211 = tpu.memref_slice %arg6[%squeeze3A_203, %dma_start3A_210] : memref<1000000x32xf32, #tpu.memory_space<hbm>> -> memref<1x32xf32, #tpu.memory_space<hbm>>
        tpu.enqueue_dma source(%dma_start3A_211 : memref<1x32xf32, #tpu.memory_space<hbm>>) target(%dma_start3A_209 : memref<1x32xf32, #tpu.memory_space<vmem>>) target_semaphore(%arg16 : memref<!tpu.dma_semaphore, #tpu.memory_space<semaphore_mem>>)
        %slice3A_212 = vector.extract_strided_slice %get3A_64 {offsets = [4], sizes = [1], strides = [1]} : vector<16xi32> to vector<1xi32>
        %squeeze3A_213 = vector.extract %slice3A_212[0] : i32 from vector<1xi32>
        %dma_start3A_214 = arith.constant 0 : i32
        %dma_start3A_215 = tpu.memref_slice %arg13[%add3A_191, %dma_start3A_214] : memref<256x32xf32, #tpu.memory_space<vmem>> -> memref<1x32xf32, #tpu.memory_space<vmem>>
        %dma_start3A_216 = arith.constant 0 : i32
        %dma_start3A_217 = tpu.memref_slice %arg6[%squeeze3A_213, %dma_start3A_216] : memref<1000000x32xf32, #tpu.memory_space<hbm>> -> memref<1x32xf32, #tpu.memory_space<hbm>>
        %dma_start3A_218 = arith.constant 0 : i32
        %dma_start3A_219 = tpu.memref_slice %arg13[%add3A_191, %dma_start3A_218] : memref<256x32xf32, #tpu.memory_space<vmem>> -> memref<1x32xf32, #tpu.memory_space<vmem>>
        %dma_start3A_220 = arith.constant 0 : i32
        %dma_start3A_221 = tpu.memref_slice %arg6[%squeeze3A_213, %dma_start3A_220] : memref<1000000x32xf32, #tpu.memory_space<hbm>> -> memref<1x32xf32, #tpu.memory_space<hbm>>
        tpu.enqueue_dma source(%dma_start3A_221 : memref<1x32xf32, #tpu.memory_space<hbm>>) target(%dma_start3A_219 : memref<1x32xf32, #tpu.memory_space<vmem>>) target_semaphore(%arg16 : memref<!tpu.dma_semaphore, #tpu.memory_space<semaphore_mem>>)
        %add3A_222 = arith.constant 5 : i32
        %add3A_223 = arith.addi %mul3A_53, %add3A_222 : i32
        %slice3A_224 = vector.extract_strided_slice %get3A_56 {offsets = [5], sizes = [1], strides = [1]} : vector<16xi32> to vector<1xi32>
        %squeeze3A_225 = vector.extract %slice3A_224[0] : i32 from vector<1xi32>
        %dma_start3A_226 = arith.constant 0 : i32
        %dma_start3A_227 = tpu.memref_slice %arg11[%add3A_223, %dma_start3A_226] : memref<256x32xf32, #tpu.memory_space<vmem>> -> memref<1x32xf32, #tpu.memory_space<vmem>>
        %dma_start3A_228 = arith.constant 0 : i32
        %dma_start3A_229 = tpu.memref_slice %arg5[%squeeze3A_225, %dma_start3A_228] : memref<1000000x32xf32, #tpu.memory_space<hbm>> -> memref<1x32xf32, #tpu.memory_space<hbm>>
        %dma_start3A_230 = arith.constant 0 : i32
        %dma_start3A_231 = tpu.memref_slice %arg11[%add3A_223, %dma_start3A_230] : memref<256x32xf32, #tpu.memory_space<vmem>> -> memref<1x32xf32, #tpu.memory_space<vmem>>
        %dma_start3A_232 = arith.constant 0 : i32
        %dma_start3A_233 = tpu.memref_slice %arg5[%squeeze3A_225, %dma_start3A_232] : memref<1000000x32xf32, #tpu.memory_space<hbm>> -> memref<1x32xf32, #tpu.memory_space<hbm>>
        tpu.enqueue_dma source(%dma_start3A_233 : memref<1x32xf32, #tpu.memory_space<hbm>>) target(%dma_start3A_231 : memref<1x32xf32, #tpu.memory_space<vmem>>) target_semaphore(%arg16 : memref<!tpu.dma_semaphore, #tpu.memory_space<semaphore_mem>>)
        %slice3A_234 = vector.extract_strided_slice %get3A_60 {offsets = [5], sizes = [1], strides = [1]} : vector<16xi32> to vector<1xi32>
        %squeeze3A_235 = vector.extract %slice3A_234[0] : i32 from vector<1xi32>
        %dma_start3A_236 = arith.constant 0 : i32
        %dma_start3A_237 = tpu.memref_slice %arg12[%add3A_223, %dma_start3A_236] : memref<256x32xf32, #tpu.memory_space<vmem>> -> memref<1x32xf32, #tpu.memory_space<vmem>>
        %dma_start3A_238 = arith.constant 0 : i32
        %dma_start3A_239 = tpu.memref_slice %arg6[%squeeze3A_235, %dma_start3A_238] : memref<1000000x32xf32, #tpu.memory_space<hbm>> -> memref<1x32xf32, #tpu.memory_space<hbm>>
        %dma_start3A_240 = arith.constant 0 : i32
        %dma_start3A_241 = tpu.memref_slice %arg12[%add3A_223, %dma_start3A_240] : memref<256x32xf32, #tpu.memory_space<vmem>> -> memref<1x32xf32, #tpu.memory_space<vmem>>
        %dma_start3A_242 = arith.constant 0 : i32
        %dma_start3A_243 = tpu.memref_slice %arg6[%squeeze3A_235, %dma_start3A_242] : memref<1000000x32xf32, #tpu.memory_space<hbm>> -> memref<1x32xf32, #tpu.memory_space<hbm>>
        tpu.enqueue_dma source(%dma_start3A_243 : memref<1x32xf32, #tpu.memory_space<hbm>>) target(%dma_start3A_241 : memref<1x32xf32, #tpu.memory_space<vmem>>) target_semaphore(%arg16 : memref<!tpu.dma_semaphore, #tpu.memory_space<semaphore_mem>>)
        %slice3A_244 = vector.extract_strided_slice %get3A_64 {offsets = [5], sizes = [1], strides = [1]} : vector<16xi32> to vector<1xi32>
        %squeeze3A_245 = vector.extract %slice3A_244[0] : i32 from vector<1xi32>
        %dma_start3A_246 = arith.constant 0 : i32
        %dma_start3A_247 = tpu.memref_slice %arg13[%add3A_223, %dma_start3A_246] : memref<256x32xf32, #tpu.memory_space<vmem>> -> memref<1x32xf32, #tpu.memory_space<vmem>>
        %dma_start3A_248 = arith.constant 0 : i32
        %dma_start3A_249 = tpu.memref_slice %arg6[%squeeze3A_245, %dma_start3A_248] : memref<1000000x32xf32, #tpu.memory_space<hbm>> -> memref<1x32xf32, #tpu.memory_space<hbm>>
        %dma_start3A_250 = arith.constant 0 : i32
        %dma_start3A_251 = tpu.memref_slice %arg13[%add3A_223, %dma_start3A_250] : memref<256x32xf32, #tpu.memory_space<vmem>> -> memref<1x32xf32, #tpu.memory_space<vmem>>
        %dma_start3A_252 = arith.constant 0 : i32
        %dma_start3A_253 = tpu.memref_slice %arg6[%squeeze3A_245, %dma_start3A_252] : memref<1000000x32xf32, #tpu.memory_space<hbm>> -> memref<1x32xf32, #tpu.memory_space<hbm>>
        tpu.enqueue_dma source(%dma_start3A_253 : memref<1x32xf32, #tpu.memory_space<hbm>>) target(%dma_start3A_251 : memref<1x32xf32, #tpu.memory_space<vmem>>) target_semaphore(%arg16 : memref<!tpu.dma_semaphore, #tpu.memory_space<semaphore_mem>>)
        %add3A_254 = arith.constant 6 : i32
        %add3A_255 = arith.addi %mul3A_53, %add3A_254 : i32
        %slice3A_256 = vector.extract_strided_slice %get3A_56 {offsets = [6], sizes = [1], strides = [1]} : vector<16xi32> to vector<1xi32>
        %squeeze3A_257 = vector.extract %slice3A_256[0] : i32 from vector<1xi32>
        %dma_start3A_258 = arith.constant 0 : i32
        %dma_start3A_259 = tpu.memref_slice %arg11[%add3A_255, %dma_start3A_258] : memref<256x32xf32, #tpu.memory_space<vmem>> -> memref<1x32xf32, #tpu.memory_space<vmem>>
        %dma_start3A_260 = arith.constant 0 : i32
        %dma_start3A_261 = tpu.memref_slice %arg5[%squeeze3A_257, %dma_start3A_260] : memref<1000000x32xf32, #tpu.memory_space<hbm>> -> memref<1x32xf32, #tpu.memory_space<hbm>>
        %dma_start3A_262 = arith.constant 0 : i32
        %dma_start3A_263 = tpu.memref_slice %arg11[%add3A_255, %dma_start3A_262] : memref<256x32xf32, #tpu.memory_space<vmem>> -> memref<1x32xf32, #tpu.memory_space<vmem>>
        %dma_start3A_264 = arith.constant 0 : i32
        %dma_start3A_265 = tpu.memref_slice %arg5[%squeeze3A_257, %dma_start3A_264] : memref<1000000x32xf32, #tpu.memory_space<hbm>> -> memref<1x32xf32, #tpu.memory_space<hbm>>
        tpu.enqueue_dma source(%dma_start3A_265 : memref<1x32xf32, #tpu.memory_space<hbm>>) target(%dma_start3A_263 : memref<1x32xf32, #tpu.memory_space<vmem>>) target_semaphore(%arg16 : memref<!tpu.dma_semaphore, #tpu.memory_space<semaphore_mem>>)
        %slice3A_266 = vector.extract_strided_slice %get3A_60 {offsets = [6], sizes = [1], strides = [1]} : vector<16xi32> to vector<1xi32>
        %squeeze3A_267 = vector.extract %slice3A_266[0] : i32 from vector<1xi32>
        %dma_start3A_268 = arith.constant 0 : i32
        %dma_start3A_269 = tpu.memref_slice %arg12[%add3A_255, %dma_start3A_268] : memref<256x32xf32, #tpu.memory_space<vmem>> -> memref<1x32xf32, #tpu.memory_space<vmem>>
        %dma_start3A_270 = arith.constant 0 : i32
        %dma_start3A_271 = tpu.memref_slice %arg6[%squeeze3A_267, %dma_start3A_270] : memref<1000000x32xf32, #tpu.memory_space<hbm>> -> memref<1x32xf32, #tpu.memory_space<hbm>>
        %dma_start3A_272 = arith.constant 0 : i32
        %dma_start3A_273 = tpu.memref_slice %arg12[%add3A_255, %dma_start3A_272] : memref<256x32xf32, #tpu.memory_space<vmem>> -> memref<1x32xf32, #tpu.memory_space<vmem>>
        %dma_start3A_274 = arith.constant 0 : i32
        %dma_start3A_275 = tpu.memref_slice %arg6[%squeeze3A_267, %dma_start3A_274] : memref<1000000x32xf32, #tpu.memory_space<hbm>> -> memref<1x32xf32, #tpu.memory_space<hbm>>
        tpu.enqueue_dma source(%dma_start3A_275 : memref<1x32xf32, #tpu.memory_space<hbm>>) target(%dma_start3A_273 : memref<1x32xf32, #tpu.memory_space<vmem>>) target_semaphore(%arg16 : memref<!tpu.dma_semaphore, #tpu.memory_space<semaphore_mem>>)
        %slice3A_276 = vector.extract_strided_slice %get3A_64 {offsets = [6], sizes = [1], strides = [1]} : vector<16xi32> to vector<1xi32>
        %squeeze3A_277 = vector.extract %slice3A_276[0] : i32 from vector<1xi32>
        %dma_start3A_278 = arith.constant 0 : i32
        %dma_start3A_279 = tpu.memref_slice %arg13[%add3A_255, %dma_start3A_278] : memref<256x32xf32, #tpu.memory_space<vmem>> -> memref<1x32xf32, #tpu.memory_space<vmem>>
        %dma_start3A_280 = arith.constant 0 : i32
        %dma_start3A_281 = tpu.memref_slice %arg6[%squeeze3A_277, %dma_start3A_280] : memref<1000000x32xf32, #tpu.memory_space<hbm>> -> memref<1x32xf32, #tpu.memory_space<hbm>>
        %dma_start3A_282 = arith.constant 0 : i32
        %dma_start3A_283 = tpu.memref_slice %arg13[%add3A_255, %dma_start3A_282] : memref<256x32xf32, #tpu.memory_space<vmem>> -> memref<1x32xf32, #tpu.memory_space<vmem>>
        %dma_start3A_284 = arith.constant 0 : i32
        %dma_start3A_285 = tpu.memref_slice %arg6[%squeeze3A_277, %dma_start3A_284] : memref<1000000x32xf32, #tpu.memory_space<hbm>> -> memref<1x32xf32, #tpu.memory_space<hbm>>
        tpu.enqueue_dma source(%dma_start3A_285 : memref<1x32xf32, #tpu.memory_space<hbm>>) target(%dma_start3A_283 : memref<1x32xf32, #tpu.memory_space<vmem>>) target_semaphore(%arg16 : memref<!tpu.dma_semaphore, #tpu.memory_space<semaphore_mem>>)
        %add3A_286 = arith.constant 7 : i32
        %add3A_287 = arith.addi %mul3A_53, %add3A_286 : i32
        %slice3A_288 = vector.extract_strided_slice %get3A_56 {offsets = [7], sizes = [1], strides = [1]} : vector<16xi32> to vector<1xi32>
        %squeeze3A_289 = vector.extract %slice3A_288[0] : i32 from vector<1xi32>
        %dma_start3A_290 = arith.constant 0 : i32
        %dma_start3A_291 = tpu.memref_slice %arg11[%add3A_287, %dma_start3A_290] : memref<256x32xf32, #tpu.memory_space<vmem>> -> memref<1x32xf32, #tpu.memory_space<vmem>>
        %dma_start3A_292 = arith.constant 0 : i32
        %dma_start3A_293 = tpu.memref_slice %arg5[%squeeze3A_289, %dma_start3A_292] : memref<1000000x32xf32, #tpu.memory_space<hbm>> -> memref<1x32xf32, #tpu.memory_space<hbm>>
        %dma_start3A_294 = arith.constant 0 : i32
        %dma_start3A_295 = tpu.memref_slice %arg11[%add3A_287, %dma_start3A_294] : memref<256x32xf32, #tpu.memory_space<vmem>> -> memref<1x32xf32, #tpu.memory_space<vmem>>
        %dma_start3A_296 = arith.constant 0 : i32
        %dma_start3A_297 = tpu.memref_slice %arg5[%squeeze3A_289, %dma_start3A_296] : memref<1000000x32xf32, #tpu.memory_space<hbm>> -> memref<1x32xf32, #tpu.memory_space<hbm>>
        tpu.enqueue_dma source(%dma_start3A_297 : memref<1x32xf32, #tpu.memory_space<hbm>>) target(%dma_start3A_295 : memref<1x32xf32, #tpu.memory_space<vmem>>) target_semaphore(%arg16 : memref<!tpu.dma_semaphore, #tpu.memory_space<semaphore_mem>>)
        %slice3A_298 = vector.extract_strided_slice %get3A_60 {offsets = [7], sizes = [1], strides = [1]} : vector<16xi32> to vector<1xi32>
        %squeeze3A_299 = vector.extract %slice3A_298[0] : i32 from vector<1xi32>
        %dma_start3A_300 = arith.constant 0 : i32
        %dma_start3A_301 = tpu.memref_slice %arg12[%add3A_287, %dma_start3A_300] : memref<256x32xf32, #tpu.memory_space<vmem>> -> memref<1x32xf32, #tpu.memory_space<vmem>>
        %dma_start3A_302 = arith.constant 0 : i32
        %dma_start3A_303 = tpu.memref_slice %arg6[%squeeze3A_299, %dma_start3A_302] : memref<1000000x32xf32, #tpu.memory_space<hbm>> -> memref<1x32xf32, #tpu.memory_space<hbm>>
        %dma_start3A_304 = arith.constant 0 : i32
        %dma_start3A_305 = tpu.memref_slice %arg12[%add3A_287, %dma_start3A_304] : memref<256x32xf32, #tpu.memory_space<vmem>> -> memref<1x32xf32, #tpu.memory_space<vmem>>
        %dma_start3A_306 = arith.constant 0 : i32
        %dma_start3A_307 = tpu.memref_slice %arg6[%squeeze3A_299, %dma_start3A_306] : memref<1000000x32xf32, #tpu.memory_space<hbm>> -> memref<1x32xf32, #tpu.memory_space<hbm>>
        tpu.enqueue_dma source(%dma_start3A_307 : memref<1x32xf32, #tpu.memory_space<hbm>>) target(%dma_start3A_305 : memref<1x32xf32, #tpu.memory_space<vmem>>) target_semaphore(%arg16 : memref<!tpu.dma_semaphore, #tpu.memory_space<semaphore_mem>>)
        %slice3A_308 = vector.extract_strided_slice %get3A_64 {offsets = [7], sizes = [1], strides = [1]} : vector<16xi32> to vector<1xi32>
        %squeeze3A_309 = vector.extract %slice3A_308[0] : i32 from vector<1xi32>
        %dma_start3A_310 = arith.constant 0 : i32
        %dma_start3A_311 = tpu.memref_slice %arg13[%add3A_287, %dma_start3A_310] : memref<256x32xf32, #tpu.memory_space<vmem>> -> memref<1x32xf32, #tpu.memory_space<vmem>>
        %dma_start3A_312 = arith.constant 0 : i32
        %dma_start3A_313 = tpu.memref_slice %arg6[%squeeze3A_309, %dma_start3A_312] : memref<1000000x32xf32, #tpu.memory_space<hbm>> -> memref<1x32xf32, #tpu.memory_space<hbm>>
        %dma_start3A_314 = arith.constant 0 : i32
        %dma_start3A_315 = tpu.memref_slice %arg13[%add3A_287, %dma_start3A_314] : memref<256x32xf32, #tpu.memory_space<vmem>> -> memref<1x32xf32, #tpu.memory_space<vmem>>
        %dma_start3A_316 = arith.constant 0 : i32
        %dma_start3A_317 = tpu.memref_slice %arg6[%squeeze3A_309, %dma_start3A_316] : memref<1000000x32xf32, #tpu.memory_space<hbm>> -> memref<1x32xf32, #tpu.memory_space<hbm>>
        tpu.enqueue_dma source(%dma_start3A_317 : memref<1x32xf32, #tpu.memory_space<hbm>>) target(%dma_start3A_315 : memref<1x32xf32, #tpu.memory_space<vmem>>) target_semaphore(%arg16 : memref<!tpu.dma_semaphore, #tpu.memory_space<semaphore_mem>>)
        %add3A_318 = arith.constant 8 : i32
        %add3A_319 = arith.addi %mul3A_53, %add3A_318 : i32
        %slice3A_320 = vector.extract_strided_slice %get3A_56 {offsets = [8], sizes = [1], strides = [1]} : vector<16xi32> to vector<1xi32>
        %squeeze3A_321 = vector.extract %slice3A_320[0] : i32 from vector<1xi32>
        %dma_start3A_322 = arith.constant 0 : i32
        %dma_start3A_323 = tpu.memref_slice %arg11[%add3A_319, %dma_start3A_322] : memref<256x32xf32, #tpu.memory_space<vmem>> -> memref<1x32xf32, #tpu.memory_space<vmem>>
        %dma_start3A_324 = arith.constant 0 : i32
        %dma_start3A_325 = tpu.memref_slice %arg5[%squeeze3A_321, %dma_start3A_324] : memref<1000000x32xf32, #tpu.memory_space<hbm>> -> memref<1x32xf32, #tpu.memory_space<hbm>>
        %dma_start3A_326 = arith.constant 0 : i32
        %dma_start3A_327 = tpu.memref_slice %arg11[%add3A_319, %dma_start3A_326] : memref<256x32xf32, #tpu.memory_space<vmem>> -> memref<1x32xf32, #tpu.memory_space<vmem>>
        %dma_start3A_328 = arith.constant 0 : i32
        %dma_start3A_329 = tpu.memref_slice %arg5[%squeeze3A_321, %dma_start3A_328] : memref<1000000x32xf32, #tpu.memory_space<hbm>> -> memref<1x32xf32, #tpu.memory_space<hbm>>
        tpu.enqueue_dma source(%dma_start3A_329 : memref<1x32xf32, #tpu.memory_space<hbm>>) target(%dma_start3A_327 : memref<1x32xf32, #tpu.memory_space<vmem>>) target_semaphore(%arg16 : memref<!tpu.dma_semaphore, #tpu.memory_space<semaphore_mem>>)
        %slice3A_330 = vector.extract_strided_slice %get3A_60 {offsets = [8], sizes = [1], strides = [1]} : vector<16xi32> to vector<1xi32>
        %squeeze3A_331 = vector.extract %slice3A_330[0] : i32 from vector<1xi32>
        %dma_start3A_332 = arith.constant 0 : i32
        %dma_start3A_333 = tpu.memref_slice %arg12[%add3A_319, %dma_start3A_332] : memref<256x32xf32, #tpu.memory_space<vmem>> -> memref<1x32xf32, #tpu.memory_space<vmem>>
        %dma_start3A_334 = arith.constant 0 : i32
        %dma_start3A_335 = tpu.memref_slice %arg6[%squeeze3A_331, %dma_start3A_334] : memref<1000000x32xf32, #tpu.memory_space<hbm>> -> memref<1x32xf32, #tpu.memory_space<hbm>>
        %dma_start3A_336 = arith.constant 0 : i32
        %dma_start3A_337 = tpu.memref_slice %arg12[%add3A_319, %dma_start3A_336] : memref<256x32xf32, #tpu.memory_space<vmem>> -> memref<1x32xf32, #tpu.memory_space<vmem>>
        %dma_start3A_338 = arith.constant 0 : i32
        %dma_start3A_339 = tpu.memref_slice %arg6[%squeeze3A_331, %dma_start3A_338] : memref<1000000x32xf32, #tpu.memory_space<hbm>> -> memref<1x32xf32, #tpu.memory_space<hbm>>
        tpu.enqueue_dma source(%dma_start3A_339 : memref<1x32xf32, #tpu.memory_space<hbm>>) target(%dma_start3A_337 : memref<1x32xf32, #tpu.memory_space<vmem>>) target_semaphore(%arg16 : memref<!tpu.dma_semaphore, #tpu.memory_space<semaphore_mem>>)
        %slice3A_340 = vector.extract_strided_slice %get3A_64 {offsets = [8], sizes = [1], strides = [1]} : vector<16xi32> to vector<1xi32>
        %squeeze3A_341 = vector.extract %slice3A_340[0] : i32 from vector<1xi32>
        %dma_start3A_342 = arith.constant 0 : i32
        %dma_start3A_343 = tpu.memref_slice %arg13[%add3A_319, %dma_start3A_342] : memref<256x32xf32, #tpu.memory_space<vmem>> -> memref<1x32xf32, #tpu.memory_space<vmem>>
        %dma_start3A_344 = arith.constant 0 : i32
        %dma_start3A_345 = tpu.memref_slice %arg6[%squeeze3A_341, %dma_start3A_344] : memref<1000000x32xf32, #tpu.memory_space<hbm>> -> memref<1x32xf32, #tpu.memory_space<hbm>>
        %dma_start3A_346 = arith.constant 0 : i32
        %dma_start3A_347 = tpu.memref_slice %arg13[%add3A_319, %dma_start3A_346] : memref<256x32xf32, #tpu.memory_space<vmem>> -> memref<1x32xf32, #tpu.memory_space<vmem>>
        %dma_start3A_348 = arith.constant 0 : i32
        %dma_start3A_349 = tpu.memref_slice %arg6[%squeeze3A_341, %dma_start3A_348] : memref<1000000x32xf32, #tpu.memory_space<hbm>> -> memref<1x32xf32, #tpu.memory_space<hbm>>
        tpu.enqueue_dma source(%dma_start3A_349 : memref<1x32xf32, #tpu.memory_space<hbm>>) target(%dma_start3A_347 : memref<1x32xf32, #tpu.memory_space<vmem>>) target_semaphore(%arg16 : memref<!tpu.dma_semaphore, #tpu.memory_space<semaphore_mem>>)
        %add3A_350 = arith.constant 9 : i32
        %add3A_351 = arith.addi %mul3A_53, %add3A_350 : i32
        %slice3A_352 = vector.extract_strided_slice %get3A_56 {offsets = [9], sizes = [1], strides = [1]} : vector<16xi32> to vector<1xi32>
        %squeeze3A_353 = vector.extract %slice3A_352[0] : i32 from vector<1xi32>
        %dma_start3A_354 = arith.constant 0 : i32
        %dma_start3A_355 = tpu.memref_slice %arg11[%add3A_351, %dma_start3A_354] : memref<256x32xf32, #tpu.memory_space<vmem>> -> memref<1x32xf32, #tpu.memory_space<vmem>>
        %dma_start3A_356 = arith.constant 0 : i32
        %dma_start3A_357 = tpu.memref_slice %arg5[%squeeze3A_353, %dma_start3A_356] : memref<1000000x32xf32, #tpu.memory_space<hbm>> -> memref<1x32xf32, #tpu.memory_space<hbm>>
        %dma_start3A_358 = arith.constant 0 : i32
        %dma_start3A_359 = tpu.memref_slice %arg11[%add3A_351, %dma_start3A_358] : memref<256x32xf32, #tpu.memory_space<vmem>> -> memref<1x32xf32, #tpu.memory_space<vmem>>
        %dma_start3A_360 = arith.constant 0 : i32
        %dma_start3A_361 = tpu.memref_slice %arg5[%squeeze3A_353, %dma_start3A_360] : memref<1000000x32xf32, #tpu.memory_space<hbm>> -> memref<1x32xf32, #tpu.memory_space<hbm>>
        tpu.enqueue_dma source(%dma_start3A_361 : memref<1x32xf32, #tpu.memory_space<hbm>>) target(%dma_start3A_359 : memref<1x32xf32, #tpu.memory_space<vmem>>) target_semaphore(%arg16 : memref<!tpu.dma_semaphore, #tpu.memory_space<semaphore_mem>>)
        %slice3A_362 = vector.extract_strided_slice %get3A_60 {offsets = [9], sizes = [1], strides = [1]} : vector<16xi32> to vector<1xi32>
        %squeeze3A_363 = vector.extract %slice3A_362[0] : i32 from vector<1xi32>
        %dma_start3A_364 = arith.constant 0 : i32
        %dma_start3A_365 = tpu.memref_slice %arg12[%add3A_351, %dma_start3A_364] : memref<256x32xf32, #tpu.memory_space<vmem>> -> memref<1x32xf32, #tpu.memory_space<vmem>>
        %dma_start3A_366 = arith.constant 0 : i32
        %dma_start3A_367 = tpu.memref_slice %arg6[%squeeze3A_363, %dma_start3A_366] : memref<1000000x32xf32, #tpu.memory_space<hbm>> -> memref<1x32xf32, #tpu.memory_space<hbm>>
        %dma_start3A_368 = arith.constant 0 : i32
        %dma_start3A_369 = tpu.memref_slice %arg12[%add3A_351, %dma_start3A_368] : memref<256x32xf32, #tpu.memory_space<vmem>> -> memref<1x32xf32, #tpu.memory_space<vmem>>
        %dma_start3A_370 = arith.constant 0 : i32
        %dma_start3A_371 = tpu.memref_slice %arg6[%squeeze3A_363, %dma_start3A_370] : memref<1000000x32xf32, #tpu.memory_space<hbm>> -> memref<1x32xf32, #tpu.memory_space<hbm>>
        tpu.enqueue_dma source(%dma_start3A_371 : memref<1x32xf32, #tpu.memory_space<hbm>>) target(%dma_start3A_369 : memref<1x32xf32, #tpu.memory_space<vmem>>) target_semaphore(%arg16 : memref<!tpu.dma_semaphore, #tpu.memory_space<semaphore_mem>>)
        %slice3A_372 = vector.extract_strided_slice %get3A_64 {offsets = [9], sizes = [1], strides = [1]} : vector<16xi32> to vector<1xi32>
        %squeeze3A_373 = vector.extract %slice3A_372[0] : i32 from vector<1xi32>
        %dma_start3A_374 = arith.constant 0 : i32
        %dma_start3A_375 = tpu.memref_slice %arg13[%add3A_351, %dma_start3A_374] : memref<256x32xf32, #tpu.memory_space<vmem>> -> memref<1x32xf32, #tpu.memory_space<vmem>>
        %dma_start3A_376 = arith.constant 0 : i32
        %dma_start3A_377 = tpu.memref_slice %arg6[%squeeze3A_373, %dma_start3A_376] : memref<1000000x32xf32, #tpu.memory_space<hbm>> -> memref<1x32xf32, #tpu.memory_space<hbm>>
        %dma_start3A_378 = arith.constant 0 : i32
        %dma_start3A_379 = tpu.memref_slice %arg13[%add3A_351, %dma_start3A_378] : memref<256x32xf32, #tpu.memory_space<vmem>> -> memref<1x32xf32, #tpu.memory_space<vmem>>
        %dma_start3A_380 = arith.constant 0 : i32
        %dma_start3A_381 = tpu.memref_slice %arg6[%squeeze3A_373, %dma_start3A_380] : memref<1000000x32xf32, #tpu.memory_space<hbm>> -> memref<1x32xf32, #tpu.memory_space<hbm>>
        tpu.enqueue_dma source(%dma_start3A_381 : memref<1x32xf32, #tpu.memory_space<hbm>>) target(%dma_start3A_379 : memref<1x32xf32, #tpu.memory_space<vmem>>) target_semaphore(%arg16 : memref<!tpu.dma_semaphore, #tpu.memory_space<semaphore_mem>>)
        %add3A_382 = arith.constant 10 : i32
        %add3A_383 = arith.addi %mul3A_53, %add3A_382 : i32
        %slice3A_384 = vector.extract_strided_slice %get3A_56 {offsets = [10], sizes = [1], strides = [1]} : vector<16xi32> to vector<1xi32>
        %squeeze3A_385 = vector.extract %slice3A_384[0] : i32 from vector<1xi32>
        %dma_start3A_386 = arith.constant 0 : i32
        %dma_start3A_387 = tpu.memref_slice %arg11[%add3A_383, %dma_start3A_386] : memref<256x32xf32, #tpu.memory_space<vmem>> -> memref<1x32xf32, #tpu.memory_space<vmem>>
        %dma_start3A_388 = arith.constant 0 : i32
        %dma_start3A_389 = tpu.memref_slice %arg5[%squeeze3A_385, %dma_start3A_388] : memref<1000000x32xf32, #tpu.memory_space<hbm>> -> memref<1x32xf32, #tpu.memory_space<hbm>>
        %dma_start3A_390 = arith.constant 0 : i32
        %dma_start3A_391 = tpu.memref_slice %arg11[%add3A_383, %dma_start3A_390] : memref<256x32xf32, #tpu.memory_space<vmem>> -> memref<1x32xf32, #tpu.memory_space<vmem>>
        %dma_start3A_392 = arith.constant 0 : i32
        %dma_start3A_393 = tpu.memref_slice %arg5[%squeeze3A_385, %dma_start3A_392] : memref<1000000x32xf32, #tpu.memory_space<hbm>> -> memref<1x32xf32, #tpu.memory_space<hbm>>
        tpu.enqueue_dma source(%dma_start3A_393 : memref<1x32xf32, #tpu.memory_space<hbm>>) target(%dma_start3A_391 : memref<1x32xf32, #tpu.memory_space<vmem>>) target_semaphore(%arg16 : memref<!tpu.dma_semaphore, #tpu.memory_space<semaphore_mem>>)
        %slice3A_394 = vector.extract_strided_slice %get3A_60 {offsets = [10], sizes = [1], strides = [1]} : vector<16xi32> to vector<1xi32>
        %squeeze3A_395 = vector.extract %slice3A_394[0] : i32 from vector<1xi32>
        %dma_start3A_396 = arith.constant 0 : i32
        %dma_start3A_397 = tpu.memref_slice %arg12[%add3A_383, %dma_start3A_396] : memref<256x32xf32, #tpu.memory_space<vmem>> -> memref<1x32xf32, #tpu.memory_space<vmem>>
        %dma_start3A_398 = arith.constant 0 : i32
        %dma_start3A_399 = tpu.memref_slice %arg6[%squeeze3A_395, %dma_start3A_398] : memref<1000000x32xf32, #tpu.memory_space<hbm>> -> memref<1x32xf32, #tpu.memory_space<hbm>>
        %dma_start3A_400 = arith.constant 0 : i32
        %dma_start3A_401 = tpu.memref_slice %arg12[%add3A_383, %dma_start3A_400] : memref<256x32xf32, #tpu.memory_space<vmem>> -> memref<1x32xf32, #tpu.memory_space<vmem>>
        %dma_start3A_402 = arith.constant 0 : i32
        %dma_start3A_403 = tpu.memref_slice %arg6[%squeeze3A_395, %dma_start3A_402] : memref<1000000x32xf32, #tpu.memory_space<hbm>> -> memref<1x32xf32, #tpu.memory_space<hbm>>
        tpu.enqueue_dma source(%dma_start3A_403 : memref<1x32xf32, #tpu.memory_space<hbm>>) target(%dma_start3A_401 : memref<1x32xf32, #tpu.memory_space<vmem>>) target_semaphore(%arg16 : memref<!tpu.dma_semaphore, #tpu.memory_space<semaphore_mem>>)
        %slice3A_404 = vector.extract_strided_slice %get3A_64 {offsets = [10], sizes = [1], strides = [1]} : vector<16xi32> to vector<1xi32>
        %squeeze3A_405 = vector.extract %slice3A_404[0] : i32 from vector<1xi32>
        %dma_start3A_406 = arith.constant 0 : i32
        %dma_start3A_407 = tpu.memref_slice %arg13[%add3A_383, %dma_start3A_406] : memref<256x32xf32, #tpu.memory_space<vmem>> -> memref<1x32xf32, #tpu.memory_space<vmem>>
        %dma_start3A_408 = arith.constant 0 : i32
        %dma_start3A_409 = tpu.memref_slice %arg6[%squeeze3A_405, %dma_start3A_408] : memref<1000000x32xf32, #tpu.memory_space<hbm>> -> memref<1x32xf32, #tpu.memory_space<hbm>>
        %dma_start3A_410 = arith.constant 0 : i32
        %dma_start3A_411 = tpu.memref_slice %arg13[%add3A_383, %dma_start3A_410] : memref<256x32xf32, #tpu.memory_space<vmem>> -> memref<1x32xf32, #tpu.memory_space<vmem>>
        %dma_start3A_412 = arith.constant 0 : i32
        %dma_start3A_413 = tpu.memref_slice %arg6[%squeeze3A_405, %dma_start3A_412] : memref<1000000x32xf32, #tpu.memory_space<hbm>> -> memref<1x32xf32, #tpu.memory_space<hbm>>
        tpu.enqueue_dma source(%dma_start3A_413 : memref<1x32xf32, #tpu.memory_space<hbm>>) target(%dma_start3A_411 : memref<1x32xf32, #tpu.memory_space<vmem>>) target_semaphore(%arg16 : memref<!tpu.dma_semaphore, #tpu.memory_space<semaphore_mem>>)
        %add3A_414 = arith.constant 11 : i32
        %add3A_415 = arith.addi %mul3A_53, %add3A_414 : i32
        %slice3A_416 = vector.extract_strided_slice %get3A_56 {offsets = [11], sizes = [1], strides = [1]} : vector<16xi32> to vector<1xi32>
        %squeeze3A_417 = vector.extract %slice3A_416[0] : i32 from vector<1xi32>
        %dma_start3A_418 = arith.constant 0 : i32
        %dma_start3A_419 = tpu.memref_slice %arg11[%add3A_415, %dma_start3A_418] : memref<256x32xf32, #tpu.memory_space<vmem>> -> memref<1x32xf32, #tpu.memory_space<vmem>>
        %dma_start3A_420 = arith.constant 0 : i32
        %dma_start3A_421 = tpu.memref_slice %arg5[%squeeze3A_417, %dma_start3A_420] : memref<1000000x32xf32, #tpu.memory_space<hbm>> -> memref<1x32xf32, #tpu.memory_space<hbm>>
        %dma_start3A_422 = arith.constant 0 : i32
        %dma_start3A_423 = tpu.memref_slice %arg11[%add3A_415, %dma_start3A_422] : memref<256x32xf32, #tpu.memory_space<vmem>> -> memref<1x32xf32, #tpu.memory_space<vmem>>
        %dma_start3A_424 = arith.constant 0 : i32
        %dma_start3A_425 = tpu.memref_slice %arg5[%squeeze3A_417, %dma_start3A_424] : memref<1000000x32xf32, #tpu.memory_space<hbm>> -> memref<1x32xf32, #tpu.memory_space<hbm>>
        tpu.enqueue_dma source(%dma_start3A_425 : memref<1x32xf32, #tpu.memory_space<hbm>>) target(%dma_start3A_423 : memref<1x32xf32, #tpu.memory_space<vmem>>) target_semaphore(%arg16 : memref<!tpu.dma_semaphore, #tpu.memory_space<semaphore_mem>>)
        %slice3A_426 = vector.extract_strided_slice %get3A_60 {offsets = [11], sizes = [1], strides = [1]} : vector<16xi32> to vector<1xi32>
        %squeeze3A_427 = vector.extract %slice3A_426[0] : i32 from vector<1xi32>
        %dma_start3A_428 = arith.constant 0 : i32
        %dma_start3A_429 = tpu.memref_slice %arg12[%add3A_415, %dma_start3A_428] : memref<256x32xf32, #tpu.memory_space<vmem>> -> memref<1x32xf32, #tpu.memory_space<vmem>>
        %dma_start3A_430 = arith.constant 0 : i32
        %dma_start3A_431 = tpu.memref_slice %arg6[%squeeze3A_427, %dma_start3A_430] : memref<1000000x32xf32, #tpu.memory_space<hbm>> -> memref<1x32xf32, #tpu.memory_space<hbm>>
        %dma_start3A_432 = arith.constant 0 : i32
        %dma_start3A_433 = tpu.memref_slice %arg12[%add3A_415, %dma_start3A_432] : memref<256x32xf32, #tpu.memory_space<vmem>> -> memref<1x32xf32, #tpu.memory_space<vmem>>
        %dma_start3A_434 = arith.constant 0 : i32
        %dma_start3A_435 = tpu.memref_slice %arg6[%squeeze3A_427, %dma_start3A_434] : memref<1000000x32xf32, #tpu.memory_space<hbm>> -> memref<1x32xf32, #tpu.memory_space<hbm>>
        tpu.enqueue_dma source(%dma_start3A_435 : memref<1x32xf32, #tpu.memory_space<hbm>>) target(%dma_start3A_433 : memref<1x32xf32, #tpu.memory_space<vmem>>) target_semaphore(%arg16 : memref<!tpu.dma_semaphore, #tpu.memory_space<semaphore_mem>>)
        %slice3A_436 = vector.extract_strided_slice %get3A_64 {offsets = [11], sizes = [1], strides = [1]} : vector<16xi32> to vector<1xi32>
        %squeeze3A_437 = vector.extract %slice3A_436[0] : i32 from vector<1xi32>
        %dma_start3A_438 = arith.constant 0 : i32
        %dma_start3A_439 = tpu.memref_slice %arg13[%add3A_415, %dma_start3A_438] : memref<256x32xf32, #tpu.memory_space<vmem>> -> memref<1x32xf32, #tpu.memory_space<vmem>>
        %dma_start3A_440 = arith.constant 0 : i32
        %dma_start3A_441 = tpu.memref_slice %arg6[%squeeze3A_437, %dma_start3A_440] : memref<1000000x32xf32, #tpu.memory_space<hbm>> -> memref<1x32xf32, #tpu.memory_space<hbm>>
        %dma_start3A_442 = arith.constant 0 : i32
        %dma_start3A_443 = tpu.memref_slice %arg13[%add3A_415, %dma_start3A_442] : memref<256x32xf32, #tpu.memory_space<vmem>> -> memref<1x32xf32, #tpu.memory_space<vmem>>
        %dma_start3A_444 = arith.constant 0 : i32
        %dma_start3A_445 = tpu.memref_slice %arg6[%squeeze3A_437, %dma_start3A_444] : memref<1000000x32xf32, #tpu.memory_space<hbm>> -> memref<1x32xf32, #tpu.memory_space<hbm>>
        tpu.enqueue_dma source(%dma_start3A_445 : memref<1x32xf32, #tpu.memory_space<hbm>>) target(%dma_start3A_443 : memref<1x32xf32, #tpu.memory_space<vmem>>) target_semaphore(%arg16 : memref<!tpu.dma_semaphore, #tpu.memory_space<semaphore_mem>>)
        %add3A_446 = arith.constant 12 : i32
        %add3A_447 = arith.addi %mul3A_53, %add3A_446 : i32
        %slice3A_448 = vector.extract_strided_slice %get3A_56 {offsets = [12], sizes = [1], strides = [1]} : vector<16xi32> to vector<1xi32>
        %squeeze3A_449 = vector.extract %slice3A_448[0] : i32 from vector<1xi32>
        %dma_start3A_450 = arith.constant 0 : i32
        %dma_start3A_451 = tpu.memref_slice %arg11[%add3A_447, %dma_start3A_450] : memref<256x32xf32, #tpu.memory_space<vmem>> -> memref<1x32xf32, #tpu.memory_space<vmem>>
        %dma_start3A_452 = arith.constant 0 : i32
        %dma_start3A_453 = tpu.memref_slice %arg5[%squeeze3A_449, %dma_start3A_452] : memref<1000000x32xf32, #tpu.memory_space<hbm>> -> memref<1x32xf32, #tpu.memory_space<hbm>>
        %dma_start3A_454 = arith.constant 0 : i32
        %dma_start3A_455 = tpu.memref_slice %arg11[%add3A_447, %dma_start3A_454] : memref<256x32xf32, #tpu.memory_space<vmem>> -> memref<1x32xf32, #tpu.memory_space<vmem>>
        %dma_start3A_456 = arith.constant 0 : i32
        %dma_start3A_457 = tpu.memref_slice %arg5[%squeeze3A_449, %dma_start3A_456] : memref<1000000x32xf32, #tpu.memory_space<hbm>> -> memref<1x32xf32, #tpu.memory_space<hbm>>
        tpu.enqueue_dma source(%dma_start3A_457 : memref<1x32xf32, #tpu.memory_space<hbm>>) target(%dma_start3A_455 : memref<1x32xf32, #tpu.memory_space<vmem>>) target_semaphore(%arg16 : memref<!tpu.dma_semaphore, #tpu.memory_space<semaphore_mem>>)
        %slice3A_458 = vector.extract_strided_slice %get3A_60 {offsets = [12], sizes = [1], strides = [1]} : vector<16xi32> to vector<1xi32>
        %squeeze3A_459 = vector.extract %slice3A_458[0] : i32 from vector<1xi32>
        %dma_start3A_460 = arith.constant 0 : i32
        %dma_start3A_461 = tpu.memref_slice %arg12[%add3A_447, %dma_start3A_460] : memref<256x32xf32, #tpu.memory_space<vmem>> -> memref<1x32xf32, #tpu.memory_space<vmem>>
        %dma_start3A_462 = arith.constant 0 : i32
        %dma_start3A_463 = tpu.memref_slice %arg6[%squeeze3A_459, %dma_start3A_462] : memref<1000000x32xf32, #tpu.memory_space<hbm>> -> memref<1x32xf32, #tpu.memory_space<hbm>>
        %dma_start3A_464 = arith.constant 0 : i32
        %dma_start3A_465 = tpu.memref_slice %arg12[%add3A_447, %dma_start3A_464] : memref<256x32xf32, #tpu.memory_space<vmem>> -> memref<1x32xf32, #tpu.memory_space<vmem>>
        %dma_start3A_466 = arith.constant 0 : i32
        %dma_start3A_467 = tpu.memref_slice %arg6[%squeeze3A_459, %dma_start3A_466] : memref<1000000x32xf32, #tpu.memory_space<hbm>> -> memref<1x32xf32, #tpu.memory_space<hbm>>
        tpu.enqueue_dma source(%dma_start3A_467 : memref<1x32xf32, #tpu.memory_space<hbm>>) target(%dma_start3A_465 : memref<1x32xf32, #tpu.memory_space<vmem>>) target_semaphore(%arg16 : memref<!tpu.dma_semaphore, #tpu.memory_space<semaphore_mem>>)
        %slice3A_468 = vector.extract_strided_slice %get3A_64 {offsets = [12], sizes = [1], strides = [1]} : vector<16xi32> to vector<1xi32>
        %squeeze3A_469 = vector.extract %slice3A_468[0] : i32 from vector<1xi32>
        %dma_start3A_470 = arith.constant 0 : i32
        %dma_start3A_471 = tpu.memref_slice %arg13[%add3A_447, %dma_start3A_470] : memref<256x32xf32, #tpu.memory_space<vmem>> -> memref<1x32xf32, #tpu.memory_space<vmem>>
        %dma_start3A_472 = arith.constant 0 : i32
        %dma_start3A_473 = tpu.memref_slice %arg6[%squeeze3A_469, %dma_start3A_472] : memref<1000000x32xf32, #tpu.memory_space<hbm>> -> memref<1x32xf32, #tpu.memory_space<hbm>>
        %dma_start3A_474 = arith.constant 0 : i32
        %dma_start3A_475 = tpu.memref_slice %arg13[%add3A_447, %dma_start3A_474] : memref<256x32xf32, #tpu.memory_space<vmem>> -> memref<1x32xf32, #tpu.memory_space<vmem>>
        %dma_start3A_476 = arith.constant 0 : i32
        %dma_start3A_477 = tpu.memref_slice %arg6[%squeeze3A_469, %dma_start3A_476] : memref<1000000x32xf32, #tpu.memory_space<hbm>> -> memref<1x32xf32, #tpu.memory_space<hbm>>
        tpu.enqueue_dma source(%dma_start3A_477 : memref<1x32xf32, #tpu.memory_space<hbm>>) target(%dma_start3A_475 : memref<1x32xf32, #tpu.memory_space<vmem>>) target_semaphore(%arg16 : memref<!tpu.dma_semaphore, #tpu.memory_space<semaphore_mem>>)
        %add3A_478 = arith.constant 13 : i32
        %add3A_479 = arith.addi %mul3A_53, %add3A_478 : i32
        %slice3A_480 = vector.extract_strided_slice %get3A_56 {offsets = [13], sizes = [1], strides = [1]} : vector<16xi32> to vector<1xi32>
        %squeeze3A_481 = vector.extract %slice3A_480[0] : i32 from vector<1xi32>
        %dma_start3A_482 = arith.constant 0 : i32
        %dma_start3A_483 = tpu.memref_slice %arg11[%add3A_479, %dma_start3A_482] : memref<256x32xf32, #tpu.memory_space<vmem>> -> memref<1x32xf32, #tpu.memory_space<vmem>>
        %dma_start3A_484 = arith.constant 0 : i32
        %dma_start3A_485 = tpu.memref_slice %arg5[%squeeze3A_481, %dma_start3A_484] : memref<1000000x32xf32, #tpu.memory_space<hbm>> -> memref<1x32xf32, #tpu.memory_space<hbm>>
        %dma_start3A_486 = arith.constant 0 : i32
        %dma_start3A_487 = tpu.memref_slice %arg11[%add3A_479, %dma_start3A_486] : memref<256x32xf32, #tpu.memory_space<vmem>> -> memref<1x32xf32, #tpu.memory_space<vmem>>
        %dma_start3A_488 = arith.constant 0 : i32
        %dma_start3A_489 = tpu.memref_slice %arg5[%squeeze3A_481, %dma_start3A_488] : memref<1000000x32xf32, #tpu.memory_space<hbm>> -> memref<1x32xf32, #tpu.memory_space<hbm>>
        tpu.enqueue_dma source(%dma_start3A_489 : memref<1x32xf32, #tpu.memory_space<hbm>>) target(%dma_start3A_487 : memref<1x32xf32, #tpu.memory_space<vmem>>) target_semaphore(%arg16 : memref<!tpu.dma_semaphore, #tpu.memory_space<semaphore_mem>>)
        %slice3A_490 = vector.extract_strided_slice %get3A_60 {offsets = [13], sizes = [1], strides = [1]} : vector<16xi32> to vector<1xi32>
        %squeeze3A_491 = vector.extract %slice3A_490[0] : i32 from vector<1xi32>
        %dma_start3A_492 = arith.constant 0 : i32
        %dma_start3A_493 = tpu.memref_slice %arg12[%add3A_479, %dma_start3A_492] : memref<256x32xf32, #tpu.memory_space<vmem>> -> memref<1x32xf32, #tpu.memory_space<vmem>>
        %dma_start3A_494 = arith.constant 0 : i32
        %dma_start3A_495 = tpu.memref_slice %arg6[%squeeze3A_491, %dma_start3A_494] : memref<1000000x32xf32, #tpu.memory_space<hbm>> -> memref<1x32xf32, #tpu.memory_space<hbm>>
        %dma_start3A_496 = arith.constant 0 : i32
        %dma_start3A_497 = tpu.memref_slice %arg12[%add3A_479, %dma_start3A_496] : memref<256x32xf32, #tpu.memory_space<vmem>> -> memref<1x32xf32, #tpu.memory_space<vmem>>
        %dma_start3A_498 = arith.constant 0 : i32
        %dma_start3A_499 = tpu.memref_slice %arg6[%squeeze3A_491, %dma_start3A_498] : memref<1000000x32xf32, #tpu.memory_space<hbm>> -> memref<1x32xf32, #tpu.memory_space<hbm>>
        tpu.enqueue_dma source(%dma_start3A_499 : memref<1x32xf32, #tpu.memory_space<hbm>>) target(%dma_start3A_497 : memref<1x32xf32, #tpu.memory_space<vmem>>) target_semaphore(%arg16 : memref<!tpu.dma_semaphore, #tpu.memory_space<semaphore_mem>>)
        %slice3A_500 = vector.extract_strided_slice %get3A_64 {offsets = [13], sizes = [1], strides = [1]} : vector<16xi32> to vector<1xi32>
        %squeeze3A_501 = vector.extract %slice3A_500[0] : i32 from vector<1xi32>
        %dma_start3A_502 = arith.constant 0 : i32
        %dma_start3A_503 = tpu.memref_slice %arg13[%add3A_479, %dma_start3A_502] : memref<256x32xf32, #tpu.memory_space<vmem>> -> memref<1x32xf32, #tpu.memory_space<vmem>>
        %dma_start3A_504 = arith.constant 0 : i32
        %dma_start3A_505 = tpu.memref_slice %arg6[%squeeze3A_501, %dma_start3A_504] : memref<1000000x32xf32, #tpu.memory_space<hbm>> -> memref<1x32xf32, #tpu.memory_space<hbm>>
        %dma_start3A_506 = arith.constant 0 : i32
        %dma_start3A_507 = tpu.memref_slice %arg13[%add3A_479, %dma_start3A_506] : memref<256x32xf32, #tpu.memory_space<vmem>> -> memref<1x32xf32, #tpu.memory_space<vmem>>
        %dma_start3A_508 = arith.constant 0 : i32
        %dma_start3A_509 = tpu.memref_slice %arg6[%squeeze3A_501, %dma_start3A_508] : memref<1000000x32xf32, #tpu.memory_space<hbm>> -> memref<1x32xf32, #tpu.memory_space<hbm>>
        tpu.enqueue_dma source(%dma_start3A_509 : memref<1x32xf32, #tpu.memory_space<hbm>>) target(%dma_start3A_507 : memref<1x32xf32, #tpu.memory_space<vmem>>) target_semaphore(%arg16 : memref<!tpu.dma_semaphore, #tpu.memory_space<semaphore_mem>>)
        %add3A_510 = arith.constant 14 : i32
        %add3A_511 = arith.addi %mul3A_53, %add3A_510 : i32
        %slice3A_512 = vector.extract_strided_slice %get3A_56 {offsets = [14], sizes = [1], strides = [1]} : vector<16xi32> to vector<1xi32>
        %squeeze3A_513 = vector.extract %slice3A_512[0] : i32 from vector<1xi32>
        %dma_start3A_514 = arith.constant 0 : i32
        %dma_start3A_515 = tpu.memref_slice %arg11[%add3A_511, %dma_start3A_514] : memref<256x32xf32, #tpu.memory_space<vmem>> -> memref<1x32xf32, #tpu.memory_space<vmem>>
        %dma_start3A_516 = arith.constant 0 : i32
        %dma_start3A_517 = tpu.memref_slice %arg5[%squeeze3A_513, %dma_start3A_516] : memref<1000000x32xf32, #tpu.memory_space<hbm>> -> memref<1x32xf32, #tpu.memory_space<hbm>>
        %dma_start3A_518 = arith.constant 0 : i32
        %dma_start3A_519 = tpu.memref_slice %arg11[%add3A_511, %dma_start3A_518] : memref<256x32xf32, #tpu.memory_space<vmem>> -> memref<1x32xf32, #tpu.memory_space<vmem>>
        %dma_start3A_520 = arith.constant 0 : i32
        %dma_start3A_521 = tpu.memref_slice %arg5[%squeeze3A_513, %dma_start3A_520] : memref<1000000x32xf32, #tpu.memory_space<hbm>> -> memref<1x32xf32, #tpu.memory_space<hbm>>
        tpu.enqueue_dma source(%dma_start3A_521 : memref<1x32xf32, #tpu.memory_space<hbm>>) target(%dma_start3A_519 : memref<1x32xf32, #tpu.memory_space<vmem>>) target_semaphore(%arg16 : memref<!tpu.dma_semaphore, #tpu.memory_space<semaphore_mem>>)
        %slice3A_522 = vector.extract_strided_slice %get3A_60 {offsets = [14], sizes = [1], strides = [1]} : vector<16xi32> to vector<1xi32>
        %squeeze3A_523 = vector.extract %slice3A_522[0] : i32 from vector<1xi32>
        %dma_start3A_524 = arith.constant 0 : i32
        %dma_start3A_525 = tpu.memref_slice %arg12[%add3A_511, %dma_start3A_524] : memref<256x32xf32, #tpu.memory_space<vmem>> -> memref<1x32xf32, #tpu.memory_space<vmem>>
        %dma_start3A_526 = arith.constant 0 : i32
        %dma_start3A_527 = tpu.memref_slice %arg6[%squeeze3A_523, %dma_start3A_526] : memref<1000000x32xf32, #tpu.memory_space<hbm>> -> memref<1x32xf32, #tpu.memory_space<hbm>>
        %dma_start3A_528 = arith.constant 0 : i32
        %dma_start3A_529 = tpu.memref_slice %arg12[%add3A_511, %dma_start3A_528] : memref<256x32xf32, #tpu.memory_space<vmem>> -> memref<1x32xf32, #tpu.memory_space<vmem>>
        %dma_start3A_530 = arith.constant 0 : i32
        %dma_start3A_531 = tpu.memref_slice %arg6[%squeeze3A_523, %dma_start3A_530] : memref<1000000x32xf32, #tpu.memory_space<hbm>> -> memref<1x32xf32, #tpu.memory_space<hbm>>
        tpu.enqueue_dma source(%dma_start3A_531 : memref<1x32xf32, #tpu.memory_space<hbm>>) target(%dma_start3A_529 : memref<1x32xf32, #tpu.memory_space<vmem>>) target_semaphore(%arg16 : memref<!tpu.dma_semaphore, #tpu.memory_space<semaphore_mem>>)
        %slice3A_532 = vector.extract_strided_slice %get3A_64 {offsets = [14], sizes = [1], strides = [1]} : vector<16xi32> to vector<1xi32>
        %squeeze3A_533 = vector.extract %slice3A_532[0] : i32 from vector<1xi32>
        %dma_start3A_534 = arith.constant 0 : i32
        %dma_start3A_535 = tpu.memref_slice %arg13[%add3A_511, %dma_start3A_534] : memref<256x32xf32, #tpu.memory_space<vmem>> -> memref<1x32xf32, #tpu.memory_space<vmem>>
        %dma_start3A_536 = arith.constant 0 : i32
        %dma_start3A_537 = tpu.memref_slice %arg6[%squeeze3A_533, %dma_start3A_536] : memref<1000000x32xf32, #tpu.memory_space<hbm>> -> memref<1x32xf32, #tpu.memory_space<hbm>>
        %dma_start3A_538 = arith.constant 0 : i32
        %dma_start3A_539 = tpu.memref_slice %arg13[%add3A_511, %dma_start3A_538] : memref<256x32xf32, #tpu.memory_space<vmem>> -> memref<1x32xf32, #tpu.memory_space<vmem>>
        %dma_start3A_540 = arith.constant 0 : i32
        %dma_start3A_541 = tpu.memref_slice %arg6[%squeeze3A_533, %dma_start3A_540] : memref<1000000x32xf32, #tpu.memory_space<hbm>> -> memref<1x32xf32, #tpu.memory_space<hbm>>
        tpu.enqueue_dma source(%dma_start3A_541 : memref<1x32xf32, #tpu.memory_space<hbm>>) target(%dma_start3A_539 : memref<1x32xf32, #tpu.memory_space<vmem>>) target_semaphore(%arg16 : memref<!tpu.dma_semaphore, #tpu.memory_space<semaphore_mem>>)
        %add3A_542 = arith.constant 15 : i32
        %add3A_543 = arith.addi %mul3A_53, %add3A_542 : i32
        %slice3A_544 = vector.extract_strided_slice %get3A_56 {offsets = [15], sizes = [1], strides = [1]} : vector<16xi32> to vector<1xi32>
        %squeeze3A_545 = vector.extract %slice3A_544[0] : i32 from vector<1xi32>
        %dma_start3A_546 = arith.constant 0 : i32
        %dma_start3A_547 = tpu.memref_slice %arg11[%add3A_543, %dma_start3A_546] : memref<256x32xf32, #tpu.memory_space<vmem>> -> memref<1x32xf32, #tpu.memory_space<vmem>>
        %dma_start3A_548 = arith.constant 0 : i32
        %dma_start3A_549 = tpu.memref_slice %arg5[%squeeze3A_545, %dma_start3A_548] : memref<1000000x32xf32, #tpu.memory_space<hbm>> -> memref<1x32xf32, #tpu.memory_space<hbm>>
        %dma_start3A_550 = arith.constant 0 : i32
        %dma_start3A_551 = tpu.memref_slice %arg11[%add3A_543, %dma_start3A_550] : memref<256x32xf32, #tpu.memory_space<vmem>> -> memref<1x32xf32, #tpu.memory_space<vmem>>
        %dma_start3A_552 = arith.constant 0 : i32
        %dma_start3A_553 = tpu.memref_slice %arg5[%squeeze3A_545, %dma_start3A_552] : memref<1000000x32xf32, #tpu.memory_space<hbm>> -> memref<1x32xf32, #tpu.memory_space<hbm>>
        tpu.enqueue_dma source(%dma_start3A_553 : memref<1x32xf32, #tpu.memory_space<hbm>>) target(%dma_start3A_551 : memref<1x32xf32, #tpu.memory_space<vmem>>) target_semaphore(%arg16 : memref<!tpu.dma_semaphore, #tpu.memory_space<semaphore_mem>>)
        %slice3A_554 = vector.extract_strided_slice %get3A_60 {offsets = [15], sizes = [1], strides = [1]} : vector<16xi32> to vector<1xi32>
        %squeeze3A_555 = vector.extract %slice3A_554[0] : i32 from vector<1xi32>
        %dma_start3A_556 = arith.constant 0 : i32
        %dma_start3A_557 = tpu.memref_slice %arg12[%add3A_543, %dma_start3A_556] : memref<256x32xf32, #tpu.memory_space<vmem>> -> memref<1x32xf32, #tpu.memory_space<vmem>>
        %dma_start3A_558 = arith.constant 0 : i32
        %dma_start3A_559 = tpu.memref_slice %arg6[%squeeze3A_555, %dma_start3A_558] : memref<1000000x32xf32, #tpu.memory_space<hbm>> -> memref<1x32xf32, #tpu.memory_space<hbm>>
        %dma_start3A_560 = arith.constant 0 : i32
        %dma_start3A_561 = tpu.memref_slice %arg12[%add3A_543, %dma_start3A_560] : memref<256x32xf32, #tpu.memory_space<vmem>> -> memref<1x32xf32, #tpu.memory_space<vmem>>
        %dma_start3A_562 = arith.constant 0 : i32
        %dma_start3A_563 = tpu.memref_slice %arg6[%squeeze3A_555, %dma_start3A_562] : memref<1000000x32xf32, #tpu.memory_space<hbm>> -> memref<1x32xf32, #tpu.memory_space<hbm>>
        tpu.enqueue_dma source(%dma_start3A_563 : memref<1x32xf32, #tpu.memory_space<hbm>>) target(%dma_start3A_561 : memref<1x32xf32, #tpu.memory_space<vmem>>) target_semaphore(%arg16 : memref<!tpu.dma_semaphore, #tpu.memory_space<semaphore_mem>>)
        %slice3A_564 = vector.extract_strided_slice %get3A_64 {offsets = [15], sizes = [1], strides = [1]} : vector<16xi32> to vector<1xi32>
        %squeeze3A_565 = vector.extract %slice3A_564[0] : i32 from vector<1xi32>
        %dma_start3A_566 = arith.constant 0 : i32
        %dma_start3A_567 = tpu.memref_slice %arg13[%add3A_543, %dma_start3A_566] : memref<256x32xf32, #tpu.memory_space<vmem>> -> memref<1x32xf32, #tpu.memory_space<vmem>>
        %dma_start3A_568 = arith.constant 0 : i32
        %dma_start3A_569 = tpu.memref_slice %arg6[%squeeze3A_565, %dma_start3A_568] : memref<1000000x32xf32, #tpu.memory_space<hbm>> -> memref<1x32xf32, #tpu.memory_space<hbm>>
        %dma_start3A_570 = arith.constant 0 : i32
        %dma_start3A_571 = tpu.memref_slice %arg13[%add3A_543, %dma_start3A_570] : memref<256x32xf32, #tpu.memory_space<vmem>> -> memref<1x32xf32, #tpu.memory_space<vmem>>
        %dma_start3A_572 = arith.constant 0 : i32
        %dma_start3A_573 = tpu.memref_slice %arg6[%squeeze3A_565, %dma_start3A_572] : memref<1000000x32xf32, #tpu.memory_space<hbm>> -> memref<1x32xf32, #tpu.memory_space<hbm>>
        tpu.enqueue_dma source(%dma_start3A_573 : memref<1x32xf32, #tpu.memory_space<hbm>>) target(%dma_start3A_571 : memref<1x32xf32, #tpu.memory_space<vmem>>) target_semaphore(%arg16 : memref<!tpu.dma_semaphore, #tpu.memory_space<semaphore_mem>>)
      }
      %while3A_45 = arith.constant 1 : i32
      scf.for %while3A_51 = %while3A_43 to %while3A_39 step %while3A_45  : i32 {
        %mul3A_52 = arith.constant 16 : i32
        %mul3A_53 = arith.muli %while3A_51, %mul3A_52 : i32
        %add3A_54 = arith.constant 0 : i32
        %add3A_55 = arith.addi %add3A_54, %mul3A_53 : i32
        %get3A = arith.index_cast %add3A_55 : i32 to index
        %get3A_56 = tpu.vector_load %arg8[%get3A] {strides = array<i32>} : memref<512xi32, #tpu.memory_space<vmem>>, vector<16xi32>,
        %add3A_57 = arith.constant 0 : i32
        %add3A_58 = arith.addi %add3A_57, %mul3A_53 : i32
        %get3A_59 = arith.index_cast %add3A_58 : i32 to index
        %get3A_60 = tpu.vector_load %arg9[%get3A_59] {strides = array<i32>} : memref<512xi32, #tpu.memory_space<vmem>>, vector<16xi32>,
        %add3A_61 = arith.constant 0 : i32
        %add3A_62 = arith.addi %add3A_61, %mul3A_53 : i32
        %get3A_63 = arith.index_cast %add3A_62 : i32 to index
        %get3A_64 = tpu.vector_load %arg10[%get3A_63] {strides = array<i32>} : memref<512xi32, #tpu.memory_space<vmem>>, vector<16xi32>,
        %add3A_65 = arith.constant 0 : i32
        %add3A_66 = arith.addi %mul3A_53, %add3A_65 : i32
        %slice3A = vector.extract_strided_slice %get3A_56 {offsets = [0], sizes = [1], strides = [1]} : vector<16xi32> to vector<1xi32>
        %squeeze3A = vector.extract %slice3A[0] : i32 from vector<1xi32>
        %dma_start3A = arith.constant 0 : i32
        %dma_start3A_67 = tpu.memref_slice %arg11[%add3A_66, %dma_start3A] : memref<256x32xf32, #tpu.memory_space<vmem>> -> memref<1x32xf32, #tpu.memory_space<vmem>>
        %dma_start3A_68 = arith.constant 0 : i32
        %dma_start3A_69 = tpu.memref_slice %arg5[%squeeze3A, %dma_start3A_68] : memref<1000000x32xf32, #tpu.memory_space<hbm>> -> memref<1x32xf32, #tpu.memory_space<hbm>>
        %dma_start3A_70 = arith.constant 0 : i32
        %dma_start3A_71 = tpu.memref_slice %arg11[%add3A_66, %dma_start3A_70] : memref<256x32xf32, #tpu.memory_space<vmem>> -> memref<1x32xf32, #tpu.memory_space<vmem>>
        %dma_start3A_72 = arith.constant 0 : i32
        %dma_start3A_73 = tpu.memref_slice %arg5[%squeeze3A, %dma_start3A_72] : memref<1000000x32xf32, #tpu.memory_space<hbm>> -> memref<1x32xf32, #tpu.memory_space<hbm>>
        tpu.enqueue_dma source(%dma_start3A_73 : memref<1x32xf32, #tpu.memory_space<hbm>>) target(%dma_start3A_71 : memref<1x32xf32, #tpu.memory_space<vmem>>) target_semaphore(%arg16 : memref<!tpu.dma_semaphore, #tpu.memory_space<semaphore_mem>>)
        %slice3A_74 = vector.extract_strided_slice %get3A_60 {offsets = [0], sizes = [1], strides = [1]} : vector<16xi32> to vector<1xi32>
        %squeeze3A_75 = vector.extract %slice3A_74[0] : i32 from vector<1xi32>
        %dma_start3A_76 = arith.constant 0 : i32
        %dma_start3A_77 = tpu.memref_slice %arg12[%add3A_66, %dma_start3A_76] : memref<256x32xf32, #tpu.memory_space<vmem>> -> memref<1x32xf32, #tpu.memory_space<vmem>>
        %dma_start3A_78 = arith.constant 0 : i32
        %dma_start3A_79 = tpu.memref_slice %arg6[%squeeze3A_75, %dma_start3A_78] : memref<1000000x32xf32, #tpu.memory_space<hbm>> -> memref<1x32xf32, #tpu.memory_space<hbm>>
        %dma_start3A_80 = arith.constant 0 : i32
        %dma_start3A_81 = tpu.memref_slice %arg12[%add3A_66, %dma_start3A_80] : memref<256x32xf32, #tpu.memory_space<vmem>> -> memref<1x32xf32, #tpu.memory_space<vmem>>
        %dma_start3A_82 = arith.constant 0 : i32
        %dma_start3A_83 = tpu.memref_slice %arg6[%squeeze3A_75, %dma_start3A_82] : memref<1000000x32xf32, #tpu.memory_space<hbm>> -> memref<1x32xf32, #tpu.memory_space<hbm>>
        tpu.enqueue_dma source(%dma_start3A_83 : memref<1x32xf32, #tpu.memory_space<hbm>>) target(%dma_start3A_81 : memref<1x32xf32, #tpu.memory_space<vmem>>) target_semaphore(%arg16 : memref<!tpu.dma_semaphore, #tpu.memory_space<semaphore_mem>>)
        %slice3A_84 = vector.extract_strided_slice %get3A_64 {offsets = [0], sizes = [1], strides = [1]} : vector<16xi32> to vector<1xi32>
        %squeeze3A_85 = vector.extract %slice3A_84[0] : i32 from vector<1xi32>
        %dma_start3A_86 = arith.constant 0 : i32
        %dma_start3A_87 = tpu.memref_slice %arg13[%add3A_66, %dma_start3A_86] : memref<256x32xf32, #tpu.memory_space<vmem>> -> memref<1x32xf32, #tpu.memory_space<vmem>>
        %dma_start3A_88 = arith.constant 0 : i32
        %dma_start3A_89 = tpu.memref_slice %arg6[%squeeze3A_85, %dma_start3A_88] : memref<1000000x32xf32, #tpu.memory_space<hbm>> -> memref<1x32xf32, #tpu.memory_space<hbm>>
        %dma_start3A_90 = arith.constant 0 : i32
        %dma_start3A_91 = tpu.memref_slice %arg13[%add3A_66, %dma_start3A_90] : memref<256x32xf32, #tpu.memory_space<vmem>> -> memref<1x32xf32, #tpu.memory_space<vmem>>
        %dma_start3A_92 = arith.constant 0 : i32
        %dma_start3A_93 = tpu.memref_slice %arg6[%squeeze3A_85, %dma_start3A_92] : memref<1000000x32xf32, #tpu.memory_space<hbm>> -> memref<1x32xf32, #tpu.memory_space<hbm>>
        tpu.enqueue_dma source(%dma_start3A_93 : memref<1x32xf32, #tpu.memory_space<hbm>>) target(%dma_start3A_91 : memref<1x32xf32, #tpu.memory_space<vmem>>) target_semaphore(%arg16 : memref<!tpu.dma_semaphore, #tpu.memory_space<semaphore_mem>>)
        %add3A_94 = arith.constant 1 : i32
        %add3A_95 = arith.addi %mul3A_53, %add3A_94 : i32
        %slice3A_96 = vector.extract_strided_slice %get3A_56 {offsets = [1], sizes = [1], strides = [1]} : vector<16xi32> to vector<1xi32>
        %squeeze3A_97 = vector.extract %slice3A_96[0] : i32 from vector<1xi32>
        %dma_start3A_98 = arith.constant 0 : i32
        %dma_start3A_99 = tpu.memref_slice %arg11[%add3A_95, %dma_start3A_98] : memref<256x32xf32, #tpu.memory_space<vmem>> -> memref<1x32xf32, #tpu.memory_space<vmem>>
        %dma_start3A_100 = arith.constant 0 : i32
        %dma_start3A_101 = tpu.memref_slice %arg5[%squeeze3A_97, %dma_start3A_100] : memref<1000000x32xf32, #tpu.memory_space<hbm>> -> memref<1x32xf32, #tpu.memory_space<hbm>>
        %dma_start3A_102 = arith.constant 0 : i32
        %dma_start3A_103 = tpu.memref_slice %arg11[%add3A_95, %dma_start3A_102] : memref<256x32xf32, #tpu.memory_space<vmem>> -> memref<1x32xf32, #tpu.memory_space<vmem>>
        %dma_start3A_104 = arith.constant 0 : i32
        %dma_start3A_105 = tpu.memref_slice %arg5[%squeeze3A_97, %dma_start3A_104] : memref<1000000x32xf32, #tpu.memory_space<hbm>> -> memref<1x32xf32, #tpu.memory_space<hbm>>
        tpu.enqueue_dma source(%dma_start3A_105 : memref<1x32xf32, #tpu.memory_space<hbm>>) target(%dma_start3A_103 : memref<1x32xf32, #tpu.memory_space<vmem>>) target_semaphore(%arg16 : memref<!tpu.dma_semaphore, #tpu.memory_space<semaphore_mem>>)
        %slice3A_106 = vector.extract_strided_slice %get3A_60 {offsets = [1], sizes = [1], strides = [1]} : vector<16xi32> to vector<1xi32>
        %squeeze3A_107 = vector.extract %slice3A_106[0] : i32 from vector<1xi32>
        %dma_start3A_108 = arith.constant 0 : i32
        %dma_start3A_109 = tpu.memref_slice %arg12[%add3A_95, %dma_start3A_108] : memref<256x32xf32, #tpu.memory_space<vmem>> -> memref<1x32xf32, #tpu.memory_space<vmem>>
        %dma_start3A_110 = arith.constant 0 : i32
        %dma_start3A_111 = tpu.memref_slice %arg6[%squeeze3A_107, %dma_start3A_110] : memref<1000000x32xf32, #tpu.memory_space<hbm>> -> memref<1x32xf32, #tpu.memory_space<hbm>>
        %dma_start3A_112 = arith.constant 0 : i32
        %dma_start3A_113 = tpu.memref_slice %arg12[%add3A_95, %dma_start3A_112] : memref<256x32xf32, #tpu.memory_space<vmem>> -> memref<1x32xf32, #tpu.memory_space<vmem>>
        %dma_start3A_114 = arith.constant 0 : i32
        %dma_start3A_115 = tpu.memref_slice %arg6[%squeeze3A_107, %dma_start3A_114] : memref<1000000x32xf32, #tpu.memory_space<hbm>> -> memref<1x32xf32, #tpu.memory_space<hbm>>
        tpu.enqueue_dma source(%dma_start3A_115 : memref<1x32xf32, #tpu.memory_space<hbm>>) target(%dma_start3A_113 : memref<1x32xf32, #tpu.memory_space<vmem>>) target_semaphore(%arg16 : memref<!tpu.dma_semaphore, #tpu.memory_space<semaphore_mem>>)
        %slice3A_116 = vector.extract_strided_slice %get3A_64 {offsets = [1], sizes = [1], strides = [1]} : vector<16xi32> to vector<1xi32>
        %squeeze3A_117 = vector.extract %slice3A_116[0] : i32 from vector<1xi32>
        %dma_start3A_118 = arith.constant 0 : i32
        %dma_start3A_119 = tpu.memref_slice %arg13[%add3A_95, %dma_start3A_118] : memref<256x32xf32, #tpu.memory_space<vmem>> -> memref<1x32xf32, #tpu.memory_space<vmem>>
        %dma_start3A_120 = arith.constant 0 : i32
        %dma_start3A_121 = tpu.memref_slice %arg6[%squeeze3A_117, %dma_start3A_120] : memref<1000000x32xf32, #tpu.memory_space<hbm>> -> memref<1x32xf32, #tpu.memory_space<hbm>>
        %dma_start3A_122 = arith.constant 0 : i32
        %dma_start3A_123 = tpu.memref_slice %arg13[%add3A_95, %dma_start3A_122] : memref<256x32xf32, #tpu.memory_space<vmem>> -> memref<1x32xf32, #tpu.memory_space<vmem>>
        %dma_start3A_124 = arith.constant 0 : i32
        %dma_start3A_125 = tpu.memref_slice %arg6[%squeeze3A_117, %dma_start3A_124] : memref<1000000x32xf32, #tpu.memory_space<hbm>> -> memref<1x32xf32, #tpu.memory_space<hbm>>
        tpu.enqueue_dma source(%dma_start3A_125 : memref<1x32xf32, #tpu.memory_space<hbm>>) target(%dma_start3A_123 : memref<1x32xf32, #tpu.memory_space<vmem>>) target_semaphore(%arg16 : memref<!tpu.dma_semaphore, #tpu.memory_space<semaphore_mem>>)
        %add3A_126 = arith.constant 2 : i32
        %add3A_127 = arith.addi %mul3A_53, %add3A_126 : i32
        %slice3A_128 = vector.extract_strided_slice %get3A_56 {offsets = [2], sizes = [1], strides = [1]} : vector<16xi32> to vector<1xi32>
        %squeeze3A_129 = vector.extract %slice3A_128[0] : i32 from vector<1xi32>
        %dma_start3A_130 = arith.constant 0 : i32
        %dma_start3A_131 = tpu.memref_slice %arg11[%add3A_127, %dma_start3A_130] : memref<256x32xf32, #tpu.memory_space<vmem>> -> memref<1x32xf32, #tpu.memory_space<vmem>>
        %dma_start3A_132 = arith.constant 0 : i32
        %dma_start3A_133 = tpu.memref_slice %arg5[%squeeze3A_129, %dma_start3A_132] : memref<1000000x32xf32, #tpu.memory_space<hbm>> -> memref<1x32xf32, #tpu.memory_space<hbm>>
        %dma_start3A_134 = arith.constant 0 : i32
        %dma_start3A_135 = tpu.memref_slice %arg11[%add3A_127, %dma_start3A_134] : memref<256x32xf32, #tpu.memory_space<vmem>> -> memref<1x32xf32, #tpu.memory_space<vmem>>
        %dma_start3A_136 = arith.constant 0 : i32
        %dma_start3A_137 = tpu.memref_slice %arg5[%squeeze3A_129, %dma_start3A_136] : memref<1000000x32xf32, #tpu.memory_space<hbm>> -> memref<1x32xf32, #tpu.memory_space<hbm>>
        tpu.enqueue_dma source(%dma_start3A_137 : memref<1x32xf32, #tpu.memory_space<hbm>>) target(%dma_start3A_135 : memref<1x32xf32, #tpu.memory_space<vmem>>) target_semaphore(%arg16 : memref<!tpu.dma_semaphore, #tpu.memory_space<semaphore_mem>>)
        %slice3A_138 = vector.extract_strided_slice %get3A_60 {offsets = [2], sizes = [1], strides = [1]} : vector<16xi32> to vector<1xi32>
        %squeeze3A_139 = vector.extract %slice3A_138[0] : i32 from vector<1xi32>
        %dma_start3A_140 = arith.constant 0 : i32
        %dma_start3A_141 = tpu.memref_slice %arg12[%add3A_127, %dma_start3A_140] : memref<256x32xf32, #tpu.memory_space<vmem>> -> memref<1x32xf32, #tpu.memory_space<vmem>>
        %dma_start3A_142 = arith.constant 0 : i32
        %dma_start3A_143 = tpu.memref_slice %arg6[%squeeze3A_139, %dma_start3A_142] : memref<1000000x32xf32, #tpu.memory_space<hbm>> -> memref<1x32xf32, #tpu.memory_space<hbm>>
        %dma_start3A_144 = arith.constant 0 : i32
        %dma_start3A_145 = tpu.memref_slice %arg12[%add3A_127, %dma_start3A_144] : memref<256x32xf32, #tpu.memory_space<vmem>> -> memref<1x32xf32, #tpu.memory_space<vmem>>
        %dma_start3A_146 = arith.constant 0 : i32
        %dma_start3A_147 = tpu.memref_slice %arg6[%squeeze3A_139, %dma_start3A_146] : memref<1000000x32xf32, #tpu.memory_space<hbm>> -> memref<1x32xf32, #tpu.memory_space<hbm>>
        tpu.enqueue_dma source(%dma_start3A_147 : memref<1x32xf32, #tpu.memory_space<hbm>>) target(%dma_start3A_145 : memref<1x32xf32, #tpu.memory_space<vmem>>) target_semaphore(%arg16 : memref<!tpu.dma_semaphore, #tpu.memory_space<semaphore_mem>>)
        %slice3A_148 = vector.extract_strided_slice %get3A_64 {offsets = [2], sizes = [1], strides = [1]} : vector<16xi32> to vector<1xi32>
        %squeeze3A_149 = vector.extract %slice3A_148[0] : i32 from vector<1xi32>
        %dma_start3A_150 = arith.constant 0 : i32
        %dma_start3A_151 = tpu.memref_slice %arg13[%add3A_127, %dma_start3A_150] : memref<256x32xf32, #tpu.memory_space<vmem>> -> memref<1x32xf32, #tpu.memory_space<vmem>>
        %dma_start3A_152 = arith.constant 0 : i32
        %dma_start3A_153 = tpu.memref_slice %arg6[%squeeze3A_149, %dma_start3A_152] : memref<1000000x32xf32, #tpu.memory_space<hbm>> -> memref<1x32xf32, #tpu.memory_space<hbm>>
        %dma_start3A_154 = arith.constant 0 : i32
        %dma_start3A_155 = tpu.memref_slice %arg13[%add3A_127, %dma_start3A_154] : memref<256x32xf32, #tpu.memory_space<vmem>> -> memref<1x32xf32, #tpu.memory_space<vmem>>
        %dma_start3A_156 = arith.constant 0 : i32
        %dma_start3A_157 = tpu.memref_slice %arg6[%squeeze3A_149, %dma_start3A_156] : memref<1000000x32xf32, #tpu.memory_space<hbm>> -> memref<1x32xf32, #tpu.memory_space<hbm>>
        tpu.enqueue_dma source(%dma_start3A_157 : memref<1x32xf32, #tpu.memory_space<hbm>>) target(%dma_start3A_155 : memref<1x32xf32, #tpu.memory_space<vmem>>) target_semaphore(%arg16 : memref<!tpu.dma_semaphore, #tpu.memory_space<semaphore_mem>>)
        %add3A_158 = arith.constant 3 : i32
        %add3A_159 = arith.addi %mul3A_53, %add3A_158 : i32
        %slice3A_160 = vector.extract_strided_slice %get3A_56 {offsets = [3], sizes = [1], strides = [1]} : vector<16xi32> to vector<1xi32>
        %squeeze3A_161 = vector.extract %slice3A_160[0] : i32 from vector<1xi32>
        %dma_start3A_162 = arith.constant 0 : i32
        %dma_start3A_163 = tpu.memref_slice %arg11[%add3A_159, %dma_start3A_162] : memref<256x32xf32, #tpu.memory_space<vmem>> -> memref<1x32xf32, #tpu.memory_space<vmem>>
        %dma_start3A_164 = arith.constant 0 : i32
        %dma_start3A_165 = tpu.memref_slice %arg5[%squeeze3A_161, %dma_start3A_164] : memref<1000000x32xf32, #tpu.memory_space<hbm>> -> memref<1x32xf32, #tpu.memory_space<hbm>>
        %dma_start3A_166 = arith.constant 0 : i32
        %dma_start3A_167 = tpu.memref_slice %arg11[%add3A_159, %dma_start3A_166] : memref<256x32xf32, #tpu.memory_space<vmem>> -> memref<1x32xf32, #tpu.memory_space<vmem>>
        %dma_start3A_168 = arith.constant 0 : i32
        %dma_start3A_169 = tpu.memref_slice %arg5[%squeeze3A_161, %dma_start3A_168] : memref<1000000x32xf32, #tpu.memory_space<hbm>> -> memref<1x32xf32, #tpu.memory_space<hbm>>
        tpu.enqueue_dma source(%dma_start3A_169 : memref<1x32xf32, #tpu.memory_space<hbm>>) target(%dma_start3A_167 : memref<1x32xf32, #tpu.memory_space<vmem>>) target_semaphore(%arg16 : memref<!tpu.dma_semaphore, #tpu.memory_space<semaphore_mem>>)
        %slice3A_170 = vector.extract_strided_slice %get3A_60 {offsets = [3], sizes = [1], strides = [1]} : vector<16xi32> to vector<1xi32>
        %squeeze3A_171 = vector.extract %slice3A_170[0] : i32 from vector<1xi32>
        %dma_start3A_172 = arith.constant 0 : i32
        %dma_start3A_173 = tpu.memref_slice %arg12[%add3A_159, %dma_start3A_172] : memref<256x32xf32, #tpu.memory_space<vmem>> -> memref<1x32xf32, #tpu.memory_space<vmem>>
        %dma_start3A_174 = arith.constant 0 : i32
        %dma_start3A_175 = tpu.memref_slice %arg6[%squeeze3A_171, %dma_start3A_174] : memref<1000000x32xf32, #tpu.memory_space<hbm>> -> memref<1x32xf32, #tpu.memory_space<hbm>>
        %dma_start3A_176 = arith.constant 0 : i32
        %dma_start3A_177 = tpu.memref_slice %arg12[%add3A_159, %dma_start3A_176] : memref<256x32xf32, #tpu.memory_space<vmem>> -> memref<1x32xf32, #tpu.memory_space<vmem>>
        %dma_start3A_178 = arith.constant 0 : i32
        %dma_start3A_179 = tpu.memref_slice %arg6[%squeeze3A_171, %dma_start3A_178] : memref<1000000x32xf32, #tpu.memory_space<hbm>> -> memref<1x32xf32, #tpu.memory_space<hbm>>
        tpu.enqueue_dma source(%dma_start3A_179 : memref<1x32xf32, #tpu.memory_space<hbm>>) target(%dma_start3A_177 : memref<1x32xf32, #tpu.memory_space<vmem>>) target_semaphore(%arg16 : memref<!tpu.dma_semaphore, #tpu.memory_space<semaphore_mem>>)
        %slice3A_180 = vector.extract_strided_slice %get3A_64 {offsets = [3], sizes = [1], strides = [1]} : vector<16xi32> to vector<1xi32>
        %squeeze3A_181 = vector.extract %slice3A_180[0] : i32 from vector<1xi32>
        %dma_start3A_182 = arith.constant 0 : i32
        %dma_start3A_183 = tpu.memref_slice %arg13[%add3A_159, %dma_start3A_182] : memref<256x32xf32, #tpu.memory_space<vmem>> -> memref<1x32xf32, #tpu.memory_space<vmem>>
        %dma_start3A_184 = arith.constant 0 : i32
        %dma_start3A_185 = tpu.memref_slice %arg6[%squeeze3A_181, %dma_start3A_184] : memref<1000000x32xf32, #tpu.memory_space<hbm>> -> memref<1x32xf32, #tpu.memory_space<hbm>>
        %dma_start3A_186 = arith.constant 0 : i32
        %dma_start3A_187 = tpu.memref_slice %arg13[%add3A_159, %dma_start3A_186] : memref<256x32xf32, #tpu.memory_space<vmem>> -> memref<1x32xf32, #tpu.memory_space<vmem>>
        %dma_start3A_188 = arith.constant 0 : i32
        %dma_start3A_189 = tpu.memref_slice %arg6[%squeeze3A_181, %dma_start3A_188] : memref<1000000x32xf32, #tpu.memory_space<hbm>> -> memref<1x32xf32, #tpu.memory_space<hbm>>
        tpu.enqueue_dma source(%dma_start3A_189 : memref<1x32xf32, #tpu.memory_space<hbm>>) target(%dma_start3A_187 : memref<1x32xf32, #tpu.memory_space<vmem>>) target_semaphore(%arg16 : memref<!tpu.dma_semaphore, #tpu.memory_space<semaphore_mem>>)
        %add3A_190 = arith.constant 4 : i32
        %add3A_191 = arith.addi %mul3A_53, %add3A_190 : i32
        %slice3A_192 = vector.extract_strided_slice %get3A_56 {offsets = [4], sizes = [1], strides = [1]} : vector<16xi32> to vector<1xi32>
        %squeeze3A_193 = vector.extract %slice3A_192[0] : i32 from vector<1xi32>
        %dma_start3A_194 = arith.constant 0 : i32
        %dma_start3A_195 = tpu.memref_slice %arg11[%add3A_191, %dma_start3A_194] : memref<256x32xf32, #tpu.memory_space<vmem>> -> memref<1x32xf32, #tpu.memory_space<vmem>>
        %dma_start3A_196 = arith.constant 0 : i32
        %dma_start3A_197 = tpu.memref_slice %arg5[%squeeze3A_193, %dma_start3A_196] : memref<1000000x32xf32, #tpu.memory_space<hbm>> -> memref<1x32xf32, #tpu.memory_space<hbm>>
        %dma_start3A_198 = arith.constant 0 : i32
        %dma_start3A_199 = tpu.memref_slice %arg11[%add3A_191, %dma_start3A_198] : memref<256x32xf32, #tpu.memory_space<vmem>> -> memref<1x32xf32, #tpu.memory_space<vmem>>
        %dma_start3A_200 = arith.constant 0 : i32
        %dma_start3A_201 = tpu.memref_slice %arg5[%squeeze3A_193, %dma_start3A_200] : memref<1000000x32xf32, #tpu.memory_space<hbm>> -> memref<1x32xf32, #tpu.memory_space<hbm>>
        tpu.enqueue_dma source(%dma_start3A_201 : memref<1x32xf32, #tpu.memory_space<hbm>>) target(%dma_start3A_199 : memref<1x32xf32, #tpu.memory_space<vmem>>) target_semaphore(%arg16 : memref<!tpu.dma_semaphore, #tpu.memory_space<semaphore_mem>>)
        %slice3A_202 = vector.extract_strided_slice %get3A_60 {offsets = [4], sizes = [1], strides = [1]} : vector<16xi32> to vector<1xi32>
        %squeeze3A_203 = vector.extract %slice3A_202[0] : i32 from vector<1xi32>
        %dma_start3A_204 = arith.constant 0 : i32
        %dma_start3A_205 = tpu.memref_slice %arg12[%add3A_191, %dma_start3A_204] : memref<256x32xf32, #tpu.memory_space<vmem>> -> memref<1x32xf32, #tpu.memory_space<vmem>>
        %dma_start3A_206 = arith.constant 0 : i32
        %dma_start3A_207 = tpu.memref_slice %arg6[%squeeze3A_203, %dma_start3A_206] : memref<1000000x32xf32, #tpu.memory_space<hbm>> -> memref<1x32xf32, #tpu.memory_space<hbm>>
        %dma_start3A_208 = arith.constant 0 : i32
        %dma_start3A_209 = tpu.memref_slice %arg12[%add3A_191, %dma_start3A_208] : memref<256x32xf32, #tpu.memory_space<vmem>> -> memref<1x32xf32, #tpu.memory_space<vmem>>
        %dma_start3A_210 = arith.constant 0 : i32
        %dma_start3A_211 = tpu.memref_slice %arg6[%squeeze3A_203, %dma_start3A_210] : memref<1000000x32xf32, #tpu.memory_space<hbm>> -> memref<1x32xf32, #tpu.memory_space<hbm>>
        tpu.enqueue_dma source(%dma_start3A_211 : memref<1x32xf32, #tpu.memory_space<hbm>>) target(%dma_start3A_209 : memref<1x32xf32, #tpu.memory_space<vmem>>) target_semaphore(%arg16 : memref<!tpu.dma_semaphore, #tpu.memory_space<semaphore_mem>>)
        %slice3A_212 = vector.extract_strided_slice %get3A_64 {offsets = [4], sizes = [1], strides = [1]} : vector<16xi32> to vector<1xi32>
        %squeeze3A_213 = vector.extract %slice3A_212[0] : i32 from vector<1xi32>
        %dma_start3A_214 = arith.constant 0 : i32
        %dma_start3A_215 = tpu.memref_slice %arg13[%add3A_191, %dma_start3A_214] : memref<256x32xf32, #tpu.memory_space<vmem>> -> memref<1x32xf32, #tpu.memory_space<vmem>>
        %dma_start3A_216 = arith.constant 0 : i32
        %dma_start3A_217 = tpu.memref_slice %arg6[%squeeze3A_213, %dma_start3A_216] : memref<1000000x32xf32, #tpu.memory_space<hbm>> -> memref<1x32xf32, #tpu.memory_space<hbm>>
        %dma_start3A_218 = arith.constant 0 : i32
        %dma_start3A_219 = tpu.memref_slice %arg13[%add3A_191, %dma_start3A_218] : memref<256x32xf32, #tpu.memory_space<vmem>> -> memref<1x32xf32, #tpu.memory_space<vmem>>
        %dma_start3A_220 = arith.constant 0 : i32
        %dma_start3A_221 = tpu.memref_slice %arg6[%squeeze3A_213, %dma_start3A_220] : memref<1000000x32xf32, #tpu.memory_space<hbm>> -> memref<1x32xf32, #tpu.memory_space<hbm>>
        tpu.enqueue_dma source(%dma_start3A_221 : memref<1x32xf32, #tpu.memory_space<hbm>>) target(%dma_start3A_219 : memref<1x32xf32, #tpu.memory_space<vmem>>) target_semaphore(%arg16 : memref<!tpu.dma_semaphore, #tpu.memory_space<semaphore_mem>>)
        %add3A_222 = arith.constant 5 : i32
        %add3A_223 = arith.addi %mul3A_53, %add3A_222 : i32
        %slice3A_224 = vector.extract_strided_slice %get3A_56 {offsets = [5], sizes = [1], strides = [1]} : vector<16xi32> to vector<1xi32>
        %squeeze3A_225 = vector.extract %slice3A_224[0] : i32 from vector<1xi32>
        %dma_start3A_226 = arith.constant 0 : i32
        %dma_start3A_227 = tpu.memref_slice %arg11[%add3A_223, %dma_start3A_226] : memref<256x32xf32, #tpu.memory_space<vmem>> -> memref<1x32xf32, #tpu.memory_space<vmem>>
        %dma_start3A_228 = arith.constant 0 : i32
        %dma_start3A_229 = tpu.memref_slice %arg5[%squeeze3A_225, %dma_start3A_228] : memref<1000000x32xf32, #tpu.memory_space<hbm>> -> memref<1x32xf32, #tpu.memory_space<hbm>>
        %dma_start3A_230 = arith.constant 0 : i32
        %dma_start3A_231 = tpu.memref_slice %arg11[%add3A_223, %dma_start3A_230] : memref<256x32xf32, #tpu.memory_space<vmem>> -> memref<1x32xf32, #tpu.memory_space<vmem>>
        %dma_start3A_232 = arith.constant 0 : i32
        %dma_start3A_233 = tpu.memref_slice %arg5[%squeeze3A_225, %dma_start3A_232] : memref<1000000x32xf32, #tpu.memory_space<hbm>> -> memref<1x32xf32, #tpu.memory_space<hbm>>
        tpu.enqueue_dma source(%dma_start3A_233 : memref<1x32xf32, #tpu.memory_space<hbm>>) target(%dma_start3A_231 : memref<1x32xf32, #tpu.memory_space<vmem>>) target_semaphore(%arg16 : memref<!tpu.dma_semaphore, #tpu.memory_space<semaphore_mem>>)
        %slice3A_234 = vector.extract_strided_slice %get3A_60 {offsets = [5], sizes = [1], strides = [1]} : vector<16xi32> to vector<1xi32>
        %squeeze3A_235 = vector.extract %slice3A_234[0] : i32 from vector<1xi32>
        %dma_start3A_236 = arith.constant 0 : i32
        %dma_start3A_237 = tpu.memref_slice %arg12[%add3A_223, %dma_start3A_236] : memref<256x32xf32, #tpu.memory_space<vmem>> -> memref<1x32xf32, #tpu.memory_space<vmem>>
        %dma_start3A_238 = arith.constant 0 : i32
        %dma_start3A_239 = tpu.memref_slice %arg6[%squeeze3A_235, %dma_start3A_238] : memref<1000000x32xf32, #tpu.memory_space<hbm>> -> memref<1x32xf32, #tpu.memory_space<hbm>>
        %dma_start3A_240 = arith.constant 0 : i32
        %dma_start3A_241 = tpu.memref_slice %arg12[%add3A_223, %dma_start3A_240] : memref<256x32xf32, #tpu.memory_space<vmem>> -> memref<1x32xf32, #tpu.memory_space<vmem>>
        %dma_start3A_242 = arith.constant 0 : i32
        %dma_start3A_243 = tpu.memref_slice %arg6[%squeeze3A_235, %dma_start3A_242] : memref<1000000x32xf32, #tpu.memory_space<hbm>> -> memref<1x32xf32, #tpu.memory_space<hbm>>
        tpu.enqueue_dma source(%dma_start3A_243 : memref<1x32xf32, #tpu.memory_space<hbm>>) target(%dma_start3A_241 : memref<1x32xf32, #tpu.memory_space<vmem>>) target_semaphore(%arg16 : memref<!tpu.dma_semaphore, #tpu.memory_space<semaphore_mem>>)
        %slice3A_244 = vector.extract_strided_slice %get3A_64 {offsets = [5], sizes = [1], strides = [1]} : vector<16xi32> to vector<1xi32>
        %squeeze3A_245 = vector.extract %slice3A_244[0] : i32 from vector<1xi32>
        %dma_start3A_246 = arith.constant 0 : i32
        %dma_start3A_247 = tpu.memref_slice %arg13[%add3A_223, %dma_start3A_246] : memref<256x32xf32, #tpu.memory_space<vmem>> -> memref<1x32xf32, #tpu.memory_space<vmem>>
        %dma_start3A_248 = arith.constant 0 : i32
        %dma_start3A_249 = tpu.memref_slice %arg6[%squeeze3A_245, %dma_start3A_248] : memref<1000000x32xf32, #tpu.memory_space<hbm>> -> memref<1x32xf32, #tpu.memory_space<hbm>>
        %dma_start3A_250 = arith.constant 0 : i32
        %dma_start3A_251 = tpu.memref_slice %arg13[%add3A_223, %dma_start3A_250] : memref<256x32xf32, #tpu.memory_space<vmem>> -> memref<1x32xf32, #tpu.memory_space<vmem>>
        %dma_start3A_252 = arith.constant 0 : i32
        %dma_start3A_253 = tpu.memref_slice %arg6[%squeeze3A_245, %dma_start3A_252] : memref<1000000x32xf32, #tpu.memory_space<hbm>> -> memref<1x32xf32, #tpu.memory_space<hbm>>
        tpu.enqueue_dma source(%dma_start3A_253 : memref<1x32xf32, #tpu.memory_space<hbm>>) target(%dma_start3A_251 : memref<1x32xf32, #tpu.memory_space<vmem>>) target_semaphore(%arg16 : memref<!tpu.dma_semaphore, #tpu.memory_space<semaphore_mem>>)
        %add3A_254 = arith.constant 6 : i32
        %add3A_255 = arith.addi %mul3A_53, %add3A_254 : i32
        %slice3A_256 = vector.extract_strided_slice %get3A_56 {offsets = [6], sizes = [1], strides = [1]} : vector<16xi32> to vector<1xi32>
        %squeeze3A_257 = vector.extract %slice3A_256[0] : i32 from vector<1xi32>
        %dma_start3A_258 = arith.constant 0 : i32
        %dma_start3A_259 = tpu.memref_slice %arg11[%add3A_255, %dma_start3A_258] : memref<256x32xf32, #tpu.memory_space<vmem>> -> memref<1x32xf32, #tpu.memory_space<vmem>>
        %dma_start3A_260 = arith.constant 0 : i32
        %dma_start3A_261 = tpu.memref_slice %arg5[%squeeze3A_257, %dma_start3A_260] : memref<1000000x32xf32, #tpu.memory_space<hbm>> -> memref<1x32xf32, #tpu.memory_space<hbm>>
        %dma_start3A_262 = arith.constant 0 : i32
        %dma_start3A_263 = tpu.memref_slice %arg11[%add3A_255, %dma_start3A_262] : memref<256x32xf32, #tpu.memory_space<vmem>> -> memref<1x32xf32, #tpu.memory_space<vmem>>
        %dma_start3A_264 = arith.constant 0 : i32
        %dma_start3A_265 = tpu.memref_slice %arg5[%squeeze3A_257, %dma_start3A_264] : memref<1000000x32xf32, #tpu.memory_space<hbm>> -> memref<1x32xf32, #tpu.memory_space<hbm>>
        tpu.enqueue_dma source(%dma_start3A_265 : memref<1x32xf32, #tpu.memory_space<hbm>>) target(%dma_start3A_263 : memref<1x32xf32, #tpu.memory_space<vmem>>) target_semaphore(%arg16 : memref<!tpu.dma_semaphore, #tpu.memory_space<semaphore_mem>>)
        %slice3A_266 = vector.extract_strided_slice %get3A_60 {offsets = [6], sizes = [1], strides = [1]} : vector<16xi32> to vector<1xi32>
        %squeeze3A_267 = vector.extract %slice3A_266[0] : i32 from vector<1xi32>
        %dma_start3A_268 = arith.constant 0 : i32
        %dma_start3A_269 = tpu.memref_slice %arg12[%add3A_255, %dma_start3A_268] : memref<256x32xf32, #tpu.memory_space<vmem>> -> memref<1x32xf32, #tpu.memory_space<vmem>>
        %dma_start3A_270 = arith.constant 0 : i32
        %dma_start3A_271 = tpu.memref_slice %arg6[%squeeze3A_267, %dma_start3A_270] : memref<1000000x32xf32, #tpu.memory_space<hbm>> -> memref<1x32xf32, #tpu.memory_space<hbm>>
        %dma_start3A_272 = arith.constant 0 : i32
        %dma_start3A_273 = tpu.memref_slice %arg12[%add3A_255, %dma_start3A_272] : memref<256x32xf32, #tpu.memory_space<vmem>> -> memref<1x32xf32, #tpu.memory_space<vmem>>
        %dma_start3A_274 = arith.constant 0 : i32
        %dma_start3A_275 = tpu.memref_slice %arg6[%squeeze3A_267, %dma_start3A_274] : memref<1000000x32xf32, #tpu.memory_space<hbm>> -> memref<1x32xf32, #tpu.memory_space<hbm>>
        tpu.enqueue_dma source(%dma_start3A_275 : memref<1x32xf32, #tpu.memory_space<hbm>>) target(%dma_start3A_273 : memref<1x32xf32, #tpu.memory_space<vmem>>) target_semaphore(%arg16 : memref<!tpu.dma_semaphore, #tpu.memory_space<semaphore_mem>>)
        %slice3A_276 = vector.extract_strided_slice %get3A_64 {offsets = [6], sizes = [1], strides = [1]} : vector<16xi32> to vector<1xi32>
        %squeeze3A_277 = vector.extract %slice3A_276[0] : i32 from vector<1xi32>
        %dma_start3A_278 = arith.constant 0 : i32
        %dma_start3A_279 = tpu.memref_slice %arg13[%add3A_255, %dma_start3A_278] : memref<256x32xf32, #tpu.memory_space<vmem>> -> memref<1x32xf32, #tpu.memory_space<vmem>>
        %dma_start3A_280 = arith.constant 0 : i32
        %dma_start3A_281 = tpu.memref_slice %arg6[%squeeze3A_277, %dma_start3A_280] : memref<1000000x32xf32, #tpu.memory_space<hbm>> -> memref<1x32xf32, #tpu.memory_space<hbm>>
        %dma_start3A_282 = arith.constant 0 : i32
        %dma_start3A_283 = tpu.memref_slice %arg13[%add3A_255, %dma_start3A_282] : memref<256x32xf32, #tpu.memory_space<vmem>> -> memref<1x32xf32, #tpu.memory_space<vmem>>
        %dma_start3A_284 = arith.constant 0 : i32
        %dma_start3A_285 = tpu.memref_slice %arg6[%squeeze3A_277, %dma_start3A_284] : memref<1000000x32xf32, #tpu.memory_space<hbm>> -> memref<1x32xf32, #tpu.memory_space<hbm>>
        tpu.enqueue_dma source(%dma_start3A_285 : memref<1x32xf32, #tpu.memory_space<hbm>>) target(%dma_start3A_283 : memref<1x32xf32, #tpu.memory_space<vmem>>) target_semaphore(%arg16 : memref<!tpu.dma_semaphore, #tpu.memory_space<semaphore_mem>>)
        %add3A_286 = arith.constant 7 : i32
        %add3A_287 = arith.addi %mul3A_53, %add3A_286 : i32
        %slice3A_288 = vector.extract_strided_slice %get3A_56 {offsets = [7], sizes = [1], strides = [1]} : vector<16xi32> to vector<1xi32>
        %squeeze3A_289 = vector.extract %slice3A_288[0] : i32 from vector<1xi32>
        %dma_start3A_290 = arith.constant 0 : i32
        %dma_start3A_291 = tpu.memref_slice %arg11[%add3A_287, %dma_start3A_290] : memref<256x32xf32, #tpu.memory_space<vmem>> -> memref<1x32xf32, #tpu.memory_space<vmem>>
        %dma_start3A_292 = arith.constant 0 : i32
        %dma_start3A_293 = tpu.memref_slice %arg5[%squeeze3A_289, %dma_start3A_292] : memref<1000000x32xf32, #tpu.memory_space<hbm>> -> memref<1x32xf32, #tpu.memory_space<hbm>>
        %dma_start3A_294 = arith.constant 0 : i32
        %dma_start3A_295 = tpu.memref_slice %arg11[%add3A_287, %dma_start3A_294] : memref<256x32xf32, #tpu.memory_space<vmem>> -> memref<1x32xf32, #tpu.memory_space<vmem>>
        %dma_start3A_296 = arith.constant 0 : i32
        %dma_start3A_297 = tpu.memref_slice %arg5[%squeeze3A_289, %dma_start3A_296] : memref<1000000x32xf32, #tpu.memory_space<hbm>> -> memref<1x32xf32, #tpu.memory_space<hbm>>
        tpu.enqueue_dma source(%dma_start3A_297 : memref<1x32xf32, #tpu.memory_space<hbm>>) target(%dma_start3A_295 : memref<1x32xf32, #tpu.memory_space<vmem>>) target_semaphore(%arg16 : memref<!tpu.dma_semaphore, #tpu.memory_space<semaphore_mem>>)
        %slice3A_298 = vector.extract_strided_slice %get3A_60 {offsets = [7], sizes = [1], strides = [1]} : vector<16xi32> to vector<1xi32>
        %squeeze3A_299 = vector.extract %slice3A_298[0] : i32 from vector<1xi32>
        %dma_start3A_300 = arith.constant 0 : i32
        %dma_start3A_301 = tpu.memref_slice %arg12[%add3A_287, %dma_start3A_300] : memref<256x32xf32, #tpu.memory_space<vmem>> -> memref<1x32xf32, #tpu.memory_space<vmem>>
        %dma_start3A_302 = arith.constant 0 : i32
        %dma_start3A_303 = tpu.memref_slice %arg6[%squeeze3A_299, %dma_start3A_302] : memref<1000000x32xf32, #tpu.memory_space<hbm>> -> memref<1x32xf32, #tpu.memory_space<hbm>>
        %dma_start3A_304 = arith.constant 0 : i32
        %dma_start3A_305 = tpu.memref_slice %arg12[%add3A_287, %dma_start3A_304] : memref<256x32xf32, #tpu.memory_space<vmem>> -> memref<1x32xf32, #tpu.memory_space<vmem>>
        %dma_start3A_306 = arith.constant 0 : i32
        %dma_start3A_307 = tpu.memref_slice %arg6[%squeeze3A_299, %dma_start3A_306] : memref<1000000x32xf32, #tpu.memory_space<hbm>> -> memref<1x32xf32, #tpu.memory_space<hbm>>
        tpu.enqueue_dma source(%dma_start3A_307 : memref<1x32xf32, #tpu.memory_space<hbm>>) target(%dma_start3A_305 : memref<1x32xf32, #tpu.memory_space<vmem>>) target_semaphore(%arg16 : memref<!tpu.dma_semaphore, #tpu.memory_space<semaphore_mem>>)
        %slice3A_308 = vector.extract_strided_slice %get3A_64 {offsets = [7], sizes = [1], strides = [1]} : vector<16xi32> to vector<1xi32>
        %squeeze3A_309 = vector.extract %slice3A_308[0] : i32 from vector<1xi32>
        %dma_start3A_310 = arith.constant 0 : i32
        %dma_start3A_311 = tpu.memref_slice %arg13[%add3A_287, %dma_start3A_310] : memref<256x32xf32, #tpu.memory_space<vmem>> -> memref<1x32xf32, #tpu.memory_space<vmem>>
        %dma_start3A_312 = arith.constant 0 : i32
        %dma_start3A_313 = tpu.memref_slice %arg6[%squeeze3A_309, %dma_start3A_312] : memref<1000000x32xf32, #tpu.memory_space<hbm>> -> memref<1x32xf32, #tpu.memory_space<hbm>>
        %dma_start3A_314 = arith.constant 0 : i32
        %dma_start3A_315 = tpu.memref_slice %arg13[%add3A_287, %dma_start3A_314] : memref<256x32xf32, #tpu.memory_space<vmem>> -> memref<1x32xf32, #tpu.memory_space<vmem>>
        %dma_start3A_316 = arith.constant 0 : i32
        %dma_start3A_317 = tpu.memref_slice %arg6[%squeeze3A_309, %dma_start3A_316] : memref<1000000x32xf32, #tpu.memory_space<hbm>> -> memref<1x32xf32, #tpu.memory_space<hbm>>
        tpu.enqueue_dma source(%dma_start3A_317 : memref<1x32xf32, #tpu.memory_space<hbm>>) target(%dma_start3A_315 : memref<1x32xf32, #tpu.memory_space<vmem>>) target_semaphore(%arg16 : memref<!tpu.dma_semaphore, #tpu.memory_space<semaphore_mem>>)
        %add3A_318 = arith.constant 8 : i32
        %add3A_319 = arith.addi %mul3A_53, %add3A_318 : i32
        %slice3A_320 = vector.extract_strided_slice %get3A_56 {offsets = [8], sizes = [1], strides = [1]} : vector<16xi32> to vector<1xi32>
        %squeeze3A_321 = vector.extract %slice3A_320[0] : i32 from vector<1xi32>
        %dma_start3A_322 = arith.constant 0 : i32
        %dma_start3A_323 = tpu.memref_slice %arg11[%add3A_319, %dma_start3A_322] : memref<256x32xf32, #tpu.memory_space<vmem>> -> memref<1x32xf32, #tpu.memory_space<vmem>>
        %dma_start3A_324 = arith.constant 0 : i32
        %dma_start3A_325 = tpu.memref_slice %arg5[%squeeze3A_321, %dma_start3A_324] : memref<1000000x32xf32, #tpu.memory_space<hbm>> -> memref<1x32xf32, #tpu.memory_space<hbm>>
        %dma_start3A_326 = arith.constant 0 : i32
        %dma_start3A_327 = tpu.memref_slice %arg11[%add3A_319, %dma_start3A_326] : memref<256x32xf32, #tpu.memory_space<vmem>> -> memref<1x32xf32, #tpu.memory_space<vmem>>
        %dma_start3A_328 = arith.constant 0 : i32
        %dma_start3A_329 = tpu.memref_slice %arg5[%squeeze3A_321, %dma_start3A_328] : memref<1000000x32xf32, #tpu.memory_space<hbm>> -> memref<1x32xf32, #tpu.memory_space<hbm>>
        tpu.enqueue_dma source(%dma_start3A_329 : memref<1x32xf32, #tpu.memory_space<hbm>>) target(%dma_start3A_327 : memref<1x32xf32, #tpu.memory_space<vmem>>) target_semaphore(%arg16 : memref<!tpu.dma_semaphore, #tpu.memory_space<semaphore_mem>>)
        %slice3A_330 = vector.extract_strided_slice %get3A_60 {offsets = [8], sizes = [1], strides = [1]} : vector<16xi32> to vector<1xi32>
        %squeeze3A_331 = vector.extract %slice3A_330[0] : i32 from vector<1xi32>
        %dma_start3A_332 = arith.constant 0 : i32
        %dma_start3A_333 = tpu.memref_slice %arg12[%add3A_319, %dma_start3A_332] : memref<256x32xf32, #tpu.memory_space<vmem>> -> memref<1x32xf32, #tpu.memory_space<vmem>>
        %dma_start3A_334 = arith.constant 0 : i32
        %dma_start3A_335 = tpu.memref_slice %arg6[%squeeze3A_331, %dma_start3A_334] : memref<1000000x32xf32, #tpu.memory_space<hbm>> -> memref<1x32xf32, #tpu.memory_space<hbm>>
        %dma_start3A_336 = arith.constant 0 : i32
        %dma_start3A_337 = tpu.memref_slice %arg12[%add3A_319, %dma_start3A_336] : memref<256x32xf32, #tpu.memory_space<vmem>> -> memref<1x32xf32, #tpu.memory_space<vmem>>
        %dma_start3A_338 = arith.constant 0 : i32
        %dma_start3A_339 = tpu.memref_slice %arg6[%squeeze3A_331, %dma_start3A_338] : memref<1000000x32xf32, #tpu.memory_space<hbm>> -> memref<1x32xf32, #tpu.memory_space<hbm>>
        tpu.enqueue_dma source(%dma_start3A_339 : memref<1x32xf32, #tpu.memory_space<hbm>>) target(%dma_start3A_337 : memref<1x32xf32, #tpu.memory_space<vmem>>) target_semaphore(%arg16 : memref<!tpu.dma_semaphore, #tpu.memory_space<semaphore_mem>>)
        %slice3A_340 = vector.extract_strided_slice %get3A_64 {offsets = [8], sizes = [1], strides = [1]} : vector<16xi32> to vector<1xi32>
        %squeeze3A_341 = vector.extract %slice3A_340[0] : i32 from vector<1xi32>
        %dma_start3A_342 = arith.constant 0 : i32
        %dma_start3A_343 = tpu.memref_slice %arg13[%add3A_319, %dma_start3A_342] : memref<256x32xf32, #tpu.memory_space<vmem>> -> memref<1x32xf32, #tpu.memory_space<vmem>>
        %dma_start3A_344 = arith.constant 0 : i32
        %dma_start3A_345 = tpu.memref_slice %arg6[%squeeze3A_341, %dma_start3A_344] : memref<1000000x32xf32, #tpu.memory_space<hbm>> -> memref<1x32xf32, #tpu.memory_space<hbm>>
        %dma_start3A_346 = arith.constant 0 : i32
        %dma_start3A_347 = tpu.memref_slice %arg13[%add3A_319, %dma_start3A_346] : memref<256x32xf32, #tpu.memory_space<vmem>> -> memref<1x32xf32, #tpu.memory_space<vmem>>
        %dma_start3A_348 = arith.constant 0 : i32
        %dma_start3A_349 = tpu.memref_slice %arg6[%squeeze3A_341, %dma_start3A_348] : memref<1000000x32xf32, #tpu.memory_space<hbm>> -> memref<1x32xf32, #tpu.memory_space<hbm>>
        tpu.enqueue_dma source(%dma_start3A_349 : memref<1x32xf32, #tpu.memory_space<hbm>>) target(%dma_start3A_347 : memref<1x32xf32, #tpu.memory_space<vmem>>) target_semaphore(%arg16 : memref<!tpu.dma_semaphore, #tpu.memory_space<semaphore_mem>>)
        %add3A_350 = arith.constant 9 : i32
        %add3A_351 = arith.addi %mul3A_53, %add3A_350 : i32
        %slice3A_352 = vector.extract_strided_slice %get3A_56 {offsets = [9], sizes = [1], strides = [1]} : vector<16xi32> to vector<1xi32>
        %squeeze3A_353 = vector.extract %slice3A_352[0] : i32 from vector<1xi32>
        %dma_start3A_354 = arith.constant 0 : i32
        %dma_start3A_355 = tpu.memref_slice %arg11[%add3A_351, %dma_start3A_354] : memref<256x32xf32, #tpu.memory_space<vmem>> -> memref<1x32xf32, #tpu.memory_space<vmem>>
        %dma_start3A_356 = arith.constant 0 : i32
        %dma_start3A_357 = tpu.memref_slice %arg5[%squeeze3A_353, %dma_start3A_356] : memref<1000000x32xf32, #tpu.memory_space<hbm>> -> memref<1x32xf32, #tpu.memory_space<hbm>>
        %dma_start3A_358 = arith.constant 0 : i32
        %dma_start3A_359 = tpu.memref_slice %arg11[%add3A_351, %dma_start3A_358] : memref<256x32xf32, #tpu.memory_space<vmem>> -> memref<1x32xf32, #tpu.memory_space<vmem>>
        %dma_start3A_360 = arith.constant 0 : i32
        %dma_start3A_361 = tpu.memref_slice %arg5[%squeeze3A_353, %dma_start3A_360] : memref<1000000x32xf32, #tpu.memory_space<hbm>> -> memref<1x32xf32, #tpu.memory_space<hbm>>
        tpu.enqueue_dma source(%dma_start3A_361 : memref<1x32xf32, #tpu.memory_space<hbm>>) target(%dma_start3A_359 : memref<1x32xf32, #tpu.memory_space<vmem>>) target_semaphore(%arg16 : memref<!tpu.dma_semaphore, #tpu.memory_space<semaphore_mem>>)
        %slice3A_362 = vector.extract_strided_slice %get3A_60 {offsets = [9], sizes = [1], strides = [1]} : vector<16xi32> to vector<1xi32>
        %squeeze3A_363 = vector.extract %slice3A_362[0] : i32 from vector<1xi32>
        %dma_start3A_364 = arith.constant 0 : i32
        %dma_start3A_365 = tpu.memref_slice %arg12[%add3A_351, %dma_start3A_364] : memref<256x32xf32, #tpu.memory_space<vmem>> -> memref<1x32xf32, #tpu.memory_space<vmem>>
        %dma_start3A_366 = arith.constant 0 : i32
        %dma_start3A_367 = tpu.memref_slice %arg6[%squeeze3A_363, %dma_start3A_366] : memref<1000000x32xf32, #tpu.memory_space<hbm>> -> memref<1x32xf32, #tpu.memory_space<hbm>>
        %dma_start3A_368 = arith.constant 0 : i32
        %dma_start3A_369 = tpu.memref_slice %arg12[%add3A_351, %dma_start3A_368] : memref<256x32xf32, #tpu.memory_space<vmem>> -> memref<1x32xf32, #tpu.memory_space<vmem>>
        %dma_start3A_370 = arith.constant 0 : i32
        %dma_start3A_371 = tpu.memref_slice %arg6[%squeeze3A_363, %dma_start3A_370] : memref<1000000x32xf32, #tpu.memory_space<hbm>> -> memref<1x32xf32, #tpu.memory_space<hbm>>
        tpu.enqueue_dma source(%dma_start3A_371 : memref<1x32xf32, #tpu.memory_space<hbm>>) target(%dma_start3A_369 : memref<1x32xf32, #tpu.memory_space<vmem>>) target_semaphore(%arg16 : memref<!tpu.dma_semaphore, #tpu.memory_space<semaphore_mem>>)
        %slice3A_372 = vector.extract_strided_slice %get3A_64 {offsets = [9], sizes = [1], strides = [1]} : vector<16xi32> to vector<1xi32>
        %squeeze3A_373 = vector.extract %slice3A_372[0] : i32 from vector<1xi32>
        %dma_start3A_374 = arith.constant 0 : i32
        %dma_start3A_375 = tpu.memref_slice %arg13[%add3A_351, %dma_start3A_374] : memref<256x32xf32, #tpu.memory_space<vmem>> -> memref<1x32xf32, #tpu.memory_space<vmem>>
        %dma_start3A_376 = arith.constant 0 : i32
        %dma_start3A_377 = tpu.memref_slice %arg6[%squeeze3A_373, %dma_start3A_376] : memref<1000000x32xf32, #tpu.memory_space<hbm>> -> memref<1x32xf32, #tpu.memory_space<hbm>>
        %dma_start3A_378 = arith.constant 0 : i32
        %dma_start3A_379 = tpu.memref_slice %arg13[%add3A_351, %dma_start3A_378] : memref<256x32xf32, #tpu.memory_space<vmem>> -> memref<1x32xf32, #tpu.memory_space<vmem>>
        %dma_start3A_380 = arith.constant 0 : i32
        %dma_start3A_381 = tpu.memref_slice %arg6[%squeeze3A_373, %dma_start3A_380] : memref<1000000x32xf32, #tpu.memory_space<hbm>> -> memref<1x32xf32, #tpu.memory_space<hbm>>
        tpu.enqueue_dma source(%dma_start3A_381 : memref<1x32xf32, #tpu.memory_space<hbm>>) target(%dma_start3A_379 : memref<1x32xf32, #tpu.memory_space<vmem>>) target_semaphore(%arg16 : memref<!tpu.dma_semaphore, #tpu.memory_space<semaphore_mem>>)
        %add3A_382 = arith.constant 10 : i32
        %add3A_383 = arith.addi %mul3A_53, %add3A_382 : i32
        %slice3A_384 = vector.extract_strided_slice %get3A_56 {offsets = [10], sizes = [1], strides = [1]} : vector<16xi32> to vector<1xi32>
        %squeeze3A_385 = vector.extract %slice3A_384[0] : i32 from vector<1xi32>
        %dma_start3A_386 = arith.constant 0 : i32
        %dma_start3A_387 = tpu.memref_slice %arg11[%add3A_383, %dma_start3A_386] : memref<256x32xf32, #tpu.memory_space<vmem>> -> memref<1x32xf32, #tpu.memory_space<vmem>>
        %dma_start3A_388 = arith.constant 0 : i32
        %dma_start3A_389 = tpu.memref_slice %arg5[%squeeze3A_385, %dma_start3A_388] : memref<1000000x32xf32, #tpu.memory_space<hbm>> -> memref<1x32xf32, #tpu.memory_space<hbm>>
        %dma_start3A_390 = arith.constant 0 : i32
        %dma_start3A_391 = tpu.memref_slice %arg11[%add3A_383, %dma_start3A_390] : memref<256x32xf32, #tpu.memory_space<vmem>> -> memref<1x32xf32, #tpu.memory_space<vmem>>
        %dma_start3A_392 = arith.constant 0 : i32
        %dma_start3A_393 = tpu.memref_slice %arg5[%squeeze3A_385, %dma_start3A_392] : memref<1000000x32xf32, #tpu.memory_space<hbm>> -> memref<1x32xf32, #tpu.memory_space<hbm>>
        tpu.enqueue_dma source(%dma_start3A_393 : memref<1x32xf32, #tpu.memory_space<hbm>>) target(%dma_start3A_391 : memref<1x32xf32, #tpu.memory_space<vmem>>) target_semaphore(%arg16 : memref<!tpu.dma_semaphore, #tpu.memory_space<semaphore_mem>>)
        %slice3A_394 = vector.extract_strided_slice %get3A_60 {offsets = [10], sizes = [1], strides = [1]} : vector<16xi32> to vector<1xi32>
        %squeeze3A_395 = vector.extract %slice3A_394[0] : i32 from vector<1xi32>
        %dma_start3A_396 = arith.constant 0 : i32
        %dma_start3A_397 = tpu.memref_slice %arg12[%add3A_383, %dma_start3A_396] : memref<256x32xf32, #tpu.memory_space<vmem>> -> memref<1x32xf32, #tpu.memory_space<vmem>>
        %dma_start3A_398 = arith.constant 0 : i32
        %dma_start3A_399 = tpu.memref_slice %arg6[%squeeze3A_395, %dma_start3A_398] : memref<1000000x32xf32, #tpu.memory_space<hbm>> -> memref<1x32xf32, #tpu.memory_space<hbm>>
        %dma_start3A_400 = arith.constant 0 : i32
        %dma_start3A_401 = tpu.memref_slice %arg12[%add3A_383, %dma_start3A_400] : memref<256x32xf32, #tpu.memory_space<vmem>> -> memref<1x32xf32, #tpu.memory_space<vmem>>
        %dma_start3A_402 = arith.constant 0 : i32
        %dma_start3A_403 = tpu.memref_slice %arg6[%squeeze3A_395, %dma_start3A_402] : memref<1000000x32xf32, #tpu.memory_space<hbm>> -> memref<1x32xf32, #tpu.memory_space<hbm>>
        tpu.enqueue_dma source(%dma_start3A_403 : memref<1x32xf32, #tpu.memory_space<hbm>>) target(%dma_start3A_401 : memref<1x32xf32, #tpu.memory_space<vmem>>) target_semaphore(%arg16 : memref<!tpu.dma_semaphore, #tpu.memory_space<semaphore_mem>>)
        %slice3A_404 = vector.extract_strided_slice %get3A_64 {offsets = [10], sizes = [1], strides = [1]} : vector<16xi32> to vector<1xi32>
        %squeeze3A_405 = vector.extract %slice3A_404[0] : i32 from vector<1xi32>
        %dma_start3A_406 = arith.constant 0 : i32
        %dma_start3A_407 = tpu.memref_slice %arg13[%add3A_383, %dma_start3A_406] : memref<256x32xf32, #tpu.memory_space<vmem>> -> memref<1x32xf32, #tpu.memory_space<vmem>>
        %dma_start3A_408 = arith.constant 0 : i32
        %dma_start3A_409 = tpu.memref_slice %arg6[%squeeze3A_405, %dma_start3A_408] : memref<1000000x32xf32, #tpu.memory_space<hbm>> -> memref<1x32xf32, #tpu.memory_space<hbm>>
        %dma_start3A_410 = arith.constant 0 : i32
        %dma_start3A_411 = tpu.memref_slice %arg13[%add3A_383, %dma_start3A_410] : memref<256x32xf32, #tpu.memory_space<vmem>> -> memref<1x32xf32, #tpu.memory_space<vmem>>
        %dma_start3A_412 = arith.constant 0 : i32
        %dma_start3A_413 = tpu.memref_slice %arg6[%squeeze3A_405, %dma_start3A_412] : memref<1000000x32xf32, #tpu.memory_space<hbm>> -> memref<1x32xf32, #tpu.memory_space<hbm>>
        tpu.enqueue_dma source(%dma_start3A_413 : memref<1x32xf32, #tpu.memory_space<hbm>>) target(%dma_start3A_411 : memref<1x32xf32, #tpu.memory_space<vmem>>) target_semaphore(%arg16 : memref<!tpu.dma_semaphore, #tpu.memory_space<semaphore_mem>>)
        %add3A_414 = arith.constant 11 : i32
        %add3A_415 = arith.addi %mul3A_53, %add3A_414 : i32
        %slice3A_416 = vector.extract_strided_slice %get3A_56 {offsets = [11], sizes = [1], strides = [1]} : vector<16xi32> to vector<1xi32>
        %squeeze3A_417 = vector.extract %slice3A_416[0] : i32 from vector<1xi32>
        %dma_start3A_418 = arith.constant 0 : i32
        %dma_start3A_419 = tpu.memref_slice %arg11[%add3A_415, %dma_start3A_418] : memref<256x32xf32, #tpu.memory_space<vmem>> -> memref<1x32xf32, #tpu.memory_space<vmem>>
        %dma_start3A_420 = arith.constant 0 : i32
        %dma_start3A_421 = tpu.memref_slice %arg5[%squeeze3A_417, %dma_start3A_420] : memref<1000000x32xf32, #tpu.memory_space<hbm>> -> memref<1x32xf32, #tpu.memory_space<hbm>>
        %dma_start3A_422 = arith.constant 0 : i32
        %dma_start3A_423 = tpu.memref_slice %arg11[%add3A_415, %dma_start3A_422] : memref<256x32xf32, #tpu.memory_space<vmem>> -> memref<1x32xf32, #tpu.memory_space<vmem>>
        %dma_start3A_424 = arith.constant 0 : i32
        %dma_start3A_425 = tpu.memref_slice %arg5[%squeeze3A_417, %dma_start3A_424] : memref<1000000x32xf32, #tpu.memory_space<hbm>> -> memref<1x32xf32, #tpu.memory_space<hbm>>
        tpu.enqueue_dma source(%dma_start3A_425 : memref<1x32xf32, #tpu.memory_space<hbm>>) target(%dma_start3A_423 : memref<1x32xf32, #tpu.memory_space<vmem>>) target_semaphore(%arg16 : memref<!tpu.dma_semaphore, #tpu.memory_space<semaphore_mem>>)
        %slice3A_426 = vector.extract_strided_slice %get3A_60 {offsets = [11], sizes = [1], strides = [1]} : vector<16xi32> to vector<1xi32>
        %squeeze3A_427 = vector.extract %slice3A_426[0] : i32 from vector<1xi32>
        %dma_start3A_428 = arith.constant 0 : i32
        %dma_start3A_429 = tpu.memref_slice %arg12[%add3A_415, %dma_start3A_428] : memref<256x32xf32, #tpu.memory_space<vmem>> -> memref<1x32xf32, #tpu.memory_space<vmem>>
        %dma_start3A_430 = arith.constant 0 : i32
        %dma_start3A_431 = tpu.memref_slice %arg6[%squeeze3A_427, %dma_start3A_430] : memref<1000000x32xf32, #tpu.memory_space<hbm>> -> memref<1x32xf32, #tpu.memory_space<hbm>>
        %dma_start3A_432 = arith.constant 0 : i32
        %dma_start3A_433 = tpu.memref_slice %arg12[%add3A_415, %dma_start3A_432] : memref<256x32xf32, #tpu.memory_space<vmem>> -> memref<1x32xf32, #tpu.memory_space<vmem>>
        %dma_start3A_434 = arith.constant 0 : i32
        %dma_start3A_435 = tpu.memref_slice %arg6[%squeeze3A_427, %dma_start3A_434] : memref<1000000x32xf32, #tpu.memory_space<hbm>> -> memref<1x32xf32, #tpu.memory_space<hbm>>
        tpu.enqueue_dma source(%dma_start3A_435 : memref<1x32xf32, #tpu.memory_space<hbm>>) target(%dma_start3A_433 : memref<1x32xf32, #tpu.memory_space<vmem>>) target_semaphore(%arg16 : memref<!tpu.dma_semaphore, #tpu.memory_space<semaphore_mem>>)
        %slice3A_436 = vector.extract_strided_slice %get3A_64 {offsets = [11], sizes = [1], strides = [1]} : vector<16xi32> to vector<1xi32>
        %squeeze3A_437 = vector.extract %slice3A_436[0] : i32 from vector<1xi32>
        %dma_start3A_438 = arith.constant 0 : i32
        %dma_start3A_439 = tpu.memref_slice %arg13[%add3A_415, %dma_start3A_438] : memref<256x32xf32, #tpu.memory_space<vmem>> -> memref<1x32xf32, #tpu.memory_space<vmem>>
        %dma_start3A_440 = arith.constant 0 : i32
        %dma_start3A_441 = tpu.memref_slice %arg6[%squeeze3A_437, %dma_start3A_440] : memref<1000000x32xf32, #tpu.memory_space<hbm>> -> memref<1x32xf32, #tpu.memory_space<hbm>>
        %dma_start3A_442 = arith.constant 0 : i32
        %dma_start3A_443 = tpu.memref_slice %arg13[%add3A_415, %dma_start3A_442] : memref<256x32xf32, #tpu.memory_space<vmem>> -> memref<1x32xf32, #tpu.memory_space<vmem>>
        %dma_start3A_444 = arith.constant 0 : i32
        %dma_start3A_445 = tpu.memref_slice %arg6[%squeeze3A_437, %dma_start3A_444] : memref<1000000x32xf32, #tpu.memory_space<hbm>> -> memref<1x32xf32, #tpu.memory_space<hbm>>
        tpu.enqueue_dma source(%dma_start3A_445 : memref<1x32xf32, #tpu.memory_space<hbm>>) target(%dma_start3A_443 : memref<1x32xf32, #tpu.memory_space<vmem>>) target_semaphore(%arg16 : memref<!tpu.dma_semaphore, #tpu.memory_space<semaphore_mem>>)
        %add3A_446 = arith.constant 12 : i32
        %add3A_447 = arith.addi %mul3A_53, %add3A_446 : i32
        %slice3A_448 = vector.extract_strided_slice %get3A_56 {offsets = [12], sizes = [1], strides = [1]} : vector<16xi32> to vector<1xi32>
        %squeeze3A_449 = vector.extract %slice3A_448[0] : i32 from vector<1xi32>
        %dma_start3A_450 = arith.constant 0 : i32
        %dma_start3A_451 = tpu.memref_slice %arg11[%add3A_447, %dma_start3A_450] : memref<256x32xf32, #tpu.memory_space<vmem>> -> memref<1x32xf32, #tpu.memory_space<vmem>>
        %dma_start3A_452 = arith.constant 0 : i32
        %dma_start3A_453 = tpu.memref_slice %arg5[%squeeze3A_449, %dma_start3A_452] : memref<1000000x32xf32, #tpu.memory_space<hbm>> -> memref<1x32xf32, #tpu.memory_space<hbm>>
        %dma_start3A_454 = arith.constant 0 : i32
        %dma_start3A_455 = tpu.memref_slice %arg11[%add3A_447, %dma_start3A_454] : memref<256x32xf32, #tpu.memory_space<vmem>> -> memref<1x32xf32, #tpu.memory_space<vmem>>
        %dma_start3A_456 = arith.constant 0 : i32
        %dma_start3A_457 = tpu.memref_slice %arg5[%squeeze3A_449, %dma_start3A_456] : memref<1000000x32xf32, #tpu.memory_space<hbm>> -> memref<1x32xf32, #tpu.memory_space<hbm>>
        tpu.enqueue_dma source(%dma_start3A_457 : memref<1x32xf32, #tpu.memory_space<hbm>>) target(%dma_start3A_455 : memref<1x32xf32, #tpu.memory_space<vmem>>) target_semaphore(%arg16 : memref<!tpu.dma_semaphore, #tpu.memory_space<semaphore_mem>>)
        %slice3A_458 = vector.extract_strided_slice %get3A_60 {offsets = [12], sizes = [1], strides = [1]} : vector<16xi32> to vector<1xi32>
        %squeeze3A_459 = vector.extract %slice3A_458[0] : i32 from vector<1xi32>
        %dma_start3A_460 = arith.constant 0 : i32
        %dma_start3A_461 = tpu.memref_slice %arg12[%add3A_447, %dma_start3A_460] : memref<256x32xf32, #tpu.memory_space<vmem>> -> memref<1x32xf32, #tpu.memory_space<vmem>>
        %dma_start3A_462 = arith.constant 0 : i32
        %dma_start3A_463 = tpu.memref_slice %arg6[%squeeze3A_459, %dma_start3A_462] : memref<1000000x32xf32, #tpu.memory_space<hbm>> -> memref<1x32xf32, #tpu.memory_space<hbm>>
        %dma_start3A_464 = arith.constant 0 : i32
        %dma_start3A_465 = tpu.memref_slice %arg12[%add3A_447, %dma_start3A_464] : memref<256x32xf32, #tpu.memory_space<vmem>> -> memref<1x32xf32, #tpu.memory_space<vmem>>
        %dma_start3A_466 = arith.constant 0 : i32
        %dma_start3A_467 = tpu.memref_slice %arg6[%squeeze3A_459, %dma_start3A_466] : memref<1000000x32xf32, #tpu.memory_space<hbm>> -> memref<1x32xf32, #tpu.memory_space<hbm>>
        tpu.enqueue_dma source(%dma_start3A_467 : memref<1x32xf32, #tpu.memory_space<hbm>>) target(%dma_start3A_465 : memref<1x32xf32, #tpu.memory_space<vmem>>) target_semaphore(%arg16 : memref<!tpu.dma_semaphore, #tpu.memory_space<semaphore_mem>>)
        %slice3A_468 = vector.extract_strided_slice %get3A_64 {offsets = [12], sizes = [1], strides = [1]} : vector<16xi32> to vector<1xi32>
        %squeeze3A_469 = vector.extract %slice3A_468[0] : i32 from vector<1xi32>
        %dma_start3A_470 = arith.constant 0 : i32
        %dma_start3A_471 = tpu.memref_slice %arg13[%add3A_447, %dma_start3A_470] : memref<256x32xf32, #tpu.memory_space<vmem>> -> memref<1x32xf32, #tpu.memory_space<vmem>>
        %dma_start3A_472 = arith.constant 0 : i32
        %dma_start3A_473 = tpu.memref_slice %arg6[%squeeze3A_469, %dma_start3A_472] : memref<1000000x32xf32, #tpu.memory_space<hbm>> -> memref<1x32xf32, #tpu.memory_space<hbm>>
        %dma_start3A_474 = arith.constant 0 : i32
        %dma_start3A_475 = tpu.memref_slice %arg13[%add3A_447, %dma_start3A_474] : memref<256x32xf32, #tpu.memory_space<vmem>> -> memref<1x32xf32, #tpu.memory_space<vmem>>
        %dma_start3A_476 = arith.constant 0 : i32
        %dma_start3A_477 = tpu.memref_slice %arg6[%squeeze3A_469, %dma_start3A_476] : memref<1000000x32xf32, #tpu.memory_space<hbm>> -> memref<1x32xf32, #tpu.memory_space<hbm>>
        tpu.enqueue_dma source(%dma_start3A_477 : memref<1x32xf32, #tpu.memory_space<hbm>>) target(%dma_start3A_475 : memref<1x32xf32, #tpu.memory_space<vmem>>) target_semaphore(%arg16 : memref<!tpu.dma_semaphore, #tpu.memory_space<semaphore_mem>>)
        %add3A_478 = arith.constant 13 : i32
        %add3A_479 = arith.addi %mul3A_53, %add3A_478 : i32
        %slice3A_480 = vector.extract_strided_slice %get3A_56 {offsets = [13], sizes = [1], strides = [1]} : vector<16xi32> to vector<1xi32>
        %squeeze3A_481 = vector.extract %slice3A_480[0] : i32 from vector<1xi32>
        %dma_start3A_482 = arith.constant 0 : i32
        %dma_start3A_483 = tpu.memref_slice %arg11[%add3A_479, %dma_start3A_482] : memref<256x32xf32, #tpu.memory_space<vmem>> -> memref<1x32xf32, #tpu.memory_space<vmem>>
        %dma_start3A_484 = arith.constant 0 : i32
        %dma_start3A_485 = tpu.memref_slice %arg5[%squeeze3A_481, %dma_start3A_484] : memref<1000000x32xf32, #tpu.memory_space<hbm>> -> memref<1x32xf32, #tpu.memory_space<hbm>>
        %dma_start3A_486 = arith.constant 0 : i32
        %dma_start3A_487 = tpu.memref_slice %arg11[%add3A_479, %dma_start3A_486] : memref<256x32xf32, #tpu.memory_space<vmem>> -> memref<1x32xf32, #tpu.memory_space<vmem>>
        %dma_start3A_488 = arith.constant 0 : i32
        %dma_start3A_489 = tpu.memref_slice %arg5[%squeeze3A_481, %dma_start3A_488] : memref<1000000x32xf32, #tpu.memory_space<hbm>> -> memref<1x32xf32, #tpu.memory_space<hbm>>
        tpu.enqueue_dma source(%dma_start3A_489 : memref<1x32xf32, #tpu.memory_space<hbm>>) target(%dma_start3A_487 : memref<1x32xf32, #tpu.memory_space<vmem>>) target_semaphore(%arg16 : memref<!tpu.dma_semaphore, #tpu.memory_space<semaphore_mem>>)
        %slice3A_490 = vector.extract_strided_slice %get3A_60 {offsets = [13], sizes = [1], strides = [1]} : vector<16xi32> to vector<1xi32>
        %squeeze3A_491 = vector.extract %slice3A_490[0] : i32 from vector<1xi32>
        %dma_start3A_492 = arith.constant 0 : i32
        %dma_start3A_493 = tpu.memref_slice %arg12[%add3A_479, %dma_start3A_492] : memref<256x32xf32, #tpu.memory_space<vmem>> -> memref<1x32xf32, #tpu.memory_space<vmem>>
        %dma_start3A_494 = arith.constant 0 : i32
        %dma_start3A_495 = tpu.memref_slice %arg6[%squeeze3A_491, %dma_start3A_494] : memref<1000000x32xf32, #tpu.memory_space<hbm>> -> memref<1x32xf32, #tpu.memory_space<hbm>>
        %dma_start3A_496 = arith.constant 0 : i32
        %dma_start3A_497 = tpu.memref_slice %arg12[%add3A_479, %dma_start3A_496] : memref<256x32xf32, #tpu.memory_space<vmem>> -> memref<1x32xf32, #tpu.memory_space<vmem>>
        %dma_start3A_498 = arith.constant 0 : i32
        %dma_start3A_499 = tpu.memref_slice %arg6[%squeeze3A_491, %dma_start3A_498] : memref<1000000x32xf32, #tpu.memory_space<hbm>> -> memref<1x32xf32, #tpu.memory_space<hbm>>
        tpu.enqueue_dma source(%dma_start3A_499 : memref<1x32xf32, #tpu.memory_space<hbm>>) target(%dma_start3A_497 : memref<1x32xf32, #tpu.memory_space<vmem>>) target_semaphore(%arg16 : memref<!tpu.dma_semaphore, #tpu.memory_space<semaphore_mem>>)
        %slice3A_500 = vector.extract_strided_slice %get3A_64 {offsets = [13], sizes = [1], strides = [1]} : vector<16xi32> to vector<1xi32>
        %squeeze3A_501 = vector.extract %slice3A_500[0] : i32 from vector<1xi32>
        %dma_start3A_502 = arith.constant 0 : i32
        %dma_start3A_503 = tpu.memref_slice %arg13[%add3A_479, %dma_start3A_502] : memref<256x32xf32, #tpu.memory_space<vmem>> -> memref<1x32xf32, #tpu.memory_space<vmem>>
        %dma_start3A_504 = arith.constant 0 : i32
        %dma_start3A_505 = tpu.memref_slice %arg6[%squeeze3A_501, %dma_start3A_504] : memref<1000000x32xf32, #tpu.memory_space<hbm>> -> memref<1x32xf32, #tpu.memory_space<hbm>>
        %dma_start3A_506 = arith.constant 0 : i32
        %dma_start3A_507 = tpu.memref_slice %arg13[%add3A_479, %dma_start3A_506] : memref<256x32xf32, #tpu.memory_space<vmem>> -> memref<1x32xf32, #tpu.memory_space<vmem>>
        %dma_start3A_508 = arith.constant 0 : i32
        %dma_start3A_509 = tpu.memref_slice %arg6[%squeeze3A_501, %dma_start3A_508] : memref<1000000x32xf32, #tpu.memory_space<hbm>> -> memref<1x32xf32, #tpu.memory_space<hbm>>
        tpu.enqueue_dma source(%dma_start3A_509 : memref<1x32xf32, #tpu.memory_space<hbm>>) target(%dma_start3A_507 : memref<1x32xf32, #tpu.memory_space<vmem>>) target_semaphore(%arg16 : memref<!tpu.dma_semaphore, #tpu.memory_space<semaphore_mem>>)
        %add3A_510 = arith.constant 14 : i32
        %add3A_511 = arith.addi %mul3A_53, %add3A_510 : i32
        %slice3A_512 = vector.extract_strided_slice %get3A_56 {offsets = [14], sizes = [1], strides = [1]} : vector<16xi32> to vector<1xi32>
        %squeeze3A_513 = vector.extract %slice3A_512[0] : i32 from vector<1xi32>
        %dma_start3A_514 = arith.constant 0 : i32
        %dma_start3A_515 = tpu.memref_slice %arg11[%add3A_511, %dma_start3A_514] : memref<256x32xf32, #tpu.memory_space<vmem>> -> memref<1x32xf32, #tpu.memory_space<vmem>>
        %dma_start3A_516 = arith.constant 0 : i32
        %dma_start3A_517 = tpu.memref_slice %arg5[%squeeze3A_513, %dma_start3A_516] : memref<1000000x32xf32, #tpu.memory_space<hbm>> -> memref<1x32xf32, #tpu.memory_space<hbm>>
        %dma_start3A_518 = arith.constant 0 : i32
        %dma_start3A_519 = tpu.memref_slice %arg11[%add3A_511, %dma_start3A_518] : memref<256x32xf32, #tpu.memory_space<vmem>> -> memref<1x32xf32, #tpu.memory_space<vmem>>
        %dma_start3A_520 = arith.constant 0 : i32
        %dma_start3A_521 = tpu.memref_slice %arg5[%squeeze3A_513, %dma_start3A_520] : memref<1000000x32xf32, #tpu.memory_space<hbm>> -> memref<1x32xf32, #tpu.memory_space<hbm>>
        tpu.enqueue_dma source(%dma_start3A_521 : memref<1x32xf32, #tpu.memory_space<hbm>>) target(%dma_start3A_519 : memref<1x32xf32, #tpu.memory_space<vmem>>) target_semaphore(%arg16 : memref<!tpu.dma_semaphore, #tpu.memory_space<semaphore_mem>>)
        %slice3A_522 = vector.extract_strided_slice %get3A_60 {offsets = [14], sizes = [1], strides = [1]} : vector<16xi32> to vector<1xi32>
        %squeeze3A_523 = vector.extract %slice3A_522[0] : i32 from vector<1xi32>
        %dma_start3A_524 = arith.constant 0 : i32
        %dma_start3A_525 = tpu.memref_slice %arg12[%add3A_511, %dma_start3A_524] : memref<256x32xf32, #tpu.memory_space<vmem>> -> memref<1x32xf32, #tpu.memory_space<vmem>>
        %dma_start3A_526 = arith.constant 0 : i32
        %dma_start3A_527 = tpu.memref_slice %arg6[%squeeze3A_523, %dma_start3A_526] : memref<1000000x32xf32, #tpu.memory_space<hbm>> -> memref<1x32xf32, #tpu.memory_space<hbm>>
        %dma_start3A_528 = arith.constant 0 : i32
        %dma_start3A_529 = tpu.memref_slice %arg12[%add3A_511, %dma_start3A_528] : memref<256x32xf32, #tpu.memory_space<vmem>> -> memref<1x32xf32, #tpu.memory_space<vmem>>
        %dma_start3A_530 = arith.constant 0 : i32
        %dma_start3A_531 = tpu.memref_slice %arg6[%squeeze3A_523, %dma_start3A_530] : memref<1000000x32xf32, #tpu.memory_space<hbm>> -> memref<1x32xf32, #tpu.memory_space<hbm>>
        tpu.enqueue_dma source(%dma_start3A_531 : memref<1x32xf32, #tpu.memory_space<hbm>>) target(%dma_start3A_529 : memref<1x32xf32, #tpu.memory_space<vmem>>) target_semaphore(%arg16 : memref<!tpu.dma_semaphore, #tpu.memory_space<semaphore_mem>>)
        %slice3A_532 = vector.extract_strided_slice %get3A_64 {offsets = [14], sizes = [1], strides = [1]} : vector<16xi32> to vector<1xi32>
        %squeeze3A_533 = vector.extract %slice3A_532[0] : i32 from vector<1xi32>
        %dma_start3A_534 = arith.constant 0 : i32
        %dma_start3A_535 = tpu.memref_slice %arg13[%add3A_511, %dma_start3A_534] : memref<256x32xf32, #tpu.memory_space<vmem>> -> memref<1x32xf32, #tpu.memory_space<vmem>>
        %dma_start3A_536 = arith.constant 0 : i32
        %dma_start3A_537 = tpu.memref_slice %arg6[%squeeze3A_533, %dma_start3A_536] : memref<1000000x32xf32, #tpu.memory_space<hbm>> -> memref<1x32xf32, #tpu.memory_space<hbm>>
        %dma_start3A_538 = arith.constant 0 : i32
        %dma_start3A_539 = tpu.memref_slice %arg13[%add3A_511, %dma_start3A_538] : memref<256x32xf32, #tpu.memory_space<vmem>> -> memref<1x32xf32, #tpu.memory_space<vmem>>
        %dma_start3A_540 = arith.constant 0 : i32
        %dma_start3A_541 = tpu.memref_slice %arg6[%squeeze3A_533, %dma_start3A_540] : memref<1000000x32xf32, #tpu.memory_space<hbm>> -> memref<1x32xf32, #tpu.memory_space<hbm>>
        tpu.enqueue_dma source(%dma_start3A_541 : memref<1x32xf32, #tpu.memory_space<hbm>>) target(%dma_start3A_539 : memref<1x32xf32, #tpu.memory_space<vmem>>) target_semaphore(%arg16 : memref<!tpu.dma_semaphore, #tpu.memory_space<semaphore_mem>>)
        %add3A_542 = arith.constant 15 : i32
        %add3A_543 = arith.addi %mul3A_53, %add3A_542 : i32
        %slice3A_544 = vector.extract_strided_slice %get3A_56 {offsets = [15], sizes = [1], strides = [1]} : vector<16xi32> to vector<1xi32>
        %squeeze3A_545 = vector.extract %slice3A_544[0] : i32 from vector<1xi32>
        %dma_start3A_546 = arith.constant 0 : i32
        %dma_start3A_547 = tpu.memref_slice %arg11[%add3A_543, %dma_start3A_546] : memref<256x32xf32, #tpu.memory_space<vmem>> -> memref<1x32xf32, #tpu.memory_space<vmem>>
        %dma_start3A_548 = arith.constant 0 : i32
        %dma_start3A_549 = tpu.memref_slice %arg5[%squeeze3A_545, %dma_start3A_548] : memref<1000000x32xf32, #tpu.memory_space<hbm>> -> memref<1x32xf32, #tpu.memory_space<hbm>>
        %dma_start3A_550 = arith.constant 0 : i32
        %dma_start3A_551 = tpu.memref_slice %arg11[%add3A_543, %dma_start3A_550] : memref<256x32xf32, #tpu.memory_space<vmem>> -> memref<1x32xf32, #tpu.memory_space<vmem>>
        %dma_start3A_552 = arith.constant 0 : i32
        %dma_start3A_553 = tpu.memref_slice %arg5[%squeeze3A_545, %dma_start3A_552] : memref<1000000x32xf32, #tpu.memory_space<hbm>> -> memref<1x32xf32, #tpu.memory_space<hbm>>
        tpu.enqueue_dma source(%dma_start3A_553 : memref<1x32xf32, #tpu.memory_space<hbm>>) target(%dma_start3A_551 : memref<1x32xf32, #tpu.memory_space<vmem>>) target_semaphore(%arg16 : memref<!tpu.dma_semaphore, #tpu.memory_space<semaphore_mem>>)
        %slice3A_554 = vector.extract_strided_slice %get3A_60 {offsets = [15], sizes = [1], strides = [1]} : vector<16xi32> to vector<1xi32>
        %squeeze3A_555 = vector.extract %slice3A_554[0] : i32 from vector<1xi32>
        %dma_start3A_556 = arith.constant 0 : i32
        %dma_start3A_557 = tpu.memref_slice %arg12[%add3A_543, %dma_start3A_556] : memref<256x32xf32, #tpu.memory_space<vmem>> -> memref<1x32xf32, #tpu.memory_space<vmem>>
        %dma_start3A_558 = arith.constant 0 : i32
        %dma_start3A_559 = tpu.memref_slice %arg6[%squeeze3A_555, %dma_start3A_558] : memref<1000000x32xf32, #tpu.memory_space<hbm>> -> memref<1x32xf32, #tpu.memory_space<hbm>>
        %dma_start3A_560 = arith.constant 0 : i32
        %dma_start3A_561 = tpu.memref_slice %arg12[%add3A_543, %dma_start3A_560] : memref<256x32xf32, #tpu.memory_space<vmem>> -> memref<1x32xf32, #tpu.memory_space<vmem>>
        %dma_start3A_562 = arith.constant 0 : i32
        %dma_start3A_563 = tpu.memref_slice %arg6[%squeeze3A_555, %dma_start3A_562] : memref<1000000x32xf32, #tpu.memory_space<hbm>> -> memref<1x32xf32, #tpu.memory_space<hbm>>
        tpu.enqueue_dma source(%dma_start3A_563 : memref<1x32xf32, #tpu.memory_space<hbm>>) target(%dma_start3A_561 : memref<1x32xf32, #tpu.memory_space<vmem>>) target_semaphore(%arg16 : memref<!tpu.dma_semaphore, #tpu.memory_space<semaphore_mem>>)
        %slice3A_564 = vector.extract_strided_slice %get3A_64 {offsets = [15], sizes = [1], strides = [1]} : vector<16xi32> to vector<1xi32>
        %squeeze3A_565 = vector.extract %slice3A_564[0] : i32 from vector<1xi32>
        %dma_start3A_566 = arith.constant 0 : i32
        %dma_start3A_567 = tpu.memref_slice %arg13[%add3A_543, %dma_start3A_566] : memref<256x32xf32, #tpu.memory_space<vmem>> -> memref<1x32xf32, #tpu.memory_space<vmem>>
        %dma_start3A_568 = arith.constant 0 : i32
        %dma_start3A_569 = tpu.memref_slice %arg6[%squeeze3A_565, %dma_start3A_568] : memref<1000000x32xf32, #tpu.memory_space<hbm>> -> memref<1x32xf32, #tpu.memory_space<hbm>>
        %dma_start3A_570 = arith.constant 0 : i32
        %dma_start3A_571 = tpu.memref_slice %arg13[%add3A_543, %dma_start3A_570] : memref<256x32xf32, #tpu.memory_space<vmem>> -> memref<1x32xf32, #tpu.memory_space<vmem>>
        %dma_start3A_572 = arith.constant 0 : i32
        %dma_start3A_573 = tpu.memref_slice %arg6[%squeeze3A_565, %dma_start3A_572] : memref<1000000x32xf32, #tpu.memory_space<hbm>> -> memref<1x32xf32, #tpu.memory_space<hbm>>
        tpu.enqueue_dma source(%dma_start3A_573 : memref<1x32xf32, #tpu.memory_space<hbm>>) target(%dma_start3A_571 : memref<1x32xf32, #tpu.memory_space<vmem>>) target_semaphore(%arg16 : memref<!tpu.dma_semaphore, #tpu.memory_space<semaphore_mem>>)
      }
      %scan3A_46 = arith.constant 0 : i32
      %scan3A_47 = arith.constant 128 : i32
      %scan3A_48 = arith.addi %scan3A_46, %scan3A_47 : i32
      %scan3A_49 = arith.constant 1 : i32
      scf.for %scan3A_51 = %scan3A_46 to %scan3A_48 step %scan3A_49  : i32 {
        %dma_wait3A = arith.constant 0 : i32
        %dma_wait3A_52 = arith.constant 0 : i32
        %dma_wait3A_53 = tpu.memref_slice %arg11[%dma_wait3A, %dma_wait3A_52] : memref<256x32xf32, #tpu.memory_space<vmem>> -> memref<1x32xf32, #tpu.memory_space<vmem>>
        %dma_wait3A_54 = arith.constant 0 : i32
        %dma_wait3A_55 = arith.constant 0 : i32
        %dma_wait3A_56 = tpu.memref_slice %arg5[%dma_wait3A_54, %dma_wait3A_55] : memref<1000000x32xf32, #tpu.memory_space<hbm>> -> memref<1x32xf32, #tpu.memory_space<hbm>>
        %dma_wait3A_57 = arith.constant 0 : i32
        %dma_wait3A_58 = arith.constant 0 : i32
        %dma_wait3A_59 = tpu.memref_slice %arg11[%dma_wait3A_57, %dma_wait3A_58] : memref<256x32xf32, #tpu.memory_space<vmem>> -> memref<1x32xf32, #tpu.memory_space<vmem>>
        %dma_wait3A_60 = arith.constant 0 : i32
        %dma_wait3A_61 = arith.constant 0 : i32
        %dma_wait3A_62 = tpu.memref_slice %arg5[%dma_wait3A_60, %dma_wait3A_61] : memref<1000000x32xf32, #tpu.memory_space<hbm>> -> memref<1x32xf32, #tpu.memory_space<hbm>>
        tpu.wait_dma2 semaphore(%arg16 : memref<!tpu.dma_semaphore, #tpu.memory_space<semaphore_mem>>) src(%dma_wait3A_62 : memref<1x32xf32, #tpu.memory_space<hbm>>) dst(%dma_wait3A_59 : memref<1x32xf32, #tpu.memory_space<vmem>>)
        %dma_wait3A_63 = arith.constant 0 : i32
        %dma_wait3A_64 = arith.constant 0 : i32
        %dma_wait3A_65 = tpu.memref_slice %arg12[%dma_wait3A_63, %dma_wait3A_64] : memref<256x32xf32, #tpu.memory_space<vmem>> -> memref<1x32xf32, #tpu.memory_space<vmem>>
        %dma_wait3A_66 = arith.constant 0 : i32
        %dma_wait3A_67 = arith.constant 0 : i32
        %dma_wait3A_68 = tpu.memref_slice %arg6[%dma_wait3A_66, %dma_wait3A_67] : memref<1000000x32xf32, #tpu.memory_space<hbm>> -> memref<1x32xf32, #tpu.memory_space<hbm>>
        %dma_wait3A_69 = arith.constant 0 : i32
        %dma_wait3A_70 = arith.constant 0 : i32
        %dma_wait3A_71 = tpu.memref_slice %arg12[%dma_wait3A_69, %dma_wait3A_70] : memref<256x32xf32, #tpu.memory_space<vmem>> -> memref<1x32xf32, #tpu.memory_space<vmem>>
        %dma_wait3A_72 = arith.constant 0 : i32
        %dma_wait3A_73 = arith.constant 0 : i32
        %dma_wait3A_74 = tpu.memref_slice %arg6[%dma_wait3A_72, %dma_wait3A_73] : memref<1000000x32xf32, #tpu.memory_space<hbm>> -> memref<1x32xf32, #tpu.memory_space<hbm>>
        tpu.wait_dma2 semaphore(%arg16 : memref<!tpu.dma_semaphore, #tpu.memory_space<semaphore_mem>>) src(%dma_wait3A_74 : memref<1x32xf32, #tpu.memory_space<hbm>>) dst(%dma_wait3A_71 : memref<1x32xf32, #tpu.memory_space<vmem>>)
        %dma_wait3A_75 = arith.constant 0 : i32
        %dma_wait3A_76 = arith.constant 0 : i32
        %dma_wait3A_77 = tpu.memref_slice %arg13[%dma_wait3A_75, %dma_wait3A_76] : memref<256x32xf32, #tpu.memory_space<vmem>> -> memref<1x32xf32, #tpu.memory_space<vmem>>
        %dma_wait3A_78 = arith.constant 0 : i32
        %dma_wait3A_79 = arith.constant 0 : i32
        %dma_wait3A_80 = tpu.memref_slice %arg6[%dma_wait3A_78, %dma_wait3A_79] : memref<1000000x32xf32, #tpu.memory_space<hbm>> -> memref<1x32xf32, #tpu.memory_space<hbm>>
        %dma_wait3A_81 = arith.constant 0 : i32
        %dma_wait3A_82 = arith.constant 0 : i32
        %dma_wait3A_83 = tpu.memref_slice %arg13[%dma_wait3A_81, %dma_wait3A_82] : memref<256x32xf32, #tpu.memory_space<vmem>> -> memref<1x32xf32, #tpu.memory_space<vmem>>
        %dma_wait3A_84 = arith.constant 0 : i32
        %dma_wait3A_85 = arith.constant 0 : i32
        %dma_wait3A_86 = tpu.memref_slice %arg6[%dma_wait3A_84, %dma_wait3A_85] : memref<1000000x32xf32, #tpu.memory_space<hbm>> -> memref<1x32xf32, #tpu.memory_space<hbm>>
        tpu.wait_dma2 semaphore(%arg16 : memref<!tpu.dma_semaphore, #tpu.memory_space<semaphore_mem>>) src(%dma_wait3A_86 : memref<1x32xf32, #tpu.memory_space<hbm>>) dst(%dma_wait3A_83 : memref<1x32xf32, #tpu.memory_space<vmem>>)
      }
      %scan3A_50 = arith.constant 128 : i32
    }
    %scan3A_7 = arith.constant 2 : i32
    %scan3A_8 = arith.constant 0.142857149 : f32
    %scan3A_9 = arith.constant 2.000000e-01 : f32
    %scan3A_10 = arith.constant 0.333333343 : f32
    %scan3A_11 = arith.constant 0 : i32
    %scan3A_12 = arith.constant 64 : i32
    %scan3A_13 = arith.addi %scan3A_11, %scan3A_12 : i32
    %scan3A_14 = arith.constant 1 : i32
    scf.for %scan3A_34 = %scan3A_11 to %scan3A_13 step %scan3A_14  : i32 {
      %mul3A_35 = arith.constant 4 : i32
      %mul3A_36 = arith.muli %scan3A_34, %mul3A_35 : i32
      %add3A_37 = arith.constant 0 : i32
      %add3A_38 = arith.addi %mul3A_36, %add3A_37 : i32
      %mul3A_39 = arith.constant 512 : i32
      %mul3A_40 = vector.broadcast %mul3A_39 : i32 to vector<16xi32>
      %mul3A_41 = arith.muli %iota3A, %mul3A_40 : vector<16xi32>
      %add3A_42 = arith.constant 0 : i32
      %add3A_43 = arith.addi %add3A_42, %add3A_38 : i32
      %add3A_44 = vector.broadcast %add3A_43 : i32 to vector<16xi32>
      %add3A_45 = arith.addi %mul3A_41, %add3A_44 : vector<16xi32>
      %get3A = arith.index_cast %add3A_38 : i32 to index
      %get3A_46 = arith.constant 0 : index
      %get3A_47 = tpu.vector_load %arg11[%get3A, %get3A_46] {strides = array<i32>} : memref<256x32xf32, #tpu.memory_space<vmem>>, vector<16xf32>,
      %get3A_48 = arith.index_cast %add3A_38 : i32 to index
      %get3A_49 = arith.constant 0 : index
      %get3A_50 = tpu.vector_load %arg12[%get3A_48, %get3A_49] {strides = array<i32>} : memref<256x32xf32, #tpu.memory_space<vmem>>, vector<16xf32>,
      %get3A_51 = arith.index_cast %add3A_38 : i32 to index
      %get3A_52 = arith.constant 0 : index
      %get3A_53 = tpu.vector_load %arg13[%get3A_51, %get3A_52] {strides = array<i32>} : memref<256x32xf32, #tpu.memory_space<vmem>>, vector<16xf32>,
      %sub3A = arith.subf %get3A_50, %get3A_53 : vector<16xf32>
      %mul3A_54 = arith.mulf %get3A_47, %sub3A : vector<16xf32>
      %abs3A = math.absf %mul3A_54 : vector<16xf32>
      %neg3A = arith.constant 0.000000e+00 : f32
      %neg3A_55 = vector.broadcast %neg3A : f32 to vector<16xf32>
      %neg3A_56 = arith.subf %neg3A_55, %abs3A : vector<16xf32>
      %exp3A = math.exp %neg3A_56 : vector<16xf32>
      %add3A_57 = arith.constant 2.000000e+00 : f32
      %add3A_58 = vector.broadcast %add3A_57 : f32 to vector<16xf32>
      %add3A_59 = arith.addf %exp3A, %add3A_58 : vector<16xf32>
      %div3A = arith.divf %exp3A, %add3A_59 : vector<16xf32>
      %mul3A_60 = arith.mulf %div3A, %div3A : vector<16xf32>
      %mul3A_61 = arith.constant 2.000000e+00 : f32
      %mul3A_62 = vector.broadcast %mul3A_61 : f32 to vector<16xf32>
      %mul3A_63 = arith.mulf %mul3A_62, %div3A : vector<16xf32>
      %mul3A_64 = vector.broadcast %scan3A_8 : f32 to vector<16xf32>
      %mul3A_65 = arith.mulf %mul3A_60, %mul3A_64 : vector<16xf32>
      %add3A_66 = vector.broadcast %scan3A_9 : f32 to vector<16xf32>
      %add3A_67 = arith.addf %add3A_66, %mul3A_65 : vector<16xf32>
      %mul3A_68 = arith.mulf %mul3A_60, %add3A_67 : vector<16xf32>
      %add3A_69 = vector.broadcast %scan3A_10 : f32 to vector<16xf32>
      %add3A_70 = arith.addf %add3A_69, %mul3A_68 : vector<16xf32>
      %mul3A_71 = arith.mulf %mul3A_60, %add3A_70 : vector<16xf32>
      %add3A_72 = arith.constant 1.000000e+00 : f32
      %add3A_73 = vector.broadcast %add3A_72 : f32 to vector<16xf32>
      %add3A_74 = arith.addf %add3A_73, %mul3A_71 : vector<16xf32>
      %mul3A_75 = arith.mulf %mul3A_63, %add3A_74 : vector<16xf32>
      %min3A = arith.minimumf %mul3A_54, %broadcast_in_dim3A_3 : vector<16xf32>
      %sub3A_76 = arith.subf %min3A, %mul3A_75 : vector<16xf32>
      %mul3A_77 = arith.mulf %get3A_47, %get3A_47 : vector<16xf32>
      %mul3A_78 = arith.mulf %get3A_50, %get3A_50 : vector<16xf32>
      %add3A_79 = arith.addf %mul3A_77, %mul3A_78 : vector<16xf32>
      %mul3A_80 = arith.mulf %get3A_53, %get3A_53 : vector<16xf32>
      %add3A_81 = arith.addf %add3A_79, %mul3A_80 : vector<16xf32>
      %mul3A_82 = arith.constant 3.125000e-07 : f32
      %mul3A_83 = vector.broadcast %mul3A_82 : f32 to vector<16xf32>
      %mul3A_84 = arith.mulf %mul3A_83, %add3A_81 : vector<16xf32>
      %mul3A_85 = arith.constant 3.125000e-02 : f32
      %mul3A_86 = vector.broadcast %mul3A_85 : f32 to vector<16xf32>
      %mul3A_87 = arith.mulf %mul3A_86, %sub3A_76 : vector<16xf32>
      %sub3A_88 = arith.subf %mul3A_84, %mul3A_87 : vector<16xf32>
      %add3A_89 = arith.addf %broadcast_in_dim3A_3, %sub3A_88 : vector<16xf32>
      %get3A_90 = arith.index_cast %add3A_38 : i32 to index
      %get3A_91 = arith.constant 16 : index
      %get3A_92 = tpu.vector_load %arg11[%get3A_90, %get3A_91] {strides = array<i32>} : memref<256x32xf32, #tpu.memory_space<vmem>>, vector<16xf32>,
      %get3A_93 = arith.index_cast %add3A_38 : i32 to index
      %get3A_94 = arith.constant 16 : index
      %get3A_95 = tpu.vector_load %arg12[%get3A_93, %get3A_94] {strides = array<i32>} : memref<256x32xf32, #tpu.memory_space<vmem>>, vector<16xf32>,
      %get3A_96 = arith.index_cast %add3A_38 : i32 to index
      %get3A_97 = arith.constant 16 : index
      %get3A_98 = tpu.vector_load %arg13[%get3A_96, %get3A_97] {strides = array<i32>} : memref<256x32xf32, #tpu.memory_space<vmem>>, vector<16xf32>,
      %sub3A_99 = arith.subf %get3A_95, %get3A_98 : vector<16xf32>
      %mul3A_100 = arith.mulf %get3A_92, %sub3A_99 : vector<16xf32>
      %abs3A_101 = math.absf %mul3A_100 : vector<16xf32>
      %neg3A_102 = arith.constant 0.000000e+00 : f32
      %neg3A_103 = vector.broadcast %neg3A_102 : f32 to vector<16xf32>
      %neg3A_104 = arith.subf %neg3A_103, %abs3A_101 : vector<16xf32>
      %exp3A_105 = math.exp %neg3A_104 : vector<16xf32>
      %add3A_106 = arith.constant 2.000000e+00 : f32
      %add3A_107 = vector.broadcast %add3A_106 : f32 to vector<16xf32>
      %add3A_108 = arith.addf %exp3A_105, %add3A_107 : vector<16xf32>
      %div3A_109 = arith.divf %exp3A_105, %add3A_108 : vector<16xf32>
      %mul3A_110 = arith.mulf %div3A_109, %div3A_109 : vector<16xf32>
      %mul3A_111 = arith.constant 2.000000e+00 : f32
      %mul3A_112 = vector.broadcast %mul3A_111 : f32 to vector<16xf32>
      %mul3A_113 = arith.mulf %mul3A_112, %div3A_109 : vector<16xf32>
      %mul3A_114 = vector.broadcast %scan3A_8 : f32 to vector<16xf32>
      %mul3A_115 = arith.mulf %mul3A_110, %mul3A_114 : vector<16xf32>
      %add3A_116 = vector.broadcast %scan3A_9 : f32 to vector<16xf32>
      %add3A_117 = arith.addf %add3A_116, %mul3A_115 : vector<16xf32>
      %mul3A_118 = arith.mulf %mul3A_110, %add3A_117 : vector<16xf32>
      %add3A_119 = vector.broadcast %scan3A_10 : f32 to vector<16xf32>
      %add3A_120 = arith.addf %add3A_119, %mul3A_118 : vector<16xf32>
      %mul3A_121 = arith.mulf %mul3A_110, %add3A_120 : vector<16xf32>
      %add3A_122 = arith.constant 1.000000e+00 : f32
      %add3A_123 = vector.broadcast %add3A_122 : f32 to vector<16xf32>
      %add3A_124 = arith.addf %add3A_123, %mul3A_121 : vector<16xf32>
      %mul3A_125 = arith.mulf %mul3A_113, %add3A_124 : vector<16xf32>
      %min3A_126 = arith.minimumf %mul3A_100, %broadcast_in_dim3A_3 : vector<16xf32>
      %sub3A_127 = arith.subf %min3A_126, %mul3A_125 : vector<16xf32>
      %mul3A_128 = arith.mulf %get3A_92, %get3A_92 : vector<16xf32>
      %mul3A_129 = arith.mulf %get3A_95, %get3A_95 : vector<16xf32>
      %add3A_130 = arith.addf %mul3A_128, %mul3A_129 : vector<16xf32>
      %mul3A_131 = arith.mulf %get3A_98, %get3A_98 : vector<16xf32>
      %add3A_132 = arith.addf %add3A_130, %mul3A_131 : vector<16xf32>
      %mul3A_133 = arith.constant 3.125000e-07 : f32
      %mul3A_134 = vector.broadcast %mul3A_133 : f32 to vector<16xf32>
      %mul3A_135 = arith.mulf %mul3A_134, %add3A_132 : vector<16xf32>
      %mul3A_136 = arith.constant 3.125000e-02 : f32
      %mul3A_137 = vector.broadcast %mul3A_136 : f32 to vector<16xf32>
      %mul3A_138 = arith.mulf %mul3A_137, %sub3A_127 : vector<16xf32>
      %sub3A_139 = arith.subf %mul3A_135, %mul3A_138 : vector<16xf32>
      %add3A_140 = arith.addf %add3A_89, %sub3A_139 : vector<16xf32>
      tpu.vector_store_idx %arg14[%add3A_45], %add3A_140 : memref<8192xf32, #tpu.memory_space<vmem>>[vector<16xi32>], vector<16xf32>,
      %add3A_141 = arith.constant 1 : i32
      %add3A_142 = arith.addi %mul3A_36, %add3A_141 : i32
      %mul3A_143 = arith.constant 512 : i32
      %mul3A_144 = vector.broadcast %mul3A_143 : i32 to vector<16xi32>
      %mul3A_145 = arith.muli %iota3A, %mul3A_144 : vector<16xi32>
      %add3A_146 = arith.constant 0 : i32
      %add3A_147 = arith.addi %add3A_146, %add3A_142 : i32
      %add3A_148 = vector.broadcast %add3A_147 : i32 to vector<16xi32>
      %add3A_149 = arith.addi %mul3A_145, %add3A_148 : vector<16xi32>
      %get3A_150 = arith.index_cast %add3A_142 : i32 to index
      %get3A_151 = arith.constant 0 : index
      %get3A_152 = tpu.vector_load %arg11[%get3A_150, %get3A_151] {strides = array<i32>} : memref<256x32xf32, #tpu.memory_space<vmem>>, vector<16xf32>,
      %get3A_153 = arith.index_cast %add3A_142 : i32 to index
      %get3A_154 = arith.constant 0 : index
      %get3A_155 = tpu.vector_load %arg12[%get3A_153, %get3A_154] {strides = array<i32>} : memref<256x32xf32, #tpu.memory_space<vmem>>, vector<16xf32>,
      %get3A_156 = arith.index_cast %add3A_142 : i32 to index
      %get3A_157 = arith.constant 0 : index
      %get3A_158 = tpu.vector_load %arg13[%get3A_156, %get3A_157] {strides = array<i32>} : memref<256x32xf32, #tpu.memory_space<vmem>>, vector<16xf32>,
      %sub3A_159 = arith.subf %get3A_155, %get3A_158 : vector<16xf32>
      %mul3A_160 = arith.mulf %get3A_152, %sub3A_159 : vector<16xf32>
      %abs3A_161 = math.absf %mul3A_160 : vector<16xf32>
      %neg3A_162 = arith.constant 0.000000e+00 : f32
      %neg3A_163 = vector.broadcast %neg3A_162 : f32 to vector<16xf32>
      %neg3A_164 = arith.subf %neg3A_163, %abs3A_161 : vector<16xf32>
      %exp3A_165 = math.exp %neg3A_164 : vector<16xf32>
      %add3A_166 = arith.constant 2.000000e+00 : f32
      %add3A_167 = vector.broadcast %add3A_166 : f32 to vector<16xf32>
      %add3A_168 = arith.addf %exp3A_165, %add3A_167 : vector<16xf32>
      %div3A_169 = arith.divf %exp3A_165, %add3A_168 : vector<16xf32>
      %mul3A_170 = arith.mulf %div3A_169, %div3A_169 : vector<16xf32>
      %mul3A_171 = arith.constant 2.000000e+00 : f32
      %mul3A_172 = vector.broadcast %mul3A_171 : f32 to vector<16xf32>
      %mul3A_173 = arith.mulf %mul3A_172, %div3A_169 : vector<16xf32>
      %mul3A_174 = vector.broadcast %scan3A_8 : f32 to vector<16xf32>
      %mul3A_175 = arith.mulf %mul3A_170, %mul3A_174 : vector<16xf32>
      %add3A_176 = vector.broadcast %scan3A_9 : f32 to vector<16xf32>
      %add3A_177 = arith.addf %add3A_176, %mul3A_175 : vector<16xf32>
      %mul3A_178 = arith.mulf %mul3A_170, %add3A_177 : vector<16xf32>
      %add3A_179 = vector.broadcast %scan3A_10 : f32 to vector<16xf32>
      %add3A_180 = arith.addf %add3A_179, %mul3A_178 : vector<16xf32>
      %mul3A_181 = arith.mulf %mul3A_170, %add3A_180 : vector<16xf32>
      %add3A_182 = arith.constant 1.000000e+00 : f32
      %add3A_183 = vector.broadcast %add3A_182 : f32 to vector<16xf32>
      %add3A_184 = arith.addf %add3A_183, %mul3A_181 : vector<16xf32>
      %mul3A_185 = arith.mulf %mul3A_173, %add3A_184 : vector<16xf32>
      %min3A_186 = arith.minimumf %mul3A_160, %broadcast_in_dim3A_3 : vector<16xf32>
      %sub3A_187 = arith.subf %min3A_186, %mul3A_185 : vector<16xf32>
      %mul3A_188 = arith.mulf %get3A_152, %get3A_152 : vector<16xf32>
      %mul3A_189 = arith.mulf %get3A_155, %get3A_155 : vector<16xf32>
      %add3A_190 = arith.addf %mul3A_188, %mul3A_189 : vector<16xf32>
      %mul3A_191 = arith.mulf %get3A_158, %get3A_158 : vector<16xf32>
      %add3A_192 = arith.addf %add3A_190, %mul3A_191 : vector<16xf32>
      %mul3A_193 = arith.constant 3.125000e-07 : f32
      %mul3A_194 = vector.broadcast %mul3A_193 : f32 to vector<16xf32>
      %mul3A_195 = arith.mulf %mul3A_194, %add3A_192 : vector<16xf32>
      %mul3A_196 = arith.constant 3.125000e-02 : f32
      %mul3A_197 = vector.broadcast %mul3A_196 : f32 to vector<16xf32>
      %mul3A_198 = arith.mulf %mul3A_197, %sub3A_187 : vector<16xf32>
      %sub3A_199 = arith.subf %mul3A_195, %mul3A_198 : vector<16xf32>
      %add3A_200 = arith.addf %broadcast_in_dim3A_3, %sub3A_199 : vector<16xf32>
      %get3A_201 = arith.index_cast %add3A_142 : i32 to index
      %get3A_202 = arith.constant 16 : index
      %get3A_203 = tpu.vector_load %arg11[%get3A_201, %get3A_202] {strides = array<i32>} : memref<256x32xf32, #tpu.memory_space<vmem>>, vector<16xf32>,
      %get3A_204 = arith.index_cast %add3A_142 : i32 to index
      %get3A_205 = arith.constant 16 : index
      %get3A_206 = tpu.vector_load %arg12[%get3A_204, %get3A_205] {strides = array<i32>} : memref<256x32xf32, #tpu.memory_space<vmem>>, vector<16xf32>,
      %get3A_207 = arith.index_cast %add3A_142 : i32 to index
      %get3A_208 = arith.constant 16 : index
      %get3A_209 = tpu.vector_load %arg13[%get3A_207, %get3A_208] {strides = array<i32>} : memref<256x32xf32, #tpu.memory_space<vmem>>, vector<16xf32>,
      %sub3A_210 = arith.subf %get3A_206, %get3A_209 : vector<16xf32>
      %mul3A_211 = arith.mulf %get3A_203, %sub3A_210 : vector<16xf32>
      %abs3A_212 = math.absf %mul3A_211 : vector<16xf32>
      %neg3A_213 = arith.constant 0.000000e+00 : f32
      %neg3A_214 = vector.broadcast %neg3A_213 : f32 to vector<16xf32>
      %neg3A_215 = arith.subf %neg3A_214, %abs3A_212 : vector<16xf32>
      %exp3A_216 = math.exp %neg3A_215 : vector<16xf32>
      %add3A_217 = arith.constant 2.000000e+00 : f32
      %add3A_218 = vector.broadcast %add3A_217 : f32 to vector<16xf32>
      %add3A_219 = arith.addf %exp3A_216, %add3A_218 : vector<16xf32>
      %div3A_220 = arith.divf %exp3A_216, %add3A_219 : vector<16xf32>
      %mul3A_221 = arith.mulf %div3A_220, %div3A_220 : vector<16xf32>
      %mul3A_222 = arith.constant 2.000000e+00 : f32
      %mul3A_223 = vector.broadcast %mul3A_222 : f32 to vector<16xf32>
      %mul3A_224 = arith.mulf %mul3A_223, %div3A_220 : vector<16xf32>
      %mul3A_225 = vector.broadcast %scan3A_8 : f32 to vector<16xf32>
      %mul3A_226 = arith.mulf %mul3A_221, %mul3A_225 : vector<16xf32>
      %add3A_227 = vector.broadcast %scan3A_9 : f32 to vector<16xf32>
      %add3A_228 = arith.addf %add3A_227, %mul3A_226 : vector<16xf32>
      %mul3A_229 = arith.mulf %mul3A_221, %add3A_228 : vector<16xf32>
      %add3A_230 = vector.broadcast %scan3A_10 : f32 to vector<16xf32>
      %add3A_231 = arith.addf %add3A_230, %mul3A_229 : vector<16xf32>
      %mul3A_232 = arith.mulf %mul3A_221, %add3A_231 : vector<16xf32>
      %add3A_233 = arith.constant 1.000000e+00 : f32
      %add3A_234 = vector.broadcast %add3A_233 : f32 to vector<16xf32>
      %add3A_235 = arith.addf %add3A_234, %mul3A_232 : vector<16xf32>
      %mul3A_236 = arith.mulf %mul3A_224, %add3A_235 : vector<16xf32>
      %min3A_237 = arith.minimumf %mul3A_211, %broadcast_in_dim3A_3 : vector<16xf32>
      %sub3A_238 = arith.subf %min3A_237, %mul3A_236 : vector<16xf32>
      %mul3A_239 = arith.mulf %get3A_203, %get3A_203 : vector<16xf32>
      %mul3A_240 = arith.mulf %get3A_206, %get3A_206 : vector<16xf32>
      %add3A_241 = arith.addf %mul3A_239, %mul3A_240 : vector<16xf32>
      %mul3A_242 = arith.mulf %get3A_209, %get3A_209 : vector<16xf32>
      %add3A_243 = arith.addf %add3A_241, %mul3A_242 : vector<16xf32>
      %mul3A_244 = arith.constant 3.125000e-07 : f32
      %mul3A_245 = vector.broadcast %mul3A_244 : f32 to vector<16xf32>
      %mul3A_246 = arith.mulf %mul3A_245, %add3A_243 : vector<16xf32>
      %mul3A_247 = arith.constant 3.125000e-02 : f32
      %mul3A_248 = vector.broadcast %mul3A_247 : f32 to vector<16xf32>
      %mul3A_249 = arith.mulf %mul3A_248, %sub3A_238 : vector<16xf32>
      %sub3A_250 = arith.subf %mul3A_246, %mul3A_249 : vector<16xf32>
      %add3A_251 = arith.addf %add3A_200, %sub3A_250 : vector<16xf32>
      tpu.vector_store_idx %arg14[%add3A_149], %add3A_251 : memref<8192xf32, #tpu.memory_space<vmem>>[vector<16xi32>], vector<16xf32>,
      %add3A_252 = arith.constant 2 : i32
      %add3A_253 = arith.addi %mul3A_36, %add3A_252 : i32
      %mul3A_254 = arith.constant 512 : i32
      %mul3A_255 = vector.broadcast %mul3A_254 : i32 to vector<16xi32>
      %mul3A_256 = arith.muli %iota3A, %mul3A_255 : vector<16xi32>
      %add3A_257 = arith.constant 0 : i32
      %add3A_258 = arith.addi %add3A_257, %add3A_253 : i32
      %add3A_259 = vector.broadcast %add3A_258 : i32 to vector<16xi32>
      %add3A_260 = arith.addi %mul3A_256, %add3A_259 : vector<16xi32>
      %get3A_261 = arith.index_cast %add3A_253 : i32 to index
      %get3A_262 = arith.constant 0 : index
      %get3A_263 = tpu.vector_load %arg11[%get3A_261, %get3A_262] {strides = array<i32>} : memref<256x32xf32, #tpu.memory_space<vmem>>, vector<16xf32>,
      %get3A_264 = arith.index_cast %add3A_253 : i32 to index
      %get3A_265 = arith.constant 0 : index
      %get3A_266 = tpu.vector_load %arg12[%get3A_264, %get3A_265] {strides = array<i32>} : memref<256x32xf32, #tpu.memory_space<vmem>>, vector<16xf32>,
      %get3A_267 = arith.index_cast %add3A_253 : i32 to index
      %get3A_268 = arith.constant 0 : index
      %get3A_269 = tpu.vector_load %arg13[%get3A_267, %get3A_268] {strides = array<i32>} : memref<256x32xf32, #tpu.memory_space<vmem>>, vector<16xf32>,
      %sub3A_270 = arith.subf %get3A_266, %get3A_269 : vector<16xf32>
      %mul3A_271 = arith.mulf %get3A_263, %sub3A_270 : vector<16xf32>
      %abs3A_272 = math.absf %mul3A_271 : vector<16xf32>
      %neg3A_273 = arith.constant 0.000000e+00 : f32
      %neg3A_274 = vector.broadcast %neg3A_273 : f32 to vector<16xf32>
      %neg3A_275 = arith.subf %neg3A_274, %abs3A_272 : vector<16xf32>
      %exp3A_276 = math.exp %neg3A_275 : vector<16xf32>
      %add3A_277 = arith.constant 2.000000e+00 : f32
      %add3A_278 = vector.broadcast %add3A_277 : f32 to vector<16xf32>
      %add3A_279 = arith.addf %exp3A_276, %add3A_278 : vector<16xf32>
      %div3A_280 = arith.divf %exp3A_276, %add3A_279 : vector<16xf32>
      %mul3A_281 = arith.mulf %div3A_280, %div3A_280 : vector<16xf32>
      %mul3A_282 = arith.constant 2.000000e+00 : f32
      %mul3A_283 = vector.broadcast %mul3A_282 : f32 to vector<16xf32>
      %mul3A_284 = arith.mulf %mul3A_283, %div3A_280 : vector<16xf32>
      %mul3A_285 = vector.broadcast %scan3A_8 : f32 to vector<16xf32>
      %mul3A_286 = arith.mulf %mul3A_281, %mul3A_285 : vector<16xf32>
      %add3A_287 = vector.broadcast %scan3A_9 : f32 to vector<16xf32>
      %add3A_288 = arith.addf %add3A_287, %mul3A_286 : vector<16xf32>
      %mul3A_289 = arith.mulf %mul3A_281, %add3A_288 : vector<16xf32>
      %add3A_290 = vector.broadcast %scan3A_10 : f32 to vector<16xf32>
      %add3A_291 = arith.addf %add3A_290, %mul3A_289 : vector<16xf32>
      %mul3A_292 = arith.mulf %mul3A_281, %add3A_291 : vector<16xf32>
      %add3A_293 = arith.constant 1.000000e+00 : f32
      %add3A_294 = vector.broadcast %add3A_293 : f32 to vector<16xf32>
      %add3A_295 = arith.addf %add3A_294, %mul3A_292 : vector<16xf32>
      %mul3A_296 = arith.mulf %mul3A_284, %add3A_295 : vector<16xf32>
      %min3A_297 = arith.minimumf %mul3A_271, %broadcast_in_dim3A_3 : vector<16xf32>
      %sub3A_298 = arith.subf %min3A_297, %mul3A_296 : vector<16xf32>
      %mul3A_299 = arith.mulf %get3A_263, %get3A_263 : vector<16xf32>
      %mul3A_300 = arith.mulf %get3A_266, %get3A_266 : vector<16xf32>
      %add3A_301 = arith.addf %mul3A_299, %mul3A_300 : vector<16xf32>
      %mul3A_302 = arith.mulf %get3A_269, %get3A_269 : vector<16xf32>
      %add3A_303 = arith.addf %add3A_301, %mul3A_302 : vector<16xf32>
      %mul3A_304 = arith.constant 3.125000e-07 : f32
      %mul3A_305 = vector.broadcast %mul3A_304 : f32 to vector<16xf32>
      %mul3A_306 = arith.mulf %mul3A_305, %add3A_303 : vector<16xf32>
      %mul3A_307 = arith.constant 3.125000e-02 : f32
      %mul3A_308 = vector.broadcast %mul3A_307 : f32 to vector<16xf32>
      %mul3A_309 = arith.mulf %mul3A_308, %sub3A_298 : vector<16xf32>
      %sub3A_310 = arith.subf %mul3A_306, %mul3A_309 : vector<16xf32>
      %add3A_311 = arith.addf %broadcast_in_dim3A_3, %sub3A_310 : vector<16xf32>
      %get3A_312 = arith.index_cast %add3A_253 : i32 to index
      %get3A_313 = arith.constant 16 : index
      %get3A_314 = tpu.vector_load %arg11[%get3A_312, %get3A_313] {strides = array<i32>} : memref<256x32xf32, #tpu.memory_space<vmem>>, vector<16xf32>,
      %get3A_315 = arith.index_cast %add3A_253 : i32 to index
      %get3A_316 = arith.constant 16 : index
      %get3A_317 = tpu.vector_load %arg12[%get3A_315, %get3A_316] {strides = array<i32>} : memref<256x32xf32, #tpu.memory_space<vmem>>, vector<16xf32>,
      %get3A_318 = arith.index_cast %add3A_253 : i32 to index
      %get3A_319 = arith.constant 16 : index
      %get3A_320 = tpu.vector_load %arg13[%get3A_318, %get3A_319] {strides = array<i32>} : memref<256x32xf32, #tpu.memory_space<vmem>>, vector<16xf32>,
      %sub3A_321 = arith.subf %get3A_317, %get3A_320 : vector<16xf32>
      %mul3A_322 = arith.mulf %get3A_314, %sub3A_321 : vector<16xf32>
      %abs3A_323 = math.absf %mul3A_322 : vector<16xf32>
      %neg3A_324 = arith.constant 0.000000e+00 : f32
      %neg3A_325 = vector.broadcast %neg3A_324 : f32 to vector<16xf32>
      %neg3A_326 = arith.subf %neg3A_325, %abs3A_323 : vector<16xf32>
      %exp3A_327 = math.exp %neg3A_326 : vector<16xf32>
      %add3A_328 = arith.constant 2.000000e+00 : f32
      %add3A_329 = vector.broadcast %add3A_328 : f32 to vector<16xf32>
      %add3A_330 = arith.addf %exp3A_327, %add3A_329 : vector<16xf32>
      %div3A_331 = arith.divf %exp3A_327, %add3A_330 : vector<16xf32>
      %mul3A_332 = arith.mulf %div3A_331, %div3A_331 : vector<16xf32>
      %mul3A_333 = arith.constant 2.000000e+00 : f32
      %mul3A_334 = vector.broadcast %mul3A_333 : f32 to vector<16xf32>
      %mul3A_335 = arith.mulf %mul3A_334, %div3A_331 : vector<16xf32>
      %mul3A_336 = vector.broadcast %scan3A_8 : f32 to vector<16xf32>
      %mul3A_337 = arith.mulf %mul3A_332, %mul3A_336 : vector<16xf32>
      %add3A_338 = vector.broadcast %scan3A_9 : f32 to vector<16xf32>
      %add3A_339 = arith.addf %add3A_338, %mul3A_337 : vector<16xf32>
      %mul3A_340 = arith.mulf %mul3A_332, %add3A_339 : vector<16xf32>
      %add3A_341 = vector.broadcast %scan3A_10 : f32 to vector<16xf32>
      %add3A_342 = arith.addf %add3A_341, %mul3A_340 : vector<16xf32>
      %mul3A_343 = arith.mulf %mul3A_332, %add3A_342 : vector<16xf32>
      %add3A_344 = arith.constant 1.000000e+00 : f32
      %add3A_345 = vector.broadcast %add3A_344 : f32 to vector<16xf32>
      %add3A_346 = arith.addf %add3A_345, %mul3A_343 : vector<16xf32>
      %mul3A_347 = arith.mulf %mul3A_335, %add3A_346 : vector<16xf32>
      %min3A_348 = arith.minimumf %mul3A_322, %broadcast_in_dim3A_3 : vector<16xf32>
      %sub3A_349 = arith.subf %min3A_348, %mul3A_347 : vector<16xf32>
      %mul3A_350 = arith.mulf %get3A_314, %get3A_314 : vector<16xf32>
      %mul3A_351 = arith.mulf %get3A_317, %get3A_317 : vector<16xf32>
      %add3A_352 = arith.addf %mul3A_350, %mul3A_351 : vector<16xf32>
      %mul3A_353 = arith.mulf %get3A_320, %get3A_320 : vector<16xf32>
      %add3A_354 = arith.addf %add3A_352, %mul3A_353 : vector<16xf32>
      %mul3A_355 = arith.constant 3.125000e-07 : f32
      %mul3A_356 = vector.broadcast %mul3A_355 : f32 to vector<16xf32>
      %mul3A_357 = arith.mulf %mul3A_356, %add3A_354 : vector<16xf32>
      %mul3A_358 = arith.constant 3.125000e-02 : f32
      %mul3A_359 = vector.broadcast %mul3A_358 : f32 to vector<16xf32>
      %mul3A_360 = arith.mulf %mul3A_359, %sub3A_349 : vector<16xf32>
      %sub3A_361 = arith.subf %mul3A_357, %mul3A_360 : vector<16xf32>
      %add3A_362 = arith.addf %add3A_311, %sub3A_361 : vector<16xf32>
      tpu.vector_store_idx %arg14[%add3A_260], %add3A_362 : memref<8192xf32, #tpu.memory_space<vmem>>[vector<16xi32>], vector<16xf32>,
      %add3A_363 = arith.constant 3 : i32
      %add3A_364 = arith.addi %mul3A_36, %add3A_363 : i32
      %mul3A_365 = arith.constant 512 : i32
      %mul3A_366 = vector.broadcast %mul3A_365 : i32 to vector<16xi32>
      %mul3A_367 = arith.muli %iota3A, %mul3A_366 : vector<16xi32>
      %add3A_368 = arith.constant 0 : i32
      %add3A_369 = arith.addi %add3A_368, %add3A_364 : i32
      %add3A_370 = vector.broadcast %add3A_369 : i32 to vector<16xi32>
      %add3A_371 = arith.addi %mul3A_367, %add3A_370 : vector<16xi32>
      %get3A_372 = arith.index_cast %add3A_364 : i32 to index
      %get3A_373 = arith.constant 0 : index
      %get3A_374 = tpu.vector_load %arg11[%get3A_372, %get3A_373] {strides = array<i32>} : memref<256x32xf32, #tpu.memory_space<vmem>>, vector<16xf32>,
      %get3A_375 = arith.index_cast %add3A_364 : i32 to index
      %get3A_376 = arith.constant 0 : index
      %get3A_377 = tpu.vector_load %arg12[%get3A_375, %get3A_376] {strides = array<i32>} : memref<256x32xf32, #tpu.memory_space<vmem>>, vector<16xf32>,
      %get3A_378 = arith.index_cast %add3A_364 : i32 to index
      %get3A_379 = arith.constant 0 : index
      %get3A_380 = tpu.vector_load %arg13[%get3A_378, %get3A_379] {strides = array<i32>} : memref<256x32xf32, #tpu.memory_space<vmem>>, vector<16xf32>,
      %sub3A_381 = arith.subf %get3A_377, %get3A_380 : vector<16xf32>
      %mul3A_382 = arith.mulf %get3A_374, %sub3A_381 : vector<16xf32>
      %abs3A_383 = math.absf %mul3A_382 : vector<16xf32>
      %neg3A_384 = arith.constant 0.000000e+00 : f32
      %neg3A_385 = vector.broadcast %neg3A_384 : f32 to vector<16xf32>
      %neg3A_386 = arith.subf %neg3A_385, %abs3A_383 : vector<16xf32>
      %exp3A_387 = math.exp %neg3A_386 : vector<16xf32>
      %add3A_388 = arith.constant 2.000000e+00 : f32
      %add3A_389 = vector.broadcast %add3A_388 : f32 to vector<16xf32>
      %add3A_390 = arith.addf %exp3A_387, %add3A_389 : vector<16xf32>
      %div3A_391 = arith.divf %exp3A_387, %add3A_390 : vector<16xf32>
      %mul3A_392 = arith.mulf %div3A_391, %div3A_391 : vector<16xf32>
      %mul3A_393 = arith.constant 2.000000e+00 : f32
      %mul3A_394 = vector.broadcast %mul3A_393 : f32 to vector<16xf32>
      %mul3A_395 = arith.mulf %mul3A_394, %div3A_391 : vector<16xf32>
      %mul3A_396 = vector.broadcast %scan3A_8 : f32 to vector<16xf32>
      %mul3A_397 = arith.mulf %mul3A_392, %mul3A_396 : vector<16xf32>
      %add3A_398 = vector.broadcast %scan3A_9 : f32 to vector<16xf32>
      %add3A_399 = arith.addf %add3A_398, %mul3A_397 : vector<16xf32>
      %mul3A_400 = arith.mulf %mul3A_392, %add3A_399 : vector<16xf32>
      %add3A_401 = vector.broadcast %scan3A_10 : f32 to vector<16xf32>
      %add3A_402 = arith.addf %add3A_401, %mul3A_400 : vector<16xf32>
      %mul3A_403 = arith.mulf %mul3A_392, %add3A_402 : vector<16xf32>
      %add3A_404 = arith.constant 1.000000e+00 : f32
      %add3A_405 = vector.broadcast %add3A_404 : f32 to vector<16xf32>
      %add3A_406 = arith.addf %add3A_405, %mul3A_403 : vector<16xf32>
      %mul3A_407 = arith.mulf %mul3A_395, %add3A_406 : vector<16xf32>
      %min3A_408 = arith.minimumf %mul3A_382, %broadcast_in_dim3A_3 : vector<16xf32>
      %sub3A_409 = arith.subf %min3A_408, %mul3A_407 : vector<16xf32>
      %mul3A_410 = arith.mulf %get3A_374, %get3A_374 : vector<16xf32>
      %mul3A_411 = arith.mulf %get3A_377, %get3A_377 : vector<16xf32>
      %add3A_412 = arith.addf %mul3A_410, %mul3A_411 : vector<16xf32>
      %mul3A_413 = arith.mulf %get3A_380, %get3A_380 : vector<16xf32>
      %add3A_414 = arith.addf %add3A_412, %mul3A_413 : vector<16xf32>
      %mul3A_415 = arith.constant 3.125000e-07 : f32
      %mul3A_416 = vector.broadcast %mul3A_415 : f32 to vector<16xf32>
      %mul3A_417 = arith.mulf %mul3A_416, %add3A_414 : vector<16xf32>
      %mul3A_418 = arith.constant 3.125000e-02 : f32
      %mul3A_419 = vector.broadcast %mul3A_418 : f32 to vector<16xf32>
      %mul3A_420 = arith.mulf %mul3A_419, %sub3A_409 : vector<16xf32>
      %sub3A_421 = arith.subf %mul3A_417, %mul3A_420 : vector<16xf32>
      %add3A_422 = arith.addf %broadcast_in_dim3A_3, %sub3A_421 : vector<16xf32>
      %get3A_423 = arith.index_cast %add3A_364 : i32 to index
      %get3A_424 = arith.constant 16 : index
      %get3A_425 = tpu.vector_load %arg11[%get3A_423, %get3A_424] {strides = array<i32>} : memref<256x32xf32, #tpu.memory_space<vmem>>, vector<16xf32>,
      %get3A_426 = arith.index_cast %add3A_364 : i32 to index
      %get3A_427 = arith.constant 16 : index
      %get3A_428 = tpu.vector_load %arg12[%get3A_426, %get3A_427] {strides = array<i32>} : memref<256x32xf32, #tpu.memory_space<vmem>>, vector<16xf32>,
      %get3A_429 = arith.index_cast %add3A_364 : i32 to index
      %get3A_430 = arith.constant 16 : index
      %get3A_431 = tpu.vector_load %arg13[%get3A_429, %get3A_430] {strides = array<i32>} : memref<256x32xf32, #tpu.memory_space<vmem>>, vector<16xf32>,
      %sub3A_432 = arith.subf %get3A_428, %get3A_431 : vector<16xf32>
      %mul3A_433 = arith.mulf %get3A_425, %sub3A_432 : vector<16xf32>
      %abs3A_434 = math.absf %mul3A_433 : vector<16xf32>
      %neg3A_435 = arith.constant 0.000000e+00 : f32
      %neg3A_436 = vector.broadcast %neg3A_435 : f32 to vector<16xf32>
      %neg3A_437 = arith.subf %neg3A_436, %abs3A_434 : vector<16xf32>
      %exp3A_438 = math.exp %neg3A_437 : vector<16xf32>
      %add3A_439 = arith.constant 2.000000e+00 : f32
      %add3A_440 = vector.broadcast %add3A_439 : f32 to vector<16xf32>
      %add3A_441 = arith.addf %exp3A_438, %add3A_440 : vector<16xf32>
      %div3A_442 = arith.divf %exp3A_438, %add3A_441 : vector<16xf32>
      %mul3A_443 = arith.mulf %div3A_442, %div3A_442 : vector<16xf32>
      %mul3A_444 = arith.constant 2.000000e+00 : f32
      %mul3A_445 = vector.broadcast %mul3A_444 : f32 to vector<16xf32>
      %mul3A_446 = arith.mulf %mul3A_445, %div3A_442 : vector<16xf32>
      %mul3A_447 = vector.broadcast %scan3A_8 : f32 to vector<16xf32>
      %mul3A_448 = arith.mulf %mul3A_443, %mul3A_447 : vector<16xf32>
      %add3A_449 = vector.broadcast %scan3A_9 : f32 to vector<16xf32>
      %add3A_450 = arith.addf %add3A_449, %mul3A_448 : vector<16xf32>
      %mul3A_451 = arith.mulf %mul3A_443, %add3A_450 : vector<16xf32>
      %add3A_452 = vector.broadcast %scan3A_10 : f32 to vector<16xf32>
      %add3A_453 = arith.addf %add3A_452, %mul3A_451 : vector<16xf32>
      %mul3A_454 = arith.mulf %mul3A_443, %add3A_453 : vector<16xf32>
      %add3A_455 = arith.constant 1.000000e+00 : f32
      %add3A_456 = vector.broadcast %add3A_455 : f32 to vector<16xf32>
      %add3A_457 = arith.addf %add3A_456, %mul3A_454 : vector<16xf32>
      %mul3A_458 = arith.mulf %mul3A_446, %add3A_457 : vector<16xf32>
      %min3A_459 = arith.minimumf %mul3A_433, %broadcast_in_dim3A_3 : vector<16xf32>
      %sub3A_460 = arith.subf %min3A_459, %mul3A_458 : vector<16xf32>
      %mul3A_461 = arith.mulf %get3A_425, %get3A_425 : vector<16xf32>
      %mul3A_462 = arith.mulf %get3A_428, %get3A_428 : vector<16xf32>
      %add3A_463 = arith.addf %mul3A_461, %mul3A_462 : vector<16xf32>
      %mul3A_464 = arith.mulf %get3A_431, %get3A_431 : vector<16xf32>
      %add3A_465 = arith.addf %add3A_463, %mul3A_464 : vector<16xf32>
      %mul3A_466 = arith.constant 3.125000e-07 : f32
      %mul3A_467 = vector.broadcast %mul3A_466 : f32 to vector<16xf32>
      %mul3A_468 = arith.mulf %mul3A_467, %add3A_465 : vector<16xf32>
      %mul3A_469 = arith.constant 3.125000e-02 : f32
      %mul3A_470 = vector.broadcast %mul3A_469 : f32 to vector<16xf32>
      %mul3A_471 = arith.mulf %mul3A_470, %sub3A_460 : vector<16xf32>
      %sub3A_472 = arith.subf %mul3A_468, %mul3A_471 : vector<16xf32>
      %add3A_473 = arith.addf %add3A_422, %sub3A_472 : vector<16xf32>
      tpu.vector_store_idx %arg14[%add3A_371], %add3A_473 : memref<8192xf32, #tpu.memory_space<vmem>>[vector<16xi32>], vector<16xf32>,
    }
    %scan3A_15 = arith.constant 64 : i32
    %scan3A_16 = arith.constant 0 : i32
    %scan3A_17 = arith.constant 2 : i32
    %scan3A_18 = arith.addi %scan3A_16, %scan3A_17 : i32
    %scan3A_19 = arith.constant 1 : i32
    scf.for %scan3A_34 = %scan3A_16 to %scan3A_18 step %scan3A_19  : i32 {
      %mul3A_35 = arith.constant 8 : i32
      %mul3A_36 = arith.muli %scan3A_34, %mul3A_35 : i32
      %add3A_37 = arith.constant 8 : i32
      %add3A_38 = arith.addi %mul3A_36, %add3A_37 : i32
      %while3A = arith.subi %add3A_38, %mul3A_36 : i32
      %while3A_39 = arith.addi %mul3A_36, %while3A : i32
      %while3A_40 = arith.constant 1 : i32
      %while3A_41 = arith.divsi %while3A, %while3A_40 : i32
      %while3A_42 = arith.muli %while3A_41, %while3A_40 : i32
      %while3A_43 = arith.addi %mul3A_36, %while3A_42 : i32
      %while3A_44 = arith.constant 1 : i32
      scf.for %while3A_51 = %mul3A_36 to %while3A_43 step %while3A_44  : i32 {
        %mul3A_52 = arith.constant 16 : i32
        %mul3A_53 = arith.muli %while3A_51, %mul3A_52 : i32
        %add3A_54 = arith.constant 256 : i32
        %add3A_55 = arith.addi %add3A_54, %mul3A_53 : i32
        %get3A = arith.index_cast %add3A_55 : i32 to index
        %get3A_56 = tpu.vector_load %arg8[%get3A] {strides = array<i32>} : memref<512xi32, #tpu.memory_space<vmem>>, vector<16xi32>,
        %add3A_57 = arith.constant 256 : i32
        %add3A_58 = arith.addi %add3A_57, %mul3A_53 : i32
        %get3A_59 = arith.index_cast %add3A_58 : i32 to index
        %get3A_60 = tpu.vector_load %arg9[%get3A_59] {strides = array<i32>} : memref<512xi32, #tpu.memory_space<vmem>>, vector<16xi32>,
        %add3A_61 = arith.constant 256 : i32
        %add3A_62 = arith.addi %add3A_61, %mul3A_53 : i32
        %get3A_63 = arith.index_cast %add3A_62 : i32 to index
        %get3A_64 = tpu.vector_load %arg10[%get3A_63] {strides = array<i32>} : memref<512xi32, #tpu.memory_space<vmem>>, vector<16xi32>,
        %add3A_65 = arith.constant 0 : i32
        %add3A_66 = arith.addi %mul3A_53, %add3A_65 : i32
        %slice3A = vector.extract_strided_slice %get3A_56 {offsets = [0], sizes = [1], strides = [1]} : vector<16xi32> to vector<1xi32>
        %squeeze3A = vector.extract %slice3A[0] : i32 from vector<1xi32>
        %dma_start3A = arith.constant 0 : i32
        %dma_start3A_67 = tpu.memref_slice %arg11[%add3A_66, %dma_start3A] : memref<256x32xf32, #tpu.memory_space<vmem>> -> memref<1x32xf32, #tpu.memory_space<vmem>>
        %dma_start3A_68 = arith.constant 0 : i32
        %dma_start3A_69 = tpu.memref_slice %arg5[%squeeze3A, %dma_start3A_68] : memref<1000000x32xf32, #tpu.memory_space<hbm>> -> memref<1x32xf32, #tpu.memory_space<hbm>>
        %dma_start3A_70 = arith.constant 0 : i32
        %dma_start3A_71 = tpu.memref_slice %arg11[%add3A_66, %dma_start3A_70] : memref<256x32xf32, #tpu.memory_space<vmem>> -> memref<1x32xf32, #tpu.memory_space<vmem>>
        %dma_start3A_72 = arith.constant 0 : i32
        %dma_start3A_73 = tpu.memref_slice %arg5[%squeeze3A, %dma_start3A_72] : memref<1000000x32xf32, #tpu.memory_space<hbm>> -> memref<1x32xf32, #tpu.memory_space<hbm>>
        tpu.enqueue_dma source(%dma_start3A_73 : memref<1x32xf32, #tpu.memory_space<hbm>>) target(%dma_start3A_71 : memref<1x32xf32, #tpu.memory_space<vmem>>) target_semaphore(%arg16 : memref<!tpu.dma_semaphore, #tpu.memory_space<semaphore_mem>>)
        %slice3A_74 = vector.extract_strided_slice %get3A_60 {offsets = [0], sizes = [1], strides = [1]} : vector<16xi32> to vector<1xi32>
        %squeeze3A_75 = vector.extract %slice3A_74[0] : i32 from vector<1xi32>
        %dma_start3A_76 = arith.constant 0 : i32
        %dma_start3A_77 = tpu.memref_slice %arg12[%add3A_66, %dma_start3A_76] : memref<256x32xf32, #tpu.memory_space<vmem>> -> memref<1x32xf32, #tpu.memory_space<vmem>>
        %dma_start3A_78 = arith.constant 0 : i32
        %dma_start3A_79 = tpu.memref_slice %arg6[%squeeze3A_75, %dma_start3A_78] : memref<1000000x32xf32, #tpu.memory_space<hbm>> -> memref<1x32xf32, #tpu.memory_space<hbm>>
        %dma_start3A_80 = arith.constant 0 : i32
        %dma_start3A_81 = tpu.memref_slice %arg12[%add3A_66, %dma_start3A_80] : memref<256x32xf32, #tpu.memory_space<vmem>> -> memref<1x32xf32, #tpu.memory_space<vmem>>
        %dma_start3A_82 = arith.constant 0 : i32
        %dma_start3A_83 = tpu.memref_slice %arg6[%squeeze3A_75, %dma_start3A_82] : memref<1000000x32xf32, #tpu.memory_space<hbm>> -> memref<1x32xf32, #tpu.memory_space<hbm>>
        tpu.enqueue_dma source(%dma_start3A_83 : memref<1x32xf32, #tpu.memory_space<hbm>>) target(%dma_start3A_81 : memref<1x32xf32, #tpu.memory_space<vmem>>) target_semaphore(%arg16 : memref<!tpu.dma_semaphore, #tpu.memory_space<semaphore_mem>>)
        %slice3A_84 = vector.extract_strided_slice %get3A_64 {offsets = [0], sizes = [1], strides = [1]} : vector<16xi32> to vector<1xi32>
        %squeeze3A_85 = vector.extract %slice3A_84[0] : i32 from vector<1xi32>
        %dma_start3A_86 = arith.constant 0 : i32
        %dma_start3A_87 = tpu.memref_slice %arg13[%add3A_66, %dma_start3A_86] : memref<256x32xf32, #tpu.memory_space<vmem>> -> memref<1x32xf32, #tpu.memory_space<vmem>>
        %dma_start3A_88 = arith.constant 0 : i32
        %dma_start3A_89 = tpu.memref_slice %arg6[%squeeze3A_85, %dma_start3A_88] : memref<1000000x32xf32, #tpu.memory_space<hbm>> -> memref<1x32xf32, #tpu.memory_space<hbm>>
        %dma_start3A_90 = arith.constant 0 : i32
        %dma_start3A_91 = tpu.memref_slice %arg13[%add3A_66, %dma_start3A_90] : memref<256x32xf32, #tpu.memory_space<vmem>> -> memref<1x32xf32, #tpu.memory_space<vmem>>
        %dma_start3A_92 = arith.constant 0 : i32
        %dma_start3A_93 = tpu.memref_slice %arg6[%squeeze3A_85, %dma_start3A_92] : memref<1000000x32xf32, #tpu.memory_space<hbm>> -> memref<1x32xf32, #tpu.memory_space<hbm>>
        tpu.enqueue_dma source(%dma_start3A_93 : memref<1x32xf32, #tpu.memory_space<hbm>>) target(%dma_start3A_91 : memref<1x32xf32, #tpu.memory_space<vmem>>) target_semaphore(%arg16 : memref<!tpu.dma_semaphore, #tpu.memory_space<semaphore_mem>>)
        %add3A_94 = arith.constant 1 : i32
        %add3A_95 = arith.addi %mul3A_53, %add3A_94 : i32
        %slice3A_96 = vector.extract_strided_slice %get3A_56 {offsets = [1], sizes = [1], strides = [1]} : vector<16xi32> to vector<1xi32>
        %squeeze3A_97 = vector.extract %slice3A_96[0] : i32 from vector<1xi32>
        %dma_start3A_98 = arith.constant 0 : i32
        %dma_start3A_99 = tpu.memref_slice %arg11[%add3A_95, %dma_start3A_98] : memref<256x32xf32, #tpu.memory_space<vmem>> -> memref<1x32xf32, #tpu.memory_space<vmem>>
        %dma_start3A_100 = arith.constant 0 : i32
        %dma_start3A_101 = tpu.memref_slice %arg5[%squeeze3A_97, %dma_start3A_100] : memref<1000000x32xf32, #tpu.memory_space<hbm>> -> memref<1x32xf32, #tpu.memory_space<hbm>>
        %dma_start3A_102 = arith.constant 0 : i32
        %dma_start3A_103 = tpu.memref_slice %arg11[%add3A_95, %dma_start3A_102] : memref<256x32xf32, #tpu.memory_space<vmem>> -> memref<1x32xf32, #tpu.memory_space<vmem>>
        %dma_start3A_104 = arith.constant 0 : i32
        %dma_start3A_105 = tpu.memref_slice %arg5[%squeeze3A_97, %dma_start3A_104] : memref<1000000x32xf32, #tpu.memory_space<hbm>> -> memref<1x32xf32, #tpu.memory_space<hbm>>
        tpu.enqueue_dma source(%dma_start3A_105 : memref<1x32xf32, #tpu.memory_space<hbm>>) target(%dma_start3A_103 : memref<1x32xf32, #tpu.memory_space<vmem>>) target_semaphore(%arg16 : memref<!tpu.dma_semaphore, #tpu.memory_space<semaphore_mem>>)
        %slice3A_106 = vector.extract_strided_slice %get3A_60 {offsets = [1], sizes = [1], strides = [1]} : vector<16xi32> to vector<1xi32>
        %squeeze3A_107 = vector.extract %slice3A_106[0] : i32 from vector<1xi32>
        %dma_start3A_108 = arith.constant 0 : i32
        %dma_start3A_109 = tpu.memref_slice %arg12[%add3A_95, %dma_start3A_108] : memref<256x32xf32, #tpu.memory_space<vmem>> -> memref<1x32xf32, #tpu.memory_space<vmem>>
        %dma_start3A_110 = arith.constant 0 : i32
        %dma_start3A_111 = tpu.memref_slice %arg6[%squeeze3A_107, %dma_start3A_110] : memref<1000000x32xf32, #tpu.memory_space<hbm>> -> memref<1x32xf32, #tpu.memory_space<hbm>>
        %dma_start3A_112 = arith.constant 0 : i32
        %dma_start3A_113 = tpu.memref_slice %arg12[%add3A_95, %dma_start3A_112] : memref<256x32xf32, #tpu.memory_space<vmem>> -> memref<1x32xf32, #tpu.memory_space<vmem>>
        %dma_start3A_114 = arith.constant 0 : i32
        %dma_start3A_115 = tpu.memref_slice %arg6[%squeeze3A_107, %dma_start3A_114] : memref<1000000x32xf32, #tpu.memory_space<hbm>> -> memref<1x32xf32, #tpu.memory_space<hbm>>
        tpu.enqueue_dma source(%dma_start3A_115 : memref<1x32xf32, #tpu.memory_space<hbm>>) target(%dma_start3A_113 : memref<1x32xf32, #tpu.memory_space<vmem>>) target_semaphore(%arg16 : memref<!tpu.dma_semaphore, #tpu.memory_space<semaphore_mem>>)
        %slice3A_116 = vector.extract_strided_slice %get3A_64 {offsets = [1], sizes = [1], strides = [1]} : vector<16xi32> to vector<1xi32>
        %squeeze3A_117 = vector.extract %slice3A_116[0] : i32 from vector<1xi32>
        %dma_start3A_118 = arith.constant 0 : i32
        %dma_start3A_119 = tpu.memref_slice %arg13[%add3A_95, %dma_start3A_118] : memref<256x32xf32, #tpu.memory_space<vmem>> -> memref<1x32xf32, #tpu.memory_space<vmem>>
        %dma_start3A_120 = arith.constant 0 : i32
        %dma_start3A_121 = tpu.memref_slice %arg6[%squeeze3A_117, %dma_start3A_120] : memref<1000000x32xf32, #tpu.memory_space<hbm>> -> memref<1x32xf32, #tpu.memory_space<hbm>>
        %dma_start3A_122 = arith.constant 0 : i32
        %dma_start3A_123 = tpu.memref_slice %arg13[%add3A_95, %dma_start3A_122] : memref<256x32xf32, #tpu.memory_space<vmem>> -> memref<1x32xf32, #tpu.memory_space<vmem>>
        %dma_start3A_124 = arith.constant 0 : i32
        %dma_start3A_125 = tpu.memref_slice %arg6[%squeeze3A_117, %dma_start3A_124] : memref<1000000x32xf32, #tpu.memory_space<hbm>> -> memref<1x32xf32, #tpu.memory_space<hbm>>
        tpu.enqueue_dma source(%dma_start3A_125 : memref<1x32xf32, #tpu.memory_space<hbm>>) target(%dma_start3A_123 : memref<1x32xf32, #tpu.memory_space<vmem>>) target_semaphore(%arg16 : memref<!tpu.dma_semaphore, #tpu.memory_space<semaphore_mem>>)
        %add3A_126 = arith.constant 2 : i32
        %add3A_127 = arith.addi %mul3A_53, %add3A_126 : i32
        %slice3A_128 = vector.extract_strided_slice %get3A_56 {offsets = [2], sizes = [1], strides = [1]} : vector<16xi32> to vector<1xi32>
        %squeeze3A_129 = vector.extract %slice3A_128[0] : i32 from vector<1xi32>
        %dma_start3A_130 = arith.constant 0 : i32
        %dma_start3A_131 = tpu.memref_slice %arg11[%add3A_127, %dma_start3A_130] : memref<256x32xf32, #tpu.memory_space<vmem>> -> memref<1x32xf32, #tpu.memory_space<vmem>>
        %dma_start3A_132 = arith.constant 0 : i32
        %dma_start3A_133 = tpu.memref_slice %arg5[%squeeze3A_129, %dma_start3A_132] : memref<1000000x32xf32, #tpu.memory_space<hbm>> -> memref<1x32xf32, #tpu.memory_space<hbm>>
        %dma_start3A_134 = arith.constant 0 : i32
        %dma_start3A_135 = tpu.memref_slice %arg11[%add3A_127, %dma_start3A_134] : memref<256x32xf32, #tpu.memory_space<vmem>> -> memref<1x32xf32, #tpu.memory_space<vmem>>
        %dma_start3A_136 = arith.constant 0 : i32
        %dma_start3A_137 = tpu.memref_slice %arg5[%squeeze3A_129, %dma_start3A_136] : memref<1000000x32xf32, #tpu.memory_space<hbm>> -> memref<1x32xf32, #tpu.memory_space<hbm>>
        tpu.enqueue_dma source(%dma_start3A_137 : memref<1x32xf32, #tpu.memory_space<hbm>>) target(%dma_start3A_135 : memref<1x32xf32, #tpu.memory_space<vmem>>) target_semaphore(%arg16 : memref<!tpu.dma_semaphore, #tpu.memory_space<semaphore_mem>>)
        %slice3A_138 = vector.extract_strided_slice %get3A_60 {offsets = [2], sizes = [1], strides = [1]} : vector<16xi32> to vector<1xi32>
        %squeeze3A_139 = vector.extract %slice3A_138[0] : i32 from vector<1xi32>
        %dma_start3A_140 = arith.constant 0 : i32
        %dma_start3A_141 = tpu.memref_slice %arg12[%add3A_127, %dma_start3A_140] : memref<256x32xf32, #tpu.memory_space<vmem>> -> memref<1x32xf32, #tpu.memory_space<vmem>>
        %dma_start3A_142 = arith.constant 0 : i32
        %dma_start3A_143 = tpu.memref_slice %arg6[%squeeze3A_139, %dma_start3A_142] : memref<1000000x32xf32, #tpu.memory_space<hbm>> -> memref<1x32xf32, #tpu.memory_space<hbm>>
        %dma_start3A_144 = arith.constant 0 : i32
        %dma_start3A_145 = tpu.memref_slice %arg12[%add3A_127, %dma_start3A_144] : memref<256x32xf32, #tpu.memory_space<vmem>> -> memref<1x32xf32, #tpu.memory_space<vmem>>
        %dma_start3A_146 = arith.constant 0 : i32
        %dma_start3A_147 = tpu.memref_slice %arg6[%squeeze3A_139, %dma_start3A_146] : memref<1000000x32xf32, #tpu.memory_space<hbm>> -> memref<1x32xf32, #tpu.memory_space<hbm>>
        tpu.enqueue_dma source(%dma_start3A_147 : memref<1x32xf32, #tpu.memory_space<hbm>>) target(%dma_start3A_145 : memref<1x32xf32, #tpu.memory_space<vmem>>) target_semaphore(%arg16 : memref<!tpu.dma_semaphore, #tpu.memory_space<semaphore_mem>>)
        %slice3A_148 = vector.extract_strided_slice %get3A_64 {offsets = [2], sizes = [1], strides = [1]} : vector<16xi32> to vector<1xi32>
        %squeeze3A_149 = vector.extract %slice3A_148[0] : i32 from vector<1xi32>
        %dma_start3A_150 = arith.constant 0 : i32
        %dma_start3A_151 = tpu.memref_slice %arg13[%add3A_127, %dma_start3A_150] : memref<256x32xf32, #tpu.memory_space<vmem>> -> memref<1x32xf32, #tpu.memory_space<vmem>>
        %dma_start3A_152 = arith.constant 0 : i32
        %dma_start3A_153 = tpu.memref_slice %arg6[%squeeze3A_149, %dma_start3A_152] : memref<1000000x32xf32, #tpu.memory_space<hbm>> -> memref<1x32xf32, #tpu.memory_space<hbm>>
        %dma_start3A_154 = arith.constant 0 : i32
        %dma_start3A_155 = tpu.memref_slice %arg13[%add3A_127, %dma_start3A_154] : memref<256x32xf32, #tpu.memory_space<vmem>> -> memref<1x32xf32, #tpu.memory_space<vmem>>
        %dma_start3A_156 = arith.constant 0 : i32
        %dma_start3A_157 = tpu.memref_slice %arg6[%squeeze3A_149, %dma_start3A_156] : memref<1000000x32xf32, #tpu.memory_space<hbm>> -> memref<1x32xf32, #tpu.memory_space<hbm>>
        tpu.enqueue_dma source(%dma_start3A_157 : memref<1x32xf32, #tpu.memory_space<hbm>>) target(%dma_start3A_155 : memref<1x32xf32, #tpu.memory_space<vmem>>) target_semaphore(%arg16 : memref<!tpu.dma_semaphore, #tpu.memory_space<semaphore_mem>>)
        %add3A_158 = arith.constant 3 : i32
        %add3A_159 = arith.addi %mul3A_53, %add3A_158 : i32
        %slice3A_160 = vector.extract_strided_slice %get3A_56 {offsets = [3], sizes = [1], strides = [1]} : vector<16xi32> to vector<1xi32>
        %squeeze3A_161 = vector.extract %slice3A_160[0] : i32 from vector<1xi32>
        %dma_start3A_162 = arith.constant 0 : i32
        %dma_start3A_163 = tpu.memref_slice %arg11[%add3A_159, %dma_start3A_162] : memref<256x32xf32, #tpu.memory_space<vmem>> -> memref<1x32xf32, #tpu.memory_space<vmem>>
        %dma_start3A_164 = arith.constant 0 : i32
        %dma_start3A_165 = tpu.memref_slice %arg5[%squeeze3A_161, %dma_start3A_164] : memref<1000000x32xf32, #tpu.memory_space<hbm>> -> memref<1x32xf32, #tpu.memory_space<hbm>>
        %dma_start3A_166 = arith.constant 0 : i32
        %dma_start3A_167 = tpu.memref_slice %arg11[%add3A_159, %dma_start3A_166] : memref<256x32xf32, #tpu.memory_space<vmem>> -> memref<1x32xf32, #tpu.memory_space<vmem>>
        %dma_start3A_168 = arith.constant 0 : i32
        %dma_start3A_169 = tpu.memref_slice %arg5[%squeeze3A_161, %dma_start3A_168] : memref<1000000x32xf32, #tpu.memory_space<hbm>> -> memref<1x32xf32, #tpu.memory_space<hbm>>
        tpu.enqueue_dma source(%dma_start3A_169 : memref<1x32xf32, #tpu.memory_space<hbm>>) target(%dma_start3A_167 : memref<1x32xf32, #tpu.memory_space<vmem>>) target_semaphore(%arg16 : memref<!tpu.dma_semaphore, #tpu.memory_space<semaphore_mem>>)
        %slice3A_170 = vector.extract_strided_slice %get3A_60 {offsets = [3], sizes = [1], strides = [1]} : vector<16xi32> to vector<1xi32>
        %squeeze3A_171 = vector.extract %slice3A_170[0] : i32 from vector<1xi32>
        %dma_start3A_172 = arith.constant 0 : i32
        %dma_start3A_173 = tpu.memref_slice %arg12[%add3A_159, %dma_start3A_172] : memref<256x32xf32, #tpu.memory_space<vmem>> -> memref<1x32xf32, #tpu.memory_space<vmem>>
        %dma_start3A_174 = arith.constant 0 : i32
        %dma_start3A_175 = tpu.memref_slice %arg6[%squeeze3A_171, %dma_start3A_174] : memref<1000000x32xf32, #tpu.memory_space<hbm>> -> memref<1x32xf32, #tpu.memory_space<hbm>>
        %dma_start3A_176 = arith.constant 0 : i32
        %dma_start3A_177 = tpu.memref_slice %arg12[%add3A_159, %dma_start3A_176] : memref<256x32xf32, #tpu.memory_space<vmem>> -> memref<1x32xf32, #tpu.memory_space<vmem>>
        %dma_start3A_178 = arith.constant 0 : i32
        %dma_start3A_179 = tpu.memref_slice %arg6[%squeeze3A_171, %dma_start3A_178] : memref<1000000x32xf32, #tpu.memory_space<hbm>> -> memref<1x32xf32, #tpu.memory_space<hbm>>
        tpu.enqueue_dma source(%dma_start3A_179 : memref<1x32xf32, #tpu.memory_space<hbm>>) target(%dma_start3A_177 : memref<1x32xf32, #tpu.memory_space<vmem>>) target_semaphore(%arg16 : memref<!tpu.dma_semaphore, #tpu.memory_space<semaphore_mem>>)
        %slice3A_180 = vector.extract_strided_slice %get3A_64 {offsets = [3], sizes = [1], strides = [1]} : vector<16xi32> to vector<1xi32>
        %squeeze3A_181 = vector.extract %slice3A_180[0] : i32 from vector<1xi32>
        %dma_start3A_182 = arith.constant 0 : i32
        %dma_start3A_183 = tpu.memref_slice %arg13[%add3A_159, %dma_start3A_182] : memref<256x32xf32, #tpu.memory_space<vmem>> -> memref<1x32xf32, #tpu.memory_space<vmem>>
        %dma_start3A_184 = arith.constant 0 : i32
        %dma_start3A_185 = tpu.memref_slice %arg6[%squeeze3A_181, %dma_start3A_184] : memref<1000000x32xf32, #tpu.memory_space<hbm>> -> memref<1x32xf32, #tpu.memory_space<hbm>>
        %dma_start3A_186 = arith.constant 0 : i32
        %dma_start3A_187 = tpu.memref_slice %arg13[%add3A_159, %dma_start3A_186] : memref<256x32xf32, #tpu.memory_space<vmem>> -> memref<1x32xf32, #tpu.memory_space<vmem>>
        %dma_start3A_188 = arith.constant 0 : i32
        %dma_start3A_189 = tpu.memref_slice %arg6[%squeeze3A_181, %dma_start3A_188] : memref<1000000x32xf32, #tpu.memory_space<hbm>> -> memref<1x32xf32, #tpu.memory_space<hbm>>
        tpu.enqueue_dma source(%dma_start3A_189 : memref<1x32xf32, #tpu.memory_space<hbm>>) target(%dma_start3A_187 : memref<1x32xf32, #tpu.memory_space<vmem>>) target_semaphore(%arg16 : memref<!tpu.dma_semaphore, #tpu.memory_space<semaphore_mem>>)
        %add3A_190 = arith.constant 4 : i32
        %add3A_191 = arith.addi %mul3A_53, %add3A_190 : i32
        %slice3A_192 = vector.extract_strided_slice %get3A_56 {offsets = [4], sizes = [1], strides = [1]} : vector<16xi32> to vector<1xi32>
        %squeeze3A_193 = vector.extract %slice3A_192[0] : i32 from vector<1xi32>
        %dma_start3A_194 = arith.constant 0 : i32
        %dma_start3A_195 = tpu.memref_slice %arg11[%add3A_191, %dma_start3A_194] : memref<256x32xf32, #tpu.memory_space<vmem>> -> memref<1x32xf32, #tpu.memory_space<vmem>>
        %dma_start3A_196 = arith.constant 0 : i32
        %dma_start3A_197 = tpu.memref_slice %arg5[%squeeze3A_193, %dma_start3A_196] : memref<1000000x32xf32, #tpu.memory_space<hbm>> -> memref<1x32xf32, #tpu.memory_space<hbm>>
        %dma_start3A_198 = arith.constant 0 : i32
        %dma_start3A_199 = tpu.memref_slice %arg11[%add3A_191, %dma_start3A_198] : memref<256x32xf32, #tpu.memory_space<vmem>> -> memref<1x32xf32, #tpu.memory_space<vmem>>
        %dma_start3A_200 = arith.constant 0 : i32
        %dma_start3A_201 = tpu.memref_slice %arg5[%squeeze3A_193, %dma_start3A_200] : memref<1000000x32xf32, #tpu.memory_space<hbm>> -> memref<1x32xf32, #tpu.memory_space<hbm>>
        tpu.enqueue_dma source(%dma_start3A_201 : memref<1x32xf32, #tpu.memory_space<hbm>>) target(%dma_start3A_199 : memref<1x32xf32, #tpu.memory_space<vmem>>) target_semaphore(%arg16 : memref<!tpu.dma_semaphore, #tpu.memory_space<semaphore_mem>>)
        %slice3A_202 = vector.extract_strided_slice %get3A_60 {offsets = [4], sizes = [1], strides = [1]} : vector<16xi32> to vector<1xi32>
        %squeeze3A_203 = vector.extract %slice3A_202[0] : i32 from vector<1xi32>
        %dma_start3A_204 = arith.constant 0 : i32
        %dma_start3A_205 = tpu.memref_slice %arg12[%add3A_191, %dma_start3A_204] : memref<256x32xf32, #tpu.memory_space<vmem>> -> memref<1x32xf32, #tpu.memory_space<vmem>>
        %dma_start3A_206 = arith.constant 0 : i32
        %dma_start3A_207 = tpu.memref_slice %arg6[%squeeze3A_203, %dma_start3A_206] : memref<1000000x32xf32, #tpu.memory_space<hbm>> -> memref<1x32xf32, #tpu.memory_space<hbm>>
        %dma_start3A_208 = arith.constant 0 : i32
        %dma_start3A_209 = tpu.memref_slice %arg12[%add3A_191, %dma_start3A_208] : memref<256x32xf32, #tpu.memory_space<vmem>> -> memref<1x32xf32, #tpu.memory_space<vmem>>
        %dma_start3A_210 = arith.constant 0 : i32
        %dma_start3A_211 = tpu.memref_slice %arg6[%squeeze3A_203, %dma_start3A_210] : memref<1000000x32xf32, #tpu.memory_space<hbm>> -> memref<1x32xf32, #tpu.memory_space<hbm>>
        tpu.enqueue_dma source(%dma_start3A_211 : memref<1x32xf32, #tpu.memory_space<hbm>>) target(%dma_start3A_209 : memref<1x32xf32, #tpu.memory_space<vmem>>) target_semaphore(%arg16 : memref<!tpu.dma_semaphore, #tpu.memory_space<semaphore_mem>>)
        %slice3A_212 = vector.extract_strided_slice %get3A_64 {offsets = [4], sizes = [1], strides = [1]} : vector<16xi32> to vector<1xi32>
        %squeeze3A_213 = vector.extract %slice3A_212[0] : i32 from vector<1xi32>
        %dma_start3A_214 = arith.constant 0 : i32
        %dma_start3A_215 = tpu.memref_slice %arg13[%add3A_191, %dma_start3A_214] : memref<256x32xf32, #tpu.memory_space<vmem>> -> memref<1x32xf32, #tpu.memory_space<vmem>>
        %dma_start3A_216 = arith.constant 0 : i32
        %dma_start3A_217 = tpu.memref_slice %arg6[%squeeze3A_213, %dma_start3A_216] : memref<1000000x32xf32, #tpu.memory_space<hbm>> -> memref<1x32xf32, #tpu.memory_space<hbm>>
        %dma_start3A_218 = arith.constant 0 : i32
        %dma_start3A_219 = tpu.memref_slice %arg13[%add3A_191, %dma_start3A_218] : memref<256x32xf32, #tpu.memory_space<vmem>> -> memref<1x32xf32, #tpu.memory_space<vmem>>
        %dma_start3A_220 = arith.constant 0 : i32
        %dma_start3A_221 = tpu.memref_slice %arg6[%squeeze3A_213, %dma_start3A_220] : memref<1000000x32xf32, #tpu.memory_space<hbm>> -> memref<1x32xf32, #tpu.memory_space<hbm>>
        tpu.enqueue_dma source(%dma_start3A_221 : memref<1x32xf32, #tpu.memory_space<hbm>>) target(%dma_start3A_219 : memref<1x32xf32, #tpu.memory_space<vmem>>) target_semaphore(%arg16 : memref<!tpu.dma_semaphore, #tpu.memory_space<semaphore_mem>>)
        %add3A_222 = arith.constant 5 : i32
        %add3A_223 = arith.addi %mul3A_53, %add3A_222 : i32
        %slice3A_224 = vector.extract_strided_slice %get3A_56 {offsets = [5], sizes = [1], strides = [1]} : vector<16xi32> to vector<1xi32>
        %squeeze3A_225 = vector.extract %slice3A_224[0] : i32 from vector<1xi32>
        %dma_start3A_226 = arith.constant 0 : i32
        %dma_start3A_227 = tpu.memref_slice %arg11[%add3A_223, %dma_start3A_226] : memref<256x32xf32, #tpu.memory_space<vmem>> -> memref<1x32xf32, #tpu.memory_space<vmem>>
        %dma_start3A_228 = arith.constant 0 : i32
        %dma_start3A_229 = tpu.memref_slice %arg5[%squeeze3A_225, %dma_start3A_228] : memref<1000000x32xf32, #tpu.memory_space<hbm>> -> memref<1x32xf32, #tpu.memory_space<hbm>>
        %dma_start3A_230 = arith.constant 0 : i32
        %dma_start3A_231 = tpu.memref_slice %arg11[%add3A_223, %dma_start3A_230] : memref<256x32xf32, #tpu.memory_space<vmem>> -> memref<1x32xf32, #tpu.memory_space<vmem>>
        %dma_start3A_232 = arith.constant 0 : i32
        %dma_start3A_233 = tpu.memref_slice %arg5[%squeeze3A_225, %dma_start3A_232] : memref<1000000x32xf32, #tpu.memory_space<hbm>> -> memref<1x32xf32, #tpu.memory_space<hbm>>
        tpu.enqueue_dma source(%dma_start3A_233 : memref<1x32xf32, #tpu.memory_space<hbm>>) target(%dma_start3A_231 : memref<1x32xf32, #tpu.memory_space<vmem>>) target_semaphore(%arg16 : memref<!tpu.dma_semaphore, #tpu.memory_space<semaphore_mem>>)
        %slice3A_234 = vector.extract_strided_slice %get3A_60 {offsets = [5], sizes = [1], strides = [1]} : vector<16xi32> to vector<1xi32>
        %squeeze3A_235 = vector.extract %slice3A_234[0] : i32 from vector<1xi32>
        %dma_start3A_236 = arith.constant 0 : i32
        %dma_start3A_237 = tpu.memref_slice %arg12[%add3A_223, %dma_start3A_236] : memref<256x32xf32, #tpu.memory_space<vmem>> -> memref<1x32xf32, #tpu.memory_space<vmem>>
        %dma_start3A_238 = arith.constant 0 : i32
        %dma_start3A_239 = tpu.memref_slice %arg6[%squeeze3A_235, %dma_start3A_238] : memref<1000000x32xf32, #tpu.memory_space<hbm>> -> memref<1x32xf32, #tpu.memory_space<hbm>>
        %dma_start3A_240 = arith.constant 0 : i32
        %dma_start3A_241 = tpu.memref_slice %arg12[%add3A_223, %dma_start3A_240] : memref<256x32xf32, #tpu.memory_space<vmem>> -> memref<1x32xf32, #tpu.memory_space<vmem>>
        %dma_start3A_242 = arith.constant 0 : i32
        %dma_start3A_243 = tpu.memref_slice %arg6[%squeeze3A_235, %dma_start3A_242] : memref<1000000x32xf32, #tpu.memory_space<hbm>> -> memref<1x32xf32, #tpu.memory_space<hbm>>
        tpu.enqueue_dma source(%dma_start3A_243 : memref<1x32xf32, #tpu.memory_space<hbm>>) target(%dma_start3A_241 : memref<1x32xf32, #tpu.memory_space<vmem>>) target_semaphore(%arg16 : memref<!tpu.dma_semaphore, #tpu.memory_space<semaphore_mem>>)
        %slice3A_244 = vector.extract_strided_slice %get3A_64 {offsets = [5], sizes = [1], strides = [1]} : vector<16xi32> to vector<1xi32>
        %squeeze3A_245 = vector.extract %slice3A_244[0] : i32 from vector<1xi32>
        %dma_start3A_246 = arith.constant 0 : i32
        %dma_start3A_247 = tpu.memref_slice %arg13[%add3A_223, %dma_start3A_246] : memref<256x32xf32, #tpu.memory_space<vmem>> -> memref<1x32xf32, #tpu.memory_space<vmem>>
        %dma_start3A_248 = arith.constant 0 : i32
        %dma_start3A_249 = tpu.memref_slice %arg6[%squeeze3A_245, %dma_start3A_248] : memref<1000000x32xf32, #tpu.memory_space<hbm>> -> memref<1x32xf32, #tpu.memory_space<hbm>>
        %dma_start3A_250 = arith.constant 0 : i32
        %dma_start3A_251 = tpu.memref_slice %arg13[%add3A_223, %dma_start3A_250] : memref<256x32xf32, #tpu.memory_space<vmem>> -> memref<1x32xf32, #tpu.memory_space<vmem>>
        %dma_start3A_252 = arith.constant 0 : i32
        %dma_start3A_253 = tpu.memref_slice %arg6[%squeeze3A_245, %dma_start3A_252] : memref<1000000x32xf32, #tpu.memory_space<hbm>> -> memref<1x32xf32, #tpu.memory_space<hbm>>
        tpu.enqueue_dma source(%dma_start3A_253 : memref<1x32xf32, #tpu.memory_space<hbm>>) target(%dma_start3A_251 : memref<1x32xf32, #tpu.memory_space<vmem>>) target_semaphore(%arg16 : memref<!tpu.dma_semaphore, #tpu.memory_space<semaphore_mem>>)
        %add3A_254 = arith.constant 6 : i32
        %add3A_255 = arith.addi %mul3A_53, %add3A_254 : i32
        %slice3A_256 = vector.extract_strided_slice %get3A_56 {offsets = [6], sizes = [1], strides = [1]} : vector<16xi32> to vector<1xi32>
        %squeeze3A_257 = vector.extract %slice3A_256[0] : i32 from vector<1xi32>
        %dma_start3A_258 = arith.constant 0 : i32
        %dma_start3A_259 = tpu.memref_slice %arg11[%add3A_255, %dma_start3A_258] : memref<256x32xf32, #tpu.memory_space<vmem>> -> memref<1x32xf32, #tpu.memory_space<vmem>>
        %dma_start3A_260 = arith.constant 0 : i32
        %dma_start3A_261 = tpu.memref_slice %arg5[%squeeze3A_257, %dma_start3A_260] : memref<1000000x32xf32, #tpu.memory_space<hbm>> -> memref<1x32xf32, #tpu.memory_space<hbm>>
        %dma_start3A_262 = arith.constant 0 : i32
        %dma_start3A_263 = tpu.memref_slice %arg11[%add3A_255, %dma_start3A_262] : memref<256x32xf32, #tpu.memory_space<vmem>> -> memref<1x32xf32, #tpu.memory_space<vmem>>
        %dma_start3A_264 = arith.constant 0 : i32
        %dma_start3A_265 = tpu.memref_slice %arg5[%squeeze3A_257, %dma_start3A_264] : memref<1000000x32xf32, #tpu.memory_space<hbm>> -> memref<1x32xf32, #tpu.memory_space<hbm>>
        tpu.enqueue_dma source(%dma_start3A_265 : memref<1x32xf32, #tpu.memory_space<hbm>>) target(%dma_start3A_263 : memref<1x32xf32, #tpu.memory_space<vmem>>) target_semaphore(%arg16 : memref<!tpu.dma_semaphore, #tpu.memory_space<semaphore_mem>>)
        %slice3A_266 = vector.extract_strided_slice %get3A_60 {offsets = [6], sizes = [1], strides = [1]} : vector<16xi32> to vector<1xi32>
        %squeeze3A_267 = vector.extract %slice3A_266[0] : i32 from vector<1xi32>
        %dma_start3A_268 = arith.constant 0 : i32
        %dma_start3A_269 = tpu.memref_slice %arg12[%add3A_255, %dma_start3A_268] : memref<256x32xf32, #tpu.memory_space<vmem>> -> memref<1x32xf32, #tpu.memory_space<vmem>>
        %dma_start3A_270 = arith.constant 0 : i32
        %dma_start3A_271 = tpu.memref_slice %arg6[%squeeze3A_267, %dma_start3A_270] : memref<1000000x32xf32, #tpu.memory_space<hbm>> -> memref<1x32xf32, #tpu.memory_space<hbm>>
        %dma_start3A_272 = arith.constant 0 : i32
        %dma_start3A_273 = tpu.memref_slice %arg12[%add3A_255, %dma_start3A_272] : memref<256x32xf32, #tpu.memory_space<vmem>> -> memref<1x32xf32, #tpu.memory_space<vmem>>
        %dma_start3A_274 = arith.constant 0 : i32
        %dma_start3A_275 = tpu.memref_slice %arg6[%squeeze3A_267, %dma_start3A_274] : memref<1000000x32xf32, #tpu.memory_space<hbm>> -> memref<1x32xf32, #tpu.memory_space<hbm>>
        tpu.enqueue_dma source(%dma_start3A_275 : memref<1x32xf32, #tpu.memory_space<hbm>>) target(%dma_start3A_273 : memref<1x32xf32, #tpu.memory_space<vmem>>) target_semaphore(%arg16 : memref<!tpu.dma_semaphore, #tpu.memory_space<semaphore_mem>>)
        %slice3A_276 = vector.extract_strided_slice %get3A_64 {offsets = [6], sizes = [1], strides = [1]} : vector<16xi32> to vector<1xi32>
        %squeeze3A_277 = vector.extract %slice3A_276[0] : i32 from vector<1xi32>
        %dma_start3A_278 = arith.constant 0 : i32
        %dma_start3A_279 = tpu.memref_slice %arg13[%add3A_255, %dma_start3A_278] : memref<256x32xf32, #tpu.memory_space<vmem>> -> memref<1x32xf32, #tpu.memory_space<vmem>>
        %dma_start3A_280 = arith.constant 0 : i32
        %dma_start3A_281 = tpu.memref_slice %arg6[%squeeze3A_277, %dma_start3A_280] : memref<1000000x32xf32, #tpu.memory_space<hbm>> -> memref<1x32xf32, #tpu.memory_space<hbm>>
        %dma_start3A_282 = arith.constant 0 : i32
        %dma_start3A_283 = tpu.memref_slice %arg13[%add3A_255, %dma_start3A_282] : memref<256x32xf32, #tpu.memory_space<vmem>> -> memref<1x32xf32, #tpu.memory_space<vmem>>
        %dma_start3A_284 = arith.constant 0 : i32
        %dma_start3A_285 = tpu.memref_slice %arg6[%squeeze3A_277, %dma_start3A_284] : memref<1000000x32xf32, #tpu.memory_space<hbm>> -> memref<1x32xf32, #tpu.memory_space<hbm>>
        tpu.enqueue_dma source(%dma_start3A_285 : memref<1x32xf32, #tpu.memory_space<hbm>>) target(%dma_start3A_283 : memref<1x32xf32, #tpu.memory_space<vmem>>) target_semaphore(%arg16 : memref<!tpu.dma_semaphore, #tpu.memory_space<semaphore_mem>>)
        %add3A_286 = arith.constant 7 : i32
        %add3A_287 = arith.addi %mul3A_53, %add3A_286 : i32
        %slice3A_288 = vector.extract_strided_slice %get3A_56 {offsets = [7], sizes = [1], strides = [1]} : vector<16xi32> to vector<1xi32>
        %squeeze3A_289 = vector.extract %slice3A_288[0] : i32 from vector<1xi32>
        %dma_start3A_290 = arith.constant 0 : i32
        %dma_start3A_291 = tpu.memref_slice %arg11[%add3A_287, %dma_start3A_290] : memref<256x32xf32, #tpu.memory_space<vmem>> -> memref<1x32xf32, #tpu.memory_space<vmem>>
        %dma_start3A_292 = arith.constant 0 : i32
        %dma_start3A_293 = tpu.memref_slice %arg5[%squeeze3A_289, %dma_start3A_292] : memref<1000000x32xf32, #tpu.memory_space<hbm>> -> memref<1x32xf32, #tpu.memory_space<hbm>>
        %dma_start3A_294 = arith.constant 0 : i32
        %dma_start3A_295 = tpu.memref_slice %arg11[%add3A_287, %dma_start3A_294] : memref<256x32xf32, #tpu.memory_space<vmem>> -> memref<1x32xf32, #tpu.memory_space<vmem>>
        %dma_start3A_296 = arith.constant 0 : i32
        %dma_start3A_297 = tpu.memref_slice %arg5[%squeeze3A_289, %dma_start3A_296] : memref<1000000x32xf32, #tpu.memory_space<hbm>> -> memref<1x32xf32, #tpu.memory_space<hbm>>
        tpu.enqueue_dma source(%dma_start3A_297 : memref<1x32xf32, #tpu.memory_space<hbm>>) target(%dma_start3A_295 : memref<1x32xf32, #tpu.memory_space<vmem>>) target_semaphore(%arg16 : memref<!tpu.dma_semaphore, #tpu.memory_space<semaphore_mem>>)
        %slice3A_298 = vector.extract_strided_slice %get3A_60 {offsets = [7], sizes = [1], strides = [1]} : vector<16xi32> to vector<1xi32>
        %squeeze3A_299 = vector.extract %slice3A_298[0] : i32 from vector<1xi32>
        %dma_start3A_300 = arith.constant 0 : i32
        %dma_start3A_301 = tpu.memref_slice %arg12[%add3A_287, %dma_start3A_300] : memref<256x32xf32, #tpu.memory_space<vmem>> -> memref<1x32xf32, #tpu.memory_space<vmem>>
        %dma_start3A_302 = arith.constant 0 : i32
        %dma_start3A_303 = tpu.memref_slice %arg6[%squeeze3A_299, %dma_start3A_302] : memref<1000000x32xf32, #tpu.memory_space<hbm>> -> memref<1x32xf32, #tpu.memory_space<hbm>>
        %dma_start3A_304 = arith.constant 0 : i32
        %dma_start3A_305 = tpu.memref_slice %arg12[%add3A_287, %dma_start3A_304] : memref<256x32xf32, #tpu.memory_space<vmem>> -> memref<1x32xf32, #tpu.memory_space<vmem>>
        %dma_start3A_306 = arith.constant 0 : i32
        %dma_start3A_307 = tpu.memref_slice %arg6[%squeeze3A_299, %dma_start3A_306] : memref<1000000x32xf32, #tpu.memory_space<hbm>> -> memref<1x32xf32, #tpu.memory_space<hbm>>
        tpu.enqueue_dma source(%dma_start3A_307 : memref<1x32xf32, #tpu.memory_space<hbm>>) target(%dma_start3A_305 : memref<1x32xf32, #tpu.memory_space<vmem>>) target_semaphore(%arg16 : memref<!tpu.dma_semaphore, #tpu.memory_space<semaphore_mem>>)
        %slice3A_308 = vector.extract_strided_slice %get3A_64 {offsets = [7], sizes = [1], strides = [1]} : vector<16xi32> to vector<1xi32>
        %squeeze3A_309 = vector.extract %slice3A_308[0] : i32 from vector<1xi32>
        %dma_start3A_310 = arith.constant 0 : i32
        %dma_start3A_311 = tpu.memref_slice %arg13[%add3A_287, %dma_start3A_310] : memref<256x32xf32, #tpu.memory_space<vmem>> -> memref<1x32xf32, #tpu.memory_space<vmem>>
        %dma_start3A_312 = arith.constant 0 : i32
        %dma_start3A_313 = tpu.memref_slice %arg6[%squeeze3A_309, %dma_start3A_312] : memref<1000000x32xf32, #tpu.memory_space<hbm>> -> memref<1x32xf32, #tpu.memory_space<hbm>>
        %dma_start3A_314 = arith.constant 0 : i32
        %dma_start3A_315 = tpu.memref_slice %arg13[%add3A_287, %dma_start3A_314] : memref<256x32xf32, #tpu.memory_space<vmem>> -> memref<1x32xf32, #tpu.memory_space<vmem>>
        %dma_start3A_316 = arith.constant 0 : i32
        %dma_start3A_317 = tpu.memref_slice %arg6[%squeeze3A_309, %dma_start3A_316] : memref<1000000x32xf32, #tpu.memory_space<hbm>> -> memref<1x32xf32, #tpu.memory_space<hbm>>
        tpu.enqueue_dma source(%dma_start3A_317 : memref<1x32xf32, #tpu.memory_space<hbm>>) target(%dma_start3A_315 : memref<1x32xf32, #tpu.memory_space<vmem>>) target_semaphore(%arg16 : memref<!tpu.dma_semaphore, #tpu.memory_space<semaphore_mem>>)
        %add3A_318 = arith.constant 8 : i32
        %add3A_319 = arith.addi %mul3A_53, %add3A_318 : i32
        %slice3A_320 = vector.extract_strided_slice %get3A_56 {offsets = [8], sizes = [1], strides = [1]} : vector<16xi32> to vector<1xi32>
        %squeeze3A_321 = vector.extract %slice3A_320[0] : i32 from vector<1xi32>
        %dma_start3A_322 = arith.constant 0 : i32
        %dma_start3A_323 = tpu.memref_slice %arg11[%add3A_319, %dma_start3A_322] : memref<256x32xf32, #tpu.memory_space<vmem>> -> memref<1x32xf32, #tpu.memory_space<vmem>>
        %dma_start3A_324 = arith.constant 0 : i32
        %dma_start3A_325 = tpu.memref_slice %arg5[%squeeze3A_321, %dma_start3A_324] : memref<1000000x32xf32, #tpu.memory_space<hbm>> -> memref<1x32xf32, #tpu.memory_space<hbm>>
        %dma_start3A_326 = arith.constant 0 : i32
        %dma_start3A_327 = tpu.memref_slice %arg11[%add3A_319, %dma_start3A_326] : memref<256x32xf32, #tpu.memory_space<vmem>> -> memref<1x32xf32, #tpu.memory_space<vmem>>
        %dma_start3A_328 = arith.constant 0 : i32
        %dma_start3A_329 = tpu.memref_slice %arg5[%squeeze3A_321, %dma_start3A_328] : memref<1000000x32xf32, #tpu.memory_space<hbm>> -> memref<1x32xf32, #tpu.memory_space<hbm>>
        tpu.enqueue_dma source(%dma_start3A_329 : memref<1x32xf32, #tpu.memory_space<hbm>>) target(%dma_start3A_327 : memref<1x32xf32, #tpu.memory_space<vmem>>) target_semaphore(%arg16 : memref<!tpu.dma_semaphore, #tpu.memory_space<semaphore_mem>>)
        %slice3A_330 = vector.extract_strided_slice %get3A_60 {offsets = [8], sizes = [1], strides = [1]} : vector<16xi32> to vector<1xi32>
        %squeeze3A_331 = vector.extract %slice3A_330[0] : i32 from vector<1xi32>
        %dma_start3A_332 = arith.constant 0 : i32
        %dma_start3A_333 = tpu.memref_slice %arg12[%add3A_319, %dma_start3A_332] : memref<256x32xf32, #tpu.memory_space<vmem>> -> memref<1x32xf32, #tpu.memory_space<vmem>>
        %dma_start3A_334 = arith.constant 0 : i32
        %dma_start3A_335 = tpu.memref_slice %arg6[%squeeze3A_331, %dma_start3A_334] : memref<1000000x32xf32, #tpu.memory_space<hbm>> -> memref<1x32xf32, #tpu.memory_space<hbm>>
        %dma_start3A_336 = arith.constant 0 : i32
        %dma_start3A_337 = tpu.memref_slice %arg12[%add3A_319, %dma_start3A_336] : memref<256x32xf32, #tpu.memory_space<vmem>> -> memref<1x32xf32, #tpu.memory_space<vmem>>
        %dma_start3A_338 = arith.constant 0 : i32
        %dma_start3A_339 = tpu.memref_slice %arg6[%squeeze3A_331, %dma_start3A_338] : memref<1000000x32xf32, #tpu.memory_space<hbm>> -> memref<1x32xf32, #tpu.memory_space<hbm>>
        tpu.enqueue_dma source(%dma_start3A_339 : memref<1x32xf32, #tpu.memory_space<hbm>>) target(%dma_start3A_337 : memref<1x32xf32, #tpu.memory_space<vmem>>) target_semaphore(%arg16 : memref<!tpu.dma_semaphore, #tpu.memory_space<semaphore_mem>>)
        %slice3A_340 = vector.extract_strided_slice %get3A_64 {offsets = [8], sizes = [1], strides = [1]} : vector<16xi32> to vector<1xi32>
        %squeeze3A_341 = vector.extract %slice3A_340[0] : i32 from vector<1xi32>
        %dma_start3A_342 = arith.constant 0 : i32
        %dma_start3A_343 = tpu.memref_slice %arg13[%add3A_319, %dma_start3A_342] : memref<256x32xf32, #tpu.memory_space<vmem>> -> memref<1x32xf32, #tpu.memory_space<vmem>>
        %dma_start3A_344 = arith.constant 0 : i32
        %dma_start3A_345 = tpu.memref_slice %arg6[%squeeze3A_341, %dma_start3A_344] : memref<1000000x32xf32, #tpu.memory_space<hbm>> -> memref<1x32xf32, #tpu.memory_space<hbm>>
        %dma_start3A_346 = arith.constant 0 : i32
        %dma_start3A_347 = tpu.memref_slice %arg13[%add3A_319, %dma_start3A_346] : memref<256x32xf32, #tpu.memory_space<vmem>> -> memref<1x32xf32, #tpu.memory_space<vmem>>
        %dma_start3A_348 = arith.constant 0 : i32
        %dma_start3A_349 = tpu.memref_slice %arg6[%squeeze3A_341, %dma_start3A_348] : memref<1000000x32xf32, #tpu.memory_space<hbm>> -> memref<1x32xf32, #tpu.memory_space<hbm>>
        tpu.enqueue_dma source(%dma_start3A_349 : memref<1x32xf32, #tpu.memory_space<hbm>>) target(%dma_start3A_347 : memref<1x32xf32, #tpu.memory_space<vmem>>) target_semaphore(%arg16 : memref<!tpu.dma_semaphore, #tpu.memory_space<semaphore_mem>>)
        %add3A_350 = arith.constant 9 : i32
        %add3A_351 = arith.addi %mul3A_53, %add3A_350 : i32
        %slice3A_352 = vector.extract_strided_slice %get3A_56 {offsets = [9], sizes = [1], strides = [1]} : vector<16xi32> to vector<1xi32>
        %squeeze3A_353 = vector.extract %slice3A_352[0] : i32 from vector<1xi32>
        %dma_start3A_354 = arith.constant 0 : i32
        %dma_start3A_355 = tpu.memref_slice %arg11[%add3A_351, %dma_start3A_354] : memref<256x32xf32, #tpu.memory_space<vmem>> -> memref<1x32xf32, #tpu.memory_space<vmem>>
        %dma_start3A_356 = arith.constant 0 : i32
        %dma_start3A_357 = tpu.memref_slice %arg5[%squeeze3A_353, %dma_start3A_356] : memref<1000000x32xf32, #tpu.memory_space<hbm>> -> memref<1x32xf32, #tpu.memory_space<hbm>>
        %dma_start3A_358 = arith.constant 0 : i32
        %dma_start3A_359 = tpu.memref_slice %arg11[%add3A_351, %dma_start3A_358] : memref<256x32xf32, #tpu.memory_space<vmem>> -> memref<1x32xf32, #tpu.memory_space<vmem>>
        %dma_start3A_360 = arith.constant 0 : i32
        %dma_start3A_361 = tpu.memref_slice %arg5[%squeeze3A_353, %dma_start3A_360] : memref<1000000x32xf32, #tpu.memory_space<hbm>> -> memref<1x32xf32, #tpu.memory_space<hbm>>
        tpu.enqueue_dma source(%dma_start3A_361 : memref<1x32xf32, #tpu.memory_space<hbm>>) target(%dma_start3A_359 : memref<1x32xf32, #tpu.memory_space<vmem>>) target_semaphore(%arg16 : memref<!tpu.dma_semaphore, #tpu.memory_space<semaphore_mem>>)
        %slice3A_362 = vector.extract_strided_slice %get3A_60 {offsets = [9], sizes = [1], strides = [1]} : vector<16xi32> to vector<1xi32>
        %squeeze3A_363 = vector.extract %slice3A_362[0] : i32 from vector<1xi32>
        %dma_start3A_364 = arith.constant 0 : i32
        %dma_start3A_365 = tpu.memref_slice %arg12[%add3A_351, %dma_start3A_364] : memref<256x32xf32, #tpu.memory_space<vmem>> -> memref<1x32xf32, #tpu.memory_space<vmem>>
        %dma_start3A_366 = arith.constant 0 : i32
        %dma_start3A_367 = tpu.memref_slice %arg6[%squeeze3A_363, %dma_start3A_366] : memref<1000000x32xf32, #tpu.memory_space<hbm>> -> memref<1x32xf32, #tpu.memory_space<hbm>>
        %dma_start3A_368 = arith.constant 0 : i32
        %dma_start3A_369 = tpu.memref_slice %arg12[%add3A_351, %dma_start3A_368] : memref<256x32xf32, #tpu.memory_space<vmem>> -> memref<1x32xf32, #tpu.memory_space<vmem>>
        %dma_start3A_370 = arith.constant 0 : i32
        %dma_start3A_371 = tpu.memref_slice %arg6[%squeeze3A_363, %dma_start3A_370] : memref<1000000x32xf32, #tpu.memory_space<hbm>> -> memref<1x32xf32, #tpu.memory_space<hbm>>
        tpu.enqueue_dma source(%dma_start3A_371 : memref<1x32xf32, #tpu.memory_space<hbm>>) target(%dma_start3A_369 : memref<1x32xf32, #tpu.memory_space<vmem>>) target_semaphore(%arg16 : memref<!tpu.dma_semaphore, #tpu.memory_space<semaphore_mem>>)
        %slice3A_372 = vector.extract_strided_slice %get3A_64 {offsets = [9], sizes = [1], strides = [1]} : vector<16xi32> to vector<1xi32>
        %squeeze3A_373 = vector.extract %slice3A_372[0] : i32 from vector<1xi32>
        %dma_start3A_374 = arith.constant 0 : i32
        %dma_start3A_375 = tpu.memref_slice %arg13[%add3A_351, %dma_start3A_374] : memref<256x32xf32, #tpu.memory_space<vmem>> -> memref<1x32xf32, #tpu.memory_space<vmem>>
        %dma_start3A_376 = arith.constant 0 : i32
        %dma_start3A_377 = tpu.memref_slice %arg6[%squeeze3A_373, %dma_start3A_376] : memref<1000000x32xf32, #tpu.memory_space<hbm>> -> memref<1x32xf32, #tpu.memory_space<hbm>>
        %dma_start3A_378 = arith.constant 0 : i32
        %dma_start3A_379 = tpu.memref_slice %arg13[%add3A_351, %dma_start3A_378] : memref<256x32xf32, #tpu.memory_space<vmem>> -> memref<1x32xf32, #tpu.memory_space<vmem>>
        %dma_start3A_380 = arith.constant 0 : i32
        %dma_start3A_381 = tpu.memref_slice %arg6[%squeeze3A_373, %dma_start3A_380] : memref<1000000x32xf32, #tpu.memory_space<hbm>> -> memref<1x32xf32, #tpu.memory_space<hbm>>
        tpu.enqueue_dma source(%dma_start3A_381 : memref<1x32xf32, #tpu.memory_space<hbm>>) target(%dma_start3A_379 : memref<1x32xf32, #tpu.memory_space<vmem>>) target_semaphore(%arg16 : memref<!tpu.dma_semaphore, #tpu.memory_space<semaphore_mem>>)
        %add3A_382 = arith.constant 10 : i32
        %add3A_383 = arith.addi %mul3A_53, %add3A_382 : i32
        %slice3A_384 = vector.extract_strided_slice %get3A_56 {offsets = [10], sizes = [1], strides = [1]} : vector<16xi32> to vector<1xi32>
        %squeeze3A_385 = vector.extract %slice3A_384[0] : i32 from vector<1xi32>
        %dma_start3A_386 = arith.constant 0 : i32
        %dma_start3A_387 = tpu.memref_slice %arg11[%add3A_383, %dma_start3A_386] : memref<256x32xf32, #tpu.memory_space<vmem>> -> memref<1x32xf32, #tpu.memory_space<vmem>>
        %dma_start3A_388 = arith.constant 0 : i32
        %dma_start3A_389 = tpu.memref_slice %arg5[%squeeze3A_385, %dma_start3A_388] : memref<1000000x32xf32, #tpu.memory_space<hbm>> -> memref<1x32xf32, #tpu.memory_space<hbm>>
        %dma_start3A_390 = arith.constant 0 : i32
        %dma_start3A_391 = tpu.memref_slice %arg11[%add3A_383, %dma_start3A_390] : memref<256x32xf32, #tpu.memory_space<vmem>> -> memref<1x32xf32, #tpu.memory_space<vmem>>
        %dma_start3A_392 = arith.constant 0 : i32
        %dma_start3A_393 = tpu.memref_slice %arg5[%squeeze3A_385, %dma_start3A_392] : memref<1000000x32xf32, #tpu.memory_space<hbm>> -> memref<1x32xf32, #tpu.memory_space<hbm>>
        tpu.enqueue_dma source(%dma_start3A_393 : memref<1x32xf32, #tpu.memory_space<hbm>>) target(%dma_start3A_391 : memref<1x32xf32, #tpu.memory_space<vmem>>) target_semaphore(%arg16 : memref<!tpu.dma_semaphore, #tpu.memory_space<semaphore_mem>>)
        %slice3A_394 = vector.extract_strided_slice %get3A_60 {offsets = [10], sizes = [1], strides = [1]} : vector<16xi32> to vector<1xi32>
        %squeeze3A_395 = vector.extract %slice3A_394[0] : i32 from vector<1xi32>
        %dma_start3A_396 = arith.constant 0 : i32
        %dma_start3A_397 = tpu.memref_slice %arg12[%add3A_383, %dma_start3A_396] : memref<256x32xf32, #tpu.memory_space<vmem>> -> memref<1x32xf32, #tpu.memory_space<vmem>>
        %dma_start3A_398 = arith.constant 0 : i32
        %dma_start3A_399 = tpu.memref_slice %arg6[%squeeze3A_395, %dma_start3A_398] : memref<1000000x32xf32, #tpu.memory_space<hbm>> -> memref<1x32xf32, #tpu.memory_space<hbm>>
        %dma_start3A_400 = arith.constant 0 : i32
        %dma_start3A_401 = tpu.memref_slice %arg12[%add3A_383, %dma_start3A_400] : memref<256x32xf32, #tpu.memory_space<vmem>> -> memref<1x32xf32, #tpu.memory_space<vmem>>
        %dma_start3A_402 = arith.constant 0 : i32
        %dma_start3A_403 = tpu.memref_slice %arg6[%squeeze3A_395, %dma_start3A_402] : memref<1000000x32xf32, #tpu.memory_space<hbm>> -> memref<1x32xf32, #tpu.memory_space<hbm>>
        tpu.enqueue_dma source(%dma_start3A_403 : memref<1x32xf32, #tpu.memory_space<hbm>>) target(%dma_start3A_401 : memref<1x32xf32, #tpu.memory_space<vmem>>) target_semaphore(%arg16 : memref<!tpu.dma_semaphore, #tpu.memory_space<semaphore_mem>>)
        %slice3A_404 = vector.extract_strided_slice %get3A_64 {offsets = [10], sizes = [1], strides = [1]} : vector<16xi32> to vector<1xi32>
        %squeeze3A_405 = vector.extract %slice3A_404[0] : i32 from vector<1xi32>
        %dma_start3A_406 = arith.constant 0 : i32
        %dma_start3A_407 = tpu.memref_slice %arg13[%add3A_383, %dma_start3A_406] : memref<256x32xf32, #tpu.memory_space<vmem>> -> memref<1x32xf32, #tpu.memory_space<vmem>>
        %dma_start3A_408 = arith.constant 0 : i32
        %dma_start3A_409 = tpu.memref_slice %arg6[%squeeze3A_405, %dma_start3A_408] : memref<1000000x32xf32, #tpu.memory_space<hbm>> -> memref<1x32xf32, #tpu.memory_space<hbm>>
        %dma_start3A_410 = arith.constant 0 : i32
        %dma_start3A_411 = tpu.memref_slice %arg13[%add3A_383, %dma_start3A_410] : memref<256x32xf32, #tpu.memory_space<vmem>> -> memref<1x32xf32, #tpu.memory_space<vmem>>
        %dma_start3A_412 = arith.constant 0 : i32
        %dma_start3A_413 = tpu.memref_slice %arg6[%squeeze3A_405, %dma_start3A_412] : memref<1000000x32xf32, #tpu.memory_space<hbm>> -> memref<1x32xf32, #tpu.memory_space<hbm>>
        tpu.enqueue_dma source(%dma_start3A_413 : memref<1x32xf32, #tpu.memory_space<hbm>>) target(%dma_start3A_411 : memref<1x32xf32, #tpu.memory_space<vmem>>) target_semaphore(%arg16 : memref<!tpu.dma_semaphore, #tpu.memory_space<semaphore_mem>>)
        %add3A_414 = arith.constant 11 : i32
        %add3A_415 = arith.addi %mul3A_53, %add3A_414 : i32
        %slice3A_416 = vector.extract_strided_slice %get3A_56 {offsets = [11], sizes = [1], strides = [1]} : vector<16xi32> to vector<1xi32>
        %squeeze3A_417 = vector.extract %slice3A_416[0] : i32 from vector<1xi32>
        %dma_start3A_418 = arith.constant 0 : i32
        %dma_start3A_419 = tpu.memref_slice %arg11[%add3A_415, %dma_start3A_418] : memref<256x32xf32, #tpu.memory_space<vmem>> -> memref<1x32xf32, #tpu.memory_space<vmem>>
        %dma_start3A_420 = arith.constant 0 : i32
        %dma_start3A_421 = tpu.memref_slice %arg5[%squeeze3A_417, %dma_start3A_420] : memref<1000000x32xf32, #tpu.memory_space<hbm>> -> memref<1x32xf32, #tpu.memory_space<hbm>>
        %dma_start3A_422 = arith.constant 0 : i32
        %dma_start3A_423 = tpu.memref_slice %arg11[%add3A_415, %dma_start3A_422] : memref<256x32xf32, #tpu.memory_space<vmem>> -> memref<1x32xf32, #tpu.memory_space<vmem>>
        %dma_start3A_424 = arith.constant 0 : i32
        %dma_start3A_425 = tpu.memref_slice %arg5[%squeeze3A_417, %dma_start3A_424] : memref<1000000x32xf32, #tpu.memory_space<hbm>> -> memref<1x32xf32, #tpu.memory_space<hbm>>
        tpu.enqueue_dma source(%dma_start3A_425 : memref<1x32xf32, #tpu.memory_space<hbm>>) target(%dma_start3A_423 : memref<1x32xf32, #tpu.memory_space<vmem>>) target_semaphore(%arg16 : memref<!tpu.dma_semaphore, #tpu.memory_space<semaphore_mem>>)
        %slice3A_426 = vector.extract_strided_slice %get3A_60 {offsets = [11], sizes = [1], strides = [1]} : vector<16xi32> to vector<1xi32>
        %squeeze3A_427 = vector.extract %slice3A_426[0] : i32 from vector<1xi32>
        %dma_start3A_428 = arith.constant 0 : i32
        %dma_start3A_429 = tpu.memref_slice %arg12[%add3A_415, %dma_start3A_428] : memref<256x32xf32, #tpu.memory_space<vmem>> -> memref<1x32xf32, #tpu.memory_space<vmem>>
        %dma_start3A_430 = arith.constant 0 : i32
        %dma_start3A_431 = tpu.memref_slice %arg6[%squeeze3A_427, %dma_start3A_430] : memref<1000000x32xf32, #tpu.memory_space<hbm>> -> memref<1x32xf32, #tpu.memory_space<hbm>>
        %dma_start3A_432 = arith.constant 0 : i32
        %dma_start3A_433 = tpu.memref_slice %arg12[%add3A_415, %dma_start3A_432] : memref<256x32xf32, #tpu.memory_space<vmem>> -> memref<1x32xf32, #tpu.memory_space<vmem>>
        %dma_start3A_434 = arith.constant 0 : i32
        %dma_start3A_435 = tpu.memref_slice %arg6[%squeeze3A_427, %dma_start3A_434] : memref<1000000x32xf32, #tpu.memory_space<hbm>> -> memref<1x32xf32, #tpu.memory_space<hbm>>
        tpu.enqueue_dma source(%dma_start3A_435 : memref<1x32xf32, #tpu.memory_space<hbm>>) target(%dma_start3A_433 : memref<1x32xf32, #tpu.memory_space<vmem>>) target_semaphore(%arg16 : memref<!tpu.dma_semaphore, #tpu.memory_space<semaphore_mem>>)
        %slice3A_436 = vector.extract_strided_slice %get3A_64 {offsets = [11], sizes = [1], strides = [1]} : vector<16xi32> to vector<1xi32>
        %squeeze3A_437 = vector.extract %slice3A_436[0] : i32 from vector<1xi32>
        %dma_start3A_438 = arith.constant 0 : i32
        %dma_start3A_439 = tpu.memref_slice %arg13[%add3A_415, %dma_start3A_438] : memref<256x32xf32, #tpu.memory_space<vmem>> -> memref<1x32xf32, #tpu.memory_space<vmem>>
        %dma_start3A_440 = arith.constant 0 : i32
        %dma_start3A_441 = tpu.memref_slice %arg6[%squeeze3A_437, %dma_start3A_440] : memref<1000000x32xf32, #tpu.memory_space<hbm>> -> memref<1x32xf32, #tpu.memory_space<hbm>>
        %dma_start3A_442 = arith.constant 0 : i32
        %dma_start3A_443 = tpu.memref_slice %arg13[%add3A_415, %dma_start3A_442] : memref<256x32xf32, #tpu.memory_space<vmem>> -> memref<1x32xf32, #tpu.memory_space<vmem>>
        %dma_start3A_444 = arith.constant 0 : i32
        %dma_start3A_445 = tpu.memref_slice %arg6[%squeeze3A_437, %dma_start3A_444] : memref<1000000x32xf32, #tpu.memory_space<hbm>> -> memref<1x32xf32, #tpu.memory_space<hbm>>
        tpu.enqueue_dma source(%dma_start3A_445 : memref<1x32xf32, #tpu.memory_space<hbm>>) target(%dma_start3A_443 : memref<1x32xf32, #tpu.memory_space<vmem>>) target_semaphore(%arg16 : memref<!tpu.dma_semaphore, #tpu.memory_space<semaphore_mem>>)
        %add3A_446 = arith.constant 12 : i32
        %add3A_447 = arith.addi %mul3A_53, %add3A_446 : i32
        %slice3A_448 = vector.extract_strided_slice %get3A_56 {offsets = [12], sizes = [1], strides = [1]} : vector<16xi32> to vector<1xi32>
        %squeeze3A_449 = vector.extract %slice3A_448[0] : i32 from vector<1xi32>
        %dma_start3A_450 = arith.constant 0 : i32
        %dma_start3A_451 = tpu.memref_slice %arg11[%add3A_447, %dma_start3A_450] : memref<256x32xf32, #tpu.memory_space<vmem>> -> memref<1x32xf32, #tpu.memory_space<vmem>>
        %dma_start3A_452 = arith.constant 0 : i32
        %dma_start3A_453 = tpu.memref_slice %arg5[%squeeze3A_449, %dma_start3A_452] : memref<1000000x32xf32, #tpu.memory_space<hbm>> -> memref<1x32xf32, #tpu.memory_space<hbm>>
        %dma_start3A_454 = arith.constant 0 : i32
        %dma_start3A_455 = tpu.memref_slice %arg11[%add3A_447, %dma_start3A_454] : memref<256x32xf32, #tpu.memory_space<vmem>> -> memref<1x32xf32, #tpu.memory_space<vmem>>
        %dma_start3A_456 = arith.constant 0 : i32
        %dma_start3A_457 = tpu.memref_slice %arg5[%squeeze3A_449, %dma_start3A_456] : memref<1000000x32xf32, #tpu.memory_space<hbm>> -> memref<1x32xf32, #tpu.memory_space<hbm>>
        tpu.enqueue_dma source(%dma_start3A_457 : memref<1x32xf32, #tpu.memory_space<hbm>>) target(%dma_start3A_455 : memref<1x32xf32, #tpu.memory_space<vmem>>) target_semaphore(%arg16 : memref<!tpu.dma_semaphore, #tpu.memory_space<semaphore_mem>>)
        %slice3A_458 = vector.extract_strided_slice %get3A_60 {offsets = [12], sizes = [1], strides = [1]} : vector<16xi32> to vector<1xi32>
        %squeeze3A_459 = vector.extract %slice3A_458[0] : i32 from vector<1xi32>
        %dma_start3A_460 = arith.constant 0 : i32
        %dma_start3A_461 = tpu.memref_slice %arg12[%add3A_447, %dma_start3A_460] : memref<256x32xf32, #tpu.memory_space<vmem>> -> memref<1x32xf32, #tpu.memory_space<vmem>>
        %dma_start3A_462 = arith.constant 0 : i32
        %dma_start3A_463 = tpu.memref_slice %arg6[%squeeze3A_459, %dma_start3A_462] : memref<1000000x32xf32, #tpu.memory_space<hbm>> -> memref<1x32xf32, #tpu.memory_space<hbm>>
        %dma_start3A_464 = arith.constant 0 : i32
        %dma_start3A_465 = tpu.memref_slice %arg12[%add3A_447, %dma_start3A_464] : memref<256x32xf32, #tpu.memory_space<vmem>> -> memref<1x32xf32, #tpu.memory_space<vmem>>
        %dma_start3A_466 = arith.constant 0 : i32
        %dma_start3A_467 = tpu.memref_slice %arg6[%squeeze3A_459, %dma_start3A_466] : memref<1000000x32xf32, #tpu.memory_space<hbm>> -> memref<1x32xf32, #tpu.memory_space<hbm>>
        tpu.enqueue_dma source(%dma_start3A_467 : memref<1x32xf32, #tpu.memory_space<hbm>>) target(%dma_start3A_465 : memref<1x32xf32, #tpu.memory_space<vmem>>) target_semaphore(%arg16 : memref<!tpu.dma_semaphore, #tpu.memory_space<semaphore_mem>>)
        %slice3A_468 = vector.extract_strided_slice %get3A_64 {offsets = [12], sizes = [1], strides = [1]} : vector<16xi32> to vector<1xi32>
        %squeeze3A_469 = vector.extract %slice3A_468[0] : i32 from vector<1xi32>
        %dma_start3A_470 = arith.constant 0 : i32
        %dma_start3A_471 = tpu.memref_slice %arg13[%add3A_447, %dma_start3A_470] : memref<256x32xf32, #tpu.memory_space<vmem>> -> memref<1x32xf32, #tpu.memory_space<vmem>>
        %dma_start3A_472 = arith.constant 0 : i32
        %dma_start3A_473 = tpu.memref_slice %arg6[%squeeze3A_469, %dma_start3A_472] : memref<1000000x32xf32, #tpu.memory_space<hbm>> -> memref<1x32xf32, #tpu.memory_space<hbm>>
        %dma_start3A_474 = arith.constant 0 : i32
        %dma_start3A_475 = tpu.memref_slice %arg13[%add3A_447, %dma_start3A_474] : memref<256x32xf32, #tpu.memory_space<vmem>> -> memref<1x32xf32, #tpu.memory_space<vmem>>
        %dma_start3A_476 = arith.constant 0 : i32
        %dma_start3A_477 = tpu.memref_slice %arg6[%squeeze3A_469, %dma_start3A_476] : memref<1000000x32xf32, #tpu.memory_space<hbm>> -> memref<1x32xf32, #tpu.memory_space<hbm>>
        tpu.enqueue_dma source(%dma_start3A_477 : memref<1x32xf32, #tpu.memory_space<hbm>>) target(%dma_start3A_475 : memref<1x32xf32, #tpu.memory_space<vmem>>) target_semaphore(%arg16 : memref<!tpu.dma_semaphore, #tpu.memory_space<semaphore_mem>>)
        %add3A_478 = arith.constant 13 : i32
        %add3A_479 = arith.addi %mul3A_53, %add3A_478 : i32
        %slice3A_480 = vector.extract_strided_slice %get3A_56 {offsets = [13], sizes = [1], strides = [1]} : vector<16xi32> to vector<1xi32>
        %squeeze3A_481 = vector.extract %slice3A_480[0] : i32 from vector<1xi32>
        %dma_start3A_482 = arith.constant 0 : i32
        %dma_start3A_483 = tpu.memref_slice %arg11[%add3A_479, %dma_start3A_482] : memref<256x32xf32, #tpu.memory_space<vmem>> -> memref<1x32xf32, #tpu.memory_space<vmem>>
        %dma_start3A_484 = arith.constant 0 : i32
        %dma_start3A_485 = tpu.memref_slice %arg5[%squeeze3A_481, %dma_start3A_484] : memref<1000000x32xf32, #tpu.memory_space<hbm>> -> memref<1x32xf32, #tpu.memory_space<hbm>>
        %dma_start3A_486 = arith.constant 0 : i32
        %dma_start3A_487 = tpu.memref_slice %arg11[%add3A_479, %dma_start3A_486] : memref<256x32xf32, #tpu.memory_space<vmem>> -> memref<1x32xf32, #tpu.memory_space<vmem>>
        %dma_start3A_488 = arith.constant 0 : i32
        %dma_start3A_489 = tpu.memref_slice %arg5[%squeeze3A_481, %dma_start3A_488] : memref<1000000x32xf32, #tpu.memory_space<hbm>> -> memref<1x32xf32, #tpu.memory_space<hbm>>
        tpu.enqueue_dma source(%dma_start3A_489 : memref<1x32xf32, #tpu.memory_space<hbm>>) target(%dma_start3A_487 : memref<1x32xf32, #tpu.memory_space<vmem>>) target_semaphore(%arg16 : memref<!tpu.dma_semaphore, #tpu.memory_space<semaphore_mem>>)
        %slice3A_490 = vector.extract_strided_slice %get3A_60 {offsets = [13], sizes = [1], strides = [1]} : vector<16xi32> to vector<1xi32>
        %squeeze3A_491 = vector.extract %slice3A_490[0] : i32 from vector<1xi32>
        %dma_start3A_492 = arith.constant 0 : i32
        %dma_start3A_493 = tpu.memref_slice %arg12[%add3A_479, %dma_start3A_492] : memref<256x32xf32, #tpu.memory_space<vmem>> -> memref<1x32xf32, #tpu.memory_space<vmem>>
        %dma_start3A_494 = arith.constant 0 : i32
        %dma_start3A_495 = tpu.memref_slice %arg6[%squeeze3A_491, %dma_start3A_494] : memref<1000000x32xf32, #tpu.memory_space<hbm>> -> memref<1x32xf32, #tpu.memory_space<hbm>>
        %dma_start3A_496 = arith.constant 0 : i32
        %dma_start3A_497 = tpu.memref_slice %arg12[%add3A_479, %dma_start3A_496] : memref<256x32xf32, #tpu.memory_space<vmem>> -> memref<1x32xf32, #tpu.memory_space<vmem>>
        %dma_start3A_498 = arith.constant 0 : i32
        %dma_start3A_499 = tpu.memref_slice %arg6[%squeeze3A_491, %dma_start3A_498] : memref<1000000x32xf32, #tpu.memory_space<hbm>> -> memref<1x32xf32, #tpu.memory_space<hbm>>
        tpu.enqueue_dma source(%dma_start3A_499 : memref<1x32xf32, #tpu.memory_space<hbm>>) target(%dma_start3A_497 : memref<1x32xf32, #tpu.memory_space<vmem>>) target_semaphore(%arg16 : memref<!tpu.dma_semaphore, #tpu.memory_space<semaphore_mem>>)
        %slice3A_500 = vector.extract_strided_slice %get3A_64 {offsets = [13], sizes = [1], strides = [1]} : vector<16xi32> to vector<1xi32>
        %squeeze3A_501 = vector.extract %slice3A_500[0] : i32 from vector<1xi32>
        %dma_start3A_502 = arith.constant 0 : i32
        %dma_start3A_503 = tpu.memref_slice %arg13[%add3A_479, %dma_start3A_502] : memref<256x32xf32, #tpu.memory_space<vmem>> -> memref<1x32xf32, #tpu.memory_space<vmem>>
        %dma_start3A_504 = arith.constant 0 : i32
        %dma_start3A_505 = tpu.memref_slice %arg6[%squeeze3A_501, %dma_start3A_504] : memref<1000000x32xf32, #tpu.memory_space<hbm>> -> memref<1x32xf32, #tpu.memory_space<hbm>>
        %dma_start3A_506 = arith.constant 0 : i32
        %dma_start3A_507 = tpu.memref_slice %arg13[%add3A_479, %dma_start3A_506] : memref<256x32xf32, #tpu.memory_space<vmem>> -> memref<1x32xf32, #tpu.memory_space<vmem>>
        %dma_start3A_508 = arith.constant 0 : i32
        %dma_start3A_509 = tpu.memref_slice %arg6[%squeeze3A_501, %dma_start3A_508] : memref<1000000x32xf32, #tpu.memory_space<hbm>> -> memref<1x32xf32, #tpu.memory_space<hbm>>
        tpu.enqueue_dma source(%dma_start3A_509 : memref<1x32xf32, #tpu.memory_space<hbm>>) target(%dma_start3A_507 : memref<1x32xf32, #tpu.memory_space<vmem>>) target_semaphore(%arg16 : memref<!tpu.dma_semaphore, #tpu.memory_space<semaphore_mem>>)
        %add3A_510 = arith.constant 14 : i32
        %add3A_511 = arith.addi %mul3A_53, %add3A_510 : i32
        %slice3A_512 = vector.extract_strided_slice %get3A_56 {offsets = [14], sizes = [1], strides = [1]} : vector<16xi32> to vector<1xi32>
        %squeeze3A_513 = vector.extract %slice3A_512[0] : i32 from vector<1xi32>
        %dma_start3A_514 = arith.constant 0 : i32
        %dma_start3A_515 = tpu.memref_slice %arg11[%add3A_511, %dma_start3A_514] : memref<256x32xf32, #tpu.memory_space<vmem>> -> memref<1x32xf32, #tpu.memory_space<vmem>>
        %dma_start3A_516 = arith.constant 0 : i32
        %dma_start3A_517 = tpu.memref_slice %arg5[%squeeze3A_513, %dma_start3A_516] : memref<1000000x32xf32, #tpu.memory_space<hbm>> -> memref<1x32xf32, #tpu.memory_space<hbm>>
        %dma_start3A_518 = arith.constant 0 : i32
        %dma_start3A_519 = tpu.memref_slice %arg11[%add3A_511, %dma_start3A_518] : memref<256x32xf32, #tpu.memory_space<vmem>> -> memref<1x32xf32, #tpu.memory_space<vmem>>
        %dma_start3A_520 = arith.constant 0 : i32
        %dma_start3A_521 = tpu.memref_slice %arg5[%squeeze3A_513, %dma_start3A_520] : memref<1000000x32xf32, #tpu.memory_space<hbm>> -> memref<1x32xf32, #tpu.memory_space<hbm>>
        tpu.enqueue_dma source(%dma_start3A_521 : memref<1x32xf32, #tpu.memory_space<hbm>>) target(%dma_start3A_519 : memref<1x32xf32, #tpu.memory_space<vmem>>) target_semaphore(%arg16 : memref<!tpu.dma_semaphore, #tpu.memory_space<semaphore_mem>>)
        %slice3A_522 = vector.extract_strided_slice %get3A_60 {offsets = [14], sizes = [1], strides = [1]} : vector<16xi32> to vector<1xi32>
        %squeeze3A_523 = vector.extract %slice3A_522[0] : i32 from vector<1xi32>
        %dma_start3A_524 = arith.constant 0 : i32
        %dma_start3A_525 = tpu.memref_slice %arg12[%add3A_511, %dma_start3A_524] : memref<256x32xf32, #tpu.memory_space<vmem>> -> memref<1x32xf32, #tpu.memory_space<vmem>>
        %dma_start3A_526 = arith.constant 0 : i32
        %dma_start3A_527 = tpu.memref_slice %arg6[%squeeze3A_523, %dma_start3A_526] : memref<1000000x32xf32, #tpu.memory_space<hbm>> -> memref<1x32xf32, #tpu.memory_space<hbm>>
        %dma_start3A_528 = arith.constant 0 : i32
        %dma_start3A_529 = tpu.memref_slice %arg12[%add3A_511, %dma_start3A_528] : memref<256x32xf32, #tpu.memory_space<vmem>> -> memref<1x32xf32, #tpu.memory_space<vmem>>
        %dma_start3A_530 = arith.constant 0 : i32
        %dma_start3A_531 = tpu.memref_slice %arg6[%squeeze3A_523, %dma_start3A_530] : memref<1000000x32xf32, #tpu.memory_space<hbm>> -> memref<1x32xf32, #tpu.memory_space<hbm>>
        tpu.enqueue_dma source(%dma_start3A_531 : memref<1x32xf32, #tpu.memory_space<hbm>>) target(%dma_start3A_529 : memref<1x32xf32, #tpu.memory_space<vmem>>) target_semaphore(%arg16 : memref<!tpu.dma_semaphore, #tpu.memory_space<semaphore_mem>>)
        %slice3A_532 = vector.extract_strided_slice %get3A_64 {offsets = [14], sizes = [1], strides = [1]} : vector<16xi32> to vector<1xi32>
        %squeeze3A_533 = vector.extract %slice3A_532[0] : i32 from vector<1xi32>
        %dma_start3A_534 = arith.constant 0 : i32
        %dma_start3A_535 = tpu.memref_slice %arg13[%add3A_511, %dma_start3A_534] : memref<256x32xf32, #tpu.memory_space<vmem>> -> memref<1x32xf32, #tpu.memory_space<vmem>>
        %dma_start3A_536 = arith.constant 0 : i32
        %dma_start3A_537 = tpu.memref_slice %arg6[%squeeze3A_533, %dma_start3A_536] : memref<1000000x32xf32, #tpu.memory_space<hbm>> -> memref<1x32xf32, #tpu.memory_space<hbm>>
        %dma_start3A_538 = arith.constant 0 : i32
        %dma_start3A_539 = tpu.memref_slice %arg13[%add3A_511, %dma_start3A_538] : memref<256x32xf32, #tpu.memory_space<vmem>> -> memref<1x32xf32, #tpu.memory_space<vmem>>
        %dma_start3A_540 = arith.constant 0 : i32
        %dma_start3A_541 = tpu.memref_slice %arg6[%squeeze3A_533, %dma_start3A_540] : memref<1000000x32xf32, #tpu.memory_space<hbm>> -> memref<1x32xf32, #tpu.memory_space<hbm>>
        tpu.enqueue_dma source(%dma_start3A_541 : memref<1x32xf32, #tpu.memory_space<hbm>>) target(%dma_start3A_539 : memref<1x32xf32, #tpu.memory_space<vmem>>) target_semaphore(%arg16 : memref<!tpu.dma_semaphore, #tpu.memory_space<semaphore_mem>>)
        %add3A_542 = arith.constant 15 : i32
        %add3A_543 = arith.addi %mul3A_53, %add3A_542 : i32
        %slice3A_544 = vector.extract_strided_slice %get3A_56 {offsets = [15], sizes = [1], strides = [1]} : vector<16xi32> to vector<1xi32>
        %squeeze3A_545 = vector.extract %slice3A_544[0] : i32 from vector<1xi32>
        %dma_start3A_546 = arith.constant 0 : i32
        %dma_start3A_547 = tpu.memref_slice %arg11[%add3A_543, %dma_start3A_546] : memref<256x32xf32, #tpu.memory_space<vmem>> -> memref<1x32xf32, #tpu.memory_space<vmem>>
        %dma_start3A_548 = arith.constant 0 : i32
        %dma_start3A_549 = tpu.memref_slice %arg5[%squeeze3A_545, %dma_start3A_548] : memref<1000000x32xf32, #tpu.memory_space<hbm>> -> memref<1x32xf32, #tpu.memory_space<hbm>>
        %dma_start3A_550 = arith.constant 0 : i32
        %dma_start3A_551 = tpu.memref_slice %arg11[%add3A_543, %dma_start3A_550] : memref<256x32xf32, #tpu.memory_space<vmem>> -> memref<1x32xf32, #tpu.memory_space<vmem>>
        %dma_start3A_552 = arith.constant 0 : i32
        %dma_start3A_553 = tpu.memref_slice %arg5[%squeeze3A_545, %dma_start3A_552] : memref<1000000x32xf32, #tpu.memory_space<hbm>> -> memref<1x32xf32, #tpu.memory_space<hbm>>
        tpu.enqueue_dma source(%dma_start3A_553 : memref<1x32xf32, #tpu.memory_space<hbm>>) target(%dma_start3A_551 : memref<1x32xf32, #tpu.memory_space<vmem>>) target_semaphore(%arg16 : memref<!tpu.dma_semaphore, #tpu.memory_space<semaphore_mem>>)
        %slice3A_554 = vector.extract_strided_slice %get3A_60 {offsets = [15], sizes = [1], strides = [1]} : vector<16xi32> to vector<1xi32>
        %squeeze3A_555 = vector.extract %slice3A_554[0] : i32 from vector<1xi32>
        %dma_start3A_556 = arith.constant 0 : i32
        %dma_start3A_557 = tpu.memref_slice %arg12[%add3A_543, %dma_start3A_556] : memref<256x32xf32, #tpu.memory_space<vmem>> -> memref<1x32xf32, #tpu.memory_space<vmem>>
        %dma_start3A_558 = arith.constant 0 : i32
        %dma_start3A_559 = tpu.memref_slice %arg6[%squeeze3A_555, %dma_start3A_558] : memref<1000000x32xf32, #tpu.memory_space<hbm>> -> memref<1x32xf32, #tpu.memory_space<hbm>>
        %dma_start3A_560 = arith.constant 0 : i32
        %dma_start3A_561 = tpu.memref_slice %arg12[%add3A_543, %dma_start3A_560] : memref<256x32xf32, #tpu.memory_space<vmem>> -> memref<1x32xf32, #tpu.memory_space<vmem>>
        %dma_start3A_562 = arith.constant 0 : i32
        %dma_start3A_563 = tpu.memref_slice %arg6[%squeeze3A_555, %dma_start3A_562] : memref<1000000x32xf32, #tpu.memory_space<hbm>> -> memref<1x32xf32, #tpu.memory_space<hbm>>
        tpu.enqueue_dma source(%dma_start3A_563 : memref<1x32xf32, #tpu.memory_space<hbm>>) target(%dma_start3A_561 : memref<1x32xf32, #tpu.memory_space<vmem>>) target_semaphore(%arg16 : memref<!tpu.dma_semaphore, #tpu.memory_space<semaphore_mem>>)
        %slice3A_564 = vector.extract_strided_slice %get3A_64 {offsets = [15], sizes = [1], strides = [1]} : vector<16xi32> to vector<1xi32>
        %squeeze3A_565 = vector.extract %slice3A_564[0] : i32 from vector<1xi32>
        %dma_start3A_566 = arith.constant 0 : i32
        %dma_start3A_567 = tpu.memref_slice %arg13[%add3A_543, %dma_start3A_566] : memref<256x32xf32, #tpu.memory_space<vmem>> -> memref<1x32xf32, #tpu.memory_space<vmem>>
        %dma_start3A_568 = arith.constant 0 : i32
        %dma_start3A_569 = tpu.memref_slice %arg6[%squeeze3A_565, %dma_start3A_568] : memref<1000000x32xf32, #tpu.memory_space<hbm>> -> memref<1x32xf32, #tpu.memory_space<hbm>>
        %dma_start3A_570 = arith.constant 0 : i32
        %dma_start3A_571 = tpu.memref_slice %arg13[%add3A_543, %dma_start3A_570] : memref<256x32xf32, #tpu.memory_space<vmem>> -> memref<1x32xf32, #tpu.memory_space<vmem>>
        %dma_start3A_572 = arith.constant 0 : i32
        %dma_start3A_573 = tpu.memref_slice %arg6[%squeeze3A_565, %dma_start3A_572] : memref<1000000x32xf32, #tpu.memory_space<hbm>> -> memref<1x32xf32, #tpu.memory_space<hbm>>
        tpu.enqueue_dma source(%dma_start3A_573 : memref<1x32xf32, #tpu.memory_space<hbm>>) target(%dma_start3A_571 : memref<1x32xf32, #tpu.memory_space<vmem>>) target_semaphore(%arg16 : memref<!tpu.dma_semaphore, #tpu.memory_space<semaphore_mem>>)
      }
      %while3A_45 = arith.constant 1 : i32
      scf.for %while3A_51 = %while3A_43 to %while3A_39 step %while3A_45  : i32 {
        %mul3A_52 = arith.constant 16 : i32
        %mul3A_53 = arith.muli %while3A_51, %mul3A_52 : i32
        %add3A_54 = arith.constant 256 : i32
        %add3A_55 = arith.addi %add3A_54, %mul3A_53 : i32
        %get3A = arith.index_cast %add3A_55 : i32 to index
        %get3A_56 = tpu.vector_load %arg8[%get3A] {strides = array<i32>} : memref<512xi32, #tpu.memory_space<vmem>>, vector<16xi32>,
        %add3A_57 = arith.constant 256 : i32
        %add3A_58 = arith.addi %add3A_57, %mul3A_53 : i32
        %get3A_59 = arith.index_cast %add3A_58 : i32 to index
        %get3A_60 = tpu.vector_load %arg9[%get3A_59] {strides = array<i32>} : memref<512xi32, #tpu.memory_space<vmem>>, vector<16xi32>,
        %add3A_61 = arith.constant 256 : i32
        %add3A_62 = arith.addi %add3A_61, %mul3A_53 : i32
        %get3A_63 = arith.index_cast %add3A_62 : i32 to index
        %get3A_64 = tpu.vector_load %arg10[%get3A_63] {strides = array<i32>} : memref<512xi32, #tpu.memory_space<vmem>>, vector<16xi32>,
        %add3A_65 = arith.constant 0 : i32
        %add3A_66 = arith.addi %mul3A_53, %add3A_65 : i32
        %slice3A = vector.extract_strided_slice %get3A_56 {offsets = [0], sizes = [1], strides = [1]} : vector<16xi32> to vector<1xi32>
        %squeeze3A = vector.extract %slice3A[0] : i32 from vector<1xi32>
        %dma_start3A = arith.constant 0 : i32
        %dma_start3A_67 = tpu.memref_slice %arg11[%add3A_66, %dma_start3A] : memref<256x32xf32, #tpu.memory_space<vmem>> -> memref<1x32xf32, #tpu.memory_space<vmem>>
        %dma_start3A_68 = arith.constant 0 : i32
        %dma_start3A_69 = tpu.memref_slice %arg5[%squeeze3A, %dma_start3A_68] : memref<1000000x32xf32, #tpu.memory_space<hbm>> -> memref<1x32xf32, #tpu.memory_space<hbm>>
        %dma_start3A_70 = arith.constant 0 : i32
        %dma_start3A_71 = tpu.memref_slice %arg11[%add3A_66, %dma_start3A_70] : memref<256x32xf32, #tpu.memory_space<vmem>> -> memref<1x32xf32, #tpu.memory_space<vmem>>
        %dma_start3A_72 = arith.constant 0 : i32
        %dma_start3A_73 = tpu.memref_slice %arg5[%squeeze3A, %dma_start3A_72] : memref<1000000x32xf32, #tpu.memory_space<hbm>> -> memref<1x32xf32, #tpu.memory_space<hbm>>
        tpu.enqueue_dma source(%dma_start3A_73 : memref<1x32xf32, #tpu.memory_space<hbm>>) target(%dma_start3A_71 : memref<1x32xf32, #tpu.memory_space<vmem>>) target_semaphore(%arg16 : memref<!tpu.dma_semaphore, #tpu.memory_space<semaphore_mem>>)
        %slice3A_74 = vector.extract_strided_slice %get3A_60 {offsets = [0], sizes = [1], strides = [1]} : vector<16xi32> to vector<1xi32>
        %squeeze3A_75 = vector.extract %slice3A_74[0] : i32 from vector<1xi32>
        %dma_start3A_76 = arith.constant 0 : i32
        %dma_start3A_77 = tpu.memref_slice %arg12[%add3A_66, %dma_start3A_76] : memref<256x32xf32, #tpu.memory_space<vmem>> -> memref<1x32xf32, #tpu.memory_space<vmem>>
        %dma_start3A_78 = arith.constant 0 : i32
        %dma_start3A_79 = tpu.memref_slice %arg6[%squeeze3A_75, %dma_start3A_78] : memref<1000000x32xf32, #tpu.memory_space<hbm>> -> memref<1x32xf32, #tpu.memory_space<hbm>>
        %dma_start3A_80 = arith.constant 0 : i32
        %dma_start3A_81 = tpu.memref_slice %arg12[%add3A_66, %dma_start3A_80] : memref<256x32xf32, #tpu.memory_space<vmem>> -> memref<1x32xf32, #tpu.memory_space<vmem>>
        %dma_start3A_82 = arith.constant 0 : i32
        %dma_start3A_83 = tpu.memref_slice %arg6[%squeeze3A_75, %dma_start3A_82] : memref<1000000x32xf32, #tpu.memory_space<hbm>> -> memref<1x32xf32, #tpu.memory_space<hbm>>
        tpu.enqueue_dma source(%dma_start3A_83 : memref<1x32xf32, #tpu.memory_space<hbm>>) target(%dma_start3A_81 : memref<1x32xf32, #tpu.memory_space<vmem>>) target_semaphore(%arg16 : memref<!tpu.dma_semaphore, #tpu.memory_space<semaphore_mem>>)
        %slice3A_84 = vector.extract_strided_slice %get3A_64 {offsets = [0], sizes = [1], strides = [1]} : vector<16xi32> to vector<1xi32>
        %squeeze3A_85 = vector.extract %slice3A_84[0] : i32 from vector<1xi32>
        %dma_start3A_86 = arith.constant 0 : i32
        %dma_start3A_87 = tpu.memref_slice %arg13[%add3A_66, %dma_start3A_86] : memref<256x32xf32, #tpu.memory_space<vmem>> -> memref<1x32xf32, #tpu.memory_space<vmem>>
        %dma_start3A_88 = arith.constant 0 : i32
        %dma_start3A_89 = tpu.memref_slice %arg6[%squeeze3A_85, %dma_start3A_88] : memref<1000000x32xf32, #tpu.memory_space<hbm>> -> memref<1x32xf32, #tpu.memory_space<hbm>>
        %dma_start3A_90 = arith.constant 0 : i32
        %dma_start3A_91 = tpu.memref_slice %arg13[%add3A_66, %dma_start3A_90] : memref<256x32xf32, #tpu.memory_space<vmem>> -> memref<1x32xf32, #tpu.memory_space<vmem>>
        %dma_start3A_92 = arith.constant 0 : i32
        %dma_start3A_93 = tpu.memref_slice %arg6[%squeeze3A_85, %dma_start3A_92] : memref<1000000x32xf32, #tpu.memory_space<hbm>> -> memref<1x32xf32, #tpu.memory_space<hbm>>
        tpu.enqueue_dma source(%dma_start3A_93 : memref<1x32xf32, #tpu.memory_space<hbm>>) target(%dma_start3A_91 : memref<1x32xf32, #tpu.memory_space<vmem>>) target_semaphore(%arg16 : memref<!tpu.dma_semaphore, #tpu.memory_space<semaphore_mem>>)
        %add3A_94 = arith.constant 1 : i32
        %add3A_95 = arith.addi %mul3A_53, %add3A_94 : i32
        %slice3A_96 = vector.extract_strided_slice %get3A_56 {offsets = [1], sizes = [1], strides = [1]} : vector<16xi32> to vector<1xi32>
        %squeeze3A_97 = vector.extract %slice3A_96[0] : i32 from vector<1xi32>
        %dma_start3A_98 = arith.constant 0 : i32
        %dma_start3A_99 = tpu.memref_slice %arg11[%add3A_95, %dma_start3A_98] : memref<256x32xf32, #tpu.memory_space<vmem>> -> memref<1x32xf32, #tpu.memory_space<vmem>>
        %dma_start3A_100 = arith.constant 0 : i32
        %dma_start3A_101 = tpu.memref_slice %arg5[%squeeze3A_97, %dma_start3A_100] : memref<1000000x32xf32, #tpu.memory_space<hbm>> -> memref<1x32xf32, #tpu.memory_space<hbm>>
        %dma_start3A_102 = arith.constant 0 : i32
        %dma_start3A_103 = tpu.memref_slice %arg11[%add3A_95, %dma_start3A_102] : memref<256x32xf32, #tpu.memory_space<vmem>> -> memref<1x32xf32, #tpu.memory_space<vmem>>
        %dma_start3A_104 = arith.constant 0 : i32
        %dma_start3A_105 = tpu.memref_slice %arg5[%squeeze3A_97, %dma_start3A_104] : memref<1000000x32xf32, #tpu.memory_space<hbm>> -> memref<1x32xf32, #tpu.memory_space<hbm>>
        tpu.enqueue_dma source(%dma_start3A_105 : memref<1x32xf32, #tpu.memory_space<hbm>>) target(%dma_start3A_103 : memref<1x32xf32, #tpu.memory_space<vmem>>) target_semaphore(%arg16 : memref<!tpu.dma_semaphore, #tpu.memory_space<semaphore_mem>>)
        %slice3A_106 = vector.extract_strided_slice %get3A_60 {offsets = [1], sizes = [1], strides = [1]} : vector<16xi32> to vector<1xi32>
        %squeeze3A_107 = vector.extract %slice3A_106[0] : i32 from vector<1xi32>
        %dma_start3A_108 = arith.constant 0 : i32
        %dma_start3A_109 = tpu.memref_slice %arg12[%add3A_95, %dma_start3A_108] : memref<256x32xf32, #tpu.memory_space<vmem>> -> memref<1x32xf32, #tpu.memory_space<vmem>>
        %dma_start3A_110 = arith.constant 0 : i32
        %dma_start3A_111 = tpu.memref_slice %arg6[%squeeze3A_107, %dma_start3A_110] : memref<1000000x32xf32, #tpu.memory_space<hbm>> -> memref<1x32xf32, #tpu.memory_space<hbm>>
        %dma_start3A_112 = arith.constant 0 : i32
        %dma_start3A_113 = tpu.memref_slice %arg12[%add3A_95, %dma_start3A_112] : memref<256x32xf32, #tpu.memory_space<vmem>> -> memref<1x32xf32, #tpu.memory_space<vmem>>
        %dma_start3A_114 = arith.constant 0 : i32
        %dma_start3A_115 = tpu.memref_slice %arg6[%squeeze3A_107, %dma_start3A_114] : memref<1000000x32xf32, #tpu.memory_space<hbm>> -> memref<1x32xf32, #tpu.memory_space<hbm>>
        tpu.enqueue_dma source(%dma_start3A_115 : memref<1x32xf32, #tpu.memory_space<hbm>>) target(%dma_start3A_113 : memref<1x32xf32, #tpu.memory_space<vmem>>) target_semaphore(%arg16 : memref<!tpu.dma_semaphore, #tpu.memory_space<semaphore_mem>>)
        %slice3A_116 = vector.extract_strided_slice %get3A_64 {offsets = [1], sizes = [1], strides = [1]} : vector<16xi32> to vector<1xi32>
        %squeeze3A_117 = vector.extract %slice3A_116[0] : i32 from vector<1xi32>
        %dma_start3A_118 = arith.constant 0 : i32
        %dma_start3A_119 = tpu.memref_slice %arg13[%add3A_95, %dma_start3A_118] : memref<256x32xf32, #tpu.memory_space<vmem>> -> memref<1x32xf32, #tpu.memory_space<vmem>>
        %dma_start3A_120 = arith.constant 0 : i32
        %dma_start3A_121 = tpu.memref_slice %arg6[%squeeze3A_117, %dma_start3A_120] : memref<1000000x32xf32, #tpu.memory_space<hbm>> -> memref<1x32xf32, #tpu.memory_space<hbm>>
        %dma_start3A_122 = arith.constant 0 : i32
        %dma_start3A_123 = tpu.memref_slice %arg13[%add3A_95, %dma_start3A_122] : memref<256x32xf32, #tpu.memory_space<vmem>> -> memref<1x32xf32, #tpu.memory_space<vmem>>
        %dma_start3A_124 = arith.constant 0 : i32
        %dma_start3A_125 = tpu.memref_slice %arg6[%squeeze3A_117, %dma_start3A_124] : memref<1000000x32xf32, #tpu.memory_space<hbm>> -> memref<1x32xf32, #tpu.memory_space<hbm>>
        tpu.enqueue_dma source(%dma_start3A_125 : memref<1x32xf32, #tpu.memory_space<hbm>>) target(%dma_start3A_123 : memref<1x32xf32, #tpu.memory_space<vmem>>) target_semaphore(%arg16 : memref<!tpu.dma_semaphore, #tpu.memory_space<semaphore_mem>>)
        %add3A_126 = arith.constant 2 : i32
        %add3A_127 = arith.addi %mul3A_53, %add3A_126 : i32
        %slice3A_128 = vector.extract_strided_slice %get3A_56 {offsets = [2], sizes = [1], strides = [1]} : vector<16xi32> to vector<1xi32>
        %squeeze3A_129 = vector.extract %slice3A_128[0] : i32 from vector<1xi32>
        %dma_start3A_130 = arith.constant 0 : i32
        %dma_start3A_131 = tpu.memref_slice %arg11[%add3A_127, %dma_start3A_130] : memref<256x32xf32, #tpu.memory_space<vmem>> -> memref<1x32xf32, #tpu.memory_space<vmem>>
        %dma_start3A_132 = arith.constant 0 : i32
        %dma_start3A_133 = tpu.memref_slice %arg5[%squeeze3A_129, %dma_start3A_132] : memref<1000000x32xf32, #tpu.memory_space<hbm>> -> memref<1x32xf32, #tpu.memory_space<hbm>>
        %dma_start3A_134 = arith.constant 0 : i32
        %dma_start3A_135 = tpu.memref_slice %arg11[%add3A_127, %dma_start3A_134] : memref<256x32xf32, #tpu.memory_space<vmem>> -> memref<1x32xf32, #tpu.memory_space<vmem>>
        %dma_start3A_136 = arith.constant 0 : i32
        %dma_start3A_137 = tpu.memref_slice %arg5[%squeeze3A_129, %dma_start3A_136] : memref<1000000x32xf32, #tpu.memory_space<hbm>> -> memref<1x32xf32, #tpu.memory_space<hbm>>
        tpu.enqueue_dma source(%dma_start3A_137 : memref<1x32xf32, #tpu.memory_space<hbm>>) target(%dma_start3A_135 : memref<1x32xf32, #tpu.memory_space<vmem>>) target_semaphore(%arg16 : memref<!tpu.dma_semaphore, #tpu.memory_space<semaphore_mem>>)
        %slice3A_138 = vector.extract_strided_slice %get3A_60 {offsets = [2], sizes = [1], strides = [1]} : vector<16xi32> to vector<1xi32>
        %squeeze3A_139 = vector.extract %slice3A_138[0] : i32 from vector<1xi32>
        %dma_start3A_140 = arith.constant 0 : i32
        %dma_start3A_141 = tpu.memref_slice %arg12[%add3A_127, %dma_start3A_140] : memref<256x32xf32, #tpu.memory_space<vmem>> -> memref<1x32xf32, #tpu.memory_space<vmem>>
        %dma_start3A_142 = arith.constant 0 : i32
        %dma_start3A_143 = tpu.memref_slice %arg6[%squeeze3A_139, %dma_start3A_142] : memref<1000000x32xf32, #tpu.memory_space<hbm>> -> memref<1x32xf32, #tpu.memory_space<hbm>>
        %dma_start3A_144 = arith.constant 0 : i32
        %dma_start3A_145 = tpu.memref_slice %arg12[%add3A_127, %dma_start3A_144] : memref<256x32xf32, #tpu.memory_space<vmem>> -> memref<1x32xf32, #tpu.memory_space<vmem>>
        %dma_start3A_146 = arith.constant 0 : i32
        %dma_start3A_147 = tpu.memref_slice %arg6[%squeeze3A_139, %dma_start3A_146] : memref<1000000x32xf32, #tpu.memory_space<hbm>> -> memref<1x32xf32, #tpu.memory_space<hbm>>
        tpu.enqueue_dma source(%dma_start3A_147 : memref<1x32xf32, #tpu.memory_space<hbm>>) target(%dma_start3A_145 : memref<1x32xf32, #tpu.memory_space<vmem>>) target_semaphore(%arg16 : memref<!tpu.dma_semaphore, #tpu.memory_space<semaphore_mem>>)
        %slice3A_148 = vector.extract_strided_slice %get3A_64 {offsets = [2], sizes = [1], strides = [1]} : vector<16xi32> to vector<1xi32>
        %squeeze3A_149 = vector.extract %slice3A_148[0] : i32 from vector<1xi32>
        %dma_start3A_150 = arith.constant 0 : i32
        %dma_start3A_151 = tpu.memref_slice %arg13[%add3A_127, %dma_start3A_150] : memref<256x32xf32, #tpu.memory_space<vmem>> -> memref<1x32xf32, #tpu.memory_space<vmem>>
        %dma_start3A_152 = arith.constant 0 : i32
        %dma_start3A_153 = tpu.memref_slice %arg6[%squeeze3A_149, %dma_start3A_152] : memref<1000000x32xf32, #tpu.memory_space<hbm>> -> memref<1x32xf32, #tpu.memory_space<hbm>>
        %dma_start3A_154 = arith.constant 0 : i32
        %dma_start3A_155 = tpu.memref_slice %arg13[%add3A_127, %dma_start3A_154] : memref<256x32xf32, #tpu.memory_space<vmem>> -> memref<1x32xf32, #tpu.memory_space<vmem>>
        %dma_start3A_156 = arith.constant 0 : i32
        %dma_start3A_157 = tpu.memref_slice %arg6[%squeeze3A_149, %dma_start3A_156] : memref<1000000x32xf32, #tpu.memory_space<hbm>> -> memref<1x32xf32, #tpu.memory_space<hbm>>
        tpu.enqueue_dma source(%dma_start3A_157 : memref<1x32xf32, #tpu.memory_space<hbm>>) target(%dma_start3A_155 : memref<1x32xf32, #tpu.memory_space<vmem>>) target_semaphore(%arg16 : memref<!tpu.dma_semaphore, #tpu.memory_space<semaphore_mem>>)
        %add3A_158 = arith.constant 3 : i32
        %add3A_159 = arith.addi %mul3A_53, %add3A_158 : i32
        %slice3A_160 = vector.extract_strided_slice %get3A_56 {offsets = [3], sizes = [1], strides = [1]} : vector<16xi32> to vector<1xi32>
        %squeeze3A_161 = vector.extract %slice3A_160[0] : i32 from vector<1xi32>
        %dma_start3A_162 = arith.constant 0 : i32
        %dma_start3A_163 = tpu.memref_slice %arg11[%add3A_159, %dma_start3A_162] : memref<256x32xf32, #tpu.memory_space<vmem>> -> memref<1x32xf32, #tpu.memory_space<vmem>>
        %dma_start3A_164 = arith.constant 0 : i32
        %dma_start3A_165 = tpu.memref_slice %arg5[%squeeze3A_161, %dma_start3A_164] : memref<1000000x32xf32, #tpu.memory_space<hbm>> -> memref<1x32xf32, #tpu.memory_space<hbm>>
        %dma_start3A_166 = arith.constant 0 : i32
        %dma_start3A_167 = tpu.memref_slice %arg11[%add3A_159, %dma_start3A_166] : memref<256x32xf32, #tpu.memory_space<vmem>> -> memref<1x32xf32, #tpu.memory_space<vmem>>
        %dma_start3A_168 = arith.constant 0 : i32
        %dma_start3A_169 = tpu.memref_slice %arg5[%squeeze3A_161, %dma_start3A_168] : memref<1000000x32xf32, #tpu.memory_space<hbm>> -> memref<1x32xf32, #tpu.memory_space<hbm>>
        tpu.enqueue_dma source(%dma_start3A_169 : memref<1x32xf32, #tpu.memory_space<hbm>>) target(%dma_start3A_167 : memref<1x32xf32, #tpu.memory_space<vmem>>) target_semaphore(%arg16 : memref<!tpu.dma_semaphore, #tpu.memory_space<semaphore_mem>>)
        %slice3A_170 = vector.extract_strided_slice %get3A_60 {offsets = [3], sizes = [1], strides = [1]} : vector<16xi32> to vector<1xi32>
        %squeeze3A_171 = vector.extract %slice3A_170[0] : i32 from vector<1xi32>
        %dma_start3A_172 = arith.constant 0 : i32
        %dma_start3A_173 = tpu.memref_slice %arg12[%add3A_159, %dma_start3A_172] : memref<256x32xf32, #tpu.memory_space<vmem>> -> memref<1x32xf32, #tpu.memory_space<vmem>>
        %dma_start3A_174 = arith.constant 0 : i32
        %dma_start3A_175 = tpu.memref_slice %arg6[%squeeze3A_171, %dma_start3A_174] : memref<1000000x32xf32, #tpu.memory_space<hbm>> -> memref<1x32xf32, #tpu.memory_space<hbm>>
        %dma_start3A_176 = arith.constant 0 : i32
        %dma_start3A_177 = tpu.memref_slice %arg12[%add3A_159, %dma_start3A_176] : memref<256x32xf32, #tpu.memory_space<vmem>> -> memref<1x32xf32, #tpu.memory_space<vmem>>
        %dma_start3A_178 = arith.constant 0 : i32
        %dma_start3A_179 = tpu.memref_slice %arg6[%squeeze3A_171, %dma_start3A_178] : memref<1000000x32xf32, #tpu.memory_space<hbm>> -> memref<1x32xf32, #tpu.memory_space<hbm>>
        tpu.enqueue_dma source(%dma_start3A_179 : memref<1x32xf32, #tpu.memory_space<hbm>>) target(%dma_start3A_177 : memref<1x32xf32, #tpu.memory_space<vmem>>) target_semaphore(%arg16 : memref<!tpu.dma_semaphore, #tpu.memory_space<semaphore_mem>>)
        %slice3A_180 = vector.extract_strided_slice %get3A_64 {offsets = [3], sizes = [1], strides = [1]} : vector<16xi32> to vector<1xi32>
        %squeeze3A_181 = vector.extract %slice3A_180[0] : i32 from vector<1xi32>
        %dma_start3A_182 = arith.constant 0 : i32
        %dma_start3A_183 = tpu.memref_slice %arg13[%add3A_159, %dma_start3A_182] : memref<256x32xf32, #tpu.memory_space<vmem>> -> memref<1x32xf32, #tpu.memory_space<vmem>>
        %dma_start3A_184 = arith.constant 0 : i32
        %dma_start3A_185 = tpu.memref_slice %arg6[%squeeze3A_181, %dma_start3A_184] : memref<1000000x32xf32, #tpu.memory_space<hbm>> -> memref<1x32xf32, #tpu.memory_space<hbm>>
        %dma_start3A_186 = arith.constant 0 : i32
        %dma_start3A_187 = tpu.memref_slice %arg13[%add3A_159, %dma_start3A_186] : memref<256x32xf32, #tpu.memory_space<vmem>> -> memref<1x32xf32, #tpu.memory_space<vmem>>
        %dma_start3A_188 = arith.constant 0 : i32
        %dma_start3A_189 = tpu.memref_slice %arg6[%squeeze3A_181, %dma_start3A_188] : memref<1000000x32xf32, #tpu.memory_space<hbm>> -> memref<1x32xf32, #tpu.memory_space<hbm>>
        tpu.enqueue_dma source(%dma_start3A_189 : memref<1x32xf32, #tpu.memory_space<hbm>>) target(%dma_start3A_187 : memref<1x32xf32, #tpu.memory_space<vmem>>) target_semaphore(%arg16 : memref<!tpu.dma_semaphore, #tpu.memory_space<semaphore_mem>>)
        %add3A_190 = arith.constant 4 : i32
        %add3A_191 = arith.addi %mul3A_53, %add3A_190 : i32
        %slice3A_192 = vector.extract_strided_slice %get3A_56 {offsets = [4], sizes = [1], strides = [1]} : vector<16xi32> to vector<1xi32>
        %squeeze3A_193 = vector.extract %slice3A_192[0] : i32 from vector<1xi32>
        %dma_start3A_194 = arith.constant 0 : i32
        %dma_start3A_195 = tpu.memref_slice %arg11[%add3A_191, %dma_start3A_194] : memref<256x32xf32, #tpu.memory_space<vmem>> -> memref<1x32xf32, #tpu.memory_space<vmem>>
        %dma_start3A_196 = arith.constant 0 : i32
        %dma_start3A_197 = tpu.memref_slice %arg5[%squeeze3A_193, %dma_start3A_196] : memref<1000000x32xf32, #tpu.memory_space<hbm>> -> memref<1x32xf32, #tpu.memory_space<hbm>>
        %dma_start3A_198 = arith.constant 0 : i32
        %dma_start3A_199 = tpu.memref_slice %arg11[%add3A_191, %dma_start3A_198] : memref<256x32xf32, #tpu.memory_space<vmem>> -> memref<1x32xf32, #tpu.memory_space<vmem>>
        %dma_start3A_200 = arith.constant 0 : i32
        %dma_start3A_201 = tpu.memref_slice %arg5[%squeeze3A_193, %dma_start3A_200] : memref<1000000x32xf32, #tpu.memory_space<hbm>> -> memref<1x32xf32, #tpu.memory_space<hbm>>
        tpu.enqueue_dma source(%dma_start3A_201 : memref<1x32xf32, #tpu.memory_space<hbm>>) target(%dma_start3A_199 : memref<1x32xf32, #tpu.memory_space<vmem>>) target_semaphore(%arg16 : memref<!tpu.dma_semaphore, #tpu.memory_space<semaphore_mem>>)
        %slice3A_202 = vector.extract_strided_slice %get3A_60 {offsets = [4], sizes = [1], strides = [1]} : vector<16xi32> to vector<1xi32>
        %squeeze3A_203 = vector.extract %slice3A_202[0] : i32 from vector<1xi32>
        %dma_start3A_204 = arith.constant 0 : i32
        %dma_start3A_205 = tpu.memref_slice %arg12[%add3A_191, %dma_start3A_204] : memref<256x32xf32, #tpu.memory_space<vmem>> -> memref<1x32xf32, #tpu.memory_space<vmem>>
        %dma_start3A_206 = arith.constant 0 : i32
        %dma_start3A_207 = tpu.memref_slice %arg6[%squeeze3A_203, %dma_start3A_206] : memref<1000000x32xf32, #tpu.memory_space<hbm>> -> memref<1x32xf32, #tpu.memory_space<hbm>>
        %dma_start3A_208 = arith.constant 0 : i32
        %dma_start3A_209 = tpu.memref_slice %arg12[%add3A_191, %dma_start3A_208] : memref<256x32xf32, #tpu.memory_space<vmem>> -> memref<1x32xf32, #tpu.memory_space<vmem>>
        %dma_start3A_210 = arith.constant 0 : i32
        %dma_start3A_211 = tpu.memref_slice %arg6[%squeeze3A_203, %dma_start3A_210] : memref<1000000x32xf32, #tpu.memory_space<hbm>> -> memref<1x32xf32, #tpu.memory_space<hbm>>
        tpu.enqueue_dma source(%dma_start3A_211 : memref<1x32xf32, #tpu.memory_space<hbm>>) target(%dma_start3A_209 : memref<1x32xf32, #tpu.memory_space<vmem>>) target_semaphore(%arg16 : memref<!tpu.dma_semaphore, #tpu.memory_space<semaphore_mem>>)
        %slice3A_212 = vector.extract_strided_slice %get3A_64 {offsets = [4], sizes = [1], strides = [1]} : vector<16xi32> to vector<1xi32>
        %squeeze3A_213 = vector.extract %slice3A_212[0] : i32 from vector<1xi32>
        %dma_start3A_214 = arith.constant 0 : i32
        %dma_start3A_215 = tpu.memref_slice %arg13[%add3A_191, %dma_start3A_214] : memref<256x32xf32, #tpu.memory_space<vmem>> -> memref<1x32xf32, #tpu.memory_space<vmem>>
        %dma_start3A_216 = arith.constant 0 : i32
        %dma_start3A_217 = tpu.memref_slice %arg6[%squeeze3A_213, %dma_start3A_216] : memref<1000000x32xf32, #tpu.memory_space<hbm>> -> memref<1x32xf32, #tpu.memory_space<hbm>>
        %dma_start3A_218 = arith.constant 0 : i32
        %dma_start3A_219 = tpu.memref_slice %arg13[%add3A_191, %dma_start3A_218] : memref<256x32xf32, #tpu.memory_space<vmem>> -> memref<1x32xf32, #tpu.memory_space<vmem>>
        %dma_start3A_220 = arith.constant 0 : i32
        %dma_start3A_221 = tpu.memref_slice %arg6[%squeeze3A_213, %dma_start3A_220] : memref<1000000x32xf32, #tpu.memory_space<hbm>> -> memref<1x32xf32, #tpu.memory_space<hbm>>
        tpu.enqueue_dma source(%dma_start3A_221 : memref<1x32xf32, #tpu.memory_space<hbm>>) target(%dma_start3A_219 : memref<1x32xf32, #tpu.memory_space<vmem>>) target_semaphore(%arg16 : memref<!tpu.dma_semaphore, #tpu.memory_space<semaphore_mem>>)
        %add3A_222 = arith.constant 5 : i32
        %add3A_223 = arith.addi %mul3A_53, %add3A_222 : i32
        %slice3A_224 = vector.extract_strided_slice %get3A_56 {offsets = [5], sizes = [1], strides = [1]} : vector<16xi32> to vector<1xi32>
        %squeeze3A_225 = vector.extract %slice3A_224[0] : i32 from vector<1xi32>
        %dma_start3A_226 = arith.constant 0 : i32
        %dma_start3A_227 = tpu.memref_slice %arg11[%add3A_223, %dma_start3A_226] : memref<256x32xf32, #tpu.memory_space<vmem>> -> memref<1x32xf32, #tpu.memory_space<vmem>>
        %dma_start3A_228 = arith.constant 0 : i32
        %dma_start3A_229 = tpu.memref_slice %arg5[%squeeze3A_225, %dma_start3A_228] : memref<1000000x32xf32, #tpu.memory_space<hbm>> -> memref<1x32xf32, #tpu.memory_space<hbm>>
        %dma_start3A_230 = arith.constant 0 : i32
        %dma_start3A_231 = tpu.memref_slice %arg11[%add3A_223, %dma_start3A_230] : memref<256x32xf32, #tpu.memory_space<vmem>> -> memref<1x32xf32, #tpu.memory_space<vmem>>
        %dma_start3A_232 = arith.constant 0 : i32
        %dma_start3A_233 = tpu.memref_slice %arg5[%squeeze3A_225, %dma_start3A_232] : memref<1000000x32xf32, #tpu.memory_space<hbm>> -> memref<1x32xf32, #tpu.memory_space<hbm>>
        tpu.enqueue_dma source(%dma_start3A_233 : memref<1x32xf32, #tpu.memory_space<hbm>>) target(%dma_start3A_231 : memref<1x32xf32, #tpu.memory_space<vmem>>) target_semaphore(%arg16 : memref<!tpu.dma_semaphore, #tpu.memory_space<semaphore_mem>>)
        %slice3A_234 = vector.extract_strided_slice %get3A_60 {offsets = [5], sizes = [1], strides = [1]} : vector<16xi32> to vector<1xi32>
        %squeeze3A_235 = vector.extract %slice3A_234[0] : i32 from vector<1xi32>
        %dma_start3A_236 = arith.constant 0 : i32
        %dma_start3A_237 = tpu.memref_slice %arg12[%add3A_223, %dma_start3A_236] : memref<256x32xf32, #tpu.memory_space<vmem>> -> memref<1x32xf32, #tpu.memory_space<vmem>>
        %dma_start3A_238 = arith.constant 0 : i32
        %dma_start3A_239 = tpu.memref_slice %arg6[%squeeze3A_235, %dma_start3A_238] : memref<1000000x32xf32, #tpu.memory_space<hbm>> -> memref<1x32xf32, #tpu.memory_space<hbm>>
        %dma_start3A_240 = arith.constant 0 : i32
        %dma_start3A_241 = tpu.memref_slice %arg12[%add3A_223, %dma_start3A_240] : memref<256x32xf32, #tpu.memory_space<vmem>> -> memref<1x32xf32, #tpu.memory_space<vmem>>
        %dma_start3A_242 = arith.constant 0 : i32
        %dma_start3A_243 = tpu.memref_slice %arg6[%squeeze3A_235, %dma_start3A_242] : memref<1000000x32xf32, #tpu.memory_space<hbm>> -> memref<1x32xf32, #tpu.memory_space<hbm>>
        tpu.enqueue_dma source(%dma_start3A_243 : memref<1x32xf32, #tpu.memory_space<hbm>>) target(%dma_start3A_241 : memref<1x32xf32, #tpu.memory_space<vmem>>) target_semaphore(%arg16 : memref<!tpu.dma_semaphore, #tpu.memory_space<semaphore_mem>>)
        %slice3A_244 = vector.extract_strided_slice %get3A_64 {offsets = [5], sizes = [1], strides = [1]} : vector<16xi32> to vector<1xi32>
        %squeeze3A_245 = vector.extract %slice3A_244[0] : i32 from vector<1xi32>
        %dma_start3A_246 = arith.constant 0 : i32
        %dma_start3A_247 = tpu.memref_slice %arg13[%add3A_223, %dma_start3A_246] : memref<256x32xf32, #tpu.memory_space<vmem>> -> memref<1x32xf32, #tpu.memory_space<vmem>>
        %dma_start3A_248 = arith.constant 0 : i32
        %dma_start3A_249 = tpu.memref_slice %arg6[%squeeze3A_245, %dma_start3A_248] : memref<1000000x32xf32, #tpu.memory_space<hbm>> -> memref<1x32xf32, #tpu.memory_space<hbm>>
        %dma_start3A_250 = arith.constant 0 : i32
        %dma_start3A_251 = tpu.memref_slice %arg13[%add3A_223, %dma_start3A_250] : memref<256x32xf32, #tpu.memory_space<vmem>> -> memref<1x32xf32, #tpu.memory_space<vmem>>
        %dma_start3A_252 = arith.constant 0 : i32
        %dma_start3A_253 = tpu.memref_slice %arg6[%squeeze3A_245, %dma_start3A_252] : memref<1000000x32xf32, #tpu.memory_space<hbm>> -> memref<1x32xf32, #tpu.memory_space<hbm>>
        tpu.enqueue_dma source(%dma_start3A_253 : memref<1x32xf32, #tpu.memory_space<hbm>>) target(%dma_start3A_251 : memref<1x32xf32, #tpu.memory_space<vmem>>) target_semaphore(%arg16 : memref<!tpu.dma_semaphore, #tpu.memory_space<semaphore_mem>>)
        %add3A_254 = arith.constant 6 : i32
        %add3A_255 = arith.addi %mul3A_53, %add3A_254 : i32
        %slice3A_256 = vector.extract_strided_slice %get3A_56 {offsets = [6], sizes = [1], strides = [1]} : vector<16xi32> to vector<1xi32>
        %squeeze3A_257 = vector.extract %slice3A_256[0] : i32 from vector<1xi32>
        %dma_start3A_258 = arith.constant 0 : i32
        %dma_start3A_259 = tpu.memref_slice %arg11[%add3A_255, %dma_start3A_258] : memref<256x32xf32, #tpu.memory_space<vmem>> -> memref<1x32xf32, #tpu.memory_space<vmem>>
        %dma_start3A_260 = arith.constant 0 : i32
        %dma_start3A_261 = tpu.memref_slice %arg5[%squeeze3A_257, %dma_start3A_260] : memref<1000000x32xf32, #tpu.memory_space<hbm>> -> memref<1x32xf32, #tpu.memory_space<hbm>>
        %dma_start3A_262 = arith.constant 0 : i32
        %dma_start3A_263 = tpu.memref_slice %arg11[%add3A_255, %dma_start3A_262] : memref<256x32xf32, #tpu.memory_space<vmem>> -> memref<1x32xf32, #tpu.memory_space<vmem>>
        %dma_start3A_264 = arith.constant 0 : i32
        %dma_start3A_265 = tpu.memref_slice %arg5[%squeeze3A_257, %dma_start3A_264] : memref<1000000x32xf32, #tpu.memory_space<hbm>> -> memref<1x32xf32, #tpu.memory_space<hbm>>
        tpu.enqueue_dma source(%dma_start3A_265 : memref<1x32xf32, #tpu.memory_space<hbm>>) target(%dma_start3A_263 : memref<1x32xf32, #tpu.memory_space<vmem>>) target_semaphore(%arg16 : memref<!tpu.dma_semaphore, #tpu.memory_space<semaphore_mem>>)
        %slice3A_266 = vector.extract_strided_slice %get3A_60 {offsets = [6], sizes = [1], strides = [1]} : vector<16xi32> to vector<1xi32>
        %squeeze3A_267 = vector.extract %slice3A_266[0] : i32 from vector<1xi32>
        %dma_start3A_268 = arith.constant 0 : i32
        %dma_start3A_269 = tpu.memref_slice %arg12[%add3A_255, %dma_start3A_268] : memref<256x32xf32, #tpu.memory_space<vmem>> -> memref<1x32xf32, #tpu.memory_space<vmem>>
        %dma_start3A_270 = arith.constant 0 : i32
        %dma_start3A_271 = tpu.memref_slice %arg6[%squeeze3A_267, %dma_start3A_270] : memref<1000000x32xf32, #tpu.memory_space<hbm>> -> memref<1x32xf32, #tpu.memory_space<hbm>>
        %dma_start3A_272 = arith.constant 0 : i32
        %dma_start3A_273 = tpu.memref_slice %arg12[%add3A_255, %dma_start3A_272] : memref<256x32xf32, #tpu.memory_space<vmem>> -> memref<1x32xf32, #tpu.memory_space<vmem>>
        %dma_start3A_274 = arith.constant 0 : i32
        %dma_start3A_275 = tpu.memref_slice %arg6[%squeeze3A_267, %dma_start3A_274] : memref<1000000x32xf32, #tpu.memory_space<hbm>> -> memref<1x32xf32, #tpu.memory_space<hbm>>
        tpu.enqueue_dma source(%dma_start3A_275 : memref<1x32xf32, #tpu.memory_space<hbm>>) target(%dma_start3A_273 : memref<1x32xf32, #tpu.memory_space<vmem>>) target_semaphore(%arg16 : memref<!tpu.dma_semaphore, #tpu.memory_space<semaphore_mem>>)
        %slice3A_276 = vector.extract_strided_slice %get3A_64 {offsets = [6], sizes = [1], strides = [1]} : vector<16xi32> to vector<1xi32>
        %squeeze3A_277 = vector.extract %slice3A_276[0] : i32 from vector<1xi32>
        %dma_start3A_278 = arith.constant 0 : i32
        %dma_start3A_279 = tpu.memref_slice %arg13[%add3A_255, %dma_start3A_278] : memref<256x32xf32, #tpu.memory_space<vmem>> -> memref<1x32xf32, #tpu.memory_space<vmem>>
        %dma_start3A_280 = arith.constant 0 : i32
        %dma_start3A_281 = tpu.memref_slice %arg6[%squeeze3A_277, %dma_start3A_280] : memref<1000000x32xf32, #tpu.memory_space<hbm>> -> memref<1x32xf32, #tpu.memory_space<hbm>>
        %dma_start3A_282 = arith.constant 0 : i32
        %dma_start3A_283 = tpu.memref_slice %arg13[%add3A_255, %dma_start3A_282] : memref<256x32xf32, #tpu.memory_space<vmem>> -> memref<1x32xf32, #tpu.memory_space<vmem>>
        %dma_start3A_284 = arith.constant 0 : i32
        %dma_start3A_285 = tpu.memref_slice %arg6[%squeeze3A_277, %dma_start3A_284] : memref<1000000x32xf32, #tpu.memory_space<hbm>> -> memref<1x32xf32, #tpu.memory_space<hbm>>
        tpu.enqueue_dma source(%dma_start3A_285 : memref<1x32xf32, #tpu.memory_space<hbm>>) target(%dma_start3A_283 : memref<1x32xf32, #tpu.memory_space<vmem>>) target_semaphore(%arg16 : memref<!tpu.dma_semaphore, #tpu.memory_space<semaphore_mem>>)
        %add3A_286 = arith.constant 7 : i32
        %add3A_287 = arith.addi %mul3A_53, %add3A_286 : i32
        %slice3A_288 = vector.extract_strided_slice %get3A_56 {offsets = [7], sizes = [1], strides = [1]} : vector<16xi32> to vector<1xi32>
        %squeeze3A_289 = vector.extract %slice3A_288[0] : i32 from vector<1xi32>
        %dma_start3A_290 = arith.constant 0 : i32
        %dma_start3A_291 = tpu.memref_slice %arg11[%add3A_287, %dma_start3A_290] : memref<256x32xf32, #tpu.memory_space<vmem>> -> memref<1x32xf32, #tpu.memory_space<vmem>>
        %dma_start3A_292 = arith.constant 0 : i32
        %dma_start3A_293 = tpu.memref_slice %arg5[%squeeze3A_289, %dma_start3A_292] : memref<1000000x32xf32, #tpu.memory_space<hbm>> -> memref<1x32xf32, #tpu.memory_space<hbm>>
        %dma_start3A_294 = arith.constant 0 : i32
        %dma_start3A_295 = tpu.memref_slice %arg11[%add3A_287, %dma_start3A_294] : memref<256x32xf32, #tpu.memory_space<vmem>> -> memref<1x32xf32, #tpu.memory_space<vmem>>
        %dma_start3A_296 = arith.constant 0 : i32
        %dma_start3A_297 = tpu.memref_slice %arg5[%squeeze3A_289, %dma_start3A_296] : memref<1000000x32xf32, #tpu.memory_space<hbm>> -> memref<1x32xf32, #tpu.memory_space<hbm>>
        tpu.enqueue_dma source(%dma_start3A_297 : memref<1x32xf32, #tpu.memory_space<hbm>>) target(%dma_start3A_295 : memref<1x32xf32, #tpu.memory_space<vmem>>) target_semaphore(%arg16 : memref<!tpu.dma_semaphore, #tpu.memory_space<semaphore_mem>>)
        %slice3A_298 = vector.extract_strided_slice %get3A_60 {offsets = [7], sizes = [1], strides = [1]} : vector<16xi32> to vector<1xi32>
        %squeeze3A_299 = vector.extract %slice3A_298[0] : i32 from vector<1xi32>
        %dma_start3A_300 = arith.constant 0 : i32
        %dma_start3A_301 = tpu.memref_slice %arg12[%add3A_287, %dma_start3A_300] : memref<256x32xf32, #tpu.memory_space<vmem>> -> memref<1x32xf32, #tpu.memory_space<vmem>>
        %dma_start3A_302 = arith.constant 0 : i32
        %dma_start3A_303 = tpu.memref_slice %arg6[%squeeze3A_299, %dma_start3A_302] : memref<1000000x32xf32, #tpu.memory_space<hbm>> -> memref<1x32xf32, #tpu.memory_space<hbm>>
        %dma_start3A_304 = arith.constant 0 : i32
        %dma_start3A_305 = tpu.memref_slice %arg12[%add3A_287, %dma_start3A_304] : memref<256x32xf32, #tpu.memory_space<vmem>> -> memref<1x32xf32, #tpu.memory_space<vmem>>
        %dma_start3A_306 = arith.constant 0 : i32
        %dma_start3A_307 = tpu.memref_slice %arg6[%squeeze3A_299, %dma_start3A_306] : memref<1000000x32xf32, #tpu.memory_space<hbm>> -> memref<1x32xf32, #tpu.memory_space<hbm>>
        tpu.enqueue_dma source(%dma_start3A_307 : memref<1x32xf32, #tpu.memory_space<hbm>>) target(%dma_start3A_305 : memref<1x32xf32, #tpu.memory_space<vmem>>) target_semaphore(%arg16 : memref<!tpu.dma_semaphore, #tpu.memory_space<semaphore_mem>>)
        %slice3A_308 = vector.extract_strided_slice %get3A_64 {offsets = [7], sizes = [1], strides = [1]} : vector<16xi32> to vector<1xi32>
        %squeeze3A_309 = vector.extract %slice3A_308[0] : i32 from vector<1xi32>
        %dma_start3A_310 = arith.constant 0 : i32
        %dma_start3A_311 = tpu.memref_slice %arg13[%add3A_287, %dma_start3A_310] : memref<256x32xf32, #tpu.memory_space<vmem>> -> memref<1x32xf32, #tpu.memory_space<vmem>>
        %dma_start3A_312 = arith.constant 0 : i32
        %dma_start3A_313 = tpu.memref_slice %arg6[%squeeze3A_309, %dma_start3A_312] : memref<1000000x32xf32, #tpu.memory_space<hbm>> -> memref<1x32xf32, #tpu.memory_space<hbm>>
        %dma_start3A_314 = arith.constant 0 : i32
        %dma_start3A_315 = tpu.memref_slice %arg13[%add3A_287, %dma_start3A_314] : memref<256x32xf32, #tpu.memory_space<vmem>> -> memref<1x32xf32, #tpu.memory_space<vmem>>
        %dma_start3A_316 = arith.constant 0 : i32
        %dma_start3A_317 = tpu.memref_slice %arg6[%squeeze3A_309, %dma_start3A_316] : memref<1000000x32xf32, #tpu.memory_space<hbm>> -> memref<1x32xf32, #tpu.memory_space<hbm>>
        tpu.enqueue_dma source(%dma_start3A_317 : memref<1x32xf32, #tpu.memory_space<hbm>>) target(%dma_start3A_315 : memref<1x32xf32, #tpu.memory_space<vmem>>) target_semaphore(%arg16 : memref<!tpu.dma_semaphore, #tpu.memory_space<semaphore_mem>>)
        %add3A_318 = arith.constant 8 : i32
        %add3A_319 = arith.addi %mul3A_53, %add3A_318 : i32
        %slice3A_320 = vector.extract_strided_slice %get3A_56 {offsets = [8], sizes = [1], strides = [1]} : vector<16xi32> to vector<1xi32>
        %squeeze3A_321 = vector.extract %slice3A_320[0] : i32 from vector<1xi32>
        %dma_start3A_322 = arith.constant 0 : i32
        %dma_start3A_323 = tpu.memref_slice %arg11[%add3A_319, %dma_start3A_322] : memref<256x32xf32, #tpu.memory_space<vmem>> -> memref<1x32xf32, #tpu.memory_space<vmem>>
        %dma_start3A_324 = arith.constant 0 : i32
        %dma_start3A_325 = tpu.memref_slice %arg5[%squeeze3A_321, %dma_start3A_324] : memref<1000000x32xf32, #tpu.memory_space<hbm>> -> memref<1x32xf32, #tpu.memory_space<hbm>>
        %dma_start3A_326 = arith.constant 0 : i32
        %dma_start3A_327 = tpu.memref_slice %arg11[%add3A_319, %dma_start3A_326] : memref<256x32xf32, #tpu.memory_space<vmem>> -> memref<1x32xf32, #tpu.memory_space<vmem>>
        %dma_start3A_328 = arith.constant 0 : i32
        %dma_start3A_329 = tpu.memref_slice %arg5[%squeeze3A_321, %dma_start3A_328] : memref<1000000x32xf32, #tpu.memory_space<hbm>> -> memref<1x32xf32, #tpu.memory_space<hbm>>
        tpu.enqueue_dma source(%dma_start3A_329 : memref<1x32xf32, #tpu.memory_space<hbm>>) target(%dma_start3A_327 : memref<1x32xf32, #tpu.memory_space<vmem>>) target_semaphore(%arg16 : memref<!tpu.dma_semaphore, #tpu.memory_space<semaphore_mem>>)
        %slice3A_330 = vector.extract_strided_slice %get3A_60 {offsets = [8], sizes = [1], strides = [1]} : vector<16xi32> to vector<1xi32>
        %squeeze3A_331 = vector.extract %slice3A_330[0] : i32 from vector<1xi32>
        %dma_start3A_332 = arith.constant 0 : i32
        %dma_start3A_333 = tpu.memref_slice %arg12[%add3A_319, %dma_start3A_332] : memref<256x32xf32, #tpu.memory_space<vmem>> -> memref<1x32xf32, #tpu.memory_space<vmem>>
        %dma_start3A_334 = arith.constant 0 : i32
        %dma_start3A_335 = tpu.memref_slice %arg6[%squeeze3A_331, %dma_start3A_334] : memref<1000000x32xf32, #tpu.memory_space<hbm>> -> memref<1x32xf32, #tpu.memory_space<hbm>>
        %dma_start3A_336 = arith.constant 0 : i32
        %dma_start3A_337 = tpu.memref_slice %arg12[%add3A_319, %dma_start3A_336] : memref<256x32xf32, #tpu.memory_space<vmem>> -> memref<1x32xf32, #tpu.memory_space<vmem>>
        %dma_start3A_338 = arith.constant 0 : i32
        %dma_start3A_339 = tpu.memref_slice %arg6[%squeeze3A_331, %dma_start3A_338] : memref<1000000x32xf32, #tpu.memory_space<hbm>> -> memref<1x32xf32, #tpu.memory_space<hbm>>
        tpu.enqueue_dma source(%dma_start3A_339 : memref<1x32xf32, #tpu.memory_space<hbm>>) target(%dma_start3A_337 : memref<1x32xf32, #tpu.memory_space<vmem>>) target_semaphore(%arg16 : memref<!tpu.dma_semaphore, #tpu.memory_space<semaphore_mem>>)
        %slice3A_340 = vector.extract_strided_slice %get3A_64 {offsets = [8], sizes = [1], strides = [1]} : vector<16xi32> to vector<1xi32>
        %squeeze3A_341 = vector.extract %slice3A_340[0] : i32 from vector<1xi32>
        %dma_start3A_342 = arith.constant 0 : i32
        %dma_start3A_343 = tpu.memref_slice %arg13[%add3A_319, %dma_start3A_342] : memref<256x32xf32, #tpu.memory_space<vmem>> -> memref<1x32xf32, #tpu.memory_space<vmem>>
        %dma_start3A_344 = arith.constant 0 : i32
        %dma_start3A_345 = tpu.memref_slice %arg6[%squeeze3A_341, %dma_start3A_344] : memref<1000000x32xf32, #tpu.memory_space<hbm>> -> memref<1x32xf32, #tpu.memory_space<hbm>>
        %dma_start3A_346 = arith.constant 0 : i32
        %dma_start3A_347 = tpu.memref_slice %arg13[%add3A_319, %dma_start3A_346] : memref<256x32xf32, #tpu.memory_space<vmem>> -> memref<1x32xf32, #tpu.memory_space<vmem>>
        %dma_start3A_348 = arith.constant 0 : i32
        %dma_start3A_349 = tpu.memref_slice %arg6[%squeeze3A_341, %dma_start3A_348] : memref<1000000x32xf32, #tpu.memory_space<hbm>> -> memref<1x32xf32, #tpu.memory_space<hbm>>
        tpu.enqueue_dma source(%dma_start3A_349 : memref<1x32xf32, #tpu.memory_space<hbm>>) target(%dma_start3A_347 : memref<1x32xf32, #tpu.memory_space<vmem>>) target_semaphore(%arg16 : memref<!tpu.dma_semaphore, #tpu.memory_space<semaphore_mem>>)
        %add3A_350 = arith.constant 9 : i32
        %add3A_351 = arith.addi %mul3A_53, %add3A_350 : i32
        %slice3A_352 = vector.extract_strided_slice %get3A_56 {offsets = [9], sizes = [1], strides = [1]} : vector<16xi32> to vector<1xi32>
        %squeeze3A_353 = vector.extract %slice3A_352[0] : i32 from vector<1xi32>
        %dma_start3A_354 = arith.constant 0 : i32
        %dma_start3A_355 = tpu.memref_slice %arg11[%add3A_351, %dma_start3A_354] : memref<256x32xf32, #tpu.memory_space<vmem>> -> memref<1x32xf32, #tpu.memory_space<vmem>>
        %dma_start3A_356 = arith.constant 0 : i32
        %dma_start3A_357 = tpu.memref_slice %arg5[%squeeze3A_353, %dma_start3A_356] : memref<1000000x32xf32, #tpu.memory_space<hbm>> -> memref<1x32xf32, #tpu.memory_space<hbm>>
        %dma_start3A_358 = arith.constant 0 : i32
        %dma_start3A_359 = tpu.memref_slice %arg11[%add3A_351, %dma_start3A_358] : memref<256x32xf32, #tpu.memory_space<vmem>> -> memref<1x32xf32, #tpu.memory_space<vmem>>
        %dma_start3A_360 = arith.constant 0 : i32
        %dma_start3A_361 = tpu.memref_slice %arg5[%squeeze3A_353, %dma_start3A_360] : memref<1000000x32xf32, #tpu.memory_space<hbm>> -> memref<1x32xf32, #tpu.memory_space<hbm>>
        tpu.enqueue_dma source(%dma_start3A_361 : memref<1x32xf32, #tpu.memory_space<hbm>>) target(%dma_start3A_359 : memref<1x32xf32, #tpu.memory_space<vmem>>) target_semaphore(%arg16 : memref<!tpu.dma_semaphore, #tpu.memory_space<semaphore_mem>>)
        %slice3A_362 = vector.extract_strided_slice %get3A_60 {offsets = [9], sizes = [1], strides = [1]} : vector<16xi32> to vector<1xi32>
        %squeeze3A_363 = vector.extract %slice3A_362[0] : i32 from vector<1xi32>
        %dma_start3A_364 = arith.constant 0 : i32
        %dma_start3A_365 = tpu.memref_slice %arg12[%add3A_351, %dma_start3A_364] : memref<256x32xf32, #tpu.memory_space<vmem>> -> memref<1x32xf32, #tpu.memory_space<vmem>>
        %dma_start3A_366 = arith.constant 0 : i32
        %dma_start3A_367 = tpu.memref_slice %arg6[%squeeze3A_363, %dma_start3A_366] : memref<1000000x32xf32, #tpu.memory_space<hbm>> -> memref<1x32xf32, #tpu.memory_space<hbm>>
        %dma_start3A_368 = arith.constant 0 : i32
        %dma_start3A_369 = tpu.memref_slice %arg12[%add3A_351, %dma_start3A_368] : memref<256x32xf32, #tpu.memory_space<vmem>> -> memref<1x32xf32, #tpu.memory_space<vmem>>
        %dma_start3A_370 = arith.constant 0 : i32
        %dma_start3A_371 = tpu.memref_slice %arg6[%squeeze3A_363, %dma_start3A_370] : memref<1000000x32xf32, #tpu.memory_space<hbm>> -> memref<1x32xf32, #tpu.memory_space<hbm>>
        tpu.enqueue_dma source(%dma_start3A_371 : memref<1x32xf32, #tpu.memory_space<hbm>>) target(%dma_start3A_369 : memref<1x32xf32, #tpu.memory_space<vmem>>) target_semaphore(%arg16 : memref<!tpu.dma_semaphore, #tpu.memory_space<semaphore_mem>>)
        %slice3A_372 = vector.extract_strided_slice %get3A_64 {offsets = [9], sizes = [1], strides = [1]} : vector<16xi32> to vector<1xi32>
        %squeeze3A_373 = vector.extract %slice3A_372[0] : i32 from vector<1xi32>
        %dma_start3A_374 = arith.constant 0 : i32
        %dma_start3A_375 = tpu.memref_slice %arg13[%add3A_351, %dma_start3A_374] : memref<256x32xf32, #tpu.memory_space<vmem>> -> memref<1x32xf32, #tpu.memory_space<vmem>>
        %dma_start3A_376 = arith.constant 0 : i32
        %dma_start3A_377 = tpu.memref_slice %arg6[%squeeze3A_373, %dma_start3A_376] : memref<1000000x32xf32, #tpu.memory_space<hbm>> -> memref<1x32xf32, #tpu.memory_space<hbm>>
        %dma_start3A_378 = arith.constant 0 : i32
        %dma_start3A_379 = tpu.memref_slice %arg13[%add3A_351, %dma_start3A_378] : memref<256x32xf32, #tpu.memory_space<vmem>> -> memref<1x32xf32, #tpu.memory_space<vmem>>
        %dma_start3A_380 = arith.constant 0 : i32
        %dma_start3A_381 = tpu.memref_slice %arg6[%squeeze3A_373, %dma_start3A_380] : memref<1000000x32xf32, #tpu.memory_space<hbm>> -> memref<1x32xf32, #tpu.memory_space<hbm>>
        tpu.enqueue_dma source(%dma_start3A_381 : memref<1x32xf32, #tpu.memory_space<hbm>>) target(%dma_start3A_379 : memref<1x32xf32, #tpu.memory_space<vmem>>) target_semaphore(%arg16 : memref<!tpu.dma_semaphore, #tpu.memory_space<semaphore_mem>>)
        %add3A_382 = arith.constant 10 : i32
        %add3A_383 = arith.addi %mul3A_53, %add3A_382 : i32
        %slice3A_384 = vector.extract_strided_slice %get3A_56 {offsets = [10], sizes = [1], strides = [1]} : vector<16xi32> to vector<1xi32>
        %squeeze3A_385 = vector.extract %slice3A_384[0] : i32 from vector<1xi32>
        %dma_start3A_386 = arith.constant 0 : i32
        %dma_start3A_387 = tpu.memref_slice %arg11[%add3A_383, %dma_start3A_386] : memref<256x32xf32, #tpu.memory_space<vmem>> -> memref<1x32xf32, #tpu.memory_space<vmem>>
        %dma_start3A_388 = arith.constant 0 : i32
        %dma_start3A_389 = tpu.memref_slice %arg5[%squeeze3A_385, %dma_start3A_388] : memref<1000000x32xf32, #tpu.memory_space<hbm>> -> memref<1x32xf32, #tpu.memory_space<hbm>>
        %dma_start3A_390 = arith.constant 0 : i32
        %dma_start3A_391 = tpu.memref_slice %arg11[%add3A_383, %dma_start3A_390] : memref<256x32xf32, #tpu.memory_space<vmem>> -> memref<1x32xf32, #tpu.memory_space<vmem>>
        %dma_start3A_392 = arith.constant 0 : i32
        %dma_start3A_393 = tpu.memref_slice %arg5[%squeeze3A_385, %dma_start3A_392] : memref<1000000x32xf32, #tpu.memory_space<hbm>> -> memref<1x32xf32, #tpu.memory_space<hbm>>
        tpu.enqueue_dma source(%dma_start3A_393 : memref<1x32xf32, #tpu.memory_space<hbm>>) target(%dma_start3A_391 : memref<1x32xf32, #tpu.memory_space<vmem>>) target_semaphore(%arg16 : memref<!tpu.dma_semaphore, #tpu.memory_space<semaphore_mem>>)
        %slice3A_394 = vector.extract_strided_slice %get3A_60 {offsets = [10], sizes = [1], strides = [1]} : vector<16xi32> to vector<1xi32>
        %squeeze3A_395 = vector.extract %slice3A_394[0] : i32 from vector<1xi32>
        %dma_start3A_396 = arith.constant 0 : i32
        %dma_start3A_397 = tpu.memref_slice %arg12[%add3A_383, %dma_start3A_396] : memref<256x32xf32, #tpu.memory_space<vmem>> -> memref<1x32xf32, #tpu.memory_space<vmem>>
        %dma_start3A_398 = arith.constant 0 : i32
        %dma_start3A_399 = tpu.memref_slice %arg6[%squeeze3A_395, %dma_start3A_398] : memref<1000000x32xf32, #tpu.memory_space<hbm>> -> memref<1x32xf32, #tpu.memory_space<hbm>>
        %dma_start3A_400 = arith.constant 0 : i32
        %dma_start3A_401 = tpu.memref_slice %arg12[%add3A_383, %dma_start3A_400] : memref<256x32xf32, #tpu.memory_space<vmem>> -> memref<1x32xf32, #tpu.memory_space<vmem>>
        %dma_start3A_402 = arith.constant 0 : i32
        %dma_start3A_403 = tpu.memref_slice %arg6[%squeeze3A_395, %dma_start3A_402] : memref<1000000x32xf32, #tpu.memory_space<hbm>> -> memref<1x32xf32, #tpu.memory_space<hbm>>
        tpu.enqueue_dma source(%dma_start3A_403 : memref<1x32xf32, #tpu.memory_space<hbm>>) target(%dma_start3A_401 : memref<1x32xf32, #tpu.memory_space<vmem>>) target_semaphore(%arg16 : memref<!tpu.dma_semaphore, #tpu.memory_space<semaphore_mem>>)
        %slice3A_404 = vector.extract_strided_slice %get3A_64 {offsets = [10], sizes = [1], strides = [1]} : vector<16xi32> to vector<1xi32>
        %squeeze3A_405 = vector.extract %slice3A_404[0] : i32 from vector<1xi32>
        %dma_start3A_406 = arith.constant 0 : i32
        %dma_start3A_407 = tpu.memref_slice %arg13[%add3A_383, %dma_start3A_406] : memref<256x32xf32, #tpu.memory_space<vmem>> -> memref<1x32xf32, #tpu.memory_space<vmem>>
        %dma_start3A_408 = arith.constant 0 : i32
        %dma_start3A_409 = tpu.memref_slice %arg6[%squeeze3A_405, %dma_start3A_408] : memref<1000000x32xf32, #tpu.memory_space<hbm>> -> memref<1x32xf32, #tpu.memory_space<hbm>>
        %dma_start3A_410 = arith.constant 0 : i32
        %dma_start3A_411 = tpu.memref_slice %arg13[%add3A_383, %dma_start3A_410] : memref<256x32xf32, #tpu.memory_space<vmem>> -> memref<1x32xf32, #tpu.memory_space<vmem>>
        %dma_start3A_412 = arith.constant 0 : i32
        %dma_start3A_413 = tpu.memref_slice %arg6[%squeeze3A_405, %dma_start3A_412] : memref<1000000x32xf32, #tpu.memory_space<hbm>> -> memref<1x32xf32, #tpu.memory_space<hbm>>
        tpu.enqueue_dma source(%dma_start3A_413 : memref<1x32xf32, #tpu.memory_space<hbm>>) target(%dma_start3A_411 : memref<1x32xf32, #tpu.memory_space<vmem>>) target_semaphore(%arg16 : memref<!tpu.dma_semaphore, #tpu.memory_space<semaphore_mem>>)
        %add3A_414 = arith.constant 11 : i32
        %add3A_415 = arith.addi %mul3A_53, %add3A_414 : i32
        %slice3A_416 = vector.extract_strided_slice %get3A_56 {offsets = [11], sizes = [1], strides = [1]} : vector<16xi32> to vector<1xi32>
        %squeeze3A_417 = vector.extract %slice3A_416[0] : i32 from vector<1xi32>
        %dma_start3A_418 = arith.constant 0 : i32
        %dma_start3A_419 = tpu.memref_slice %arg11[%add3A_415, %dma_start3A_418] : memref<256x32xf32, #tpu.memory_space<vmem>> -> memref<1x32xf32, #tpu.memory_space<vmem>>
        %dma_start3A_420 = arith.constant 0 : i32
        %dma_start3A_421 = tpu.memref_slice %arg5[%squeeze3A_417, %dma_start3A_420] : memref<1000000x32xf32, #tpu.memory_space<hbm>> -> memref<1x32xf32, #tpu.memory_space<hbm>>
        %dma_start3A_422 = arith.constant 0 : i32
        %dma_start3A_423 = tpu.memref_slice %arg11[%add3A_415, %dma_start3A_422] : memref<256x32xf32, #tpu.memory_space<vmem>> -> memref<1x32xf32, #tpu.memory_space<vmem>>
        %dma_start3A_424 = arith.constant 0 : i32
        %dma_start3A_425 = tpu.memref_slice %arg5[%squeeze3A_417, %dma_start3A_424] : memref<1000000x32xf32, #tpu.memory_space<hbm>> -> memref<1x32xf32, #tpu.memory_space<hbm>>
        tpu.enqueue_dma source(%dma_start3A_425 : memref<1x32xf32, #tpu.memory_space<hbm>>) target(%dma_start3A_423 : memref<1x32xf32, #tpu.memory_space<vmem>>) target_semaphore(%arg16 : memref<!tpu.dma_semaphore, #tpu.memory_space<semaphore_mem>>)
        %slice3A_426 = vector.extract_strided_slice %get3A_60 {offsets = [11], sizes = [1], strides = [1]} : vector<16xi32> to vector<1xi32>
        %squeeze3A_427 = vector.extract %slice3A_426[0] : i32 from vector<1xi32>
        %dma_start3A_428 = arith.constant 0 : i32
        %dma_start3A_429 = tpu.memref_slice %arg12[%add3A_415, %dma_start3A_428] : memref<256x32xf32, #tpu.memory_space<vmem>> -> memref<1x32xf32, #tpu.memory_space<vmem>>
        %dma_start3A_430 = arith.constant 0 : i32
        %dma_start3A_431 = tpu.memref_slice %arg6[%squeeze3A_427, %dma_start3A_430] : memref<1000000x32xf32, #tpu.memory_space<hbm>> -> memref<1x32xf32, #tpu.memory_space<hbm>>
        %dma_start3A_432 = arith.constant 0 : i32
        %dma_start3A_433 = tpu.memref_slice %arg12[%add3A_415, %dma_start3A_432] : memref<256x32xf32, #tpu.memory_space<vmem>> -> memref<1x32xf32, #tpu.memory_space<vmem>>
        %dma_start3A_434 = arith.constant 0 : i32
        %dma_start3A_435 = tpu.memref_slice %arg6[%squeeze3A_427, %dma_start3A_434] : memref<1000000x32xf32, #tpu.memory_space<hbm>> -> memref<1x32xf32, #tpu.memory_space<hbm>>
        tpu.enqueue_dma source(%dma_start3A_435 : memref<1x32xf32, #tpu.memory_space<hbm>>) target(%dma_start3A_433 : memref<1x32xf32, #tpu.memory_space<vmem>>) target_semaphore(%arg16 : memref<!tpu.dma_semaphore, #tpu.memory_space<semaphore_mem>>)
        %slice3A_436 = vector.extract_strided_slice %get3A_64 {offsets = [11], sizes = [1], strides = [1]} : vector<16xi32> to vector<1xi32>
        %squeeze3A_437 = vector.extract %slice3A_436[0] : i32 from vector<1xi32>
        %dma_start3A_438 = arith.constant 0 : i32
        %dma_start3A_439 = tpu.memref_slice %arg13[%add3A_415, %dma_start3A_438] : memref<256x32xf32, #tpu.memory_space<vmem>> -> memref<1x32xf32, #tpu.memory_space<vmem>>
        %dma_start3A_440 = arith.constant 0 : i32
        %dma_start3A_441 = tpu.memref_slice %arg6[%squeeze3A_437, %dma_start3A_440] : memref<1000000x32xf32, #tpu.memory_space<hbm>> -> memref<1x32xf32, #tpu.memory_space<hbm>>
        %dma_start3A_442 = arith.constant 0 : i32
        %dma_start3A_443 = tpu.memref_slice %arg13[%add3A_415, %dma_start3A_442] : memref<256x32xf32, #tpu.memory_space<vmem>> -> memref<1x32xf32, #tpu.memory_space<vmem>>
        %dma_start3A_444 = arith.constant 0 : i32
        %dma_start3A_445 = tpu.memref_slice %arg6[%squeeze3A_437, %dma_start3A_444] : memref<1000000x32xf32, #tpu.memory_space<hbm>> -> memref<1x32xf32, #tpu.memory_space<hbm>>
        tpu.enqueue_dma source(%dma_start3A_445 : memref<1x32xf32, #tpu.memory_space<hbm>>) target(%dma_start3A_443 : memref<1x32xf32, #tpu.memory_space<vmem>>) target_semaphore(%arg16 : memref<!tpu.dma_semaphore, #tpu.memory_space<semaphore_mem>>)
        %add3A_446 = arith.constant 12 : i32
        %add3A_447 = arith.addi %mul3A_53, %add3A_446 : i32
        %slice3A_448 = vector.extract_strided_slice %get3A_56 {offsets = [12], sizes = [1], strides = [1]} : vector<16xi32> to vector<1xi32>
        %squeeze3A_449 = vector.extract %slice3A_448[0] : i32 from vector<1xi32>
        %dma_start3A_450 = arith.constant 0 : i32
        %dma_start3A_451 = tpu.memref_slice %arg11[%add3A_447, %dma_start3A_450] : memref<256x32xf32, #tpu.memory_space<vmem>> -> memref<1x32xf32, #tpu.memory_space<vmem>>
        %dma_start3A_452 = arith.constant 0 : i32
        %dma_start3A_453 = tpu.memref_slice %arg5[%squeeze3A_449, %dma_start3A_452] : memref<1000000x32xf32, #tpu.memory_space<hbm>> -> memref<1x32xf32, #tpu.memory_space<hbm>>
        %dma_start3A_454 = arith.constant 0 : i32
        %dma_start3A_455 = tpu.memref_slice %arg11[%add3A_447, %dma_start3A_454] : memref<256x32xf32, #tpu.memory_space<vmem>> -> memref<1x32xf32, #tpu.memory_space<vmem>>
        %dma_start3A_456 = arith.constant 0 : i32
        %dma_start3A_457 = tpu.memref_slice %arg5[%squeeze3A_449, %dma_start3A_456] : memref<1000000x32xf32, #tpu.memory_space<hbm>> -> memref<1x32xf32, #tpu.memory_space<hbm>>
        tpu.enqueue_dma source(%dma_start3A_457 : memref<1x32xf32, #tpu.memory_space<hbm>>) target(%dma_start3A_455 : memref<1x32xf32, #tpu.memory_space<vmem>>) target_semaphore(%arg16 : memref<!tpu.dma_semaphore, #tpu.memory_space<semaphore_mem>>)
        %slice3A_458 = vector.extract_strided_slice %get3A_60 {offsets = [12], sizes = [1], strides = [1]} : vector<16xi32> to vector<1xi32>
        %squeeze3A_459 = vector.extract %slice3A_458[0] : i32 from vector<1xi32>
        %dma_start3A_460 = arith.constant 0 : i32
        %dma_start3A_461 = tpu.memref_slice %arg12[%add3A_447, %dma_start3A_460] : memref<256x32xf32, #tpu.memory_space<vmem>> -> memref<1x32xf32, #tpu.memory_space<vmem>>
        %dma_start3A_462 = arith.constant 0 : i32
        %dma_start3A_463 = tpu.memref_slice %arg6[%squeeze3A_459, %dma_start3A_462] : memref<1000000x32xf32, #tpu.memory_space<hbm>> -> memref<1x32xf32, #tpu.memory_space<hbm>>
        %dma_start3A_464 = arith.constant 0 : i32
        %dma_start3A_465 = tpu.memref_slice %arg12[%add3A_447, %dma_start3A_464] : memref<256x32xf32, #tpu.memory_space<vmem>> -> memref<1x32xf32, #tpu.memory_space<vmem>>
        %dma_start3A_466 = arith.constant 0 : i32
        %dma_start3A_467 = tpu.memref_slice %arg6[%squeeze3A_459, %dma_start3A_466] : memref<1000000x32xf32, #tpu.memory_space<hbm>> -> memref<1x32xf32, #tpu.memory_space<hbm>>
        tpu.enqueue_dma source(%dma_start3A_467 : memref<1x32xf32, #tpu.memory_space<hbm>>) target(%dma_start3A_465 : memref<1x32xf32, #tpu.memory_space<vmem>>) target_semaphore(%arg16 : memref<!tpu.dma_semaphore, #tpu.memory_space<semaphore_mem>>)
        %slice3A_468 = vector.extract_strided_slice %get3A_64 {offsets = [12], sizes = [1], strides = [1]} : vector<16xi32> to vector<1xi32>
        %squeeze3A_469 = vector.extract %slice3A_468[0] : i32 from vector<1xi32>
        %dma_start3A_470 = arith.constant 0 : i32
        %dma_start3A_471 = tpu.memref_slice %arg13[%add3A_447, %dma_start3A_470] : memref<256x32xf32, #tpu.memory_space<vmem>> -> memref<1x32xf32, #tpu.memory_space<vmem>>
        %dma_start3A_472 = arith.constant 0 : i32
        %dma_start3A_473 = tpu.memref_slice %arg6[%squeeze3A_469, %dma_start3A_472] : memref<1000000x32xf32, #tpu.memory_space<hbm>> -> memref<1x32xf32, #tpu.memory_space<hbm>>
        %dma_start3A_474 = arith.constant 0 : i32
        %dma_start3A_475 = tpu.memref_slice %arg13[%add3A_447, %dma_start3A_474] : memref<256x32xf32, #tpu.memory_space<vmem>> -> memref<1x32xf32, #tpu.memory_space<vmem>>
        %dma_start3A_476 = arith.constant 0 : i32
        %dma_start3A_477 = tpu.memref_slice %arg6[%squeeze3A_469, %dma_start3A_476] : memref<1000000x32xf32, #tpu.memory_space<hbm>> -> memref<1x32xf32, #tpu.memory_space<hbm>>
        tpu.enqueue_dma source(%dma_start3A_477 : memref<1x32xf32, #tpu.memory_space<hbm>>) target(%dma_start3A_475 : memref<1x32xf32, #tpu.memory_space<vmem>>) target_semaphore(%arg16 : memref<!tpu.dma_semaphore, #tpu.memory_space<semaphore_mem>>)
        %add3A_478 = arith.constant 13 : i32
        %add3A_479 = arith.addi %mul3A_53, %add3A_478 : i32
        %slice3A_480 = vector.extract_strided_slice %get3A_56 {offsets = [13], sizes = [1], strides = [1]} : vector<16xi32> to vector<1xi32>
        %squeeze3A_481 = vector.extract %slice3A_480[0] : i32 from vector<1xi32>
        %dma_start3A_482 = arith.constant 0 : i32
        %dma_start3A_483 = tpu.memref_slice %arg11[%add3A_479, %dma_start3A_482] : memref<256x32xf32, #tpu.memory_space<vmem>> -> memref<1x32xf32, #tpu.memory_space<vmem>>
        %dma_start3A_484 = arith.constant 0 : i32
        %dma_start3A_485 = tpu.memref_slice %arg5[%squeeze3A_481, %dma_start3A_484] : memref<1000000x32xf32, #tpu.memory_space<hbm>> -> memref<1x32xf32, #tpu.memory_space<hbm>>
        %dma_start3A_486 = arith.constant 0 : i32
        %dma_start3A_487 = tpu.memref_slice %arg11[%add3A_479, %dma_start3A_486] : memref<256x32xf32, #tpu.memory_space<vmem>> -> memref<1x32xf32, #tpu.memory_space<vmem>>
        %dma_start3A_488 = arith.constant 0 : i32
        %dma_start3A_489 = tpu.memref_slice %arg5[%squeeze3A_481, %dma_start3A_488] : memref<1000000x32xf32, #tpu.memory_space<hbm>> -> memref<1x32xf32, #tpu.memory_space<hbm>>
        tpu.enqueue_dma source(%dma_start3A_489 : memref<1x32xf32, #tpu.memory_space<hbm>>) target(%dma_start3A_487 : memref<1x32xf32, #tpu.memory_space<vmem>>) target_semaphore(%arg16 : memref<!tpu.dma_semaphore, #tpu.memory_space<semaphore_mem>>)
        %slice3A_490 = vector.extract_strided_slice %get3A_60 {offsets = [13], sizes = [1], strides = [1]} : vector<16xi32> to vector<1xi32>
        %squeeze3A_491 = vector.extract %slice3A_490[0] : i32 from vector<1xi32>
        %dma_start3A_492 = arith.constant 0 : i32
        %dma_start3A_493 = tpu.memref_slice %arg12[%add3A_479, %dma_start3A_492] : memref<256x32xf32, #tpu.memory_space<vmem>> -> memref<1x32xf32, #tpu.memory_space<vmem>>
        %dma_start3A_494 = arith.constant 0 : i32
        %dma_start3A_495 = tpu.memref_slice %arg6[%squeeze3A_491, %dma_start3A_494] : memref<1000000x32xf32, #tpu.memory_space<hbm>> -> memref<1x32xf32, #tpu.memory_space<hbm>>
        %dma_start3A_496 = arith.constant 0 : i32
        %dma_start3A_497 = tpu.memref_slice %arg12[%add3A_479, %dma_start3A_496] : memref<256x32xf32, #tpu.memory_space<vmem>> -> memref<1x32xf32, #tpu.memory_space<vmem>>
        %dma_start3A_498 = arith.constant 0 : i32
        %dma_start3A_499 = tpu.memref_slice %arg6[%squeeze3A_491, %dma_start3A_498] : memref<1000000x32xf32, #tpu.memory_space<hbm>> -> memref<1x32xf32, #tpu.memory_space<hbm>>
        tpu.enqueue_dma source(%dma_start3A_499 : memref<1x32xf32, #tpu.memory_space<hbm>>) target(%dma_start3A_497 : memref<1x32xf32, #tpu.memory_space<vmem>>) target_semaphore(%arg16 : memref<!tpu.dma_semaphore, #tpu.memory_space<semaphore_mem>>)
        %slice3A_500 = vector.extract_strided_slice %get3A_64 {offsets = [13], sizes = [1], strides = [1]} : vector<16xi32> to vector<1xi32>
        %squeeze3A_501 = vector.extract %slice3A_500[0] : i32 from vector<1xi32>
        %dma_start3A_502 = arith.constant 0 : i32
        %dma_start3A_503 = tpu.memref_slice %arg13[%add3A_479, %dma_start3A_502] : memref<256x32xf32, #tpu.memory_space<vmem>> -> memref<1x32xf32, #tpu.memory_space<vmem>>
        %dma_start3A_504 = arith.constant 0 : i32
        %dma_start3A_505 = tpu.memref_slice %arg6[%squeeze3A_501, %dma_start3A_504] : memref<1000000x32xf32, #tpu.memory_space<hbm>> -> memref<1x32xf32, #tpu.memory_space<hbm>>
        %dma_start3A_506 = arith.constant 0 : i32
        %dma_start3A_507 = tpu.memref_slice %arg13[%add3A_479, %dma_start3A_506] : memref<256x32xf32, #tpu.memory_space<vmem>> -> memref<1x32xf32, #tpu.memory_space<vmem>>
        %dma_start3A_508 = arith.constant 0 : i32
        %dma_start3A_509 = tpu.memref_slice %arg6[%squeeze3A_501, %dma_start3A_508] : memref<1000000x32xf32, #tpu.memory_space<hbm>> -> memref<1x32xf32, #tpu.memory_space<hbm>>
        tpu.enqueue_dma source(%dma_start3A_509 : memref<1x32xf32, #tpu.memory_space<hbm>>) target(%dma_start3A_507 : memref<1x32xf32, #tpu.memory_space<vmem>>) target_semaphore(%arg16 : memref<!tpu.dma_semaphore, #tpu.memory_space<semaphore_mem>>)
        %add3A_510 = arith.constant 14 : i32
        %add3A_511 = arith.addi %mul3A_53, %add3A_510 : i32
        %slice3A_512 = vector.extract_strided_slice %get3A_56 {offsets = [14], sizes = [1], strides = [1]} : vector<16xi32> to vector<1xi32>
        %squeeze3A_513 = vector.extract %slice3A_512[0] : i32 from vector<1xi32>
        %dma_start3A_514 = arith.constant 0 : i32
        %dma_start3A_515 = tpu.memref_slice %arg11[%add3A_511, %dma_start3A_514] : memref<256x32xf32, #tpu.memory_space<vmem>> -> memref<1x32xf32, #tpu.memory_space<vmem>>
        %dma_start3A_516 = arith.constant 0 : i32
        %dma_start3A_517 = tpu.memref_slice %arg5[%squeeze3A_513, %dma_start3A_516] : memref<1000000x32xf32, #tpu.memory_space<hbm>> -> memref<1x32xf32, #tpu.memory_space<hbm>>
        %dma_start3A_518 = arith.constant 0 : i32
        %dma_start3A_519 = tpu.memref_slice %arg11[%add3A_511, %dma_start3A_518] : memref<256x32xf32, #tpu.memory_space<vmem>> -> memref<1x32xf32, #tpu.memory_space<vmem>>
        %dma_start3A_520 = arith.constant 0 : i32
        %dma_start3A_521 = tpu.memref_slice %arg5[%squeeze3A_513, %dma_start3A_520] : memref<1000000x32xf32, #tpu.memory_space<hbm>> -> memref<1x32xf32, #tpu.memory_space<hbm>>
        tpu.enqueue_dma source(%dma_start3A_521 : memref<1x32xf32, #tpu.memory_space<hbm>>) target(%dma_start3A_519 : memref<1x32xf32, #tpu.memory_space<vmem>>) target_semaphore(%arg16 : memref<!tpu.dma_semaphore, #tpu.memory_space<semaphore_mem>>)
        %slice3A_522 = vector.extract_strided_slice %get3A_60 {offsets = [14], sizes = [1], strides = [1]} : vector<16xi32> to vector<1xi32>
        %squeeze3A_523 = vector.extract %slice3A_522[0] : i32 from vector<1xi32>
        %dma_start3A_524 = arith.constant 0 : i32
        %dma_start3A_525 = tpu.memref_slice %arg12[%add3A_511, %dma_start3A_524] : memref<256x32xf32, #tpu.memory_space<vmem>> -> memref<1x32xf32, #tpu.memory_space<vmem>>
        %dma_start3A_526 = arith.constant 0 : i32
        %dma_start3A_527 = tpu.memref_slice %arg6[%squeeze3A_523, %dma_start3A_526] : memref<1000000x32xf32, #tpu.memory_space<hbm>> -> memref<1x32xf32, #tpu.memory_space<hbm>>
        %dma_start3A_528 = arith.constant 0 : i32
        %dma_start3A_529 = tpu.memref_slice %arg12[%add3A_511, %dma_start3A_528] : memref<256x32xf32, #tpu.memory_space<vmem>> -> memref<1x32xf32, #tpu.memory_space<vmem>>
        %dma_start3A_530 = arith.constant 0 : i32
        %dma_start3A_531 = tpu.memref_slice %arg6[%squeeze3A_523, %dma_start3A_530] : memref<1000000x32xf32, #tpu.memory_space<hbm>> -> memref<1x32xf32, #tpu.memory_space<hbm>>
        tpu.enqueue_dma source(%dma_start3A_531 : memref<1x32xf32, #tpu.memory_space<hbm>>) target(%dma_start3A_529 : memref<1x32xf32, #tpu.memory_space<vmem>>) target_semaphore(%arg16 : memref<!tpu.dma_semaphore, #tpu.memory_space<semaphore_mem>>)
        %slice3A_532 = vector.extract_strided_slice %get3A_64 {offsets = [14], sizes = [1], strides = [1]} : vector<16xi32> to vector<1xi32>
        %squeeze3A_533 = vector.extract %slice3A_532[0] : i32 from vector<1xi32>
        %dma_start3A_534 = arith.constant 0 : i32
        %dma_start3A_535 = tpu.memref_slice %arg13[%add3A_511, %dma_start3A_534] : memref<256x32xf32, #tpu.memory_space<vmem>> -> memref<1x32xf32, #tpu.memory_space<vmem>>
        %dma_start3A_536 = arith.constant 0 : i32
        %dma_start3A_537 = tpu.memref_slice %arg6[%squeeze3A_533, %dma_start3A_536] : memref<1000000x32xf32, #tpu.memory_space<hbm>> -> memref<1x32xf32, #tpu.memory_space<hbm>>
        %dma_start3A_538 = arith.constant 0 : i32
        %dma_start3A_539 = tpu.memref_slice %arg13[%add3A_511, %dma_start3A_538] : memref<256x32xf32, #tpu.memory_space<vmem>> -> memref<1x32xf32, #tpu.memory_space<vmem>>
        %dma_start3A_540 = arith.constant 0 : i32
        %dma_start3A_541 = tpu.memref_slice %arg6[%squeeze3A_533, %dma_start3A_540] : memref<1000000x32xf32, #tpu.memory_space<hbm>> -> memref<1x32xf32, #tpu.memory_space<hbm>>
        tpu.enqueue_dma source(%dma_start3A_541 : memref<1x32xf32, #tpu.memory_space<hbm>>) target(%dma_start3A_539 : memref<1x32xf32, #tpu.memory_space<vmem>>) target_semaphore(%arg16 : memref<!tpu.dma_semaphore, #tpu.memory_space<semaphore_mem>>)
        %add3A_542 = arith.constant 15 : i32
        %add3A_543 = arith.addi %mul3A_53, %add3A_542 : i32
        %slice3A_544 = vector.extract_strided_slice %get3A_56 {offsets = [15], sizes = [1], strides = [1]} : vector<16xi32> to vector<1xi32>
        %squeeze3A_545 = vector.extract %slice3A_544[0] : i32 from vector<1xi32>
        %dma_start3A_546 = arith.constant 0 : i32
        %dma_start3A_547 = tpu.memref_slice %arg11[%add3A_543, %dma_start3A_546] : memref<256x32xf32, #tpu.memory_space<vmem>> -> memref<1x32xf32, #tpu.memory_space<vmem>>
        %dma_start3A_548 = arith.constant 0 : i32
        %dma_start3A_549 = tpu.memref_slice %arg5[%squeeze3A_545, %dma_start3A_548] : memref<1000000x32xf32, #tpu.memory_space<hbm>> -> memref<1x32xf32, #tpu.memory_space<hbm>>
        %dma_start3A_550 = arith.constant 0 : i32
        %dma_start3A_551 = tpu.memref_slice %arg11[%add3A_543, %dma_start3A_550] : memref<256x32xf32, #tpu.memory_space<vmem>> -> memref<1x32xf32, #tpu.memory_space<vmem>>
        %dma_start3A_552 = arith.constant 0 : i32
        %dma_start3A_553 = tpu.memref_slice %arg5[%squeeze3A_545, %dma_start3A_552] : memref<1000000x32xf32, #tpu.memory_space<hbm>> -> memref<1x32xf32, #tpu.memory_space<hbm>>
        tpu.enqueue_dma source(%dma_start3A_553 : memref<1x32xf32, #tpu.memory_space<hbm>>) target(%dma_start3A_551 : memref<1x32xf32, #tpu.memory_space<vmem>>) target_semaphore(%arg16 : memref<!tpu.dma_semaphore, #tpu.memory_space<semaphore_mem>>)
        %slice3A_554 = vector.extract_strided_slice %get3A_60 {offsets = [15], sizes = [1], strides = [1]} : vector<16xi32> to vector<1xi32>
        %squeeze3A_555 = vector.extract %slice3A_554[0] : i32 from vector<1xi32>
        %dma_start3A_556 = arith.constant 0 : i32
        %dma_start3A_557 = tpu.memref_slice %arg12[%add3A_543, %dma_start3A_556] : memref<256x32xf32, #tpu.memory_space<vmem>> -> memref<1x32xf32, #tpu.memory_space<vmem>>
        %dma_start3A_558 = arith.constant 0 : i32
        %dma_start3A_559 = tpu.memref_slice %arg6[%squeeze3A_555, %dma_start3A_558] : memref<1000000x32xf32, #tpu.memory_space<hbm>> -> memref<1x32xf32, #tpu.memory_space<hbm>>
        %dma_start3A_560 = arith.constant 0 : i32
        %dma_start3A_561 = tpu.memref_slice %arg12[%add3A_543, %dma_start3A_560] : memref<256x32xf32, #tpu.memory_space<vmem>> -> memref<1x32xf32, #tpu.memory_space<vmem>>
        %dma_start3A_562 = arith.constant 0 : i32
        %dma_start3A_563 = tpu.memref_slice %arg6[%squeeze3A_555, %dma_start3A_562] : memref<1000000x32xf32, #tpu.memory_space<hbm>> -> memref<1x32xf32, #tpu.memory_space<hbm>>
        tpu.enqueue_dma source(%dma_start3A_563 : memref<1x32xf32, #tpu.memory_space<hbm>>) target(%dma_start3A_561 : memref<1x32xf32, #tpu.memory_space<vmem>>) target_semaphore(%arg16 : memref<!tpu.dma_semaphore, #tpu.memory_space<semaphore_mem>>)
        %slice3A_564 = vector.extract_strided_slice %get3A_64 {offsets = [15], sizes = [1], strides = [1]} : vector<16xi32> to vector<1xi32>
        %squeeze3A_565 = vector.extract %slice3A_564[0] : i32 from vector<1xi32>
        %dma_start3A_566 = arith.constant 0 : i32
        %dma_start3A_567 = tpu.memref_slice %arg13[%add3A_543, %dma_start3A_566] : memref<256x32xf32, #tpu.memory_space<vmem>> -> memref<1x32xf32, #tpu.memory_space<vmem>>
        %dma_start3A_568 = arith.constant 0 : i32
        %dma_start3A_569 = tpu.memref_slice %arg6[%squeeze3A_565, %dma_start3A_568] : memref<1000000x32xf32, #tpu.memory_space<hbm>> -> memref<1x32xf32, #tpu.memory_space<hbm>>
        %dma_start3A_570 = arith.constant 0 : i32
        %dma_start3A_571 = tpu.memref_slice %arg13[%add3A_543, %dma_start3A_570] : memref<256x32xf32, #tpu.memory_space<vmem>> -> memref<1x32xf32, #tpu.memory_space<vmem>>
        %dma_start3A_572 = arith.constant 0 : i32
        %dma_start3A_573 = tpu.memref_slice %arg6[%squeeze3A_565, %dma_start3A_572] : memref<1000000x32xf32, #tpu.memory_space<hbm>> -> memref<1x32xf32, #tpu.memory_space<hbm>>
        tpu.enqueue_dma source(%dma_start3A_573 : memref<1x32xf32, #tpu.memory_space<hbm>>) target(%dma_start3A_571 : memref<1x32xf32, #tpu.memory_space<vmem>>) target_semaphore(%arg16 : memref<!tpu.dma_semaphore, #tpu.memory_space<semaphore_mem>>)
      }
      %scan3A_46 = arith.constant 0 : i32
      %scan3A_47 = arith.constant 128 : i32
      %scan3A_48 = arith.addi %scan3A_46, %scan3A_47 : i32
      %scan3A_49 = arith.constant 1 : i32
      scf.for %scan3A_51 = %scan3A_46 to %scan3A_48 step %scan3A_49  : i32 {
        %dma_wait3A = arith.constant 0 : i32
        %dma_wait3A_52 = arith.constant 0 : i32
        %dma_wait3A_53 = tpu.memref_slice %arg11[%dma_wait3A, %dma_wait3A_52] : memref<256x32xf32, #tpu.memory_space<vmem>> -> memref<1x32xf32, #tpu.memory_space<vmem>>
        %dma_wait3A_54 = arith.constant 0 : i32
        %dma_wait3A_55 = arith.constant 0 : i32
        %dma_wait3A_56 = tpu.memref_slice %arg5[%dma_wait3A_54, %dma_wait3A_55] : memref<1000000x32xf32, #tpu.memory_space<hbm>> -> memref<1x32xf32, #tpu.memory_space<hbm>>
        %dma_wait3A_57 = arith.constant 0 : i32
        %dma_wait3A_58 = arith.constant 0 : i32
        %dma_wait3A_59 = tpu.memref_slice %arg11[%dma_wait3A_57, %dma_wait3A_58] : memref<256x32xf32, #tpu.memory_space<vmem>> -> memref<1x32xf32, #tpu.memory_space<vmem>>
        %dma_wait3A_60 = arith.constant 0 : i32
        %dma_wait3A_61 = arith.constant 0 : i32
        %dma_wait3A_62 = tpu.memref_slice %arg5[%dma_wait3A_60, %dma_wait3A_61] : memref<1000000x32xf32, #tpu.memory_space<hbm>> -> memref<1x32xf32, #tpu.memory_space<hbm>>
        tpu.wait_dma2 semaphore(%arg16 : memref<!tpu.dma_semaphore, #tpu.memory_space<semaphore_mem>>) src(%dma_wait3A_62 : memref<1x32xf32, #tpu.memory_space<hbm>>) dst(%dma_wait3A_59 : memref<1x32xf32, #tpu.memory_space<vmem>>)
        %dma_wait3A_63 = arith.constant 0 : i32
        %dma_wait3A_64 = arith.constant 0 : i32
        %dma_wait3A_65 = tpu.memref_slice %arg12[%dma_wait3A_63, %dma_wait3A_64] : memref<256x32xf32, #tpu.memory_space<vmem>> -> memref<1x32xf32, #tpu.memory_space<vmem>>
        %dma_wait3A_66 = arith.constant 0 : i32
        %dma_wait3A_67 = arith.constant 0 : i32
        %dma_wait3A_68 = tpu.memref_slice %arg6[%dma_wait3A_66, %dma_wait3A_67] : memref<1000000x32xf32, #tpu.memory_space<hbm>> -> memref<1x32xf32, #tpu.memory_space<hbm>>
        %dma_wait3A_69 = arith.constant 0 : i32
        %dma_wait3A_70 = arith.constant 0 : i32
        %dma_wait3A_71 = tpu.memref_slice %arg12[%dma_wait3A_69, %dma_wait3A_70] : memref<256x32xf32, #tpu.memory_space<vmem>> -> memref<1x32xf32, #tpu.memory_space<vmem>>
        %dma_wait3A_72 = arith.constant 0 : i32
        %dma_wait3A_73 = arith.constant 0 : i32
        %dma_wait3A_74 = tpu.memref_slice %arg6[%dma_wait3A_72, %dma_wait3A_73] : memref<1000000x32xf32, #tpu.memory_space<hbm>> -> memref<1x32xf32, #tpu.memory_space<hbm>>
        tpu.wait_dma2 semaphore(%arg16 : memref<!tpu.dma_semaphore, #tpu.memory_space<semaphore_mem>>) src(%dma_wait3A_74 : memref<1x32xf32, #tpu.memory_space<hbm>>) dst(%dma_wait3A_71 : memref<1x32xf32, #tpu.memory_space<vmem>>)
        %dma_wait3A_75 = arith.constant 0 : i32
        %dma_wait3A_76 = arith.constant 0 : i32
        %dma_wait3A_77 = tpu.memref_slice %arg13[%dma_wait3A_75, %dma_wait3A_76] : memref<256x32xf32, #tpu.memory_space<vmem>> -> memref<1x32xf32, #tpu.memory_space<vmem>>
        %dma_wait3A_78 = arith.constant 0 : i32
        %dma_wait3A_79 = arith.constant 0 : i32
        %dma_wait3A_80 = tpu.memref_slice %arg6[%dma_wait3A_78, %dma_wait3A_79] : memref<1000000x32xf32, #tpu.memory_space<hbm>> -> memref<1x32xf32, #tpu.memory_space<hbm>>
        %dma_wait3A_81 = arith.constant 0 : i32
        %dma_wait3A_82 = arith.constant 0 : i32
        %dma_wait3A_83 = tpu.memref_slice %arg13[%dma_wait3A_81, %dma_wait3A_82] : memref<256x32xf32, #tpu.memory_space<vmem>> -> memref<1x32xf32, #tpu.memory_space<vmem>>
        %dma_wait3A_84 = arith.constant 0 : i32
        %dma_wait3A_85 = arith.constant 0 : i32
        %dma_wait3A_86 = tpu.memref_slice %arg6[%dma_wait3A_84, %dma_wait3A_85] : memref<1000000x32xf32, #tpu.memory_space<hbm>> -> memref<1x32xf32, #tpu.memory_space<hbm>>
        tpu.wait_dma2 semaphore(%arg16 : memref<!tpu.dma_semaphore, #tpu.memory_space<semaphore_mem>>) src(%dma_wait3A_86 : memref<1x32xf32, #tpu.memory_space<hbm>>) dst(%dma_wait3A_83 : memref<1x32xf32, #tpu.memory_space<vmem>>)
      }
      %scan3A_50 = arith.constant 128 : i32
    }
    %scan3A_20 = arith.constant 2 : i32
    %scan3A_21 = arith.constant 0.142857149 : f32
    %scan3A_22 = arith.constant 2.000000e-01 : f32
    %scan3A_23 = arith.constant 0.333333343 : f32
    %scan3A_24 = arith.constant 0 : i32
    %scan3A_25 = arith.constant 64 : i32
    %scan3A_26 = arith.addi %scan3A_24, %scan3A_25 : i32
    %scan3A_27 = arith.constant 1 : i32
    scf.for %scan3A_34 = %scan3A_24 to %scan3A_26 step %scan3A_27  : i32 {
      %mul3A_35 = arith.constant 4 : i32
      %mul3A_36 = arith.muli %scan3A_34, %mul3A_35 : i32
      %add3A_37 = arith.constant 0 : i32
      %add3A_38 = arith.addi %mul3A_36, %add3A_37 : i32
      %mul3A_39 = arith.constant 512 : i32
      %mul3A_40 = vector.broadcast %mul3A_39 : i32 to vector<16xi32>
      %mul3A_41 = arith.muli %iota3A, %mul3A_40 : vector<16xi32>
      %add3A_42 = arith.constant 256 : i32
      %add3A_43 = arith.addi %add3A_42, %add3A_38 : i32
      %add3A_44 = vector.broadcast %add3A_43 : i32 to vector<16xi32>
      %add3A_45 = arith.addi %mul3A_41, %add3A_44 : vector<16xi32>
      %get3A = arith.index_cast %add3A_38 : i32 to index
      %get3A_46 = arith.constant 0 : index
      %get3A_47 = tpu.vector_load %arg11[%get3A, %get3A_46] {strides = array<i32>} : memref<256x32xf32, #tpu.memory_space<vmem>>, vector<16xf32>,
      %get3A_48 = arith.index_cast %add3A_38 : i32 to index
      %get3A_49 = arith.constant 0 : index
      %get3A_50 = tpu.vector_load %arg12[%get3A_48, %get3A_49] {strides = array<i32>} : memref<256x32xf32, #tpu.memory_space<vmem>>, vector<16xf32>,
      %get3A_51 = arith.index_cast %add3A_38 : i32 to index
      %get3A_52 = arith.constant 0 : index
      %get3A_53 = tpu.vector_load %arg13[%get3A_51, %get3A_52] {strides = array<i32>} : memref<256x32xf32, #tpu.memory_space<vmem>>, vector<16xf32>,
      %sub3A = arith.subf %get3A_50, %get3A_53 : vector<16xf32>
      %mul3A_54 = arith.mulf %get3A_47, %sub3A : vector<16xf32>
      %abs3A = math.absf %mul3A_54 : vector<16xf32>
      %neg3A = arith.constant 0.000000e+00 : f32
      %neg3A_55 = vector.broadcast %neg3A : f32 to vector<16xf32>
      %neg3A_56 = arith.subf %neg3A_55, %abs3A : vector<16xf32>
      %exp3A = math.exp %neg3A_56 : vector<16xf32>
      %add3A_57 = arith.constant 2.000000e+00 : f32
      %add3A_58 = vector.broadcast %add3A_57 : f32 to vector<16xf32>
      %add3A_59 = arith.addf %exp3A, %add3A_58 : vector<16xf32>
      %div3A = arith.divf %exp3A, %add3A_59 : vector<16xf32>
      %mul3A_60 = arith.mulf %div3A, %div3A : vector<16xf32>
      %mul3A_61 = arith.constant 2.000000e+00 : f32
      %mul3A_62 = vector.broadcast %mul3A_61 : f32 to vector<16xf32>
      %mul3A_63 = arith.mulf %mul3A_62, %div3A : vector<16xf32>
      %mul3A_64 = vector.broadcast %scan3A_21 : f32 to vector<16xf32>
      %mul3A_65 = arith.mulf %mul3A_60, %mul3A_64 : vector<16xf32>
      %add3A_66 = vector.broadcast %scan3A_22 : f32 to vector<16xf32>
      %add3A_67 = arith.addf %add3A_66, %mul3A_65 : vector<16xf32>
      %mul3A_68 = arith.mulf %mul3A_60, %add3A_67 : vector<16xf32>
      %add3A_69 = vector.broadcast %scan3A_23 : f32 to vector<16xf32>
      %add3A_70 = arith.addf %add3A_69, %mul3A_68 : vector<16xf32>
      %mul3A_71 = arith.mulf %mul3A_60, %add3A_70 : vector<16xf32>
      %add3A_72 = arith.constant 1.000000e+00 : f32
      %add3A_73 = vector.broadcast %add3A_72 : f32 to vector<16xf32>
      %add3A_74 = arith.addf %add3A_73, %mul3A_71 : vector<16xf32>
      %mul3A_75 = arith.mulf %mul3A_63, %add3A_74 : vector<16xf32>
      %min3A = arith.minimumf %mul3A_54, %broadcast_in_dim3A_3 : vector<16xf32>
      %sub3A_76 = arith.subf %min3A, %mul3A_75 : vector<16xf32>
      %mul3A_77 = arith.mulf %get3A_47, %get3A_47 : vector<16xf32>
      %mul3A_78 = arith.mulf %get3A_50, %get3A_50 : vector<16xf32>
      %add3A_79 = arith.addf %mul3A_77, %mul3A_78 : vector<16xf32>
      %mul3A_80 = arith.mulf %get3A_53, %get3A_53 : vector<16xf32>
      %add3A_81 = arith.addf %add3A_79, %mul3A_80 : vector<16xf32>
      %mul3A_82 = arith.constant 3.125000e-07 : f32
      %mul3A_83 = vector.broadcast %mul3A_82 : f32 to vector<16xf32>
      %mul3A_84 = arith.mulf %mul3A_83, %add3A_81 : vector<16xf32>
      %mul3A_85 = arith.constant 3.125000e-02 : f32
      %mul3A_86 = vector.broadcast %mul3A_85 : f32 to vector<16xf32>
      %mul3A_87 = arith.mulf %mul3A_86, %sub3A_76 : vector<16xf32>
      %sub3A_88 = arith.subf %mul3A_84, %mul3A_87 : vector<16xf32>
      %add3A_89 = arith.addf %broadcast_in_dim3A_3, %sub3A_88 : vector<16xf32>
      %get3A_90 = arith.index_cast %add3A_38 : i32 to index
      %get3A_91 = arith.constant 16 : index
      %get3A_92 = tpu.vector_load %arg11[%get3A_90, %get3A_91] {strides = array<i32>} : memref<256x32xf32, #tpu.memory_space<vmem>>, vector<16xf32>,
      %get3A_93 = arith.index_cast %add3A_38 : i32 to index
      %get3A_94 = arith.constant 16 : index
      %get3A_95 = tpu.vector_load %arg12[%get3A_93, %get3A_94] {strides = array<i32>} : memref<256x32xf32, #tpu.memory_space<vmem>>, vector<16xf32>,
      %get3A_96 = arith.index_cast %add3A_38 : i32 to index
      %get3A_97 = arith.constant 16 : index
      %get3A_98 = tpu.vector_load %arg13[%get3A_96, %get3A_97] {strides = array<i32>} : memref<256x32xf32, #tpu.memory_space<vmem>>, vector<16xf32>,
      %sub3A_99 = arith.subf %get3A_95, %get3A_98 : vector<16xf32>
      %mul3A_100 = arith.mulf %get3A_92, %sub3A_99 : vector<16xf32>
      %abs3A_101 = math.absf %mul3A_100 : vector<16xf32>
      %neg3A_102 = arith.constant 0.000000e+00 : f32
      %neg3A_103 = vector.broadcast %neg3A_102 : f32 to vector<16xf32>
      %neg3A_104 = arith.subf %neg3A_103, %abs3A_101 : vector<16xf32>
      %exp3A_105 = math.exp %neg3A_104 : vector<16xf32>
      %add3A_106 = arith.constant 2.000000e+00 : f32
      %add3A_107 = vector.broadcast %add3A_106 : f32 to vector<16xf32>
      %add3A_108 = arith.addf %exp3A_105, %add3A_107 : vector<16xf32>
      %div3A_109 = arith.divf %exp3A_105, %add3A_108 : vector<16xf32>
      %mul3A_110 = arith.mulf %div3A_109, %div3A_109 : vector<16xf32>
      %mul3A_111 = arith.constant 2.000000e+00 : f32
      %mul3A_112 = vector.broadcast %mul3A_111 : f32 to vector<16xf32>
      %mul3A_113 = arith.mulf %mul3A_112, %div3A_109 : vector<16xf32>
      %mul3A_114 = vector.broadcast %scan3A_21 : f32 to vector<16xf32>
      %mul3A_115 = arith.mulf %mul3A_110, %mul3A_114 : vector<16xf32>
      %add3A_116 = vector.broadcast %scan3A_22 : f32 to vector<16xf32>
      %add3A_117 = arith.addf %add3A_116, %mul3A_115 : vector<16xf32>
      %mul3A_118 = arith.mulf %mul3A_110, %add3A_117 : vector<16xf32>
      %add3A_119 = vector.broadcast %scan3A_23 : f32 to vector<16xf32>
      %add3A_120 = arith.addf %add3A_119, %mul3A_118 : vector<16xf32>
      %mul3A_121 = arith.mulf %mul3A_110, %add3A_120 : vector<16xf32>
      %add3A_122 = arith.constant 1.000000e+00 : f32
      %add3A_123 = vector.broadcast %add3A_122 : f32 to vector<16xf32>
      %add3A_124 = arith.addf %add3A_123, %mul3A_121 : vector<16xf32>
      %mul3A_125 = arith.mulf %mul3A_113, %add3A_124 : vector<16xf32>
      %min3A_126 = arith.minimumf %mul3A_100, %broadcast_in_dim3A_3 : vector<16xf32>
      %sub3A_127 = arith.subf %min3A_126, %mul3A_125 : vector<16xf32>
      %mul3A_128 = arith.mulf %get3A_92, %get3A_92 : vector<16xf32>
      %mul3A_129 = arith.mulf %get3A_95, %get3A_95 : vector<16xf32>
      %add3A_130 = arith.addf %mul3A_128, %mul3A_129 : vector<16xf32>
      %mul3A_131 = arith.mulf %get3A_98, %get3A_98 : vector<16xf32>
      %add3A_132 = arith.addf %add3A_130, %mul3A_131 : vector<16xf32>
      %mul3A_133 = arith.constant 3.125000e-07 : f32
      %mul3A_134 = vector.broadcast %mul3A_133 : f32 to vector<16xf32>
      %mul3A_135 = arith.mulf %mul3A_134, %add3A_132 : vector<16xf32>
      %mul3A_136 = arith.constant 3.125000e-02 : f32
      %mul3A_137 = vector.broadcast %mul3A_136 : f32 to vector<16xf32>
      %mul3A_138 = arith.mulf %mul3A_137, %sub3A_127 : vector<16xf32>
      %sub3A_139 = arith.subf %mul3A_135, %mul3A_138 : vector<16xf32>
      %add3A_140 = arith.addf %add3A_89, %sub3A_139 : vector<16xf32>
      tpu.vector_store_idx %arg14[%add3A_45], %add3A_140 : memref<8192xf32, #tpu.memory_space<vmem>>[vector<16xi32>], vector<16xf32>,
      %add3A_141 = arith.constant 1 : i32
      %add3A_142 = arith.addi %mul3A_36, %add3A_141 : i32
      %mul3A_143 = arith.constant 512 : i32
      %mul3A_144 = vector.broadcast %mul3A_143 : i32 to vector<16xi32>
      %mul3A_145 = arith.muli %iota3A, %mul3A_144 : vector<16xi32>
      %add3A_146 = arith.constant 256 : i32
      %add3A_147 = arith.addi %add3A_146, %add3A_142 : i32
      %add3A_148 = vector.broadcast %add3A_147 : i32 to vector<16xi32>
      %add3A_149 = arith.addi %mul3A_145, %add3A_148 : vector<16xi32>
      %get3A_150 = arith.index_cast %add3A_142 : i32 to index
      %get3A_151 = arith.constant 0 : index
      %get3A_152 = tpu.vector_load %arg11[%get3A_150, %get3A_151] {strides = array<i32>} : memref<256x32xf32, #tpu.memory_space<vmem>>, vector<16xf32>,
      %get3A_153 = arith.index_cast %add3A_142 : i32 to index
      %get3A_154 = arith.constant 0 : index
      %get3A_155 = tpu.vector_load %arg12[%get3A_153, %get3A_154] {strides = array<i32>} : memref<256x32xf32, #tpu.memory_space<vmem>>, vector<16xf32>,
      %get3A_156 = arith.index_cast %add3A_142 : i32 to index
      %get3A_157 = arith.constant 0 : index
      %get3A_158 = tpu.vector_load %arg13[%get3A_156, %get3A_157] {strides = array<i32>} : memref<256x32xf32, #tpu.memory_space<vmem>>, vector<16xf32>,
      %sub3A_159 = arith.subf %get3A_155, %get3A_158 : vector<16xf32>
      %mul3A_160 = arith.mulf %get3A_152, %sub3A_159 : vector<16xf32>
      %abs3A_161 = math.absf %mul3A_160 : vector<16xf32>
      %neg3A_162 = arith.constant 0.000000e+00 : f32
      %neg3A_163 = vector.broadcast %neg3A_162 : f32 to vector<16xf32>
      %neg3A_164 = arith.subf %neg3A_163, %abs3A_161 : vector<16xf32>
      %exp3A_165 = math.exp %neg3A_164 : vector<16xf32>
      %add3A_166 = arith.constant 2.000000e+00 : f32
      %add3A_167 = vector.broadcast %add3A_166 : f32 to vector<16xf32>
      %add3A_168 = arith.addf %exp3A_165, %add3A_167 : vector<16xf32>
      %div3A_169 = arith.divf %exp3A_165, %add3A_168 : vector<16xf32>
      %mul3A_170 = arith.mulf %div3A_169, %div3A_169 : vector<16xf32>
      %mul3A_171 = arith.constant 2.000000e+00 : f32
      %mul3A_172 = vector.broadcast %mul3A_171 : f32 to vector<16xf32>
      %mul3A_173 = arith.mulf %mul3A_172, %div3A_169 : vector<16xf32>
      %mul3A_174 = vector.broadcast %scan3A_21 : f32 to vector<16xf32>
      %mul3A_175 = arith.mulf %mul3A_170, %mul3A_174 : vector<16xf32>
      %add3A_176 = vector.broadcast %scan3A_22 : f32 to vector<16xf32>
      %add3A_177 = arith.addf %add3A_176, %mul3A_175 : vector<16xf32>
      %mul3A_178 = arith.mulf %mul3A_170, %add3A_177 : vector<16xf32>
      %add3A_179 = vector.broadcast %scan3A_23 : f32 to vector<16xf32>
      %add3A_180 = arith.addf %add3A_179, %mul3A_178 : vector<16xf32>
      %mul3A_181 = arith.mulf %mul3A_170, %add3A_180 : vector<16xf32>
      %add3A_182 = arith.constant 1.000000e+00 : f32
      %add3A_183 = vector.broadcast %add3A_182 : f32 to vector<16xf32>
      %add3A_184 = arith.addf %add3A_183, %mul3A_181 : vector<16xf32>
      %mul3A_185 = arith.mulf %mul3A_173, %add3A_184 : vector<16xf32>
      %min3A_186 = arith.minimumf %mul3A_160, %broadcast_in_dim3A_3 : vector<16xf32>
      %sub3A_187 = arith.subf %min3A_186, %mul3A_185 : vector<16xf32>
      %mul3A_188 = arith.mulf %get3A_152, %get3A_152 : vector<16xf32>
      %mul3A_189 = arith.mulf %get3A_155, %get3A_155 : vector<16xf32>
      %add3A_190 = arith.addf %mul3A_188, %mul3A_189 : vector<16xf32>
      %mul3A_191 = arith.mulf %get3A_158, %get3A_158 : vector<16xf32>
      %add3A_192 = arith.addf %add3A_190, %mul3A_191 : vector<16xf32>
      %mul3A_193 = arith.constant 3.125000e-07 : f32
      %mul3A_194 = vector.broadcast %mul3A_193 : f32 to vector<16xf32>
      %mul3A_195 = arith.mulf %mul3A_194, %add3A_192 : vector<16xf32>
      %mul3A_196 = arith.constant 3.125000e-02 : f32
      %mul3A_197 = vector.broadcast %mul3A_196 : f32 to vector<16xf32>
      %mul3A_198 = arith.mulf %mul3A_197, %sub3A_187 : vector<16xf32>
      %sub3A_199 = arith.subf %mul3A_195, %mul3A_198 : vector<16xf32>
      %add3A_200 = arith.addf %broadcast_in_dim3A_3, %sub3A_199 : vector<16xf32>
      %get3A_201 = arith.index_cast %add3A_142 : i32 to index
      %get3A_202 = arith.constant 16 : index
      %get3A_203 = tpu.vector_load %arg11[%get3A_201, %get3A_202] {strides = array<i32>} : memref<256x32xf32, #tpu.memory_space<vmem>>, vector<16xf32>,
      %get3A_204 = arith.index_cast %add3A_142 : i32 to index
      %get3A_205 = arith.constant 16 : index
      %get3A_206 = tpu.vector_load %arg12[%get3A_204, %get3A_205] {strides = array<i32>} : memref<256x32xf32, #tpu.memory_space<vmem>>, vector<16xf32>,
      %get3A_207 = arith.index_cast %add3A_142 : i32 to index
      %get3A_208 = arith.constant 16 : index
      %get3A_209 = tpu.vector_load %arg13[%get3A_207, %get3A_208] {strides = array<i32>} : memref<256x32xf32, #tpu.memory_space<vmem>>, vector<16xf32>,
      %sub3A_210 = arith.subf %get3A_206, %get3A_209 : vector<16xf32>
      %mul3A_211 = arith.mulf %get3A_203, %sub3A_210 : vector<16xf32>
      %abs3A_212 = math.absf %mul3A_211 : vector<16xf32>
      %neg3A_213 = arith.constant 0.000000e+00 : f32
      %neg3A_214 = vector.broadcast %neg3A_213 : f32 to vector<16xf32>
      %neg3A_215 = arith.subf %neg3A_214, %abs3A_212 : vector<16xf32>
      %exp3A_216 = math.exp %neg3A_215 : vector<16xf32>
      %add3A_217 = arith.constant 2.000000e+00 : f32
      %add3A_218 = vector.broadcast %add3A_217 : f32 to vector<16xf32>
      %add3A_219 = arith.addf %exp3A_216, %add3A_218 : vector<16xf32>
      %div3A_220 = arith.divf %exp3A_216, %add3A_219 : vector<16xf32>
      %mul3A_221 = arith.mulf %div3A_220, %div3A_220 : vector<16xf32>
      %mul3A_222 = arith.constant 2.000000e+00 : f32
      %mul3A_223 = vector.broadcast %mul3A_222 : f32 to vector<16xf32>
      %mul3A_224 = arith.mulf %mul3A_223, %div3A_220 : vector<16xf32>
      %mul3A_225 = vector.broadcast %scan3A_21 : f32 to vector<16xf32>
      %mul3A_226 = arith.mulf %mul3A_221, %mul3A_225 : vector<16xf32>
      %add3A_227 = vector.broadcast %scan3A_22 : f32 to vector<16xf32>
      %add3A_228 = arith.addf %add3A_227, %mul3A_226 : vector<16xf32>
      %mul3A_229 = arith.mulf %mul3A_221, %add3A_228 : vector<16xf32>
      %add3A_230 = vector.broadcast %scan3A_23 : f32 to vector<16xf32>
      %add3A_231 = arith.addf %add3A_230, %mul3A_229 : vector<16xf32>
      %mul3A_232 = arith.mulf %mul3A_221, %add3A_231 : vector<16xf32>
      %add3A_233 = arith.constant 1.000000e+00 : f32
      %add3A_234 = vector.broadcast %add3A_233 : f32 to vector<16xf32>
      %add3A_235 = arith.addf %add3A_234, %mul3A_232 : vector<16xf32>
      %mul3A_236 = arith.mulf %mul3A_224, %add3A_235 : vector<16xf32>
      %min3A_237 = arith.minimumf %mul3A_211, %broadcast_in_dim3A_3 : vector<16xf32>
      %sub3A_238 = arith.subf %min3A_237, %mul3A_236 : vector<16xf32>
      %mul3A_239 = arith.mulf %get3A_203, %get3A_203 : vector<16xf32>
      %mul3A_240 = arith.mulf %get3A_206, %get3A_206 : vector<16xf32>
      %add3A_241 = arith.addf %mul3A_239, %mul3A_240 : vector<16xf32>
      %mul3A_242 = arith.mulf %get3A_209, %get3A_209 : vector<16xf32>
      %add3A_243 = arith.addf %add3A_241, %mul3A_242 : vector<16xf32>
      %mul3A_244 = arith.constant 3.125000e-07 : f32
      %mul3A_245 = vector.broadcast %mul3A_244 : f32 to vector<16xf32>
      %mul3A_246 = arith.mulf %mul3A_245, %add3A_243 : vector<16xf32>
      %mul3A_247 = arith.constant 3.125000e-02 : f32
      %mul3A_248 = vector.broadcast %mul3A_247 : f32 to vector<16xf32>
      %mul3A_249 = arith.mulf %mul3A_248, %sub3A_238 : vector<16xf32>
      %sub3A_250 = arith.subf %mul3A_246, %mul3A_249 : vector<16xf32>
      %add3A_251 = arith.addf %add3A_200, %sub3A_250 : vector<16xf32>
      tpu.vector_store_idx %arg14[%add3A_149], %add3A_251 : memref<8192xf32, #tpu.memory_space<vmem>>[vector<16xi32>], vector<16xf32>,
      %add3A_252 = arith.constant 2 : i32
      %add3A_253 = arith.addi %mul3A_36, %add3A_252 : i32
      %mul3A_254 = arith.constant 512 : i32
      %mul3A_255 = vector.broadcast %mul3A_254 : i32 to vector<16xi32>
      %mul3A_256 = arith.muli %iota3A, %mul3A_255 : vector<16xi32>
      %add3A_257 = arith.constant 256 : i32
      %add3A_258 = arith.addi %add3A_257, %add3A_253 : i32
      %add3A_259 = vector.broadcast %add3A_258 : i32 to vector<16xi32>
      %add3A_260 = arith.addi %mul3A_256, %add3A_259 : vector<16xi32>
      %get3A_261 = arith.index_cast %add3A_253 : i32 to index
      %get3A_262 = arith.constant 0 : index
      %get3A_263 = tpu.vector_load %arg11[%get3A_261, %get3A_262] {strides = array<i32>} : memref<256x32xf32, #tpu.memory_space<vmem>>, vector<16xf32>,
      %get3A_264 = arith.index_cast %add3A_253 : i32 to index
      %get3A_265 = arith.constant 0 : index
      %get3A_266 = tpu.vector_load %arg12[%get3A_264, %get3A_265] {strides = array<i32>} : memref<256x32xf32, #tpu.memory_space<vmem>>, vector<16xf32>,
      %get3A_267 = arith.index_cast %add3A_253 : i32 to index
      %get3A_268 = arith.constant 0 : index
      %get3A_269 = tpu.vector_load %arg13[%get3A_267, %get3A_268] {strides = array<i32>} : memref<256x32xf32, #tpu.memory_space<vmem>>, vector<16xf32>,
      %sub3A_270 = arith.subf %get3A_266, %get3A_269 : vector<16xf32>
      %mul3A_271 = arith.mulf %get3A_263, %sub3A_270 : vector<16xf32>
      %abs3A_272 = math.absf %mul3A_271 : vector<16xf32>
      %neg3A_273 = arith.constant 0.000000e+00 : f32
      %neg3A_274 = vector.broadcast %neg3A_273 : f32 to vector<16xf32>
      %neg3A_275 = arith.subf %neg3A_274, %abs3A_272 : vector<16xf32>
      %exp3A_276 = math.exp %neg3A_275 : vector<16xf32>
      %add3A_277 = arith.constant 2.000000e+00 : f32
      %add3A_278 = vector.broadcast %add3A_277 : f32 to vector<16xf32>
      %add3A_279 = arith.addf %exp3A_276, %add3A_278 : vector<16xf32>
      %div3A_280 = arith.divf %exp3A_276, %add3A_279 : vector<16xf32>
      %mul3A_281 = arith.mulf %div3A_280, %div3A_280 : vector<16xf32>
      %mul3A_282 = arith.constant 2.000000e+00 : f32
      %mul3A_283 = vector.broadcast %mul3A_282 : f32 to vector<16xf32>
      %mul3A_284 = arith.mulf %mul3A_283, %div3A_280 : vector<16xf32>
      %mul3A_285 = vector.broadcast %scan3A_21 : f32 to vector<16xf32>
      %mul3A_286 = arith.mulf %mul3A_281, %mul3A_285 : vector<16xf32>
      %add3A_287 = vector.broadcast %scan3A_22 : f32 to vector<16xf32>
      %add3A_288 = arith.addf %add3A_287, %mul3A_286 : vector<16xf32>
      %mul3A_289 = arith.mulf %mul3A_281, %add3A_288 : vector<16xf32>
      %add3A_290 = vector.broadcast %scan3A_23 : f32 to vector<16xf32>
      %add3A_291 = arith.addf %add3A_290, %mul3A_289 : vector<16xf32>
      %mul3A_292 = arith.mulf %mul3A_281, %add3A_291 : vector<16xf32>
      %add3A_293 = arith.constant 1.000000e+00 : f32
      %add3A_294 = vector.broadcast %add3A_293 : f32 to vector<16xf32>
      %add3A_295 = arith.addf %add3A_294, %mul3A_292 : vector<16xf32>
      %mul3A_296 = arith.mulf %mul3A_284, %add3A_295 : vector<16xf32>
      %min3A_297 = arith.minimumf %mul3A_271, %broadcast_in_dim3A_3 : vector<16xf32>
      %sub3A_298 = arith.subf %min3A_297, %mul3A_296 : vector<16xf32>
      %mul3A_299 = arith.mulf %get3A_263, %get3A_263 : vector<16xf32>
      %mul3A_300 = arith.mulf %get3A_266, %get3A_266 : vector<16xf32>
      %add3A_301 = arith.addf %mul3A_299, %mul3A_300 : vector<16xf32>
      %mul3A_302 = arith.mulf %get3A_269, %get3A_269 : vector<16xf32>
      %add3A_303 = arith.addf %add3A_301, %mul3A_302 : vector<16xf32>
      %mul3A_304 = arith.constant 3.125000e-07 : f32
      %mul3A_305 = vector.broadcast %mul3A_304 : f32 to vector<16xf32>
      %mul3A_306 = arith.mulf %mul3A_305, %add3A_303 : vector<16xf32>
      %mul3A_307 = arith.constant 3.125000e-02 : f32
      %mul3A_308 = vector.broadcast %mul3A_307 : f32 to vector<16xf32>
      %mul3A_309 = arith.mulf %mul3A_308, %sub3A_298 : vector<16xf32>
      %sub3A_310 = arith.subf %mul3A_306, %mul3A_309 : vector<16xf32>
      %add3A_311 = arith.addf %broadcast_in_dim3A_3, %sub3A_310 : vector<16xf32>
      %get3A_312 = arith.index_cast %add3A_253 : i32 to index
      %get3A_313 = arith.constant 16 : index
      %get3A_314 = tpu.vector_load %arg11[%get3A_312, %get3A_313] {strides = array<i32>} : memref<256x32xf32, #tpu.memory_space<vmem>>, vector<16xf32>,
      %get3A_315 = arith.index_cast %add3A_253 : i32 to index
      %get3A_316 = arith.constant 16 : index
      %get3A_317 = tpu.vector_load %arg12[%get3A_315, %get3A_316] {strides = array<i32>} : memref<256x32xf32, #tpu.memory_space<vmem>>, vector<16xf32>,
      %get3A_318 = arith.index_cast %add3A_253 : i32 to index
      %get3A_319 = arith.constant 16 : index
      %get3A_320 = tpu.vector_load %arg13[%get3A_318, %get3A_319] {strides = array<i32>} : memref<256x32xf32, #tpu.memory_space<vmem>>, vector<16xf32>,
      %sub3A_321 = arith.subf %get3A_317, %get3A_320 : vector<16xf32>
      %mul3A_322 = arith.mulf %get3A_314, %sub3A_321 : vector<16xf32>
      %abs3A_323 = math.absf %mul3A_322 : vector<16xf32>
      %neg3A_324 = arith.constant 0.000000e+00 : f32
      %neg3A_325 = vector.broadcast %neg3A_324 : f32 to vector<16xf32>
      %neg3A_326 = arith.subf %neg3A_325, %abs3A_323 : vector<16xf32>
      %exp3A_327 = math.exp %neg3A_326 : vector<16xf32>
      %add3A_328 = arith.constant 2.000000e+00 : f32
      %add3A_329 = vector.broadcast %add3A_328 : f32 to vector<16xf32>
      %add3A_330 = arith.addf %exp3A_327, %add3A_329 : vector<16xf32>
      %div3A_331 = arith.divf %exp3A_327, %add3A_330 : vector<16xf32>
      %mul3A_332 = arith.mulf %div3A_331, %div3A_331 : vector<16xf32>
      %mul3A_333 = arith.constant 2.000000e+00 : f32
      %mul3A_334 = vector.broadcast %mul3A_333 : f32 to vector<16xf32>
      %mul3A_335 = arith.mulf %mul3A_334, %div3A_331 : vector<16xf32>
      %mul3A_336 = vector.broadcast %scan3A_21 : f32 to vector<16xf32>
      %mul3A_337 = arith.mulf %mul3A_332, %mul3A_336 : vector<16xf32>
      %add3A_338 = vector.broadcast %scan3A_22 : f32 to vector<16xf32>
      %add3A_339 = arith.addf %add3A_338, %mul3A_337 : vector<16xf32>
      %mul3A_340 = arith.mulf %mul3A_332, %add3A_339 : vector<16xf32>
      %add3A_341 = vector.broadcast %scan3A_23 : f32 to vector<16xf32>
      %add3A_342 = arith.addf %add3A_341, %mul3A_340 : vector<16xf32>
      %mul3A_343 = arith.mulf %mul3A_332, %add3A_342 : vector<16xf32>
      %add3A_344 = arith.constant 1.000000e+00 : f32
      %add3A_345 = vector.broadcast %add3A_344 : f32 to vector<16xf32>
      %add3A_346 = arith.addf %add3A_345, %mul3A_343 : vector<16xf32>
      %mul3A_347 = arith.mulf %mul3A_335, %add3A_346 : vector<16xf32>
      %min3A_348 = arith.minimumf %mul3A_322, %broadcast_in_dim3A_3 : vector<16xf32>
      %sub3A_349 = arith.subf %min3A_348, %mul3A_347 : vector<16xf32>
      %mul3A_350 = arith.mulf %get3A_314, %get3A_314 : vector<16xf32>
      %mul3A_351 = arith.mulf %get3A_317, %get3A_317 : vector<16xf32>
      %add3A_352 = arith.addf %mul3A_350, %mul3A_351 : vector<16xf32>
      %mul3A_353 = arith.mulf %get3A_320, %get3A_320 : vector<16xf32>
      %add3A_354 = arith.addf %add3A_352, %mul3A_353 : vector<16xf32>
      %mul3A_355 = arith.constant 3.125000e-07 : f32
      %mul3A_356 = vector.broadcast %mul3A_355 : f32 to vector<16xf32>
      %mul3A_357 = arith.mulf %mul3A_356, %add3A_354 : vector<16xf32>
      %mul3A_358 = arith.constant 3.125000e-02 : f32
      %mul3A_359 = vector.broadcast %mul3A_358 : f32 to vector<16xf32>
      %mul3A_360 = arith.mulf %mul3A_359, %sub3A_349 : vector<16xf32>
      %sub3A_361 = arith.subf %mul3A_357, %mul3A_360 : vector<16xf32>
      %add3A_362 = arith.addf %add3A_311, %sub3A_361 : vector<16xf32>
      tpu.vector_store_idx %arg14[%add3A_260], %add3A_362 : memref<8192xf32, #tpu.memory_space<vmem>>[vector<16xi32>], vector<16xf32>,
      %add3A_363 = arith.constant 3 : i32
      %add3A_364 = arith.addi %mul3A_36, %add3A_363 : i32
      %mul3A_365 = arith.constant 512 : i32
      %mul3A_366 = vector.broadcast %mul3A_365 : i32 to vector<16xi32>
      %mul3A_367 = arith.muli %iota3A, %mul3A_366 : vector<16xi32>
      %add3A_368 = arith.constant 256 : i32
      %add3A_369 = arith.addi %add3A_368, %add3A_364 : i32
      %add3A_370 = vector.broadcast %add3A_369 : i32 to vector<16xi32>
      %add3A_371 = arith.addi %mul3A_367, %add3A_370 : vector<16xi32>
      %get3A_372 = arith.index_cast %add3A_364 : i32 to index
      %get3A_373 = arith.constant 0 : index
      %get3A_374 = tpu.vector_load %arg11[%get3A_372, %get3A_373] {strides = array<i32>} : memref<256x32xf32, #tpu.memory_space<vmem>>, vector<16xf32>,
      %get3A_375 = arith.index_cast %add3A_364 : i32 to index
      %get3A_376 = arith.constant 0 : index
      %get3A_377 = tpu.vector_load %arg12[%get3A_375, %get3A_376] {strides = array<i32>} : memref<256x32xf32, #tpu.memory_space<vmem>>, vector<16xf32>,
      %get3A_378 = arith.index_cast %add3A_364 : i32 to index
      %get3A_379 = arith.constant 0 : index
      %get3A_380 = tpu.vector_load %arg13[%get3A_378, %get3A_379] {strides = array<i32>} : memref<256x32xf32, #tpu.memory_space<vmem>>, vector<16xf32>,
      %sub3A_381 = arith.subf %get3A_377, %get3A_380 : vector<16xf32>
      %mul3A_382 = arith.mulf %get3A_374, %sub3A_381 : vector<16xf32>
      %abs3A_383 = math.absf %mul3A_382 : vector<16xf32>
      %neg3A_384 = arith.constant 0.000000e+00 : f32
      %neg3A_385 = vector.broadcast %neg3A_384 : f32 to vector<16xf32>
      %neg3A_386 = arith.subf %neg3A_385, %abs3A_383 : vector<16xf32>
      %exp3A_387 = math.exp %neg3A_386 : vector<16xf32>
      %add3A_388 = arith.constant 2.000000e+00 : f32
      %add3A_389 = vector.broadcast %add3A_388 : f32 to vector<16xf32>
      %add3A_390 = arith.addf %exp3A_387, %add3A_389 : vector<16xf32>
      %div3A_391 = arith.divf %exp3A_387, %add3A_390 : vector<16xf32>
      %mul3A_392 = arith.mulf %div3A_391, %div3A_391 : vector<16xf32>
      %mul3A_393 = arith.constant 2.000000e+00 : f32
      %mul3A_394 = vector.broadcast %mul3A_393 : f32 to vector<16xf32>
      %mul3A_395 = arith.mulf %mul3A_394, %div3A_391 : vector<16xf32>
      %mul3A_396 = vector.broadcast %scan3A_21 : f32 to vector<16xf32>
      %mul3A_397 = arith.mulf %mul3A_392, %mul3A_396 : vector<16xf32>
      %add3A_398 = vector.broadcast %scan3A_22 : f32 to vector<16xf32>
      %add3A_399 = arith.addf %add3A_398, %mul3A_397 : vector<16xf32>
      %mul3A_400 = arith.mulf %mul3A_392, %add3A_399 : vector<16xf32>
      %add3A_401 = vector.broadcast %scan3A_23 : f32 to vector<16xf32>
      %add3A_402 = arith.addf %add3A_401, %mul3A_400 : vector<16xf32>
      %mul3A_403 = arith.mulf %mul3A_392, %add3A_402 : vector<16xf32>
      %add3A_404 = arith.constant 1.000000e+00 : f32
      %add3A_405 = vector.broadcast %add3A_404 : f32 to vector<16xf32>
      %add3A_406 = arith.addf %add3A_405, %mul3A_403 : vector<16xf32>
      %mul3A_407 = arith.mulf %mul3A_395, %add3A_406 : vector<16xf32>
      %min3A_408 = arith.minimumf %mul3A_382, %broadcast_in_dim3A_3 : vector<16xf32>
      %sub3A_409 = arith.subf %min3A_408, %mul3A_407 : vector<16xf32>
      %mul3A_410 = arith.mulf %get3A_374, %get3A_374 : vector<16xf32>
      %mul3A_411 = arith.mulf %get3A_377, %get3A_377 : vector<16xf32>
      %add3A_412 = arith.addf %mul3A_410, %mul3A_411 : vector<16xf32>
      %mul3A_413 = arith.mulf %get3A_380, %get3A_380 : vector<16xf32>
      %add3A_414 = arith.addf %add3A_412, %mul3A_413 : vector<16xf32>
      %mul3A_415 = arith.constant 3.125000e-07 : f32
      %mul3A_416 = vector.broadcast %mul3A_415 : f32 to vector<16xf32>
      %mul3A_417 = arith.mulf %mul3A_416, %add3A_414 : vector<16xf32>
      %mul3A_418 = arith.constant 3.125000e-02 : f32
      %mul3A_419 = vector.broadcast %mul3A_418 : f32 to vector<16xf32>
      %mul3A_420 = arith.mulf %mul3A_419, %sub3A_409 : vector<16xf32>
      %sub3A_421 = arith.subf %mul3A_417, %mul3A_420 : vector<16xf32>
      %add3A_422 = arith.addf %broadcast_in_dim3A_3, %sub3A_421 : vector<16xf32>
      %get3A_423 = arith.index_cast %add3A_364 : i32 to index
      %get3A_424 = arith.constant 16 : index
      %get3A_425 = tpu.vector_load %arg11[%get3A_423, %get3A_424] {strides = array<i32>} : memref<256x32xf32, #tpu.memory_space<vmem>>, vector<16xf32>,
      %get3A_426 = arith.index_cast %add3A_364 : i32 to index
      %get3A_427 = arith.constant 16 : index
      %get3A_428 = tpu.vector_load %arg12[%get3A_426, %get3A_427] {strides = array<i32>} : memref<256x32xf32, #tpu.memory_space<vmem>>, vector<16xf32>,
      %get3A_429 = arith.index_cast %add3A_364 : i32 to index
      %get3A_430 = arith.constant 16 : index
      %get3A_431 = tpu.vector_load %arg13[%get3A_429, %get3A_430] {strides = array<i32>} : memref<256x32xf32, #tpu.memory_space<vmem>>, vector<16xf32>,
      %sub3A_432 = arith.subf %get3A_428, %get3A_431 : vector<16xf32>
      %mul3A_433 = arith.mulf %get3A_425, %sub3A_432 : vector<16xf32>
      %abs3A_434 = math.absf %mul3A_433 : vector<16xf32>
      %neg3A_435 = arith.constant 0.000000e+00 : f32
      %neg3A_436 = vector.broadcast %neg3A_435 : f32 to vector<16xf32>
      %neg3A_437 = arith.subf %neg3A_436, %abs3A_434 : vector<16xf32>
      %exp3A_438 = math.exp %neg3A_437 : vector<16xf32>
      %add3A_439 = arith.constant 2.000000e+00 : f32
      %add3A_440 = vector.broadcast %add3A_439 : f32 to vector<16xf32>
      %add3A_441 = arith.addf %exp3A_438, %add3A_440 : vector<16xf32>
      %div3A_442 = arith.divf %exp3A_438, %add3A_441 : vector<16xf32>
      %mul3A_443 = arith.mulf %div3A_442, %div3A_442 : vector<16xf32>
      %mul3A_444 = arith.constant 2.000000e+00 : f32
      %mul3A_445 = vector.broadcast %mul3A_444 : f32 to vector<16xf32>
      %mul3A_446 = arith.mulf %mul3A_445, %div3A_442 : vector<16xf32>
      %mul3A_447 = vector.broadcast %scan3A_21 : f32 to vector<16xf32>
      %mul3A_448 = arith.mulf %mul3A_443, %mul3A_447 : vector<16xf32>
      %add3A_449 = vector.broadcast %scan3A_22 : f32 to vector<16xf32>
      %add3A_450 = arith.addf %add3A_449, %mul3A_448 : vector<16xf32>
      %mul3A_451 = arith.mulf %mul3A_443, %add3A_450 : vector<16xf32>
      %add3A_452 = vector.broadcast %scan3A_23 : f32 to vector<16xf32>
      %add3A_453 = arith.addf %add3A_452, %mul3A_451 : vector<16xf32>
      %mul3A_454 = arith.mulf %mul3A_443, %add3A_453 : vector<16xf32>
      %add3A_455 = arith.constant 1.000000e+00 : f32
      %add3A_456 = vector.broadcast %add3A_455 : f32 to vector<16xf32>
      %add3A_457 = arith.addf %add3A_456, %mul3A_454 : vector<16xf32>
      %mul3A_458 = arith.mulf %mul3A_446, %add3A_457 : vector<16xf32>
      %min3A_459 = arith.minimumf %mul3A_433, %broadcast_in_dim3A_3 : vector<16xf32>
      %sub3A_460 = arith.subf %min3A_459, %mul3A_458 : vector<16xf32>
      %mul3A_461 = arith.mulf %get3A_425, %get3A_425 : vector<16xf32>
      %mul3A_462 = arith.mulf %get3A_428, %get3A_428 : vector<16xf32>
      %add3A_463 = arith.addf %mul3A_461, %mul3A_462 : vector<16xf32>
      %mul3A_464 = arith.mulf %get3A_431, %get3A_431 : vector<16xf32>
      %add3A_465 = arith.addf %add3A_463, %mul3A_464 : vector<16xf32>
      %mul3A_466 = arith.constant 3.125000e-07 : f32
      %mul3A_467 = vector.broadcast %mul3A_466 : f32 to vector<16xf32>
      %mul3A_468 = arith.mulf %mul3A_467, %add3A_465 : vector<16xf32>
      %mul3A_469 = arith.constant 3.125000e-02 : f32
      %mul3A_470 = vector.broadcast %mul3A_469 : f32 to vector<16xf32>
      %mul3A_471 = arith.mulf %mul3A_470, %sub3A_460 : vector<16xf32>
      %sub3A_472 = arith.subf %mul3A_468, %mul3A_471 : vector<16xf32>
      %add3A_473 = arith.addf %add3A_422, %sub3A_472 : vector<16xf32>
      tpu.vector_store_idx %arg14[%add3A_371], %add3A_473 : memref<8192xf32, #tpu.memory_space<vmem>>[vector<16xi32>], vector<16xf32>,
    }
    %scan3A_28 = arith.constant 64 : i32
    %scan3A_29 = arith.constant 0 : i32
    %scan3A_30 = arith.constant 32 : i32
    %scan3A_31 = arith.addi %scan3A_29, %scan3A_30 : i32
    %scan3A_32 = arith.constant 1 : i32
    scf.for %scan3A_34 = %scan3A_29 to %scan3A_31 step %scan3A_32  : i32 {
      %mul3A_35 = arith.constant 16 : i32
      %mul3A_36 = arith.muli %scan3A_34, %mul3A_35 : i32
      %get3A = arith.index_cast %mul3A_36 : i32 to index
      %get3A_37 = tpu.vector_load %arg14[%get3A] {strides = array<i32>} : memref<8192xf32, #tpu.memory_space<vmem>>, vector<16xf32>,
      %add3A_38 = arith.constant 512 : i32
      %add3A_39 = arith.addi %add3A_38, %mul3A_36 : i32
      %get3A_40 = arith.index_cast %add3A_39 : i32 to index
      %get3A_41 = tpu.vector_load %arg14[%get3A_40] {strides = array<i32>} : memref<8192xf32, #tpu.memory_space<vmem>>, vector<16xf32>,
      %add3A_42 = arith.addf %get3A_37, %get3A_41 : vector<16xf32>
      %add3A_43 = arith.constant 1024 : i32
      %add3A_44 = arith.addi %add3A_43, %mul3A_36 : i32
      %get3A_45 = arith.index_cast %add3A_44 : i32 to index
      %get3A_46 = tpu.vector_load %arg14[%get3A_45] {strides = array<i32>} : memref<8192xf32, #tpu.memory_space<vmem>>, vector<16xf32>,
      %add3A_47 = arith.addf %add3A_42, %get3A_46 : vector<16xf32>
      %add3A_48 = arith.constant 1536 : i32
      %add3A_49 = arith.addi %add3A_48, %mul3A_36 : i32
      %get3A_50 = arith.index_cast %add3A_49 : i32 to index
      %get3A_51 = tpu.vector_load %arg14[%get3A_50] {strides = array<i32>} : memref<8192xf32, #tpu.memory_space<vmem>>, vector<16xf32>,
      %add3A_52 = arith.addf %add3A_47, %get3A_51 : vector<16xf32>
      %add3A_53 = arith.constant 2048 : i32
      %add3A_54 = arith.addi %add3A_53, %mul3A_36 : i32
      %get3A_55 = arith.index_cast %add3A_54 : i32 to index
      %get3A_56 = tpu.vector_load %arg14[%get3A_55] {strides = array<i32>} : memref<8192xf32, #tpu.memory_space<vmem>>, vector<16xf32>,
      %add3A_57 = arith.addf %add3A_52, %get3A_56 : vector<16xf32>
      %add3A_58 = arith.constant 2560 : i32
      %add3A_59 = arith.addi %add3A_58, %mul3A_36 : i32
      %get3A_60 = arith.index_cast %add3A_59 : i32 to index
      %get3A_61 = tpu.vector_load %arg14[%get3A_60] {strides = array<i32>} : memref<8192xf32, #tpu.memory_space<vmem>>, vector<16xf32>,
      %add3A_62 = arith.addf %add3A_57, %get3A_61 : vector<16xf32>
      %add3A_63 = arith.constant 3072 : i32
      %add3A_64 = arith.addi %add3A_63, %mul3A_36 : i32
      %get3A_65 = arith.index_cast %add3A_64 : i32 to index
      %get3A_66 = tpu.vector_load %arg14[%get3A_65] {strides = array<i32>} : memref<8192xf32, #tpu.memory_space<vmem>>, vector<16xf32>,
      %add3A_67 = arith.addf %add3A_62, %get3A_66 : vector<16xf32>
      %add3A_68 = arith.constant 3584 : i32
      %add3A_69 = arith.addi %add3A_68, %mul3A_36 : i32
      %get3A_70 = arith.index_cast %add3A_69 : i32 to index
      %get3A_71 = tpu.vector_load %arg14[%get3A_70] {strides = array<i32>} : memref<8192xf32, #tpu.memory_space<vmem>>, vector<16xf32>,
      %add3A_72 = arith.addf %add3A_67, %get3A_71 : vector<16xf32>
      %add3A_73 = arith.constant 4096 : i32
      %add3A_74 = arith.addi %add3A_73, %mul3A_36 : i32
      %get3A_75 = arith.index_cast %add3A_74 : i32 to index
      %get3A_76 = tpu.vector_load %arg14[%get3A_75] {strides = array<i32>} : memref<8192xf32, #tpu.memory_space<vmem>>, vector<16xf32>,
      %add3A_77 = arith.addf %add3A_72, %get3A_76 : vector<16xf32>
      %add3A_78 = arith.constant 4608 : i32
      %add3A_79 = arith.addi %add3A_78, %mul3A_36 : i32
      %get3A_80 = arith.index_cast %add3A_79 : i32 to index
      %get3A_81 = tpu.vector_load %arg14[%get3A_80] {strides = array<i32>} : memref<8192xf32, #tpu.memory_space<vmem>>, vector<16xf32>,
      %add3A_82 = arith.addf %add3A_77, %get3A_81 : vector<16xf32>
      %add3A_83 = arith.constant 5120 : i32
      %add3A_84 = arith.addi %add3A_83, %mul3A_36 : i32
      %get3A_85 = arith.index_cast %add3A_84 : i32 to index
      %get3A_86 = tpu.vector_load %arg14[%get3A_85] {strides = array<i32>} : memref<8192xf32, #tpu.memory_space<vmem>>, vector<16xf32>,
      %add3A_87 = arith.addf %add3A_82, %get3A_86 : vector<16xf32>
      %add3A_88 = arith.constant 5632 : i32
      %add3A_89 = arith.addi %add3A_88, %mul3A_36 : i32
      %get3A_90 = arith.index_cast %add3A_89 : i32 to index
      %get3A_91 = tpu.vector_load %arg14[%get3A_90] {strides = array<i32>} : memref<8192xf32, #tpu.memory_space<vmem>>, vector<16xf32>,
      %add3A_92 = arith.addf %add3A_87, %get3A_91 : vector<16xf32>
      %add3A_93 = arith.constant 6144 : i32
      %add3A_94 = arith.addi %add3A_93, %mul3A_36 : i32
      %get3A_95 = arith.index_cast %add3A_94 : i32 to index
      %get3A_96 = tpu.vector_load %arg14[%get3A_95] {strides = array<i32>} : memref<8192xf32, #tpu.memory_space<vmem>>, vector<16xf32>,
      %add3A_97 = arith.addf %add3A_92, %get3A_96 : vector<16xf32>
      %add3A_98 = arith.constant 6656 : i32
      %add3A_99 = arith.addi %add3A_98, %mul3A_36 : i32
      %get3A_100 = arith.index_cast %add3A_99 : i32 to index
      %get3A_101 = tpu.vector_load %arg14[%get3A_100] {strides = array<i32>} : memref<8192xf32, #tpu.memory_space<vmem>>, vector<16xf32>,
      %add3A_102 = arith.addf %add3A_97, %get3A_101 : vector<16xf32>
      %add3A_103 = arith.constant 7168 : i32
      %add3A_104 = arith.addi %add3A_103, %mul3A_36 : i32
      %get3A_105 = arith.index_cast %add3A_104 : i32 to index
      %get3A_106 = tpu.vector_load %arg14[%get3A_105] {strides = array<i32>} : memref<8192xf32, #tpu.memory_space<vmem>>, vector<16xf32>,
      %add3A_107 = arith.addf %add3A_102, %get3A_106 : vector<16xf32>
      %add3A_108 = arith.constant 7680 : i32
      %add3A_109 = arith.addi %add3A_108, %mul3A_36 : i32
      %get3A_110 = arith.index_cast %add3A_109 : i32 to index
      %get3A_111 = tpu.vector_load %arg14[%get3A_110] {strides = array<i32>} : memref<8192xf32, #tpu.memory_space<vmem>>, vector<16xf32>,
      %add3A_112 = arith.addf %add3A_107, %get3A_111 : vector<16xf32>
      %swap3A = arith.index_cast %mul3A_36 : i32 to index
      %swap3A_113 = tpu.vector_load %arg15[%swap3A] {strides = array<i32>} : memref<512xf32, #tpu.memory_space<vmem>>, vector<16xf32>,
      tpu.vector_store %arg15[%swap3A], %add3A_112 {strides = array<i32>} : memref<512xf32, #tpu.memory_space<vmem>>, vector<16xf32>,
    }
    %scan3A_33 = arith.constant 32 : i32
    "tpu.region"() ({
      %run_scoped3A = tpu.sem_alloc : memref<!tpu.dma_semaphore, #tpu.memory_space<semaphore_mem>>
      %dma_start3A = tpu.memref_slice %arg7[%mul3A_2] : memref<16384xf32, #tpu.memory_space<hbm>> -> memref<512xf32, #tpu.memory_space<hbm>>
      %dma_start3A_34 = tpu.memref_slice %arg7[%mul3A_2] : memref<16384xf32, #tpu.memory_space<hbm>> -> memref<512xf32, #tpu.memory_space<hbm>>
      tpu.enqueue_dma source(%arg15 : memref<512xf32, #tpu.memory_space<vmem>>) target(%dma_start3A_34 : memref<512xf32, #tpu.memory_space<hbm>>) target_semaphore(%run_scoped3A : memref<!tpu.dma_semaphore, #tpu.memory_space<semaphore_mem>>)
      %dma_wait3A = tpu.memref_slice %arg7[%mul3A_2] : memref<16384xf32, #tpu.memory_space<hbm>> -> memref<512xf32, #tpu.memory_space<hbm>>
      %dma_wait3A_35 = tpu.memref_slice %arg7[%mul3A_2] : memref<16384xf32, #tpu.memory_space<hbm>> -> memref<512xf32, #tpu.memory_space<hbm>>
      tpu.wait_dma2 semaphore(%run_scoped3A : memref<!tpu.dma_semaphore, #tpu.memory_space<semaphore_mem>>) src(%arg15 : memref<512xf32, #tpu.memory_space<vmem>>) dst(%dma_wait3A_35 : memref<512xf32, #tpu.memory_space<hbm>>)
      tpu.yield
    }) : () -> ()
    return
  }
}

</mosaic_0001>

<sc_bundles>
// kernel: _bpr_sc.3.cloned.1.call-start
scs
__scs_entry_jumppad:
0x0: {  	(pc) =	sbr.rel $0x88, $3  }
0x1: {  	(tag) =	ssettag $0x0;
	lr =	simm.s32 $0x1  }
0x2: {  	[smem:$0x3F9C] =	sst lr;
	_ =	strace $0xD0000000  }
0x3: {  	_ = 	snop  }
0x4: {  	_ = 	snop  }
0x5: {  	_ = 	snop  }
0x6: {  	_ = 	snop  }
0x7: {  	_ = 	snop  }
__scs_overlays_trampoline_lowered:
0x8: {  	[smem:$0x3FAB] =	sst s0  }
0x9: {  	[smem:$0x3FAC] =	sst s1  }
0xa: {  	[smem:$0x3FAD] =	sst s2  }
0xb: {  	[smem:$0x3FAE] =	sst s3  }
0xc: {  	[smem:$0x3FAF] =	sst s4  }
0xd: {  	[smem:$0x3FB0] =	sst s5  }
0xe: {  	[smem:$0x3FB1] =	sst s6  }
0xf: {  	[smem:$0x3FB2] =	sst s7  }
0x10: {  	[smem:$0x3FB3] =	sst s8  }
0x11: {  	[smem:$0x3FB4] =	sst s9;
	s0 =	simm.s32 @!p0 $0x0  }
0x12: {  	s1 =	sld [smem:$0x3F9A];
	s0 =	simm.s32 @p0 $0x1  }
0x13: {  	[smem:$0x3FB5] =	sst s0;
	s0 =	simm.s32 @!p1 $0x0  }
0x14: {  	s2 =	sld [smem:$0x3F99];
	s0 =	simm.s32 @p1 $0x1  }
0x15: {  	[smem:$0x3FB6] =	sst s0;
	s0 =	simm.s32 @!p2 $0x0  }
0x16: {  	s3 =	sld [smem:$0x3FDB];
	s0 =	simm.s32 @p2 $0x1  }
0x17: {  	s4 =	simm.s32 $0x1BF5;
	[smem:$0x3FB8] =	sst s0  }
0x18: {  	s0 =	sld [smem:$0x3F9B];
	_ =	swait.ge [sflag:s4], $0x0  }
0x19: {  	s7 =	sld [smem:$0x3F9C]  }
0x1a: {  	s8 =	sadd.s32 $0xFFFFE003, lr  }
0x1b: {  	s9 =	sadd.s32 $0xFFFFFEF7, lr;
	s5 =	simm.s32 $0xFFFFFFFF;
	p2 =	slt.u32 s8, $0xFFFFF086  }
0x1c: {  	p1 =	slt.u32 s9, $0xF7A;
	s5 =	simm.s32 @!p2 $0x0  }
0x1d: {  	s5 =	simm.s32 @p1 $0x1;
	p0 =	seq.s32 s7, s2  }
0x1e: {  	s7 =	smul.u32 @!p0 $0xF7A, s2;
	p2 =	seq.s32 @!p0 s5, $0x0  }
0x1f: {  	s9 =	smul.u32 $0xF7A, s1;
	s8 =	simm.s32 @!p0 $0x1BF5;
	p2 =	por !p2, p0  }
0x20: {  	[sflag:s8] =	ssyncset.s32 @!p0 $0xFFFFF086;
	s6 =	sadd.s32 @!p0 s3, s7;
	s7 =	simm.s32 @!p0 $0x108  }
0x21: {  	s3 =	sadd.s32 s3, s9;
	s6 =	sadd.s32 @!p0 $0x88, s6;
	s7 =	simm.s32 @p2 $0x1082  }
0x22: {  	[simem:s7], [sflag:s8] =	dma.local @!p0 [hbm:s6], $0xF7A  }
0x23: {  	s9 =	sor.u32 $0xD0000000, s2;
	s6 =	simm.s32 $0x108;
	_ =	swait.ge @!p0 [sflag:s8], $0x0  }
0x24: {  	s3 =	sadd.s32 $0x88, s3;
	s6 =	simm.s32 @!p1 $0x1082;
	[sflag:s4] =	ssyncset.s32 $0xFFFFF086  }
0x25: {  	[simem:s6], [sflag:s4] =	dma.local [hbm:s3], $0xF7A  }
0x26: {  	[smem:$0x3F9C] =	sst s1;
	(tag) =	ssettag s2;
	_ =	strace s9  }
0x27: {  	s1 =	sld [smem:$0x3FAC]  }
0x28: {  	s2 =	sld [smem:$0x3FAD]  }
0x29: {  	s4 =	sld [smem:$0x3FAF]  }
0x2a: {  	p0 =	seq.s32 s5, $0x0;
	s5 =	sld [smem:$0x3FB0]  }
0x2b: {  	s6 =	sld [smem:$0x3FB1]  }
0x2c: {  	s7 =	sld [smem:$0x3FB2]  }
0x2d: {  	s3 =	simm.s32 $0x108;
	s8 =	sld [smem:$0x3FB3]  }
0x2e: {  	s3 =	simm.s32 @!p0 $0x1082;
	s9 =	sld [smem:$0x3FB4]  }
0x2f: {  	lr =	sadd.s32 s0, s3;
	s0 =	sld [smem:$0x3FAB]  }
0x30: {  	s3 =	sld [smem:$0x3FAE]  }
0x31: {  	[smem:$0x3FB7] =	sst s10  }
0x32: {  	s10 =	sld [smem:$0x3FB5];
	_ =	sdelay $0x3  }
0x33: {  	p0 =	seq.s32 s10, $0x1;
	s10 =	sld [smem:$0x3FB7];
	_ =	sdelay $0x3  }
0x34: {  	[smem:$0x3FB7] =	sst s10  }
0x35: {  	s10 =	sld [smem:$0x3FB6];
	_ =	sdelay $0x3  }
0x36: {  	p1 =	seq.s32 s10, $0x1;
	s10 =	sld [smem:$0x3FB7];
	_ =	sdelay $0x3  }
0x37: {  	[smem:$0x3FB7] =	sst s10  }
0x38: {  	s10 =	sld [smem:$0x3FB8]  }
0x39: {  	_ = 	snop;
	(pc) =	sbr.ind lr, $3  }
0x3a: {  	_ = 	snop  }
0x3b: {  	_ = 	snop  }
0x3c: {  	p2 =	seq.s32 s10, $0x1;
	s10 =	sld [smem:$0x3FB7]  }
0x3d: {  	_ =	shalt  }
0x3e: {  	_ =	shalt  }
0x3f: {  	_ =	shalt  }
0x40: {  	_ =	shalt  }
0x41: {  	_ =	shalt  }
0x42: {  	_ =	shalt  }
0x43: {  	_ =	shalt  }
0x44: {  	_ =	shalt  }
0x45: {  	_ =	shalt  }
0x46: {  	_ =	shalt  }
0x47: {  	_ =	shalt  }
0x48: {  	_ =	shalt  }
0x49: {  	_ =	shalt  }
0x4a: {  	_ =	shalt  }
0x4b: {  	_ =	shalt  }
0x4c: {  	_ =	shalt  }
0x4d: {  	_ =	shalt  }
0x4e: {  	_ =	shalt  }
0x4f: {  	_ =	shalt  }
0x50: {  	_ =	shalt  }
0x51: {  	_ =	shalt  }
0x52: {  	_ =	shalt  }
0x53: {  	_ =	shalt  }
0x54: {  	_ =	shalt  }
0x55: {  	_ =	shalt  }
0x56: {  	_ =	shalt  }
0x57: {  	_ =	shalt  }
0x58: {  	_ =	shalt  }
0x59: {  	_ =	shalt  }
0x5a: {  	_ =	shalt  }
0x5b: {  	_ =	shalt  }
0x5c: {  	_ =	shalt  }
0x5d: {  	_ =	shalt  }
0x5e: {  	_ =	shalt  }
0x5f: {  	_ =	shalt  }
0x60: {  	_ =	shalt  }
0x61: {  	_ =	shalt  }
0x62: {  	_ =	shalt  }
0x63: {  	_ =	shalt  }
0x64: {  	_ =	shalt  }
0x65: {  	_ =	shalt  }
0x66: {  	_ =	shalt  }
0x67: {  	_ =	shalt  }
0x68: {  	_ =	shalt  }
0x69: {  	_ =	shalt  }
0x6a: {  	_ =	shalt  }
0x6b: {  	_ =	shalt  }
0x6c: {  	_ =	shalt  }
0x6d: {  	_ =	shalt  }
0x6e: {  	_ =	shalt  }
0x6f: {  	_ =	shalt  }
0x70: {  	_ =	shalt  }
0x71: {  	_ =	shalt  }
0x72: {  	_ =	shalt  }
0x73: {  	_ =	shalt  }
0x74: {  	_ =	shalt  }
0x75: {  	_ =	shalt  }
0x76: {  	_ =	shalt  }
0x77: {  	_ =	shalt  }
0x78: {  	_ =	shalt  }
0x79: {  	_ =	shalt  }
0x7a: {  	_ =	shalt  }
0x7b: {  	_ =	shalt  }
0x7c: {  	_ =	shalt  }
0x7d: {  	_ =	shalt  }
0x7e: {  	_ =	shalt  }
0x7f: {  	_ =	shalt  }
0x80: {  	_ =	shalt  }
0x81: {  	_ =	shalt  }
0x82: {  	_ =	shalt  }
0x83: {  	_ =	shalt  }
0x84: {  	_ =	shalt  }
0x85: {  	_ =	shalt  }
0x86: {  	_ =	shalt  }
0x87: {  	_ =	shalt  }
.Lfunc_end0:
.L_simem_size_0:
called_computation_lowered:
.L_overlay_start_0:
0x88: {  	s2 =	sld [smem:$0x3FD9]  }
0x89: {  	s3 =	sld [smem:$0x3FFE];
	_ =	sdelay $0x1  }
0x8a: {  	s1 =	srdreg.scid  }
0x8b: {  	s0 =	sand.u32 $0x1, s1  }
0x8c: {  	s17 =	sshll.u32 s0, $0xA;
	s2 =	sadd.s32 s3, s2  }
0x8d: {  	s2 =	sadd.s32 s2, s17  }
0x8e: {  	[smem:$0x3FC3] =	sst s2  }
0x8f: {  	_ = 	snop  }
0x90: {  	s2 =	sld [smem:$0x3FC9]  }
0x91: {  	s18 =	sld [smem:$0x3FC8]  }
0x92: {  	s4 =	sld [smem:$0x3FC7]  }
0x93: {  	s5 =	sld [smem:$0x3FD0];
	(tm) =	ssettm $0x1  }
0x94: {  	s6 =	sld [smem:$0x3FFB];
	_ =	sdelay $0x3  }
0x95: {  	_ =	strace s6  }
0x96: {  	s6 =	sld [smem:$0x3FFC];
	_ =	sdelay $0x3  }
0x97: {  	_ =	strace s6  }
0x98: {  	s6 =	sld [smem:$0x3FFD];
	_ =	sdelay $0x3  }
0x99: {  	_ =	strace s6  }
0x9a: {  	_ =	strace $0x8FFFFFFF  }
0x9b: {  	s19 =	sld [smem:$0x3FDB];
	_ =	sdelay $0x1  }
0x9c: {  	s7 =	simm.s32 $_scs_section_size  }
0x9d: {  	s8 =	simm.s32 $_size__tile_overlayer_lowered;
	s9 =	simm.s32 $_tile_overlayer_lowered  }
0x9e: {  	s22 =	simm.s32 $0x1BFF;
	s21 =	sshll.u32 s9, $0x1;
	s6 =	sadd.s32 s7, s19  }
0x9f: {  	s10 =	simm.s32 $0x0;
	s20 =	sshll.u32 s8, $0x1;
	s8 =	sadd.s32 s21, s6  }
0xa0: {  	[timem:s10], [sflag:s22] =	dma.local [hbm:s8], s20  }
0xa1: {  	_ =	swait.ge [sflag:s22], s20  }
0xa2: {  	s7 =	ssub.s32 $0x0, s20;
	[sflag:s22] =	ssyncset.done $0x0  }
0xa3: {  	[sflag:s22] =	ssyncadd.s32 s7;
	_ =	sdelay $0x1  }
0xa4: {  	s23 =	simm.s32 $0x1B8B  }
0xa5: {  	_ =	swait.ge [sflag:s23], $0x1  }
0xa6: {  	[sflag:s23] =	ssyncset.done $0x0  }
0xa7: {  	s25 =	simm.s32 $0x1B8E;
	s24 =	sld [smem:$0x3FFE];
	[sflag:s23] =	ssyncadd.s32 $0xFFFFFFFF  }
0xa8: {  	s26 =	simm.s32 $execute0_lowered;
	[smem:$0x3FD2] =	sst s25  }
0xa9: {  	s8 =	sshll.u32 s26, $0x1;
	_ =	strace $0x80000046;
	[dreg:$0x1] =	wrdreg $0xFFFFFFFF  }
0xaa: {  	s28 =	simm.s32 $_size_execute0_lowered;
	s6 =	sadd.s32 s6, s8;
	[dreg:$0x0] =	wrdreg $0x0  }
0xab: {  	s8 =	sshll.u32 s28, $0x1;
	[dreg:$0x2] =	wrdreg s6  }
0xac: {  	[dreg:$0x3] =	wrdreg s8  }
0xad: {  	[dreg:$0x4] =	wrdreg $0xC0  }
0xae: {  	_ =	task [dreg:s10], $0x5FFFF  }
0xaf: {  	[dreg:$0x1] =	wrdreg $0xFFFFFFFF  }
0xb0: {  	[dreg:$0x0] =	wrdreg $0x60  }
0xb1: {  	[dreg:$0x2] =	wrdreg s2  }
0xb2: {  	[dreg:$0x3] =	wrdreg s18  }
0xb3: {  	[dreg:$0x4] =	wrdreg s4  }
0xb4: {  	[dreg:$0x5] =	wrdreg s24  }
0xb5: {  	[dreg:$0x6] =	wrdreg s5  }
0xb6: {  	[dreg:$0x7] =	wrdreg $0x9  }
0xb7: {  	_ =	task.clear_ibuf [dreg:s10], $0x8FFFF;
	_ =	strace $0x90000046  }
0xb8: {  	s29 =	simm.s32 $0x9;
	_ =	strace $0x80000048  }
0xb9: {  	_ =	swait.ge [sflag:s29], $0x1  }
0xba: {  	[sflag:s29] =	ssyncadd.s32 $0xFFFFFFFF  }
0xbb: {  	_ =	strace $0x90000048  }
0xbc: {  	_ =	sfence  }
0xbd: {  	s30 =	sld [smem:$0x0];
	_ =	sdelay $0x2  }
0xbe: {  	s31 =	sshll.u32 s1, $0xD;
	s1 =	sshrl.u32 s1, $0x2  }
0xbf: {  	s3 =	sand.u32 $0x4000, s31;
	s1 =	sadd.s32 s1, s30  }
0xc0: {  	s0 =	sor.u32 s3, s0;
	s1 =	sshll.u32 s1, $0x11  }
0xc1: {  	s0 =	sor.u32 s1, s0  }
0xc2: {  	s0 =	sadd.s32 $0x8F2B, s0  }
0xc3: {  	[sflag:s0] =	ssyncadd.remote.s32 $0x1  }
0xc4: {  	_ =	sfence.sel $0xFFFF  }
0xc5: {  	[dreg:$0x0] =	wrdreg $0xFFFFFFFF;
	(pc) =	sbr.abs _section_cstart, $3  }
0xc6: {  	[dreg:$0x1] =	wrdreg $0xFFFFFFFF  }
0xc7: {  	_ =	task.clear_ibuf [dreg:s10], $0x2FFFF;
	_ =	strace $0x9FFFFFFF  }
0xc8: {  	(tm) =	ssettm $0x7FFFFFFF  }
0xc9: {  	_ =	shalt  }
tec
execute0_lowered:
.L_overlay_start_1:
0x0: {  	(tag) =	ssettag $0x1  }
0x1: {  	s0 =	rddreg [dreg:$0x0]  }
0x2: {  	s2 =	rddreg [dreg:$0x1]  }
0x3: {  	s3 =	rddreg [dreg:$0x2]  }
0x4: {  	s4 =	rddreg [dreg:$0x3]  }
0x5: {  	s5 =	rddreg [dreg:$0x4];
	s6 =	srdreg.scid  }
0x6: {  	s24 =	simm.s32 $0x0;
	s9 =	stileid.u32;
	s6 =	sand.u32 $0x1, s6  }
0x7: {  	s9 =	sshll.u32 s9, $0x7;
	s7 =	ssub.s32 $0x2, s6;
	s6 =	sshll.u32 s6, $0x6  }
0x8: {  	[smem:$0x7FF] =	sst s24;
	s15 =	sadd.s32 $0x400, s4;
	s6 =	sor.u32 s6, s9  }
0x9: {  	_ =	strace $0x80000047;
	[dreg:$0x6] =	wrdreg s15;
	s0 =	sadd.s32 s0, s6  }
0xa: {  	s28 =	sadd.s32 s2, s6;
	[smem:$0x7F9] =	sst s0  }
0xb: {  	s8 =	sshrl.u32 s7, $0x1;
	s29 =	sadd.s32 s3, s6;
	[smem:$0x7FA] =	sst s28  }
0xc: {  	s7 =	ssub.s32 s7, s8;
	s30 =	sadd.s32 s5, s6;
	[smem:$0x7FB] =	sst s29  }
0xd: {  	v0 =	vlaneseq.u32;
	s4 =	sadd.s32 $0xF42800, s4;
	[smem:$0x7FC] =	sst s30;
	s31 =	smax.u32 s7, $0x1  }
0xe: {  	v0 =	vmul.u32 $0x200, v0;
	s2 =	simm.s32 $0x2;
	s3 =	simm.s32 $0x0;
	[smem:$0x7FD] =	sst s31  }
.LBB2_1:
0xf: {  	s0 =	sld [smem:$0x7F9];
	_ =	sdelay $0x1  }
0x10: {  	[smem:$0x7F8] =	sst s3  }
0x11: {  	[tilespmem:s24], [sflag:$0x2] =	stream.linear.gather [hbm4b:s0+s24], $0x200, $0x38;
	[tilespmem:$0x1A800] =	vst v63  }
0x12: {  	_ =	swait.ge [sflag:s2], $0x200  }
0x13: {  	s28 =	sld [smem:$0x7FA]  }
0x14: {  	[sflag:s2] =	ssyncset.done $0x0  }
0x15: {  	s29 =	simm.s32 $0x200;
	[sflag:s2] =	ssyncadd.s32 $0xFFFFFE00  }
0x16: {  	[tilespmem:s29], [sflag:$0x2] =	stream.linear.gather [hbm4b:s28+s24], $0x200, $0x38;
	[tilespmem:$0x1A800] =	vst v63  }
0x17: {  	_ =	swait.ge [sflag:s2], $0x200  }
0x18: {  	s30 =	sld [smem:$0x7FB]  }
0x19: {  	[sflag:s2] =	ssyncset.done $0x0  }
0x1a: {  	s31 =	simm.s32 $0x400;
	[sflag:s2] =	ssyncadd.s32 $0xFFFFFE00  }
0x1b: {  	[tilespmem:s31], [sflag:$0x2] =	stream.linear.gather [hbm4b:s30+s24], $0x200, $0x38;
	[tilespmem:$0x1A800] =	vst v63  }
0x1c: {  	_ =	swait.ge [sflag:s2], $0x200  }
0x1d: {  	p1 =	por $0x1, $0x1;
	[sflag:s2] =	ssyncset.done $0x0  }
0x1e: {  	s6 =	simm.s32 $0x8;
	s0 =	simm.s32 $0x0;
	[sflag:s2] =	ssyncadd.s32 $0xFFFFFE00  }
.LBB2_2:
0x1f: {  	s2 =	sshll.u32 s0, $0x4  }
0x20: {  	s5 =	sand.u32 $0x3FFFFFF0, s2  }
0x21: {  	s2 =	sadd.s32 $0x200, s5;
	v1 =	vld [tilespmem:s5+$0x0]  }
0x22: {  	s3 =	sadd.s32 $0x400, s5;
	v2 =	vld [tilespmem:s2+$0x0]  }
0x23: {  	v4 =	vld [tilespmem:s3+$0x0];
	_ =	sdelay $0x2  }
0x24: {  	v3 =	vshll.u32 v1, $0x4  }
0x25: {  	v2 =	vshll.u32 v2, $0x4;
	(v2sf) =	vpush v3, $0x0  }
0x26: {  	v1 =	vshll.u32 v4, $0x4;
	(v2sf) =	vpush v2, $0x0  }
0x27: {  	(v2sf) =	vpush v1, $0x0;
	_ =	sdelay $0x1  }
0x28: {  	(v2sf) =	vpush v3, $0x1;
	_ =	sdelay $0x2  }
0x29: {  	(v2sf) =	vpush v2, $0x1  }
0x2a: {  	[smem:$0x7F7] =	sst s6;
	s21 =	sshll.u32 s0, $0xD  }
0x2b: {  	s20 =	ssub.s32 s6, s0;
	p0 =	por p1, p1;
	s0 =	sshrl.u32 s21, $0x2;
	(v2sf) =	vpush v1, $0x1  }
0x2c: {  	p2 =	sne.s32 s20, $0x1;
	s17 =	sadd.s32 $0xFFFFFFFF, s20;
	s21 =	sadd.s32 $0x10, s5  }
0x2d: {  	[dreg:$0x7] =	wrdreg s0;
	s23 =	sadd.s32 $0x10600, s0;
	s16 =	sadd.s32 $0x10, s2;
	(v2sf) =	vpush v3, $0x2  }
0x2e: {  	s18 =	sadd.s32 $0x10, s3;
	s2 =	sadd.s32 $0x600, s0;
	s3 =	sadd.s32 $0x8600, s0  }
0x2f: {  	s1 =	sadd.s32 $0x100, s23;
	s19 =	sadd.s32 $0x80, s23;
	s8 =	sadd.s32 $0x80, s2;
	(v2sf) =	vpush v2, $0x2  }
0x30: {  	s9 =	sadd.s32 $0x180, s3;
	s7 =	sadd.s32 $0x380, s3;
	s10 =	sadd.s32 $0x80, s3  }
0x31: {  	s5 =	sadd.s32 $0x280, s2;
	s6 =	sadd.s32 $0x400, s3;
	s12 =	spop (v2sf)  }
0x32: {  	s11 =	sadd.s32 $0x200, s3;
	s12 =	sand.u32 $0x1FFFFFF0, s12;
	s13 =	spop (v2sf)  }
0x33: {  	s0 =	sadd.s32 $0x480, s3;
	(v2sf) =	vpush v1, $0x2;
	s12 =	sadd.s32 s15, s12;
	s14 =	spop (v2sf)  }
0x34: {  	[tilespmem:s2], [sflag:$0x1] =	stream.linear.gather [hbm4b:s12+s24], $0x80, $0x38;
	[tilespmem:$0x1A800] =	vst v63  }
0x35: {  	s13 =	sand.u32 $0x1FFFFFF0, s13;
	(v2sf) =	vpush v3, $0x3;
	s22 =	sand.u32 $0x1FFFFFF0, s14;
	s25 =	spop (v2sf)  }
0x36: {  	s13 =	sadd.s32 s4, s13;
	(v2sf) =	vpush v2, $0x3;
	s26 =	sand.u32 $0x1FFFFFF0, s25;
	s12 =	sadd.s32 s4, s22  }
0x37: {  	[tilespmem:s3], [sflag:$0x1] =	stream.linear.gather [hbm4b:s13+s24], $0x80, $0x38;
	[tilespmem:$0x1A800] =	vst v63  }
0x38: {  	s28 =	spop (v2sf);
	(v2sf) =	vpush v1, $0x3;
	s22 =	sadd.s32 $0x100, s2;
	s29 =	sadd.s32 s15, s26  }
0x39: {  	(v2sf) =	vpush v3, $0x4;
	[tilespmem:s23], [sflag:$0x1] =	stream.linear.gather [hbm4b:s12+s24], $0x80, $0x38;
	[tilespmem:$0x1A800] =	vst v63  }
0x3a: {  	s30 =	sand.u32 $0x1FFFFFF0, s28;
	s31 =	spop (v2sf);
	s28 =	sadd.s32 $0x100, s3  }
0x3b: {  	[tilespmem:s8], [sflag:$0x1] =	stream.linear.gather [hbm4b:s29+s24], $0x80, $0x38;
	[tilespmem:$0x1A800] =	vst v63  }
0x3c: {  	s13 =	sadd.s32 s4, s30;
	s14 =	sand.u32 $0x1FFFFFF0, s31;
	s20 =	spop (v2sf)  }
0x3d: {  	(v2sf) =	vpush v2, $0x4;
	[tilespmem:s10], [sflag:$0x1] =	stream.linear.gather [hbm4b:s13+s24], $0x80, $0x38;
	[tilespmem:$0x1A800] =	vst v63  }
0x3e: {  	s12 =	sand.u32 $0x1FFFFFF0, s20;
	s25 =	spop (v2sf);
	s13 =	sadd.s32 s4, s14  }
0x3f: {  	(v2sf) =	vpush v1, $0x4;
	[tilespmem:s19], [sflag:$0x1] =	stream.linear.gather [hbm4b:s13+s24], $0x80, $0x38;
	[tilespmem:$0x1A800] =	vst v63  }
0x40: {  	s12 =	sadd.s32 s15, s12;
	s8 =	sadd.s32 $0x500, s3;
	s13 =	sand.u32 $0x1FFFFFF0, s25  }
0x41: {  	[tilespmem:s22], [sflag:$0x1] =	stream.linear.gather [hbm4b:s12+s24], $0x80, $0x38;
	[tilespmem:$0x1A800] =	vst v63  }
0x42: {  	s10 =	sadd.s32 $0x280, s23;
	s29 =	sadd.s32 s4, s13;
	s26 =	spop (v2sf)  }
0x43: {  	(v2sf) =	vpush v3, $0x5;
	[tilespmem:s28], [sflag:$0x1] =	stream.linear.gather [hbm4b:s29+s24], $0x80, $0x38;
	[tilespmem:$0x1A800] =	vst v63  }
0x44: {  	s25 =	sadd.s32 $0x180, s23;
	s30 =	sand.u32 $0x1FFFFFF0, s26;
	s31 =	spop (v2sf)  }
0x45: {  	(v2sf) =	vpush v2, $0x5;
	s13 =	sadd.s32 s4, s30;
	s28 =	sadd.s32 $0x200, s2;
	s14 =	spop (v2sf)  }
0x46: {  	[tilespmem:s1], [sflag:$0x1] =	stream.linear.gather [hbm4b:s13+s24], $0x80, $0x38;
	[tilespmem:$0x1A800] =	vst v63  }
0x47: {  	s12 =	sand.u32 $0x1FFFFFF0, s31;
	s1 =	sadd.s32 $0x180, s2;
	s19 =	spop (v2sf)  }
0x48: {  	(v2sf) =	vpush v1, $0x5;
	s12 =	sadd.s32 s15, s12;
	s13 =	sand.u32 $0x1FFFFFF0, s14;
	s26 =	spop (v2sf)  }
0x49: {  	(v2sf) =	vpush v3, $0x6;
	[tilespmem:s1], [sflag:$0x1] =	stream.linear.gather [hbm4b:s12+s24], $0x80, $0x38;
	[tilespmem:$0x1A800] =	vst v63  }
0x4a: {  	s20 =	sadd.s32 s4, s13;
	s22 =	sand.u32 $0x1FFFFFF0, s19;
	s12 =	sand.u32 $0x1FFFFFF0, s26  }
0x4b: {  	(v2sf) =	vpush v2, $0x6;
	[tilespmem:s9], [sflag:$0x1] =	stream.linear.gather [hbm4b:s20+s24], $0x80, $0x38;
	[tilespmem:$0x1A800] =	vst v63  }
0x4c: {  	s13 =	sadd.s32 s4, s22;
	s29 =	spop (v2sf);
	s12 =	sadd.s32 s15, s12  }
0x4d: {  	(v2sf) =	vpush v1, $0x6;
	[tilespmem:s25], [sflag:$0x1] =	stream.linear.gather [hbm4b:s13+s24], $0x80, $0x38;
	[tilespmem:$0x1A800] =	vst v63  }
0x4e: {  	s30 =	spop (v2sf);
	(v2sf) =	vpush v3, $0x7;
	s9 =	sadd.s32 $0x580, s2;
	s13 =	sand.u32 $0x1FFFFFF0, s29  }
0x4f: {  	[tilespmem:s28], [sflag:$0x1] =	stream.linear.gather [hbm4b:s12+s24], $0x80, $0x38;
	[tilespmem:$0x1A800] =	vst v63  }
0x50: {  	s1 =	sand.u32 $0x1FFFFFF0, s30;
	s30 =	sadd.s32 $0x300, s2;
	s31 =	sadd.s32 s4, s13  }
0x51: {  	[tilespmem:s11], [sflag:$0x1] =	stream.linear.gather [hbm4b:s31+s24], $0x80, $0x38;
	[tilespmem:$0x1A800] =	vst v63  }
0x52: {  	s13 =	sadd.s32 s4, s1;
	s12 =	sadd.s32 $0x200, s23;
	s14 =	spop (v2sf)  }
0x53: {  	[tilespmem:s12], [sflag:$0x1] =	stream.linear.gather [hbm4b:s13+s24], $0x80, $0x38;
	[tilespmem:$0x1A800] =	vst v63  }
0x54: {  	s25 =	sadd.s32 $0x280, s3;
	(v2sf) =	vpush v2, $0x7;
	s19 =	sand.u32 $0x1FFFFFF0, s14;
	s20 =	spop (v2sf)  }
0x55: {  	s13 =	sadd.s32 $0x380, s2;
	s11 =	sadd.s32 s15, s19;
	s12 =	sand.u32 $0x1FFFFFF0, s20  }
0x56: {  	(v2sf) =	vpush v1, $0x7;
	[tilespmem:s5], [sflag:$0x1] =	stream.linear.gather [hbm4b:s11+s24], $0x80, $0x38;
	[tilespmem:$0x1A800] =	vst v63  }
0x57: {  	s22 =	spop (v2sf);
	(v2sf) =	vpush v3, $0x8;
	s19 =	sadd.s32 $0x300, s23;
	s26 =	sadd.s32 s4, s12  }
0x58: {  	s28 =	sand.u32 $0x1FFFFFF0, s22;
	s5 =	sadd.s32 $0x500, s2;
	s29 =	spop (v2sf)  }
0x59: {  	(v2sf) =	vpush v2, $0x8;
	[tilespmem:s25], [sflag:$0x1] =	stream.linear.gather [hbm4b:s26+s24], $0x80, $0x38;
	[tilespmem:$0x1A800] =	vst v63  }
0x5a: {  	s12 =	sadd.s32 s4, s28;
	(v2sf) =	vpush v1, $0x8;
	s11 =	sand.u32 $0x1FFFFFF0, s29;
	s31 =	spop (v2sf)  }
0x5b: {  	[tilespmem:s10], [sflag:$0x1] =	stream.linear.gather [hbm4b:s12+s24], $0x80, $0x38;
	[tilespmem:$0x1A800] =	vst v63  }
0x5c: {  	s11 =	sadd.s32 s15, s11;
	s1 =	spop (v2sf);
	s12 =	sand.u32 $0x1FFFFFF0, s31  }
0x5d: {  	s14 =	sand.u32 $0x1FFFFFF0, s1;
	s20 =	spop (v2sf);
	s1 =	sadd.s32 $0x400, s2  }
0x5e: {  	(v2sf) =	vpush v3, $0x9;
	[tilespmem:s30], [sflag:$0x1] =	stream.linear.gather [hbm4b:s11+s24], $0x80, $0x38;
	[tilespmem:$0x1A800] =	vst v63  }
0x5f: {  	s12 =	sadd.s32 s4, s12;
	s25 =	sand.u32 $0x1FFFFFF0, s20;
	s11 =	sadd.s32 $0x300, s3  }
0x60: {  	(v2sf) =	vpush v2, $0x9;
	[tilespmem:s11], [sflag:$0x1] =	stream.linear.gather [hbm4b:s12+s24], $0x80, $0x38;
	[tilespmem:$0x1A800] =	vst v63  }
0x61: {  	s22 =	sadd.s32 s4, s14;
	s20 =	sadd.s32 $0x480, s23;
	s10 =	sadd.s32 s15, s25  }
0x62: {  	(v2sf) =	vpush v1, $0x9;
	[tilespmem:s19], [sflag:$0x1] =	stream.linear.gather [hbm4b:s22+s24], $0x80, $0x38;
	[tilespmem:$0x1A800] =	vst v63  }
0x63: {  	s30 =	sadd.s32 $0x380, s23;
	s11 =	sadd.s32 $0x500, s23;
	s26 =	spop (v2sf)  }
0x64: {  	[tilespmem:s13], [sflag:$0x1] =	stream.linear.gather [hbm4b:s10+s24], $0x80, $0x38;
	[tilespmem:$0x1A800] =	vst v63  }
0x65: {  	s10 =	sadd.s32 $0x480, s2;
	s12 =	sand.u32 $0x1FFFFFF0, s26;
	s28 =	spop (v2sf)  }
0x66: {  	s12 =	sadd.s32 s4, s12;
	s29 =	sand.u32 $0x1FFFFFF0, s28;
	s31 =	spop (v2sf)  }
0x67: {  	(v2sf) =	vpush v3, $0xA;
	[tilespmem:s7], [sflag:$0x1] =	stream.linear.gather [hbm4b:s12+s24], $0x80, $0x38;
	[tilespmem:$0x1A800] =	vst v63  }
0x68: {  	s26 =	sadd.s32 $0x400, s23;
	s13 =	sadd.s32 s4, s29;
	s14 =	spop (v2sf)  }
0x69: {  	(v2sf) =	vpush v2, $0xA;
	s12 =	sand.u32 $0x1FFFFFF0, s31;
	s7 =	sadd.s32 $0x580, s3;
	s19 =	spop (v2sf)  }
0x6a: {  	(v2sf) =	vpush v1, $0xA;
	[tilespmem:s30], [sflag:$0x1] =	stream.linear.gather [hbm4b:s13+s24], $0x80, $0x38;
	[tilespmem:$0x1A800] =	vst v63  }
0x6b: {  	s12 =	sadd.s32 s15, s12;
	s13 =	sand.u32 $0x1FFFFFF0, s14;
	s25 =	sand.u32 $0x1FFFFFF0, s19  }
0x6c: {  	(v2sf) =	vpush v3, $0xB;
	[tilespmem:s1], [sflag:$0x1] =	stream.linear.gather [hbm4b:s12+s24], $0x80, $0x38;
	[tilespmem:$0x1A800] =	vst v63  }
0x6d: {  	s28 =	spop (v2sf);
	s14 =	sadd.s32 $0x680, s2;
	s22 =	sadd.s32 s4, s13  }
0x6e: {  	[tilespmem:s6], [sflag:$0x1] =	stream.linear.gather [hbm4b:s22+s24], $0x80, $0x38;
	[tilespmem:$0x1A800] =	vst v63  }
0x6f: {  	(v2sf) =	vpush v2, $0xB;
	s13 =	sadd.s32 s4, s25;
	s29 =	sand.u32 $0x1FFFFFF0, s28;
	s30 =	spop (v2sf)  }
0x70: {  	[tilespmem:s26], [sflag:$0x1] =	stream.linear.gather [hbm4b:s13+s24], $0x80, $0x38;
	[tilespmem:$0x1A800] =	vst v63  }
0x71: {  	(v2sf) =	vpush v1, $0xB;
	s12 =	sand.u32 $0x1FFFFFF0, s30;
	s31 =	spop (v2sf);
	s6 =	sadd.s32 s15, s29  }
0x72: {  	[tilespmem:s10], [sflag:$0x1] =	stream.linear.gather [hbm4b:s6+s24], $0x80, $0x38;
	[tilespmem:$0x1A800] =	vst v63  }
0x73: {  	s25 =	simm.s32 $0xE00;
	(v2sf) =	vpush v3, $0xC;
	s10 =	sadd.s32 s4, s12;
	s12 =	sand.u32 $0x1FFFFFF0, s31  }
0x74: {  	s1 =	simm.s32 $0x8E00;
	s19 =	sadd.s32 s4, s12;
	s12 =	sadd.s32 $0x600, s2  }
0x75: {  	[tilespmem:s0], [sflag:$0x1] =	stream.linear.gather [hbm4b:s10+s24], $0x80, $0x38;
	[tilespmem:$0x1A800] =	vst v63  }
0x76: {  	s13 =	spop (v2sf);
	s10 =	sadd.s32 $0x780, s2;
	s2 =	sadd.s32 $0x700, s2  }
0x77: {  	(v2sf) =	vpush v2, $0xC;
	[tilespmem:s20], [sflag:$0x1] =	stream.linear.gather [hbm4b:s19+s24], $0x80, $0x38;
	[tilespmem:$0x1A800] =	vst v63  }
0x78: {  	s0 =	sand.u32 $0x1FFFFFF0, s13;
	s13 =	sadd.s32 $0x780, s3;
	s20 =	spop (v2sf)  }
0x79: {  	s0 =	sadd.s32 s15, s0;
	s6 =	sand.u32 $0x1FFFFFF0, s20;
	s22 =	spop (v2sf)  }
0x7a: {  	(v2sf) =	vpush v1, $0xC;
	[tilespmem:s5], [sflag:$0x1] =	stream.linear.gather [hbm4b:s0+s24], $0x80, $0x38;
	[tilespmem:$0x1A800] =	vst v63  }
0x7b: {  	s26 =	sadd.s32 s4, s6;
	s28 =	sand.u32 $0x1FFFFFF0, s22;
	s29 =	spop (v2sf)  }
0x7c: {  	(v2sf) =	vpush v3, $0xD;
	s22 =	sadd.s32 $0x600, s3;
	s5 =	sadd.s32 s4, s28;
	s0 =	sand.u32 $0x1FFFFFF0, s29  }
0x7d: {  	(v2sf) =	vpush v2, $0xD;
	[tilespmem:s8], [sflag:$0x1] =	stream.linear.gather [hbm4b:s26+s24], $0x80, $0x38;
	[tilespmem:$0x1A800] =	vst v63  }
0x7e: {  	s30 =	spop (v2sf);
	s26 =	simm.s32 $0x10E00;
	s8 =	sadd.s32 $0x700, s3  }
0x7f: {  	[tilespmem:s11], [sflag:$0x1] =	stream.linear.gather [hbm4b:s5+s24], $0x80, $0x38;
	[tilespmem:$0x1A800] =	vst v63  }
0x80: {  	s0 =	sadd.s32 s15, s0;
	s31 =	spop (v2sf);
	s5 =	sand.u32 $0x1FFFFFF0, s30  }
0x81: {  	[tilespmem:s9], [sflag:$0x1] =	stream.linear.gather [hbm4b:s0+s24], $0x80, $0x38;
	[tilespmem:$0x1A800] =	vst v63  }
0x82: {  	s6 =	sand.u32 $0x1FFFFFF0, s31;
	s11 =	spop (v2sf);
	s5 =	sadd.s32 s4, s5  }
0x83: {  	[tilespmem:s7], [sflag:$0x1] =	stream.linear.gather [hbm4b:s5+s24], $0x80, $0x38;
	[tilespmem:$0x1A800] =	vst v63  }
0x84: {  	s6 =	sadd.s32 s4, s6;
	s30 =	sadd.s32 $0x600, s23;
	s9 =	sadd.s32 $0x580, s23  }
0x85: {  	[tilespmem:s9], [sflag:$0x1] =	stream.linear.gather [hbm4b:s6+s24], $0x80, $0x38;
	[tilespmem:$0x1A800] =	vst v63  }
0x86: {  	s0 =	sadd.s32 $0x700, s23;
	s5 =	sand.u32 $0x1FFFFFF0, s11;
	s19 =	spop (v2sf)  }
0x87: {  	s7 =	sadd.s32 $0x680, s3;
	s5 =	sadd.s32 s15, s5;
	(v2sf) =	vpush v1, $0xD;
	s6 =	sand.u32 $0x1FFFFFF0, s19  }
0x88: {  	[tilespmem:s12], [sflag:$0x1] =	stream.linear.gather [hbm4b:s5+s24], $0x80, $0x38;
	(v2sf) =	vpush v3, $0xE;
	[tilespmem:$0x1A800] =	vst v63  }
.Ltmp0:
0x89: {  	s20 =	spop (v2sf);
	s28 =	sadd.s32 s4, s6;
	(v2sf) =	vpush v2, $0xE;
	(pc) =	sbr.rel @!p2 .LBB2_4-.Ltmp0, $4  }
0x8a: {  	[tilespmem:s22], [sflag:$0x1] =	stream.linear.gather [hbm4b:s28+s24], $0x80, $0x38;
	(v2sf) =	vpush v1, $0xE;
	[tilespmem:$0x1A800] =	vst v63  }
0x8b: {  	s11 =	sadd.s32 $0x680, s23;
	s29 =	sand.u32 $0x1FFFFFF0, s20;
	s31 =	spop (v2sf);
	(v2sf) =	vpush v3, $0xF  }
0x8c: {  	s6 =	sadd.s32 s4, s29;
	s3 =	sand.u32 $0x1FFFFFF0, s31;
	s5 =	spop (v2sf);
	(v2sf) =	vpush v2, $0xF  }
0x8d: {  	[tilespmem:s30], [sflag:$0x1] =	stream.linear.gather [hbm4b:s6+s24], $0x80, $0x38;
	(v2sf) =	vpush v1, $0xF;
	[tilespmem:$0x1A800] =	vst v63  }
.LBB2_3:
0x8e: {  	_ =	sdelay $0x3  }
0x8f: {  	s3 =	sadd.s32 s15, s3;
	s5 =	sand.u32 $0x1FFFFFF0, s5  }
0x90: {  	[tilespmem:s14], [sflag:$0x1] =	stream.linear.gather [hbm4b:s3+s24], $0x80, $0x38;
	[tilespmem:$0x1A800] =	vst v63  }
0x91: {  	s29 =	sadd.s32 s4, s5  }
0x92: {  	[tilespmem:s7], [sflag:$0x1] =	stream.linear.gather [hbm4b:s29+s24], $0x80, $0x38;
	[tilespmem:$0x1A800] =	vst v63  }
0x93: {  	s6 =	spop (v2sf)  }
0x94: {  	s30 =	sand.u32 $0x1FFFFFF0, s6;
	s31 =	spop (v2sf)  }
0x95: {  	s5 =	sadd.s32 s4, s30;
	s7 =	sand.u32 $0x1FFFFFF0, s31  }
0x96: {  	[tilespmem:s11], [sflag:$0x1] =	stream.linear.gather [hbm4b:s5+s24], $0x80, $0x38;
	[tilespmem:$0x1A800] =	vst v63  }
0x97: {  	s9 =	spop (v2sf);
	s12 =	sadd.s32 s15, s7  }
0x98: {  	s14 =	sand.u32 $0x1FFFFFF0, s9;
	s19 =	spop (v2sf);
	s9 =	sadd.s32 $0x780, s23  }
0x99: {  	s11 =	rddreg [dreg:$0x7];
	s20 =	sadd.s32 s4, s14;
	s22 =	sand.u32 $0x1FFFFFF0, s19  }
0x9a: {  	[tilespmem:s2], [sflag:$0x1] =	stream.linear.gather [hbm4b:s12+s24], $0x80, $0x38;
	[tilespmem:$0x1A800] =	vst v63  }
0x9b: {  	s28 =	spop (v2sf);
	s23 =	sadd.s32 s11, s26;
	s29 =	sadd.s32 s4, s22  }
0x9c: {  	s30 =	sand.u32 $0x1FFFFFF0, s28;
	s31 =	spop (v2sf);
	s2 =	sadd.s32 $0x200, s23  }
0x9d: {  	s3 =	sadd.s32 s15, s30;
	s6 =	sand.u32 $0x1FFFFFF0, s31;
	s7 =	spop (v2sf)  }
0x9e: {  	[tilespmem:s8], [sflag:$0x1] =	stream.linear.gather [hbm4b:s20+s24], $0x80, $0x38;
	[tilespmem:$0x1A800] =	vst v63  }
0x9f: {  	s31 =	sadd.s32 s11, s1;
	[smem:$0x7E8] =	sst s2;
	s2 =	sadd.s32 $0x380, s23  }
0xa0: {  	[tilespmem:s0], [sflag:$0x1] =	stream.linear.gather [hbm4b:s29+s24], $0x80, $0x38;
	[tilespmem:$0x1A800] =	vst v63  }
0xa1: {  	s8 =	sadd.s32 s4, s6;
	s12 =	sadd.s32 $0x380, s31;
	[smem:$0x7F2] =	sst s2  }
0xa2: {  	[tilespmem:s10], [sflag:$0x1] =	stream.linear.gather [hbm4b:s3+s24], $0x80, $0x38;
	[tilespmem:$0x1A800] =	vst v63  }
0xa3: {  	s14 =	sadd.s32 $0x400, s31;
	[smem:$0x7F1] =	sst s12;
	s3 =	sand.u32 $0x1FFFFFF0, s7  }
0xa4: {  	[tilespmem:s13], [sflag:$0x1] =	stream.linear.gather [hbm4b:s8+s24], $0x80, $0x38;
	[tilespmem:$0x1A800] =	vst v63  }
0xa5: {  	s15 =	sadd.s32 $0x200, s31;
	[dreg:$0x1b] =	wrdreg s14;
	s10 =	sadd.s32 s4, s3  }
0xa6: {  	[tilespmem:s9], [sflag:$0x1] =	stream.linear.gather [hbm4b:s10+s24], $0x80, $0x38;
	[tilespmem:$0x1A800] =	vst v63  }
0xa7: {  	s19 =	sadd.s32 $0x480, s31;
	[smem:$0x7E7] =	sst s15;
	v1 =	vld [tilespmem:s21+$0x0]  }
0xa8: {  	p1 =	sne.s32 s17, $0x1;
	s20 =	sadd.s32 $0x280, s23;
	[dreg:$0x16] =	wrdreg s19;
	v2 =	vld [tilespmem:s16+$0x0]  }
0xa9: {  	s17 =	sadd.s32 $0xFFFFFFFF, s17;
	s22 =	sadd.s32 $0x500, s31;
	[smem:$0x7EB] =	sst s20;
	v4 =	vld [tilespmem:s18+$0x0]  }
0xaa: {  	s26 =	sadd.s32 $0x800, s26;
	[dreg:$0xf] =	wrdreg s22;
	s20 =	sadd.s32 $0x400, s23  }
0xab: {  	s1 =	sadd.s32 $0x800, s1;
	s22 =	sadd.s32 $0x280, s31;
	[smem:$0x7F4] =	sst s20  }
0xac: {  	s6 =	sadd.s32 $0x10, s18;
	[smem:$0x7EA] =	sst s22;
	s20 =	sadd.s32 $0x600, s31;
	v3 =	vshll.u32 v1, $0x4  }
0xad: {  	s5 =	sadd.s32 $0x80, s31;
	s22 =	sadd.s32 $0x300, s31;
	[dreg:$0x10] =	wrdreg s20;
	v2 =	vshll.u32 v2, $0x4;
	(v2sf) =	vpush v3, $0x0  }
0xae: {  	s15 =	sadd.s32 $0x80, s23;
	s29 =	sadd.s32 $0x100, s23;
	[smem:$0x7ED] =	sst s22;
	v1 =	vshll.u32 v4, $0x4;
	(v2sf) =	vpush v2, $0x0  }
0xaf: {  	s0 =	sadd.s32 $0x700, s23;
	s22 =	rddreg [dreg:$0x6];
	s7 =	sadd.s32 $0x180, s23;
	(v2sf) =	vpush v1, $0x0  }
0xb0: {  	s9 =	sadd.s32 $0x180, s31;
	s18 =	sadd.s32 s11, s25;
	s11 =	sadd.s32 $0x500, s23  }
0xb1: {  	s16 =	sadd.s32 $0x10, s16;
	s13 =	sadd.s32 $0x280, s18;
	[dreg:$0x11] =	wrdreg s11  }
0xb2: {  	s21 =	sadd.s32 $0x10, s21;
	s30 =	sadd.s32 $0x580, s18;
	[smem:$0x7E9] =	sst s13;
	(v2sf) =	vpush v3, $0x1  }
0xb3: {  	s25 =	sadd.s32 $0x800, s25;
	s3 =	sadd.s32 $0x380, s18;
	[dreg:$0xd] =	wrdreg s30  }
0xb4: {  	s28 =	sadd.s32 $0x80, s18;
	s10 =	sadd.s32 $0x500, s18;
	[smem:$0x7F0] =	sst s3  }
0xb5: {  	s8 =	sadd.s32 $0x200, s18;
	s12 =	sadd.s32 $0x480, s18;
	[dreg:$0x17] =	wrdreg s10;
	(v2sf) =	vpush v2, $0x1  }
0xb6: {  	s14 =	sadd.s32 $0x300, s18;
	s19 =	sadd.s32 $0x400, s18;
	[dreg:$0x1f] =	wrdreg s12  }
0xb7: {  	s11 =	sadd.s32 $0x700, s31;
	s2 =	sadd.s32 $0x700, s18;
	[smem:$0x7EC] =	sst s14  }
0xb8: {  	s30 =	sadd.s32 $0x100, s31;
	s3 =	sadd.s32 $0x180, s18;
	[smem:$0x7F3] =	sst s19;
	(v2sf) =	vpush v1, $0x1  }
0xb9: {  	s13 =	sadd.s32 $0x480, s23;
	s12 =	sadd.s32 $0x680, s18;
	[smem:$0x7EE] =	sst s11  }
0xba: {  	s10 =	sadd.s32 $0x300, s23;
	s14 =	sadd.s32 $0x780, s18;
	[dreg:$0x1a] =	wrdreg s13;
	(v2sf) =	vpush v3, $0x2  }
0xbb: {  	s19 =	sadd.s32 $0x600, s18;
	s11 =	sadd.s32 $0x680, s23;
	[smem:$0x7EF] =	sst s10  }
0xbc: {  	[dreg:$0x12] =	wrdreg s19;
	s19 =	sadd.s32 $0x680, s31;
	(v2sf) =	vpush v2, $0x2;
	s20 =	spop (v2sf)  }
0xbd: {  	[dreg:$0xe] =	wrdreg s19;
	s19 =	sand.u32 $0x1FFFFFF0, s20;
	s20 =	spop (v2sf)  }
0xbe: {  	s13 =	sadd.s32 $0x780, s31;
	(v2sf) =	vpush v1, $0x2;
	s19 =	sadd.s32 s22, s19;
	s22 =	spop (v2sf)  }
0xbf: {  	[tilespmem:s18], [sflag:$0x1] =	stream.linear.gather [hbm4b:s19+s24], $0x80, $0x38;
	[tilespmem:$0x1A800] =	vst v63  }
0xc0: {  	s10 =	sadd.s32 $0x100, s18;
	s18 =	sand.u32 $0x1FFFFFF0, s22;
	s22 =	sadd.s32 $0x600, s23  }
0xc1: {  	s20 =	sand.u32 $0x1FFFFFF0, s20;
	[smem:$0x7F6] =	sst s22;
	s22 =	spop (v2sf)  }
0xc2: {  	(v2sf) =	vpush v3, $0x3;
	s20 =	sadd.s32 s4, s20;
	s19 =	sand.u32 $0x1FFFFFF0, s22;
	s22 =	sadd.s32 $0x580, s31  }
0xc3: {  	[tilespmem:s31], [sflag:$0x1] =	stream.linear.gather [hbm4b:s20+s24], $0x80, $0x38;
	[tilespmem:$0x1A800] =	vst v63  }
0xc4: {  	(v2sf) =	vpush v2, $0x3;
	s18 =	sadd.s32 s4, s18;
	s20 =	spop (v2sf);
	[smem:$0x7F5] =	sst s22  }
0xc5: {  	(v2sf) =	vpush v1, $0x3;
	s31 =	sadd.s32 $0x580, s23;
	s22 =	rddreg [dreg:$0x6];
	s20 =	sand.u32 $0x1FFFFFF0, s20  }
0xc6: {  	[tilespmem:s23], [sflag:$0x1] =	stream.linear.gather [hbm4b:s18+s24], $0x80, $0x38;
	[tilespmem:$0x1A800] =	vst v63  }
0xc7: {  	s18 =	sadd.s32 s22, s19;
	s22 =	spop (v2sf);
	s19 =	sadd.s32 s4, s20  }
0xc8: {  	(v2sf) =	vpush v3, $0x4;
	[tilespmem:s28], [sflag:$0x1] =	stream.linear.gather [hbm4b:s18+s24], $0x80, $0x38;
	[tilespmem:$0x1A800] =	vst v63  }
0xc9: {  	s20 =	rddreg [dreg:$0x6];
	s22 =	sand.u32 $0x1FFFFFF0, s22;
	s28 =	spop (v2sf)  }
0xca: {  	(v2sf) =	vpush v2, $0x4;
	[tilespmem:s5], [sflag:$0x1] =	stream.linear.gather [hbm4b:s19+s24], $0x80, $0x38;
	[tilespmem:$0x1A800] =	vst v63  }
0xcb: {  	s19 =	sadd.s32 s4, s22;
	s22 =	sand.u32 $0x1FFFFFF0, s28;
	s28 =	spop (v2sf)  }
0xcc: {  	(v2sf) =	vpush v1, $0x4;
	[tilespmem:s15], [sflag:$0x1] =	stream.linear.gather [hbm4b:s19+s24], $0x80, $0x38;
	[tilespmem:$0x1A800] =	vst v63  }
0xcd: {  	(v2sf) =	vpush v3, $0x5;
	s5 =	sadd.s32 s20, s22;
	s22 =	sand.u32 $0x1FFFFFF0, s28;
	s28 =	spop (v2sf)  }
0xce: {  	[tilespmem:s10], [sflag:$0x1] =	stream.linear.gather [hbm4b:s5+s24], $0x80, $0x38;
	[tilespmem:$0x1A800] =	vst v63  }
0xcf: {  	s18 =	smov.u32 s6;
	s10 =	sadd.s32 s4, s22;
	s15 =	sand.u32 $0x1FFFFFF0, s28  }
0xd0: {  	[tilespmem:s30], [sflag:$0x1] =	stream.linear.gather [hbm4b:s10+s24], $0x80, $0x38;
	[tilespmem:$0x1A800] =	vst v63  }
0xd1: {  	(v2sf) =	vpush v2, $0x5;
	s19 =	spop (v2sf);
	s20 =	sadd.s32 s4, s15;
	s15 =	rddreg [dreg:$0x6]  }
0xd2: {  	[tilespmem:s29], [sflag:$0x1] =	stream.linear.gather [hbm4b:s20+s24], $0x80, $0x38;
	[tilespmem:$0x1A800] =	vst v63  }
0xd3: {  	(v2sf) =	vpush v1, $0x5;
	s22 =	sand.u32 $0x1FFFFFF0, s19;
	s28 =	spop (v2sf);
	s29 =	rddreg [dreg:$0x6]  }
0xd4: {  	s10 =	smov.u32 s14;
	s5 =	sadd.s32 s29, s22;
	s6 =	spop (v2sf)  }
0xd5: {  	(v2sf) =	vpush v3, $0x6;
	[tilespmem:s3], [sflag:$0x1] =	stream.linear.gather [hbm4b:s5+s24], $0x80, $0x38;
	[tilespmem:$0x1A800] =	vst v63  }
0xd6: {  	s14 =	smov.u32 s12;
	s30 =	sand.u32 $0x1FFFFFF0, s28;
	s20 =	sand.u32 $0x1FFFFFF0, s6  }
0xd7: {  	s19 =	sadd.s32 s4, s30;
	s22 =	spop (v2sf);
	s28 =	sadd.s32 s4, s20  }
0xd8: {  	(v2sf) =	vpush v2, $0x6;
	[tilespmem:s9], [sflag:$0x1] =	stream.linear.gather [hbm4b:s19+s24], $0x80, $0x38;
	[tilespmem:$0x1A800] =	vst v63  }
0xd9: {  	(v2sf) =	vpush v1, $0x6;
	s29 =	sand.u32 $0x1FFFFFF0, s22;
	s30 =	spop (v2sf);
	s22 =	sld [smem:$0x7E7]  }
0xda: {  	[tilespmem:s7], [sflag:$0x1] =	stream.linear.gather [hbm4b:s28+s24], $0x80, $0x38;
	[tilespmem:$0x1A800] =	vst v63  }
0xdb: {  	(v2sf) =	vpush v3, $0x7;
	s6 =	sadd.s32 s15, s29;
	s9 =	spop (v2sf);
	s7 =	sand.u32 $0x1FFFFFF0, s30  }
0xdc: {  	s19 =	sand.u32 $0x1FFFFFF0, s9;
	s12 =	sadd.s32 s4, s7;
	s20 =	spop (v2sf)  }
0xdd: {  	(v2sf) =	vpush v2, $0x7;
	[tilespmem:s8], [sflag:$0x1] =	stream.linear.gather [hbm4b:s6+s24], $0x80, $0x38;
	[tilespmem:$0x1A800] =	vst v63  }
0xde: {  	s28 =	sadd.s32 s4, s19;
	s29 =	sand.u32 $0x1FFFFFF0, s20;
	s8 =	sld [smem:$0x7E8]  }
0xdf: {  	[tilespmem:s22], [sflag:$0x1] =	stream.linear.gather [hbm4b:s12+s24], $0x80, $0x38;
	[tilespmem:$0x1A800] =	vst v63  }
0xe0: {  	(v2sf) =	vpush v1, $0x7;
	s20 =	sld [smem:$0x7E9];
	s9 =	sadd.s32 s15, s29;
	s30 =	spop (v2sf)  }
0xe1: {  	[tilespmem:s8], [sflag:$0x1] =	stream.linear.gather [hbm4b:s28+s24], $0x80, $0x38;
	[tilespmem:$0x1A800] =	vst v63  }
0xe2: {  	s12 =	sand.u32 $0x1FFFFFF0, s30;
	s30 =	sld [smem:$0x7EA];
	s19 =	spop (v2sf)  }
0xe3: {  	[tilespmem:s20], [sflag:$0x1] =	stream.linear.gather [hbm4b:s9+s24], $0x80, $0x38;
	[tilespmem:$0x1A800] =	vst v63  }
0xe4: {  	(v2sf) =	vpush v3, $0x8;
	s22 =	sadd.s32 s4, s12;
	s28 =	sand.u32 $0x1FFFFFF0, s19;
	s29 =	spop (v2sf)  }
0xe5: {  	[tilespmem:s30], [sflag:$0x1] =	stream.linear.gather [hbm4b:s22+s24], $0x80, $0x38;
	[tilespmem:$0x1A800] =	vst v63  }
0xe6: {  	(v2sf) =	vpush v2, $0x8;
	s9 =	sld [smem:$0x7EB];
	s5 =	sadd.s32 s4, s28;
	s6 =	sand.u32 $0x1FFFFFF0, s29  }
0xe7: {  	s8 =	spop (v2sf);
	s22 =	sld [smem:$0x7EC];
	s12 =	sadd.s32 s15, s6  }
0xe8: {  	(v2sf) =	vpush v1, $0x8;
	s19 =	sand.u32 $0x1FFFFFF0, s8;
	s20 =	spop (v2sf);
	s8 =	sld [smem:$0x7EE]  }
0xe9: {  	(v2sf) =	vpush v3, $0x9;
	[tilespmem:s9], [sflag:$0x1] =	stream.linear.gather [hbm4b:s5+s24], $0x80, $0x38;
	[tilespmem:$0x1A800] =	vst v63  }
0xea: {  	s28 =	sadd.s32 s4, s19;
	s30 =	spop (v2sf);
	s9 =	sld [smem:$0x7ED]  }
0xeb: {  	(v2sf) =	vpush v2, $0x9;
	[tilespmem:s22], [sflag:$0x1] =	stream.linear.gather [hbm4b:s12+s24], $0x80, $0x38;
	[tilespmem:$0x1A800] =	vst v63  }
0xec: {  	s29 =	sand.u32 $0x1FFFFFF0, s20;
	s19 =	sand.u32 $0x1FFFFFF0, s30;
	s20 =	spop (v2sf)  }
0xed: {  	s12 =	sadd.s32 s4, s29;
	s22 =	sld [smem:$0x7EF];
	s29 =	sand.u32 $0x1FFFFFF0, s20  }
0xee: {  	(v2sf) =	vpush v1, $0x9;
	[tilespmem:s9], [sflag:$0x1] =	stream.linear.gather [hbm4b:s28+s24], $0x80, $0x38;
	[tilespmem:$0x1A800] =	vst v63  }
0xef: {  	s28 =	sadd.s32 s15, s19;
	s30 =	spop (v2sf);
	s9 =	sld [smem:$0x7F0]  }
0xf0: {  	(v2sf) =	vpush v3, $0xA;
	[tilespmem:s22], [sflag:$0x1] =	stream.linear.gather [hbm4b:s12+s24], $0x80, $0x38;
	[tilespmem:$0x1A800] =	vst v63  }
0xf1: {  	(v2sf) =	vpush v2, $0xA;
	s19 =	sand.u32 $0x1FFFFFF0, s30;
	s12 =	sadd.s32 s4, s29;
	s22 =	sld [smem:$0x7F1]  }
0xf2: {  	[tilespmem:s9], [sflag:$0x1] =	stream.linear.gather [hbm4b:s28+s24], $0x80, $0x38;
	[tilespmem:$0x1A800] =	vst v63  }
0xf3: {  	s20 =	spop (v2sf);
	s28 =	sadd.s32 s4, s19;
	s9 =	sld [smem:$0x7F2]  }
0xf4: {  	[tilespmem:s22], [sflag:$0x1] =	stream.linear.gather [hbm4b:s12+s24], $0x80, $0x38;
	[tilespmem:$0x1A800] =	vst v63  }
0xf5: {  	(v2sf) =	vpush v1, $0xA;
	s29 =	sand.u32 $0x1FFFFFF0, s20;
	s30 =	spop (v2sf);
	s22 =	sld [smem:$0x7F3]  }
0xf6: {  	[tilespmem:s9], [sflag:$0x1] =	stream.linear.gather [hbm4b:s28+s24], $0x80, $0x38;
	[tilespmem:$0x1A800] =	vst v63  }
0xf7: {  	(v2sf) =	vpush v3, $0xB;
	s12 =	sadd.s32 s15, s29;
	s19 =	sand.u32 $0x1FFFFFF0, s30;
	s20 =	spop (v2sf)  }
0xf8: {  	s28 =	sadd.s32 s4, s19;
	s29 =	sand.u32 $0x1FFFFFF0, s20;
	s30 =	spop (v2sf)  }
0xf9: {  	[tilespmem:s22], [sflag:$0x1] =	stream.linear.gather [hbm4b:s12+s24], $0x80, $0x38;
	[tilespmem:$0x1A800] =	vst v63  }
0xfa: {  	s9 =	rddreg [dreg:$0x1b];
	s12 =	sadd.s32 s4, s29;
	s20 =	spop (v2sf)  }
0xfb: {  	(v2sf) =	vpush v2, $0xB;
	s19 =	sand.u32 $0x1FFFFFF0, s30;
	s22 =	sld [smem:$0x7F4];
	s29 =	sand.u32 $0x1FFFFFF0, s20  }
0xfc: {  	(v2sf) =	vpush v1, $0xB;
	[tilespmem:s9], [sflag:$0x1] =	stream.linear.gather [hbm4b:s28+s24], $0x80, $0x38;
	[tilespmem:$0x1A800] =	vst v63  }
0xfd: {  	s30 =	spop (v2sf);
	s28 =	sadd.s32 s15, s19;
	s9 =	rddreg [dreg:$0x1f]  }
0xfe: {  	(v2sf) =	vpush v3, $0xC;
	[tilespmem:s22], [sflag:$0x1] =	stream.linear.gather [hbm4b:s12+s24], $0x80, $0x38;
	[tilespmem:$0x1A800] =	vst v63  }
0xff: {  	s19 =	sand.u32 $0x1FFFFFF0, s30;
	s20 =	spop (v2sf);
	s12 =	sadd.s32 s4, s29  }
0x100: {  	(v2sf) =	vpush v2, $0xC;
	s22 =	rddreg [dreg:$0x16];
	s29 =	sand.u32 $0x1FFFFFF0, s20;
	s30 =	spop (v2sf)  }
0x101: {  	[tilespmem:s9], [sflag:$0x1] =	stream.linear.gather [hbm4b:s28+s24], $0x80, $0x38;
	[tilespmem:$0x1A800] =	vst v63  }
0x102: {  	s28 =	sadd.s32 s4, s19;
	s9 =	rddreg [dreg:$0x1a];
	s19 =	sand.u32 $0x1FFFFFF0, s30  }
0x103: {  	[tilespmem:s22], [sflag:$0x1] =	stream.linear.gather [hbm4b:s12+s24], $0x80, $0x38;
	[tilespmem:$0x1A800] =	vst v63  }
0x104: {  	(v2sf) =	vpush v1, $0xC;
	s12 =	sadd.s32 s15, s29;
	s22 =	rddreg [dreg:$0x17];
	s20 =	spop (v2sf)  }
0x105: {  	[tilespmem:s9], [sflag:$0x1] =	stream.linear.gather [hbm4b:s28+s24], $0x80, $0x38;
	[tilespmem:$0x1A800] =	vst v63  }
0x106: {  	s28 =	sadd.s32 s4, s19;
	s29 =	sand.u32 $0x1FFFFFF0, s20;
	s30 =	spop (v2sf)  }
0x107: {  	(v2sf) =	vpush v3, $0xD;
	[tilespmem:s22], [sflag:$0x1] =	stream.linear.gather [hbm4b:s12+s24], $0x80, $0x38;
	[tilespmem:$0x1A800] =	vst v63  }
0x108: {  	s9 =	rddreg [dreg:$0xf];
	s12 =	sadd.s32 s4, s29;
	s19 =	sand.u32 $0x1FFFFFF0, s30  }
0x109: {  	(v2sf) =	vpush v2, $0xD;
	[tilespmem:s9], [sflag:$0x1] =	stream.linear.gather [hbm4b:s28+s24], $0x80, $0x38;
	[tilespmem:$0x1A800] =	vst v63  }
0x10a: {  	s22 =	rddreg [dreg:$0x11];
	s20 =	spop (v2sf);
	s28 =	sadd.s32 s15, s19  }
0x10b: {  	s29 =	sand.u32 $0x1FFFFFF0, s20;
	s30 =	spop (v2sf);
	s9 =	rddreg [dreg:$0xd]  }
0x10c: {  	[tilespmem:s22], [sflag:$0x1] =	stream.linear.gather [hbm4b:s12+s24], $0x80, $0x38;
	[tilespmem:$0x1A800] =	vst v63  }
0x10d: {  	s19 =	sand.u32 $0x1FFFFFF0, s30;
	s20 =	spop (v2sf);
	s22 =	sld [smem:$0x7F5]  }
0x10e: {  	[tilespmem:s9], [sflag:$0x1] =	stream.linear.gather [hbm4b:s28+s24], $0x80, $0x38;
	[tilespmem:$0x1A800] =	vst v63  }
0x10f: {  	s12 =	sadd.s32 s4, s29;
	s29 =	sand.u32 $0x1FFFFFF0, s20;
	s30 =	spop (v2sf)  }
0x110: {  	[tilespmem:s22], [sflag:$0x1] =	stream.linear.gather [hbm4b:s12+s24], $0x80, $0x38;
	[tilespmem:$0x1A800] =	vst v63  }
0x111: {  	s7 =	sadd.s32 s15, s29;
	s29 =	rddreg [dreg:$0x10];
	s28 =	sadd.s32 s4, s19  }
0x112: {  	[tilespmem:s31], [sflag:$0x1] =	stream.linear.gather [hbm4b:s28+s24], $0x80, $0x38;
	[tilespmem:$0x1A800] =	vst v63  }
0x113: {  	(v2sf) =	vpush v1, $0xD;
	s9 =	sand.u32 $0x1FFFFFF0, s30;
	s19 =	rddreg [dreg:$0x12];
	s12 =	spop (v2sf)  }
0x114: {  	(v2sf) =	vpush v3, $0xE;
	[tilespmem:s19], [sflag:$0x1] =	stream.linear.gather [hbm4b:s7+s24], $0x80, $0x38;
	[tilespmem:$0x1A800] =	vst v63  }
.Ltmp1:
0x115: {  	(v2sf) =	vpush v2, $0xE;
	s20 =	sadd.s32 s4, s9;
	s22 =	sand.u32 $0x1FFFFFF0, s12;
	(pc) =	sbr.rel @p1 .LBB2_3-.Ltmp1, $4  }
0x116: {  	(v2sf) =	vpush v1, $0xE;
	s28 =	spop (v2sf);
	s30 =	sadd.s32 s4, s22;
	s31 =	sld [smem:$0x7F6]  }
0x117: {  	(v2sf) =	vpush v3, $0xF;
	[tilespmem:s29], [sflag:$0x1] =	stream.linear.gather [hbm4b:s20+s24], $0x80, $0x38;
	[tilespmem:$0x1A800] =	vst v63  }
0x118: {  	(v2sf) =	vpush v2, $0xF;
	s3 =	sand.u32 $0x1FFFFFF0, s28;
	s5 =	spop (v2sf);
	s7 =	rddreg [dreg:$0xe]  }
0x119: {  	(v2sf) =	vpush v1, $0xF;
	[tilespmem:s31], [sflag:$0x1] =	stream.linear.gather [hbm4b:s30+s24], $0x80, $0x38;
	[tilespmem:$0x1A800] =	vst v63  }
.LBB2_4:
0x11a: {  	_ =	sdelay $0x3  }
0x11b: {  	s3 =	sadd.s32 s15, s3;
	s5 =	sand.u32 $0x1FFFFFF0, s5  }
0x11c: {  	[tilespmem:s14], [sflag:$0x1] =	stream.linear.gather [hbm4b:s3+s24], $0x80, $0x38;
	[tilespmem:$0x1A800] =	vst v63  }
0x11d: {  	s30 =	sadd.s32 s4, s5  }
0x11e: {  	[tilespmem:s7], [sflag:$0x1] =	stream.linear.gather [hbm4b:s30+s24], $0x80, $0x38;
	[tilespmem:$0x1A800] =	vst v63  }
0x11f: {  	s6 =	spop (v2sf)  }
0x120: {  	s31 =	sand.u32 $0x1FFFFFF0, s6;
	s1 =	spop (v2sf)  }
0x121: {  	s5 =	sadd.s32 s4, s31;
	s7 =	sand.u32 $0x1FFFFFF0, s1;
	s9 =	spop (v2sf)  }
0x122: {  	[tilespmem:s11], [sflag:$0x1] =	stream.linear.gather [hbm4b:s5+s24], $0x80, $0x38;
	[tilespmem:$0x1A800] =	vst v63  }
0x123: {  	s12 =	sadd.s32 s15, s7;
	s14 =	sand.u32 $0x1FFFFFF0, s9;
	s16 =	spop (v2sf)  }
0x124: {  	[tilespmem:s2], [sflag:$0x1] =	stream.linear.gather [hbm4b:s12+s24], $0x80, $0x38;
	[tilespmem:$0x1A800] =	vst v63  }
0x125: {  	s17 =	sadd.s32 s4, s14;
	s18 =	sand.u32 $0x1FFFFFF0, s16;
	s19 =	spop (v2sf)  }
0x126: {  	[tilespmem:s8], [sflag:$0x1] =	stream.linear.gather [hbm4b:s17+s24], $0x80, $0x38;
	[tilespmem:$0x1A800] =	vst v63  }
0x127: {  	s20 =	sadd.s32 s4, s18;
	s21 =	sand.u32 $0x1FFFFFF0, s19;
	s22 =	spop (v2sf)  }
0x128: {  	[tilespmem:s0], [sflag:$0x1] =	stream.linear.gather [hbm4b:s20+s24], $0x80, $0x38;
	[tilespmem:$0x1A800] =	vst v63  }
0x129: {  	s25 =	sadd.s32 s15, s21;
	s26 =	sand.u32 $0x1FFFFFF0, s22;
	s28 =	spop (v2sf)  }
0x12a: {  	[tilespmem:s10], [sflag:$0x1] =	stream.linear.gather [hbm4b:s25+s24], $0x80, $0x38;
	[tilespmem:$0x1A800] =	vst v63  }
0x12b: {  	s29 =	sadd.s32 s4, s26;
	s30 =	sand.u32 $0x1FFFFFF0, s28  }
0x12c: {  	[tilespmem:s13], [sflag:$0x1] =	stream.linear.gather [hbm4b:s29+s24], $0x80, $0x38;
	[tilespmem:$0x1A800] =	vst v63  }
0x12d: {  	s31 =	sadd.s32 $0x780, s23;
	s2 =	sadd.s32 s4, s30  }
0x12e: {  	[tilespmem:s31], [sflag:$0x1] =	stream.linear.gather [hbm4b:s2+s24], $0x80, $0x38;
	[tilespmem:$0x1A800] =	vst v63  }
0x12f: {  	s2 =	simm.s32 $0x1  }
0x130: {  	_ =	swait.ge [sflag:s2], $0x80  }
0x131: {  	[sflag:s2] =	ssyncset.done $0x0  }
0x132: {  	[sflag:s2] =	ssyncadd.s32 $0xFFFFFF80  }
0x133: {  	_ =	swait.ge [sflag:s2], $0x80  }
0x134: {  	[sflag:s2] =	ssyncset.done $0x0  }
0x135: {  	[sflag:s2] =	ssyncadd.s32 $0xFFFFFF80  }
0x136: {  	_ =	swait.ge [sflag:s2], $0x80  }
0x137: {  	s0 =	simm.s32 $0x7F;
	[sflag:s2] =	ssyncset.done $0x0  }
.LBB2_5:
0x138: {  	p1 =	sne.s32 s0, $0x1;
	s0 =	sadd.s32 $0xFFFFFFFF, s0;
	[sflag:s2] =	ssyncadd.s32 $0xFFFFFF80  }
0x139: {  	_ =	swait.ge [sflag:s2], $0x80  }
0x13a: {  	[sflag:s2] =	ssyncset.done $0x0  }
0x13b: {  	[sflag:s2] =	ssyncadd.s32 $0xFFFFFF80  }
.Ltmp2:
0x13c: {  	_ =	swait.ge [sflag:s2], $0x80;
	(pc) =	sbr.rel @p1 .LBB2_5-.Ltmp2, $4  }
0x13d: {  	[sflag:s2] =	ssyncset.done $0x0  }
0x13e: {  	[sflag:s2] =	ssyncadd.s32 $0xFFFFFF80  }
0x13f: {  	_ =	swait.ge [sflag:s2], $0x80  }
0x140: {  	[sflag:s2] =	ssyncset.done $0x0  }
.Ltmp3:
0x141: {  	(pc) =	sbr.rel @p0 .LBB2_2-.Ltmp3, $4  }
0x142: {  	s6 =	sld [smem:$0x7F7]  }
0x143: {  	[sflag:s2] =	ssyncadd.s32 $0xFFFFFF80;
	s17 =	simm.s32 $0x0  }
0x144: {  	s18 =	simm.s32 $0x10700;
	s19 =	simm.s32 $0x8700;
	s20 =	simm.s32 $0x700  }
0x145: {  	s0 =	simm.s32 $0x8;
	p1 =	por $0x0, $0x0;
	s6 =	sadd.s32 $0x8, s6  }
0x146: {  	v1 =	vld [tilespmem:s18+$0xFFFFFF10]  }
0x147: {  	v2 =	vld [tilespmem:s19+$0xFFFFFF10]  }
0x148: {  	v3 =	vld [tilespmem:s18+$0xFFFFFF00]  }
0x149: {  	v4 =	vld [tilespmem:s19+$0xFFFFFF00]  }
0x14a: {  	v5 =	vld [tilespmem:s20+$0xFFFFFF10]  }
0x14b: {  	v6 =	vld [tilespmem:s20+$0xFFFFFF00];
	_ =	sdelay $0x1  }
0x14c: {  	v7 =	vsub.f32 v2, v1  }
0x14d: {  	v8 =	vsub.f32 v4, v3  }
0x14e: {  	v7 =	vmul.f32 v7, v5  }
0x14f: {  	v8 =	vmul.f32 v8, v6  }
0x150: {  	v9 =	vand.u32 $0x7FFFFFFF, v7  }
0x151: {  	v10 =	vand.u32 $0x7FFFFFFF, v8;
	v9 =	vsub.f32 $0.0e+00, v9  }
0x152: {  	v10 =	vsub.f32 $0.0e+00, v10  }
0x153: {  	v9 =	vmul.f32 $1.442695020e+00, v9  }
0x154: {  	v10 =	vmul.f32 $1.442695020e+00, v10  }
0x155: {  	(erf) = vpow2.f32 v9  }
0x156: {  	(erf) = vpow2.f32 v10;
	_ =	sdelay $0x7  }
0x157: {  	v9 =	vpop (erf)  }
0x158: {  	v27 =	vadd.f32 $2.000000000e+00, v9;
	v11 =	vpop (erf)  }
0x159: {  	v12 =	vadd.f32 $2.000000000e+00, v11  }
0x15a: {  	(erf) = vrcp.f32 v27  }
0x15b: {  	(erf) = vrcp.f32 v12;
	_ =	sdelay $0x7  }
0x15c: {  	v10 =	vpop (erf)  }
0x15d: {  	v9 =	vmul.f32 v10, v9;
	v28 =	vpop (erf)  }
0x15e: {  	v10 =	vmul.f32 v28, v11  }
0x15f: {  	v29 =	vmul.f32 v9, v9  }
0x160: {  	v30 =	vmul.f32 v10, v10  }
0x161: {  	v13 =	vmul.f32 $1.428571490e-01, v29  }
0x162: {  	v14 =	vmul.f32 $1.428571490e-01, v30  }
0x163: {  	v13 =	vadd.f32 $2.000000030e-01, v13  }
0x164: {  	v14 =	vadd.f32 $2.000000030e-01, v14  }
0x165: {  	v13 =	vmul.f32 v13, v29  }
0x166: {  	v14 =	vmul.f32 v14, v30  }
0x167: {  	v13 =	vadd.f32 $3.333333430e-01, v13  }
0x168: {  	v2 =	vmul.f32 v2, v2;
	v5 =	vmul.f32 v5, v5;
	v14 =	vadd.f32 $3.333333430e-01, v14  }
0x169: {  	v11 =	vmul.f32 v13, v29  }
0x16a: {  	v4 =	vmul.f32 v4, v4;
	v2 =	vadd.f32 v2, v5;
	v5 =	vmul.f32 v14, v30  }
0x16b: {  	v6 =	vmul.f32 v6, v6;
	v9 =	vadd.f32 v9, v9;
	v11 =	vadd.f32 $1.000000000e+00, v11  }
0x16c: {  	v1 =	vmul.f32 v1, v1;
	v10 =	vadd.f32 v10, v10;
	v5 =	vadd.f32 $1.000000000e+00, v5  }
0x16d: {  	v3 =	vmul.f32 v3, v3;
	v4 =	vadd.f32 v4, v6;
	v6 =	vmul.f32 v11, v9  }
0x16e: {  	v7 =	vmin.f32 v7, $0.0e+00;
	v1 =	vadd.f32 v1, v2;
	v5 =	vmul.f32 v5, v10  }
0x16f: {  	v3 =	vadd.f32 v3, v4;
	v2 =	vsub.f32 v7, v6;
	v6 =	vmin.f32 v8, $0.0e+00  }
0x170: {  	v5 =	vsub.f32 v6, v5  }
0x171: {  	v1 =	vmul.f32 $3.124999920e-07, v1;
	v3 =	vmul.f32 $3.124999920e-07, v3  }
0x172: {  	v2 =	vmul.f32 $3.125000000e-02, v2;
	v4 =	vmul.f32 $3.125000000e-02, v5  }
0x173: {  	v5 =	vor.u32 s17, v0  }
0x174: {  	v1 =	vsub.f32 v1, v2;
	v3 =	vsub.f32 v3, v4;
	_ =	sdelay $0x1  }
0x175: {  	v1 =	vadd.f32 v1, v3  }
0x176: {  	s3 =	simm.s32 $0x18600  }
0x177: {  	[tilespmem:v5+s3+$0x0] =	vst.idx.msk $0xffff, v1  }
0x178: {  	v1 =	vld [tilespmem:s18+$0xFFFFFF90]  }
0x179: {  	v2 =	vld [tilespmem:s19+$0xFFFFFF80]  }
0x17a: {  	v3 =	vld [tilespmem:s19+$0xFFFFFF90]  }
0x17b: {  	v4 =	vld [tilespmem:s18+$0xFFFFFF80]  }
0x17c: {  	v5 =	vld [tilespmem:s20+$0xFFFFFF90]  }
0x17d: {  	v6 =	vld [tilespmem:s20+$0xFFFFFF80];
	_ =	sdelay $0x1  }
0x17e: {  	v7 =	vsub.f32 v3, v1  }
0x17f: {  	v8 =	vsub.f32 v2, v4  }
0x180: {  	v7 =	vmul.f32 v7, v5  }
0x181: {  	v8 =	vmul.f32 v8, v6  }
0x182: {  	v31 =	vand.u32 $0x7FFFFFFF, v7  }
0x183: {  	v32 =	vand.u32 $0x7FFFFFFF, v8;
	v9 =	vsub.f32 $0.0e+00, v31  }
0x184: {  	v10 =	vsub.f32 $0.0e+00, v32  }
0x185: {  	v9 =	vmul.f32 $1.442695020e+00, v9  }
0x186: {  	v10 =	vmul.f32 $1.442695020e+00, v10  }
0x187: {  	(erf) = vpow2.f32 v9  }
0x188: {  	(erf) = vpow2.f32 v10;
	_ =	sdelay $0x7  }
0x189: {  	v9 =	vpop (erf)  }
0x18a: {  	v33 =	vadd.f32 $2.000000000e+00, v9;
	v34 =	vpop (erf)  }
0x18b: {  	v35 =	vadd.f32 $2.000000000e+00, v34  }
0x18c: {  	(erf) = vrcp.f32 v33  }
0x18d: {  	(erf) = vrcp.f32 v35;
	_ =	sdelay $0x7  }
0x18e: {  	v10 =	vpop (erf)  }
0x18f: {  	v36 =	vpop (erf)  }
0x190: {  	v9 =	vmul.f32 v10, v9;
	v10 =	vmul.f32 v36, v34;
	_ =	sdelay $0x1  }
0x191: {  	v37 =	vmul.f32 v9, v9;
	v38 =	vmul.f32 v10, v10;
	_ =	sdelay $0x1  }
0x192: {  	v39 =	vmul.f32 $1.428571490e-01, v37;
	v40 =	vmul.f32 $1.428571490e-01, v38;
	_ =	sdelay $0x1  }
0x193: {  	v13 =	vadd.f32 $2.000000030e-01, v39;
	v14 =	vadd.f32 $2.000000030e-01, v40;
	_ =	sdelay $0x1  }
0x194: {  	v13 =	vmul.f32 v13, v37;
	v14 =	vmul.f32 v14, v38;
	_ =	sdelay $0x1  }
0x195: {  	v3 =	vmul.f32 v3, v3;
	v13 =	vadd.f32 $3.333333430e-01, v13;
	v14 =	vadd.f32 $3.333333430e-01, v14  }
0x196: {  	v2 =	vmul.f32 v2, v2;
	v5 =	vmul.f32 v5, v5  }
0x197: {  	v11 =	vmul.f32 v13, v37;
	v12 =	vmul.f32 v14, v38  }
0x198: {  	v6 =	vmul.f32 v6, v6;
	v9 =	vadd.f32 v9, v9;
	v10 =	vadd.f32 v10, v10  }
0x199: {  	v1 =	vmul.f32 v1, v1;
	v11 =	vadd.f32 $1.000000000e+00, v11;
	v12 =	vadd.f32 $1.000000000e+00, v12  }
0x19a: {  	v4 =	vmul.f32 v4, v4;
	v3 =	vadd.f32 v3, v5;
	v2 =	vadd.f32 v2, v6  }
0x19b: {  	v6 =	vmin.f32 v7, $0.0e+00;
	v5 =	vmul.f32 v11, v9;
	v41 =	vmul.f32 v12, v10  }
0x19c: {  	v1 =	vadd.f32 v1, v3;
	v3 =	vmin.f32 v8, $0.0e+00;
	v2 =	vadd.f32 v4, v2  }
0x19d: {  	v5 =	vsub.f32 v6, v5;
	v3 =	vsub.f32 v3, v41  }
0x19e: {  	v1 =	vmul.f32 $3.124999920e-07, v1;
	v2 =	vmul.f32 $3.124999920e-07, v2  }
0x19f: {  	s0 =	simm.s32 $0x1;
	v4 =	vmul.f32 $3.125000000e-02, v5;
	v3 =	vmul.f32 $3.125000000e-02, v3  }
0x1a0: {  	v5 =	vor.u32 s0, v0  }
0x1a1: {  	v1 =	vsub.f32 v1, v4;
	v2 =	vsub.f32 v2, v3;
	_ =	sdelay $0x1  }
0x1a2: {  	v1 =	vadd.f32 v1, v2;
	_ =	sdelay $0x1  }
0x1a3: {  	[tilespmem:v5+s3+$0x0] =	vst.idx.msk $0xffff, v1  }
0x1a4: {  	v1 =	vld [tilespmem:s18+$0x0]  }
0x1a5: {  	v2 =	vld [tilespmem:s18+$0x10]  }
0x1a6: {  	v3 =	vld [tilespmem:s19+$0x0]  }
0x1a7: {  	v4 =	vld [tilespmem:s19+$0x10]  }
0x1a8: {  	v5 =	vld [tilespmem:s20+$0x0]  }
0x1a9: {  	v6 =	vld [tilespmem:s20+$0x10];
	_ =	sdelay $0x1  }
0x1aa: {  	v7 =	vsub.f32 v3, v1  }
0x1ab: {  	v8 =	vsub.f32 v4, v2  }
0x1ac: {  	v7 =	vmul.f32 v7, v5  }
0x1ad: {  	v8 =	vmul.f32 v8, v6  }
0x1ae: {  	v42 =	vand.u32 $0x7FFFFFFF, v7  }
0x1af: {  	v43 =	vand.u32 $0x7FFFFFFF, v8;
	v9 =	vsub.f32 $0.0e+00, v42  }
0x1b0: {  	v10 =	vsub.f32 $0.0e+00, v43  }
0x1b1: {  	v9 =	vmul.f32 $1.442695020e+00, v9  }
0x1b2: {  	v10 =	vmul.f32 $1.442695020e+00, v10  }
0x1b3: {  	(erf) = vpow2.f32 v9  }
0x1b4: {  	(erf) = vpow2.f32 v10;
	_ =	sdelay $0x7  }
0x1b5: {  	v9 =	vpop (erf)  }
0x1b6: {  	v44 =	vadd.f32 $2.000000000e+00, v9;
	v45 =	vpop (erf)  }
0x1b7: {  	v46 =	vadd.f32 $2.000000000e+00, v45  }
0x1b8: {  	(erf) = vrcp.f32 v44  }
0x1b9: {  	(erf) = vrcp.f32 v46;
	_ =	sdelay $0x7  }
0x1ba: {  	v10 =	vpop (erf)  }
0x1bb: {  	v47 =	vpop (erf)  }
0x1bc: {  	v9 =	vmul.f32 v10, v9;
	v10 =	vmul.f32 v47, v45;
	_ =	sdelay $0x1  }
0x1bd: {  	v48 =	vmul.f32 v9, v9;
	v49 =	vmul.f32 v10, v10;
	_ =	sdelay $0x1  }
0x1be: {  	v50 =	vmul.f32 $1.428571490e-01, v48;
	v51 =	vmul.f32 $1.428571490e-01, v49;
	_ =	sdelay $0x1  }
0x1bf: {  	v13 =	vadd.f32 $2.000000030e-01, v50;
	v14 =	vadd.f32 $2.000000030e-01, v51;
	_ =	sdelay $0x1  }
0x1c0: {  	v13 =	vmul.f32 v13, v48;
	v14 =	vmul.f32 v14, v49  }
0x1c1: {  	v3 =	vmul.f32 v3, v3  }
0x1c2: {  	v5 =	vmul.f32 v5, v5;
	v13 =	vadd.f32 $3.333333430e-01, v13;
	v14 =	vadd.f32 $3.333333430e-01, v14  }
0x1c3: {  	v4 =	vmul.f32 v4, v4  }
0x1c4: {  	v3 =	vadd.f32 v3, v5;
	v11 =	vmul.f32 v13, v48;
	v5 =	vmul.f32 v14, v49  }
0x1c5: {  	v6 =	vmul.f32 v6, v6;
	v9 =	vadd.f32 v9, v9;
	v10 =	vadd.f32 v10, v10  }
0x1c6: {  	v1 =	vmul.f32 v1, v1;
	v11 =	vadd.f32 $1.000000000e+00, v11;
	v5 =	vadd.f32 $1.000000000e+00, v5  }
0x1c7: {  	v2 =	vmul.f32 v2, v2;
	v4 =	vadd.f32 v4, v6  }
0x1c8: {  	v1 =	vadd.f32 v1, v3;
	v3 =	vmul.f32 v11, v9;
	v5 =	vmul.f32 v5, v10  }
0x1c9: {  	v6 =	vmin.f32 v8, $0.0e+00;
	v2 =	vadd.f32 v2, v4;
	v4 =	vmin.f32 v7, $0.0e+00  }
0x1ca: {  	v3 =	vsub.f32 v4, v3;
	v4 =	vsub.f32 v6, v5  }
0x1cb: {  	v1 =	vmul.f32 $3.124999920e-07, v1;
	v2 =	vmul.f32 $3.124999920e-07, v2  }
0x1cc: {  	s31 =	simm.s32 $0x2;
	v3 =	vmul.f32 $3.125000000e-02, v3;
	v4 =	vmul.f32 $3.125000000e-02, v4  }
0x1cd: {  	v5 =	vor.u32 s31, v0  }
0x1ce: {  	v1 =	vsub.f32 v1, v3;
	v2 =	vsub.f32 v2, v4;
	_ =	sdelay $0x1  }
0x1cf: {  	v1 =	vadd.f32 v2, v1;
	_ =	sdelay $0x1  }
0x1d0: {  	[tilespmem:v5+s3+$0x0] =	vst.idx.msk $0xffff, v1  }
0x1d1: {  	v1 =	vld [tilespmem:s18+$0x80]  }
0x1d2: {  	v2 =	vld [tilespmem:s18+$0x90]  }
0x1d3: {  	v3 =	vld [tilespmem:s19+$0x80]  }
0x1d4: {  	v4 =	vld [tilespmem:s19+$0x90]  }
0x1d5: {  	v5 =	vld [tilespmem:s20+$0x80]  }
0x1d6: {  	v6 =	vld [tilespmem:s20+$0x90];
	_ =	sdelay $0x1  }
0x1d7: {  	v7 =	vsub.f32 v3, v1  }
0x1d8: {  	v8 =	vsub.f32 v4, v2  }
0x1d9: {  	v7 =	vmul.f32 v7, v5  }
0x1da: {  	v8 =	vmul.f32 v8, v6  }
0x1db: {  	v52 =	vand.u32 $0x7FFFFFFF, v7  }
0x1dc: {  	v53 =	vand.u32 $0x7FFFFFFF, v8;
	v9 =	vsub.f32 $0.0e+00, v52  }
0x1dd: {  	v10 =	vsub.f32 $0.0e+00, v53  }
0x1de: {  	v9 =	vmul.f32 $1.442695020e+00, v9  }
0x1df: {  	v10 =	vmul.f32 $1.442695020e+00, v10  }
0x1e0: {  	(erf) = vpow2.f32 v9  }
0x1e1: {  	(erf) = vpow2.f32 v10;
	_ =	sdelay $0x7  }
0x1e2: {  	v9 =	vpop (erf)  }
0x1e3: {  	v54 =	vadd.f32 $2.000000000e+00, v9;
	v55 =	vpop (erf)  }
0x1e4: {  	v56 =	vadd.f32 $2.000000000e+00, v55  }
0x1e5: {  	(erf) = vrcp.f32 v54  }
0x1e6: {  	(erf) = vrcp.f32 v56;
	_ =	sdelay $0x7  }
0x1e7: {  	v10 =	vpop (erf)  }
0x1e8: {  	v57 =	vpop (erf)  }
0x1e9: {  	v9 =	vmul.f32 v10, v9;
	v10 =	vmul.f32 v57, v55;
	_ =	sdelay $0x1  }
0x1ea: {  	v58 =	vmul.f32 v9, v9;
	v59 =	vmul.f32 v10, v10;
	_ =	sdelay $0x1  }
0x1eb: {  	v60 =	vmul.f32 $1.428571490e-01, v58;
	v61 =	vmul.f32 $1.428571490e-01, v59;
	_ =	sdelay $0x1  }
0x1ec: {  	v13 =	vadd.f32 $2.000000030e-01, v60;
	v14 =	vadd.f32 $2.000000030e-01, v61  }
0x1ed: {  	v3 =	vmul.f32 v3, v3  }
0x1ee: {  	v13 =	vmul.f32 v13, v58;
	v14 =	vmul.f32 v14, v59  }
0x1ef: {  	v4 =	vmul.f32 v4, v4;
	v5 =	vmul.f32 v5, v5  }
0x1f0: {  	v6 =	vmul.f32 v6, v6;
	v13 =	vadd.f32 $3.333333430e-01, v13;
	v14 =	vadd.f32 $3.333333430e-01, v14  }
0x1f1: {  	v1 =	vmul.f32 v1, v1;
	v3 =	vadd.f32 v3, v5  }
0x1f2: {  	v5 =	vadd.f32 v4, v6;
	v11 =	vmul.f32 v13, v58;
	v4 =	vmul.f32 v14, v59  }
0x1f3: {  	v63 =	vmul.f32 v2, v2;
	v6 =	vadd.f32 v9, v9;
	v10 =	vadd.f32 v10, v10  }
0x1f4: {  	v62 =	vadd.f32 $1.000000000e+00, v11;
	v12 =	vadd.f32 $1.000000000e+00, v4  }
0x1f5: {  	v2 =	vmin.f32 v8, $0.0e+00;
	v1 =	vadd.f32 v1, v3;
	v3 =	vadd.f32 v63, v5  }
0x1f6: {  	s21 =	simm.s32 $0x4;
	s22 =	simm.s32 $0x0;
	v4 =	vmin.f32 v7, $0.0e+00;
	v5 =	vmul.f32 v62, v6;
	v6 =	vmul.f32 v12, v10  }
.LBB2_8:
0x1f7: {  	s18 =	sadd.s32 $0x200, s18;
	s19 =	sadd.s32 $0x200, s19;
	s20 =	sadd.s32 $0x200, s20  }
0x1f8: {  	p0 =	sne.s32 s21, $0xFC;
	v4 =	vsub.f32 v4, v5;
	s0 =	smov.u32 s21;
	s21 =	sadd.s32 $0x4, s21;
	v2 =	vsub.f32 v2, v6  }
0x1f9: {  	v1 =	vmul.f32 $3.124999920e-07, v1;
	v3 =	vmul.f32 $3.124999920e-07, v3  }
0x1fa: {  	s2 =	sadd.s32 $0x3, s22;
	s22 =	smov.u32 s0;
	v4 =	vmul.f32 $3.125000000e-02, v4;
	v2 =	vmul.f32 $3.125000000e-02, v2  }
0x1fb: {  	v5 =	vor.u32 s2, v0  }
0x1fc: {  	v1 =	vsub.f32 v1, v4;
	v2 =	vsub.f32 v3, v2;
	_ =	sdelay $0x1  }
0x1fd: {  	v1 =	vadd.f32 v2, v1;
	_ =	sdelay $0x1  }
0x1fe: {  	[tilespmem:v5+s3+$0x0] =	vst.idx.msk $0xffff, v1  }
0x1ff: {  	v1 =	vld [tilespmem:s20+$0xFFFFFF10]  }
0x200: {  	v2 =	vld [tilespmem:s18+$0xFFFFFF10]  }
0x201: {  	v3 =	vld [tilespmem:s19+$0xFFFFFF10]  }
0x202: {  	v4 =	vld [tilespmem:s18+$0xFFFFFF00]  }
0x203: {  	v5 =	vld [tilespmem:s19+$0xFFFFFF00];
	_ =	sdelay $0x1  }
0x204: {  	v6 =	vld [tilespmem:s20+$0xFFFFFF00]  }
0x205: {  	v8 =	vmul.f32 v1, v1;
	v7 =	vsub.f32 v3, v2;
	v3 =	vmul.f32 v3, v3;
	_ =	sdelay $0x1  }
0x206: {  	v9 =	vsub.f32 v5, v4;
	v1 =	vmul.f32 v7, v1;
	v3 =	vadd.f32 v3, v8  }
0x207: {  	v2 =	vmul.f32 v2, v2;
	v5 =	vmul.f32 v5, v5  }
0x208: {  	v7 =	vmul.f32 v9, v6;
	v6 =	vmul.f32 v6, v6;
	v8 =	vand.u32 $0x7FFFFFFF, v1  }
0x209: {  	v2 =	vadd.f32 v2, v3;
	v8 =	vsub.f32 $0.0e+00, v8  }
0x20a: {  	v3 =	vand.u32 $0x7FFFFFFF, v7;
	v5 =	vadd.f32 v5, v6  }
0x20b: {  	v3 =	vsub.f32 $0.0e+00, v3;
	v6 =	vmul.f32 $1.442695020e+00, v8;
	_ =	sdelay $0x1  }
0x20c: {  	v3 =	vmul.f32 $1.442695020e+00, v3;
	(erf) = vpow2.f32 v6;
	_ =	sdelay $0x1  }
0x20d: {  	(erf) = vpow2.f32 v3;
	_ =	sdelay $0x6  }
0x20e: {  	v3 =	vpop (erf)  }
0x20f: {  	v6 =	vadd.f32 $2.000000000e+00, v3  }
0x210: {  	v8 =	vpop (erf)  }
0x211: {  	v9 =	vadd.f32 $2.000000000e+00, v8;
	(erf) = vrcp.f32 v6;
	_ =	sdelay $0x1  }
0x212: {  	(erf) = vrcp.f32 v9;
	_ =	sdelay $0x6  }
0x213: {  	v6 =	vpop (erf)  }
0x214: {  	v3 =	vmul.f32 v6, v3  }
0x215: {  	v6 =	vpop (erf)  }
0x216: {  	v6 =	vmul.f32 v6, v8;
	v8 =	vmul.f32 v3, v3;
	_ =	sdelay $0x1  }
0x217: {  	v9 =	vmul.f32 v6, v6;
	v10 =	vmul.f32 $1.428571490e-01, v8;
	_ =	sdelay $0x1  }
0x218: {  	v11 =	vmul.f32 $1.428571490e-01, v9;
	v10 =	vadd.f32 $2.000000030e-01, v10;
	_ =	sdelay $0x1  }
0x219: {  	v11 =	vadd.f32 $2.000000030e-01, v11;
	v10 =	vmul.f32 v10, v8;
	_ =	sdelay $0x1  }
0x21a: {  	v11 =	vmul.f32 v11, v9;
	v10 =	vadd.f32 $3.333333430e-01, v10;
	_ =	sdelay $0x1  }
0x21b: {  	v11 =	vadd.f32 $3.333333430e-01, v11;
	v8 =	vmul.f32 v10, v8;
	_ =	sdelay $0x1  }
0x21c: {  	v3 =	vadd.f32 v3, v3;
	v9 =	vmul.f32 v11, v9;
	v8 =	vadd.f32 $1.000000000e+00, v8;
	_ =	sdelay $0x1  }
0x21d: {  	v6 =	vadd.f32 v6, v6;
	v9 =	vadd.f32 $1.000000000e+00, v9;
	v3 =	vmul.f32 v8, v3  }
0x21e: {  	v1 =	vmin.f32 v1, $0.0e+00  }
0x21f: {  	v4 =	vmul.f32 v4, v4;
	v6 =	vmul.f32 v9, v6;
	v1 =	vsub.f32 v1, v3  }
0x220: {  	v3 =	vmin.f32 v7, $0.0e+00  }
0x221: {  	v4 =	vadd.f32 v4, v5;
	v3 =	vsub.f32 v3, v6;
	v1 =	vmul.f32 $3.125000000e-02, v1  }
0x222: {  	v2 =	vmul.f32 $3.124999920e-07, v2  }
0x223: {  	v4 =	vmul.f32 $3.124999920e-07, v4;
	v3 =	vmul.f32 $3.125000000e-02, v3  }
0x224: {  	v5 =	vor.u32 s22, v0  }
0x225: {  	v1 =	vsub.f32 v2, v1;
	v3 =	vsub.f32 v4, v3;
	_ =	sdelay $0x1  }
0x226: {  	v1 =	vadd.f32 v1, v3;
	_ =	sdelay $0x1  }
0x227: {  	[tilespmem:v5+s3+$0x0] =	vst.idx.msk $0xffff, v1  }
0x228: {  	v1 =	vld [tilespmem:s18+$0xFFFFFF90]  }
0x229: {  	v2 =	vld [tilespmem:s19+$0xFFFFFF80]  }
0x22a: {  	v3 =	vld [tilespmem:s19+$0xFFFFFF90]  }
0x22b: {  	v4 =	vld [tilespmem:s18+$0xFFFFFF80]  }
0x22c: {  	v5 =	vld [tilespmem:s20+$0xFFFFFF90]  }
0x22d: {  	v6 =	vld [tilespmem:s20+$0xFFFFFF80];
	_ =	sdelay $0x1  }
0x22e: {  	v7 =	vsub.f32 v3, v1  }
0x22f: {  	v3 =	vmul.f32 v3, v3;
	v8 =	vsub.f32 v2, v4  }
0x230: {  	v7 =	vmul.f32 v7, v5;
	v5 =	vmul.f32 v5, v5  }
0x231: {  	v8 =	vmul.f32 v8, v6;
	v6 =	vmul.f32 v6, v6  }
0x232: {  	v1 =	vmul.f32 v1, v1;
	v9 =	vand.u32 $0x7FFFFFFF, v7;
	v3 =	vadd.f32 v3, v5  }
0x233: {  	v5 =	vand.u32 $0x7FFFFFFF, v8;
	v9 =	vsub.f32 $0.0e+00, v9  }
0x234: {  	v5 =	vsub.f32 $0.0e+00, v5;
	v1 =	vadd.f32 v1, v3  }
0x235: {  	v3 =	vmul.f32 $1.442695020e+00, v9  }
0x236: {  	v5 =	vmul.f32 $1.442695020e+00, v5  }
0x237: {  	(erf) = vpow2.f32 v3  }
0x238: {  	(erf) = vpow2.f32 v5;
	_ =	sdelay $0x7  }
0x239: {  	v3 =	vpop (erf)  }
0x23a: {  	v5 =	vadd.f32 $2.000000000e+00, v3;
	v9 =	vpop (erf)  }
0x23b: {  	v10 =	vadd.f32 $2.000000000e+00, v9  }
0x23c: {  	(erf) = vrcp.f32 v5  }
0x23d: {  	(erf) = vrcp.f32 v10;
	_ =	sdelay $0x7  }
0x23e: {  	v5 =	vpop (erf)  }
0x23f: {  	v3 =	vmul.f32 v5, v3;
	v5 =	vpop (erf)  }
0x240: {  	v5 =	vmul.f32 v5, v9  }
0x241: {  	v9 =	vmul.f32 v3, v3  }
0x242: {  	v10 =	vmul.f32 v5, v5  }
0x243: {  	v11 =	vmul.f32 $1.428571490e-01, v9  }
0x244: {  	v12 =	vmul.f32 $1.428571490e-01, v10  }
0x245: {  	v11 =	vadd.f32 $2.000000030e-01, v11  }
0x246: {  	v12 =	vadd.f32 $2.000000030e-01, v12  }
0x247: {  	v11 =	vmul.f32 v11, v9  }
0x248: {  	v12 =	vmul.f32 v12, v10  }
0x249: {  	v11 =	vadd.f32 $3.333333430e-01, v11  }
0x24a: {  	v12 =	vadd.f32 $3.333333430e-01, v12  }
0x24b: {  	v9 =	vmul.f32 v11, v9  }
0x24c: {  	v10 =	vmul.f32 v12, v10  }
0x24d: {  	v3 =	vadd.f32 v3, v3;
	v9 =	vadd.f32 $1.000000000e+00, v9  }
0x24e: {  	v2 =	vmul.f32 v2, v2;
	v5 =	vadd.f32 v5, v5;
	v10 =	vadd.f32 $1.000000000e+00, v10  }
0x24f: {  	v4 =	vmul.f32 v4, v4;
	v3 =	vmul.f32 v9, v3  }
0x250: {  	v2 =	vadd.f32 v2, v6;
	v6 =	vmin.f32 v7, $0.0e+00;
	v5 =	vmul.f32 v10, v5  }
0x251: {  	v7 =	vmin.f32 v8, $0.0e+00;
	v3 =	vsub.f32 v6, v3  }
0x252: {  	v2 =	vadd.f32 v4, v2;
	v5 =	vsub.f32 v7, v5  }
0x253: {  	v1 =	vmul.f32 $3.124999920e-07, v1;
	v3 =	vmul.f32 $3.125000000e-02, v3  }
0x254: {  	s0 =	sadd.s32 $0x1, s22;
	v2 =	vmul.f32 $3.124999920e-07, v2;
	v4 =	vmul.f32 $3.125000000e-02, v5  }
0x255: {  	v5 =	vor.u32 s0, v0  }
0x256: {  	v1 =	vsub.f32 v1, v3;
	v2 =	vsub.f32 v2, v4;
	_ =	sdelay $0x1  }
0x257: {  	v1 =	vadd.f32 v1, v2;
	_ =	sdelay $0x1  }
0x258: {  	[tilespmem:v5+s3+$0x0] =	vst.idx.msk $0xffff, v1  }
0x259: {  	v1 =	vld [tilespmem:s18+$0x0]  }
0x25a: {  	v2 =	vld [tilespmem:s18+$0x10]  }
0x25b: {  	v3 =	vld [tilespmem:s19+$0x0]  }
0x25c: {  	v4 =	vld [tilespmem:s19+$0x10]  }
0x25d: {  	v5 =	vld [tilespmem:s20+$0x0]  }
0x25e: {  	v6 =	vld [tilespmem:s20+$0x10];
	_ =	sdelay $0x1  }
0x25f: {  	v7 =	vsub.f32 v3, v1;
	v1 =	vmul.f32 v1, v1  }
0x260: {  	v3 =	vmul.f32 v3, v3;
	v8 =	vsub.f32 v4, v2;
	v4 =	vmul.f32 v4, v4  }
0x261: {  	v7 =	vmul.f32 v7, v5;
	v5 =	vmul.f32 v5, v5  }
0x262: {  	v8 =	vmul.f32 v8, v6;
	v6 =	vmul.f32 v6, v6  }
0x263: {  	v2 =	vmul.f32 v2, v2;
	v9 =	vand.u32 $0x7FFFFFFF, v7;
	v3 =	vadd.f32 v3, v5  }
0x264: {  	v5 =	vsub.f32 $0.0e+00, v9;
	v9 =	vand.u32 $0x7FFFFFFF, v8;
	v4 =	vadd.f32 v4, v6  }
0x265: {  	v1 =	vadd.f32 v1, v3;
	v3 =	vsub.f32 $0.0e+00, v9  }
0x266: {  	v5 =	vmul.f32 $1.442695020e+00, v5;
	v2 =	vadd.f32 v2, v4  }
0x267: {  	v3 =	vmul.f32 $1.442695020e+00, v3  }
0x268: {  	(erf) = vpow2.f32 v5  }
0x269: {  	(erf) = vpow2.f32 v3;
	_ =	sdelay $0x7  }
0x26a: {  	v3 =	vpop (erf)  }
0x26b: {  	v4 =	vadd.f32 $2.000000000e+00, v3;
	v5 =	vpop (erf)  }
0x26c: {  	v6 =	vadd.f32 $2.000000000e+00, v5  }
0x26d: {  	(erf) = vrcp.f32 v4  }
0x26e: {  	(erf) = vrcp.f32 v6;
	_ =	sdelay $0x7  }
0x26f: {  	v4 =	vpop (erf)  }
0x270: {  	v3 =	vmul.f32 v4, v3;
	v4 =	vpop (erf)  }
0x271: {  	v4 =	vmul.f32 v4, v5  }
0x272: {  	v5 =	vmul.f32 v3, v3  }
0x273: {  	v6 =	vmul.f32 v4, v4  }
0x274: {  	v9 =	vmul.f32 $1.428571490e-01, v5  }
0x275: {  	v10 =	vmul.f32 $1.428571490e-01, v6  }
0x276: {  	v9 =	vadd.f32 $2.000000030e-01, v9  }
0x277: {  	v10 =	vadd.f32 $2.000000030e-01, v10  }
0x278: {  	v9 =	vmul.f32 v9, v5  }
0x279: {  	v10 =	vmul.f32 v10, v6  }
0x27a: {  	v9 =	vadd.f32 $3.333333430e-01, v9  }
0x27b: {  	v10 =	vadd.f32 $3.333333430e-01, v10  }
0x27c: {  	v5 =	vmul.f32 v9, v5  }
0x27d: {  	v6 =	vmul.f32 v10, v6  }
0x27e: {  	v3 =	vadd.f32 v3, v3;
	v5 =	vadd.f32 $1.000000000e+00, v5  }
0x27f: {  	v4 =	vadd.f32 v4, v4;
	v6 =	vadd.f32 $1.000000000e+00, v6  }
0x280: {  	v3 =	vmul.f32 v5, v3  }
0x281: {  	v5 =	vmin.f32 v7, $0.0e+00;
	v4 =	vmul.f32 v6, v4  }
0x282: {  	v3 =	vsub.f32 v5, v3;
	v5 =	vmin.f32 v8, $0.0e+00  }
0x283: {  	v4 =	vsub.f32 v5, v4  }
0x284: {  	v1 =	vmul.f32 $3.124999920e-07, v1;
	v2 =	vmul.f32 $3.124999920e-07, v2  }
0x285: {  	s0 =	sadd.s32 $0x2, s22;
	v3 =	vmul.f32 $3.125000000e-02, v3;
	v4 =	vmul.f32 $3.125000000e-02, v4  }
0x286: {  	v5 =	vor.u32 s0, v0  }
0x287: {  	v1 =	vsub.f32 v1, v3;
	v2 =	vsub.f32 v2, v4;
	_ =	sdelay $0x1  }
0x288: {  	v1 =	vadd.f32 v2, v1;
	_ =	sdelay $0x1  }
0x289: {  	[tilespmem:v5+s3+$0x0] =	vst.idx.msk $0xffff, v1  }
0x28a: {  	v1 =	vld [tilespmem:s18+$0x80]  }
0x28b: {  	v2 =	vld [tilespmem:s18+$0x90]  }
0x28c: {  	v3 =	vld [tilespmem:s19+$0x80]  }
0x28d: {  	v4 =	vld [tilespmem:s19+$0x90]  }
0x28e: {  	v5 =	vld [tilespmem:s20+$0x80]  }
0x28f: {  	v6 =	vld [tilespmem:s20+$0x90];
	_ =	sdelay $0x1  }
0x290: {  	v8 =	vmul.f32 v2, v2;
	v7 =	vsub.f32 v3, v1  }
0x291: {  	v3 =	vmul.f32 v3, v3;
	v2 =	vsub.f32 v4, v2;
	v4 =	vmul.f32 v4, v4  }
0x292: {  	v7 =	vmul.f32 v7, v5;
	v5 =	vmul.f32 v5, v5  }
0x293: {  	v2 =	vmul.f32 v2, v6;
	v6 =	vmul.f32 v6, v6  }
0x294: {  	v1 =	vmul.f32 v1, v1;
	v9 =	vand.u32 $0x7FFFFFFF, v7;
	v3 =	vadd.f32 v3, v5  }
0x295: {  	v5 =	vsub.f32 $0.0e+00, v9;
	v9 =	vand.u32 $0x7FFFFFFF, v2;
	v6 =	vadd.f32 v4, v6  }
0x296: {  	v2 =	vmin.f32 v2, $0.0e+00;
	v1 =	vadd.f32 v1, v3;
	v9 =	vsub.f32 $0.0e+00, v9  }
0x297: {  	v4 =	vmin.f32 v7, $0.0e+00;
	v5 =	vmul.f32 $1.442695020e+00, v5;
	v3 =	vadd.f32 v8, v6  }
0x298: {  	v6 =	vmul.f32 $1.442695020e+00, v9  }
0x299: {  	(erf) = vpow2.f32 v5  }
0x29a: {  	(erf) = vpow2.f32 v6;
	_ =	sdelay $0x7  }
0x29b: {  	v5 =	vpop (erf)  }
0x29c: {  	v6 =	vadd.f32 $2.000000000e+00, v5;
	v7 =	vpop (erf)  }
0x29d: {  	v8 =	vadd.f32 $2.000000000e+00, v7  }
0x29e: {  	(erf) = vrcp.f32 v6  }
0x29f: {  	(erf) = vrcp.f32 v8;
	_ =	sdelay $0x7  }
0x2a0: {  	v6 =	vpop (erf)  }
0x2a1: {  	v5 =	vmul.f32 v6, v5;
	v6 =	vpop (erf)  }
0x2a2: {  	v6 =	vmul.f32 v6, v7  }
0x2a3: {  	v7 =	vmul.f32 v5, v5  }
0x2a4: {  	v8 =	vmul.f32 v6, v6  }
0x2a5: {  	v9 =	vmul.f32 $1.428571490e-01, v7  }
0x2a6: {  	v10 =	vmul.f32 $1.428571490e-01, v8  }
0x2a7: {  	v9 =	vadd.f32 $2.000000030e-01, v9  }
0x2a8: {  	v10 =	vadd.f32 $2.000000030e-01, v10  }
0x2a9: {  	v9 =	vmul.f32 v9, v7  }
0x2aa: {  	v10 =	vmul.f32 v10, v8  }
0x2ab: {  	v9 =	vadd.f32 $3.333333430e-01, v9  }
0x2ac: {  	v10 =	vadd.f32 $3.333333430e-01, v10  }
0x2ad: {  	v7 =	vmul.f32 v9, v7  }
.Ltmp4:
0x2ae: {  	v8 =	vmul.f32 v10, v8;
	(pc) =	sbr.rel @p0 .LBB2_8-.Ltmp4, $4  }
0x2af: {  	v5 =	vadd.f32 v5, v5;
	v7 =	vadd.f32 $1.000000000e+00, v7  }
0x2b0: {  	v6 =	vadd.f32 v6, v6;
	v8 =	vadd.f32 $1.000000000e+00, v8  }
0x2b1: {  	v5 =	vmul.f32 v7, v5  }
0x2b2: {  	v6 =	vmul.f32 v8, v6  }
0x2b3: {  	_ = 	snop  }
0x2b4: {  	v4 =	vsub.f32 v4, v5;
	v2 =	vsub.f32 v2, v6  }
0x2b5: {  	v1 =	vmul.f32 $3.124999920e-07, v1;
	v3 =	vmul.f32 $3.124999920e-07, v3  }
0x2b6: {  	s0 =	sadd.s32 $0x3, s22;
	v4 =	vmul.f32 $3.125000000e-02, v4;
	v2 =	vmul.f32 $3.125000000e-02, v2  }
0x2b7: {  	v63 =	vor.u32 s0, v0  }
0x2b8: {  	v1 =	vsub.f32 v1, v4;
	v2 =	vsub.f32 v3, v2;
	_ =	sdelay $0x1  }
0x2b9: {  	v1 =	vadd.f32 v2, v1;
	_ =	sdelay $0x1  }
0x2ba: {  	p1 =	por $0x1, $0x1;
	s2 =	simm.s32 $0x8;
	[tilespmem:v63+s3+$0x0] =	vst.idx.msk $0xffff, v1  }
.LBB2_10:
0x2bb: {  	s3 =	sshll.u32 s17, $0x4  }
0x2bc: {  	s0 =	sand.u32 $0xFFFFFFF0, s3  }
0x2bd: {  	v1 =	vld [tilespmem:s0+$0x100]  }
0x2be: {  	v2 =	vld [tilespmem:s0+$0x300]  }
0x2bf: {  	v4 =	vld [tilespmem:s0+$0x500];
	_ =	sdelay $0x2  }
0x2c0: {  	v3 =	vshll.u32 v1, $0x4  }
0x2c1: {  	v2 =	vshll.u32 v2, $0x4;
	(v2sf) =	vpush v3, $0x0  }
0x2c2: {  	v1 =	vshll.u32 v4, $0x4;
	(v2sf) =	vpush v2, $0x0  }
0x2c3: {  	(v2sf) =	vpush v1, $0x0;
	_ =	sdelay $0x1  }
0x2c4: {  	(v2sf) =	vpush v3, $0x1  }
0x2c5: {  	(v2sf) =	vpush v2, $0x1;
	_ =	sdelay $0x1  }
0x2c6: {  	(v2sf) =	vpush v1, $0x1  }
0x2c7: {  	[smem:$0x7E6] =	sst s2;
	s20 =	ssub.s32 s2, s17  }
0x2c8: {  	s21 =	sshll.u32 s17, $0xD;
	s28 =	simm.s32 $0x10E00;
	s29 =	simm.s32 $0x8E00;
	(v2sf) =	vpush v3, $0x2  }
0x2c9: {  	p0 =	por p1, p1;
	s2 =	sshrl.u32 s21, $0x2;
	p2 =	sne.s32 s20, $0x1  }
0x2ca: {  	s14 =	sadd.s32 $0xFFFFFFFF, s20;
	s30 =	sadd.s32 $0x10, s3;
	s17 =	sadd.s32 $0x10600, s2  }
0x2cb: {  	s19 =	sadd.s32 $0x8600, s2;
	[dreg:$0x8] =	wrdreg s2;
	s7 =	sadd.s32 $0x600, s2  }
0x2cc: {  	s16 =	sadd.s32 $0x680, s17;
	s8 =	sadd.s32 $0x180, s19;
	s0 =	sadd.s32 $0x280, s19;
	(v2sf) =	vpush v2, $0x2  }
0x2cd: {  	s5 =	sadd.s32 $0x600, s7;
	s9 =	sadd.s32 $0x80, s7;
	s10 =	sadd.s32 $0x80, s19  }
0x2ce: {  	s18 =	sadd.s32 $0x600, s19;
	s20 =	sadd.s32 $0x80, s17;
	s22 =	spop (v2sf)  }
0x2cf: {  	s31 =	sadd.s32 $0x780, s7;
	s2 =	sand.u32 $0x1FFFFFF0, s22;
	s6 =	spop (v2sf)  }
0x2d0: {  	(v2sf) =	vpush v1, $0x2;
	s2 =	sadd.s32 s15, s2;
	s11 =	sand.u32 $0x1FFFFFF0, s6;
	s25 =	spop (v2sf)  }
0x2d1: {  	[tilespmem:s7], [sflag:$0x1] =	stream.linear.gather [hbm4b:s2+s24], $0x80, $0x38;
	[tilespmem:$0x1A800] =	vst v63  }
0x2d2: {  	s22 =	sadd.s32 $0x100, s7;
	(v2sf) =	vpush v3, $0x3;
	s23 =	sadd.s32 s4, s11;
	s12 =	spop (v2sf)  }
0x2d3: {  	s2 =	sadd.s32 $0x200, s7;
	s11 =	sand.u32 $0x1FFFFFF0, s25;
	(v2sf) =	vpush v2, $0x3;
	s13 =	spop (v2sf)  }
0x2d4: {  	[tilespmem:s19], [sflag:$0x1] =	stream.linear.gather [hbm4b:s23+s24], $0x80, $0x38;
	[tilespmem:$0x1A800] =	vst v63  }
0x2d5: {  	s11 =	sadd.s32 s4, s11;
	s12 =	sand.u32 $0x1FFFFFF0, s12;
	(v2sf) =	vpush v1, $0x3;
	s6 =	spop (v2sf)  }
0x2d6: {  	(v2sf) =	vpush v3, $0x4;
	[tilespmem:s17], [sflag:$0x1] =	stream.linear.gather [hbm4b:s11+s24], $0x80, $0x38;
	[tilespmem:$0x1A800] =	vst v63  }
0x2d7: {  	s26 =	sadd.s32 s15, s12;
	s1 =	sand.u32 $0x1FFFFFF0, s13;
	s21 =	spop (v2sf)  }
0x2d8: {  	(v2sf) =	vpush v2, $0x4;
	[tilespmem:s9], [sflag:$0x1] =	stream.linear.gather [hbm4b:s26+s24], $0x80, $0x38;
	[tilespmem:$0x1A800] =	vst v63  }
0x2d9: {  	s12 =	sadd.s32 s4, s1;
	s13 =	sand.u32 $0x1FFFFFF0, s6;
	s11 =	sand.u32 $0x1FFFFFF0, s21  }
0x2da: {  	(v2sf) =	vpush v1, $0x4;
	[tilespmem:s10], [sflag:$0x1] =	stream.linear.gather [hbm4b:s12+s24], $0x80, $0x38;
	[tilespmem:$0x1A800] =	vst v63  }
0x2db: {  	s23 =	spop (v2sf);
	s11 =	sadd.s32 s15, s11;
	s12 =	sadd.s32 s4, s13  }
0x2dc: {  	[tilespmem:s20], [sflag:$0x1] =	stream.linear.gather [hbm4b:s12+s24], $0x80, $0x38;
	[tilespmem:$0x1A800] =	vst v63  }
0x2dd: {  	s9 =	sadd.s32 $0x200, s19;
	s26 =	sadd.s32 $0x100, s19;
	s12 =	sand.u32 $0x1FFFFFF0, s23  }
0x2de: {  	[tilespmem:s22], [sflag:$0x1] =	stream.linear.gather [hbm4b:s11+s24], $0x80, $0x38;
	[tilespmem:$0x1A800] =	vst v63  }
0x2df: {  	s20 =	sadd.s32 $0x180, s7;
	s1 =	sadd.s32 s4, s12;
	s25 =	spop (v2sf)  }
0x2e0: {  	(v2sf) =	vpush v3, $0x5;
	[tilespmem:s26], [sflag:$0x1] =	stream.linear.gather [hbm4b:s1+s24], $0x80, $0x38;
	[tilespmem:$0x1A800] =	vst v63  }
0x2e1: {  	s11 =	sadd.s32 $0x100, s17;
	s6 =	sand.u32 $0x1FFFFFF0, s25;
	s13 =	spop (v2sf)  }
0x2e2: {  	s12 =	sadd.s32 s4, s6;
	s26 =	sadd.s32 $0x180, s17;
	s21 =	spop (v2sf)  }
0x2e3: {  	(v2sf) =	vpush v2, $0x5;
	[tilespmem:s11], [sflag:$0x1] =	stream.linear.gather [hbm4b:s12+s24], $0x80, $0x38;
	[tilespmem:$0x1A800] =	vst v63  }
0x2e4: {  	s6 =	sadd.s32 $0x200, s17;
	s11 =	sand.u32 $0x1FFFFFF0, s13;
	s22 =	spop (v2sf)  }
0x2e5: {  	(v2sf) =	vpush v1, $0x5;
	s12 =	sand.u32 $0x1FFFFFF0, s21;
	s11 =	sadd.s32 s15, s11;
	s1 =	spop (v2sf)  }
0x2e6: {  	(v2sf) =	vpush v3, $0x6;
	[tilespmem:s20], [sflag:$0x1] =	stream.linear.gather [hbm4b:s11+s24], $0x80, $0x38;
	[tilespmem:$0x1A800] =	vst v63  }
0x2e7: {  	s23 =	sadd.s32 s4, s12;
	s25 =	sand.u32 $0x1FFFFFF0, s22;
	s13 =	spop (v2sf)  }
0x2e8: {  	(v2sf) =	vpush v2, $0x6;
	[tilespmem:s8], [sflag:$0x1] =	stream.linear.gather [hbm4b:s23+s24], $0x80, $0x38;
	[tilespmem:$0x1A800] =	vst v63  }
0x2e9: {  	s11 =	sadd.s32 s4, s25;
	(v2sf) =	vpush v1, $0x6;
	s12 =	sand.u32 $0x1FFFFFF0, s1;
	s21 =	spop (v2sf)  }
0x2ea: {  	[tilespmem:s26], [sflag:$0x1] =	stream.linear.gather [hbm4b:s11+s24], $0x80, $0x38;
	[tilespmem:$0x1A800] =	vst v63  }
0x2eb: {  	s10 =	sand.u32 $0x1FFFFFF0, s13;
	s8 =	sadd.s32 s15, s12;
	s23 =	sand.u32 $0x1FFFFFF0, s21  }
0x2ec: {  	[tilespmem:s2], [sflag:$0x1] =	stream.linear.gather [hbm4b:s8+s24], $0x80, $0x38;
	[tilespmem:$0x1A800] =	vst v63  }
0x2ed: {  	s20 =	sadd.s32 $0x680, s7;
	(v2sf) =	vpush v3, $0x7;
	s22 =	sadd.s32 s4, s10;
	s10 =	sadd.s32 s4, s23  }
0x2ee: {  	[tilespmem:s9], [sflag:$0x1] =	stream.linear.gather [hbm4b:s22+s24], $0x80, $0x38;
	[tilespmem:$0x1A800] =	vst v63  }
0x2ef: {  	s26 =	sadd.s32 $0x280, s7;
	s8 =	sadd.s32 $0x580, s17;
	s25 =	spop (v2sf)  }
0x2f0: {  	[tilespmem:s6], [sflag:$0x1] =	stream.linear.gather [hbm4b:s10+s24], $0x80, $0x38;
	[tilespmem:$0x1A800] =	vst v63  }
0x2f1: {  	s2 =	sadd.s32 $0x300, s19;
	s22 =	sadd.s32 $0x280, s17;
	(v2sf) =	vpush v2, $0x7;
	s9 =	sand.u32 $0x1FFFFFF0, s25  }
0x2f2: {  	s1 =	spop (v2sf);
	s25 =	sadd.s32 $0x300, s7;
	s9 =	sadd.s32 s15, s9  }
0x2f3: {  	(v2sf) =	vpush v1, $0x7;
	[tilespmem:s26], [sflag:$0x1] =	stream.linear.gather [hbm4b:s9+s24], $0x80, $0x38;
	[tilespmem:$0x1A800] =	vst v63  }
0x2f4: {  	s11 =	sand.u32 $0x1FFFFFF0, s1;
	s6 =	spop (v2sf);
	(v2sf) =	vpush v3, $0x8;
	s9 =	sadd.s32 $0x380, s17  }
0x2f5: {  	s13 =	sadd.s32 s4, s11;
	s21 =	sand.u32 $0x1FFFFFF0, s6;
	s23 =	spop (v2sf)  }
0x2f6: {  	(v2sf) =	vpush v2, $0x8;
	[tilespmem:s0], [sflag:$0x1] =	stream.linear.gather [hbm4b:s13+s24], $0x80, $0x38;
	[tilespmem:$0x1A800] =	vst v63  }
0x2f7: {  	s6 =	sadd.s32 $0x700, s7;
	(v2sf) =	vpush v1, $0x8;
	s10 =	sand.u32 $0x1FFFFFF0, s23;
	s26 =	spop (v2sf)  }
0x2f8: {  	s11 =	sadd.s32 s4, s21;
	s10 =	sadd.s32 s15, s10;
	s1 =	spop (v2sf)  }
0x2f9: {  	[tilespmem:s22], [sflag:$0x1] =	stream.linear.gather [hbm4b:s11+s24], $0x80, $0x38;
	[tilespmem:$0x1A800] =	vst v63  }
0x2fa: {  	(v2sf) =	vpush v3, $0x9;
	s11 =	sand.u32 $0x1FFFFFF0, s26;
	s21 =	sand.u32 $0x1FFFFFF0, s1;
	s22 =	sadd.s32 $0x300, s17  }
0x2fb: {  	[tilespmem:s25], [sflag:$0x1] =	stream.linear.gather [hbm4b:s10+s24], $0x80, $0x38;
	[tilespmem:$0x1A800] =	vst v63  }
0x2fc: {  	(v2sf) =	vpush v2, $0x9;
	s23 =	spop (v2sf);
	s13 =	sadd.s32 s4, s11;
	s11 =	sadd.s32 $0x400, s19  }
0x2fd: {  	[tilespmem:s2], [sflag:$0x1] =	stream.linear.gather [hbm4b:s13+s24], $0x80, $0x38;
	[tilespmem:$0x1A800] =	vst v63  }
0x2fe: {  	(v2sf) =	vpush v1, $0x9;
	s10 =	sadd.s32 s4, s21;
	s25 =	sadd.s32 $0x380, s7;
	s2 =	sand.u32 $0x1FFFFFF0, s23  }
0x2ff: {  	[tilespmem:s22], [sflag:$0x1] =	stream.linear.gather [hbm4b:s10+s24], $0x80, $0x38;
	[tilespmem:$0x1A800] =	vst v63  }
0x300: {  	s23 =	sadd.s32 $0x400, s7;
	s2 =	sadd.s32 s15, s2;
	s26 =	spop (v2sf)  }
0x301: {  	[tilespmem:s25], [sflag:$0x1] =	stream.linear.gather [hbm4b:s2+s24], $0x80, $0x38;
	[tilespmem:$0x1A800] =	vst v63  }
0x302: {  	s2 =	sadd.s32 $0x380, s19;
	s10 =	sand.u32 $0x1FFFFFF0, s26;
	s1 =	spop (v2sf)  }
0x303: {  	s12 =	sadd.s32 s4, s10;
	s13 =	sand.u32 $0x1FFFFFF0, s1;
	s21 =	spop (v2sf)  }
0x304: {  	(v2sf) =	vpush v3, $0xA;
	[tilespmem:s2], [sflag:$0x1] =	stream.linear.gather [hbm4b:s12+s24], $0x80, $0x38;
	[tilespmem:$0x1A800] =	vst v63  }
0x305: {  	s1 =	sadd.s32 $0x700, s19;
	s22 =	sadd.s32 s4, s13;
	s25 =	spop (v2sf)  }
0x306: {  	(v2sf) =	vpush v2, $0xA;
	s0 =	sand.u32 $0x1FFFFFF0, s21;
	s21 =	sadd.s32 $0x400, s17;
	s26 =	spop (v2sf)  }
0x307: {  	(v2sf) =	vpush v1, $0xA;
	[tilespmem:s9], [sflag:$0x1] =	stream.linear.gather [hbm4b:s22+s24], $0x80, $0x38;
	[tilespmem:$0x1A800] =	vst v63  }
0x308: {  	s0 =	sadd.s32 s15, s0;
	s9 =	sand.u32 $0x1FFFFFF0, s25;
	s13 =	sand.u32 $0x1FFFFFF0, s26  }
0x309: {  	(v2sf) =	vpush v3, $0xB;
	s22 =	spop (v2sf);
	s12 =	sadd.s32 s4, s9;
	s9 =	sadd.s32 s4, s13  }
0x30a: {  	[tilespmem:s23], [sflag:$0x1] =	stream.linear.gather [hbm4b:s0+s24], $0x80, $0x38;
	[tilespmem:$0x1A800] =	vst v63  }
0x30b: {  	(v2sf) =	vpush v2, $0xB;
	s2 =	sand.u32 $0x1FFFFFF0, s22;
	s25 =	spop (v2sf);
	s13 =	sadd.s32 $0x500, s7  }
0x30c: {  	[tilespmem:s11], [sflag:$0x1] =	stream.linear.gather [hbm4b:s12+s24], $0x80, $0x38;
	[tilespmem:$0x1A800] =	vst v63  }
0x30d: {  	(v2sf) =	vpush v1, $0xB;
	s23 =	sadd.s32 $0x480, s7;
	s2 =	sadd.s32 s15, s2;
	s26 =	spop (v2sf)  }
0x30e: {  	[tilespmem:s21], [sflag:$0x1] =	stream.linear.gather [hbm4b:s9+s24], $0x80, $0x38;
	[tilespmem:$0x1A800] =	vst v63  }
0x30f: {  	s10 =	sand.u32 $0x1FFFFFF0, s26;
	s11 =	sadd.s32 $0x480, s17;
	s9 =	sand.u32 $0x1FFFFFF0, s25  }
0x310: {  	[tilespmem:s23], [sflag:$0x1] =	stream.linear.gather [hbm4b:s2+s24], $0x80, $0x38;
	[tilespmem:$0x1A800] =	vst v63  }
0x311: {  	(v2sf) =	vpush v3, $0xC;
	s9 =	sadd.s32 s4, s9;
	s2 =	sadd.s32 $0x480, s19;
	s23 =	sadd.s32 $0x500, s19  }
0x312: {  	[tilespmem:s2], [sflag:$0x1] =	stream.linear.gather [hbm4b:s9+s24], $0x80, $0x38;
	[tilespmem:$0x1A800] =	vst v63  }
0x313: {  	s12 =	spop (v2sf);
	s9 =	sadd.s32 s4, s10;
	(v2sf) =	vpush v2, $0xC;
	s10 =	sadd.s32 $0x500, s17  }
0x314: {  	[tilespmem:s11], [sflag:$0x1] =	stream.linear.gather [hbm4b:s9+s24], $0x80, $0x38;
	[tilespmem:$0x1A800] =	vst v63  }
0x315: {  	s2 =	sand.u32 $0x1FFFFFF0, s12;
	s12 =	sadd.s32 $0x580, s7;
	s21 =	spop (v2sf)  }
0x316: {  	(v2sf) =	vpush v1, $0xC;
	s2 =	sadd.s32 s15, s2;
	s9 =	sand.u32 $0x1FFFFFF0, s21;
	s22 =	spop (v2sf)  }
0x317: {  	[tilespmem:s13], [sflag:$0x1] =	stream.linear.gather [hbm4b:s2+s24], $0x80, $0x38;
	[tilespmem:$0x1A800] =	vst v63  }
0x318: {  	(v2sf) =	vpush v3, $0xD;
	s25 =	sadd.s32 s4, s9;
	s26 =	sand.u32 $0x1FFFFFF0, s22;
	s11 =	spop (v2sf)  }
0x319: {  	(v2sf) =	vpush v2, $0xD;
	[tilespmem:s23], [sflag:$0x1] =	stream.linear.gather [hbm4b:s25+s24], $0x80, $0x38;
	[tilespmem:$0x1A800] =	vst v63  }
0x31a: {  	s9 =	sadd.s32 s4, s26;
	s2 =	sand.u32 $0x1FFFFFF0, s11;
	s13 =	spop (v2sf)  }
0x31b: {  	[tilespmem:s10], [sflag:$0x1] =	stream.linear.gather [hbm4b:s9+s24], $0x80, $0x38;
	[tilespmem:$0x1A800] =	vst v63  }
0x31c: {  	s2 =	sadd.s32 s15, s2;
	s21 =	spop (v2sf);
	s9 =	sand.u32 $0x1FFFFFF0, s13  }
0x31d: {  	[tilespmem:s12], [sflag:$0x1] =	stream.linear.gather [hbm4b:s2+s24], $0x80, $0x38;
	[tilespmem:$0x1A800] =	vst v63  }
0x31e: {  	s22 =	sadd.s32 $0x580, s19;
	s25 =	sand.u32 $0x1FFFFFF0, s21;
	s23 =	sadd.s32 s4, s9  }
0x31f: {  	[tilespmem:s22], [sflag:$0x1] =	stream.linear.gather [hbm4b:s23+s24], $0x80, $0x38;
	[tilespmem:$0x1A800] =	vst v63  }
0x320: {  	s0 =	sadd.s32 $0x600, s17;
	s26 =	spop (v2sf);
	s9 =	sadd.s32 s4, s25  }
0x321: {  	[tilespmem:s8], [sflag:$0x1] =	stream.linear.gather [hbm4b:s9+s24], $0x80, $0x38;
	[tilespmem:$0x1A800] =	vst v63  }
0x322: {  	s11 =	sadd.s32 $0x680, s19;
	s2 =	sand.u32 $0x1FFFFFF0, s26;
	s12 =	spop (v2sf)  }
0x323: {  	s26 =	simm.s32 $0xE00;
	s2 =	sadd.s32 s15, s2;
	(v2sf) =	vpush v1, $0xD;
	s9 =	sand.u32 $0x1FFFFFF0, s12  }
0x324: {  	[tilespmem:s5], [sflag:$0x1] =	stream.linear.gather [hbm4b:s2+s24], $0x80, $0x38;
	(v2sf) =	vpush v3, $0xE;
	[tilespmem:$0x1A800] =	vst v63  }
.Ltmp5:
0x325: {  	s13 =	spop (v2sf);
	s21 =	sadd.s32 s4, s9;
	(v2sf) =	vpush v2, $0xE;
	(pc) =	sbr.rel @!p2 .LBB2_12-.Ltmp5, $4  }
0x326: {  	[tilespmem:s18], [sflag:$0x1] =	stream.linear.gather [hbm4b:s21+s24], $0x80, $0x38;
	(v2sf) =	vpush v1, $0xE;
	[tilespmem:$0x1A800] =	vst v63  }
0x327: {  	s12 =	sadd.s32 $0x700, s17;
	s22 =	sand.u32 $0x1FFFFFF0, s13;
	s25 =	spop (v2sf);
	(v2sf) =	vpush v3, $0xF  }
0x328: {  	s23 =	sadd.s32 s4, s22;
	s2 =	sand.u32 $0x1FFFFFF0, s25;
	s3 =	spop (v2sf);
	(v2sf) =	vpush v2, $0xF  }
0x329: {  	[tilespmem:s0], [sflag:$0x1] =	stream.linear.gather [hbm4b:s23+s24], $0x80, $0x38;
	(v2sf) =	vpush v1, $0xF;
	[tilespmem:$0x1A800] =	vst v63  }
.LBB2_11:
0x32a: {  	_ =	sdelay $0x3  }
0x32b: {  	s2 =	sadd.s32 s15, s2;
	s3 =	sand.u32 $0x1FFFFFF0, s3  }
0x32c: {  	[tilespmem:s20], [sflag:$0x1] =	stream.linear.gather [hbm4b:s2+s24], $0x80, $0x38;
	[tilespmem:$0x1A800] =	vst v63  }
0x32d: {  	s20 =	sadd.s32 s4, s3  }
0x32e: {  	[tilespmem:s11], [sflag:$0x1] =	stream.linear.gather [hbm4b:s20+s24], $0x80, $0x38;
	[tilespmem:$0x1A800] =	vst v63  }
0x32f: {  	s5 =	spop (v2sf)  }
0x330: {  	s21 =	sand.u32 $0x1FFFFFF0, s5;
	s22 =	spop (v2sf)  }
0x331: {  	s19 =	sadd.s32 $0x780, s19;
	s0 =	sadd.s32 s4, s21;
	s23 =	sand.u32 $0x1FFFFFF0, s22  }
0x332: {  	s25 =	spop (v2sf);
	s21 =	sadd.s32 $0x780, s17;
	s22 =	rddreg [dreg:$0x8]  }
0x333: {  	[tilespmem:s16], [sflag:$0x1] =	stream.linear.gather [hbm4b:s0+s24], $0x80, $0x38;
	[tilespmem:$0x1A800] =	vst v63  }
0x334: {  	s2 =	sadd.s32 s15, s23;
	s3 =	sand.u32 $0x1FFFFFF0, s25;
	s5 =	spop (v2sf)  }
0x335: {  	[tilespmem:s6], [sflag:$0x1] =	stream.linear.gather [hbm4b:s2+s24], $0x80, $0x38;
	[tilespmem:$0x1A800] =	vst v63  }
0x336: {  	s7 =	sadd.s32 s4, s3;
	s8 =	sand.u32 $0x1FFFFFF0, s5;
	s9 =	spop (v2sf)  }
0x337: {  	[tilespmem:s1], [sflag:$0x1] =	stream.linear.gather [hbm4b:s7+s24], $0x80, $0x38;
	[tilespmem:$0x1A800] =	vst v63  }
0x338: {  	s10 =	sadd.s32 s4, s8;
	s11 =	sand.u32 $0x1FFFFFF0, s9;
	s13 =	spop (v2sf)  }
0x339: {  	[tilespmem:s12], [sflag:$0x1] =	stream.linear.gather [hbm4b:s10+s24], $0x80, $0x38;
	[tilespmem:$0x1A800] =	vst v63  }
0x33a: {  	s15 =	sadd.s32 s15, s11;
	s16 =	sand.u32 $0x1FFFFFF0, s13;
	s18 =	spop (v2sf)  }
0x33b: {  	[tilespmem:s31], [sflag:$0x1] =	stream.linear.gather [hbm4b:s15+s24], $0x80, $0x38;
	[tilespmem:$0x1A800] =	vst v63  }
0x33c: {  	s17 =	sadd.s32 s22, s28;
	s2 =	sadd.s32 s4, s16;
	s3 =	sand.u32 $0x1FFFFFF0, s18  }
0x33d: {  	[tilespmem:s19], [sflag:$0x1] =	stream.linear.gather [hbm4b:s2+s24], $0x80, $0x38;
	[tilespmem:$0x1A800] =	vst v63  }
0x33e: {  	s20 =	sand.u32 $0xFFFFFFF0, s30;
	s6 =	sadd.s32 $0x580, s17;
	s3 =	sadd.s32 s4, s3  }
0x33f: {  	[tilespmem:s21], [sflag:$0x1] =	stream.linear.gather [hbm4b:s3+s24], $0x80, $0x38;
	[tilespmem:$0x1A800] =	vst v63  }
0x340: {  	p1 =	sne.s32 s14, $0x1;
	s9 =	sadd.s32 $0x380, s17;
	[dreg:$0xb] =	wrdreg s6;
	v1 =	vld [tilespmem:s20+$0x100]  }
0x341: {  	[smem:$0x7E3] =	sst s9;
	s11 =	sadd.s32 $0x300, s17;
	s12 =	sadd.s32 s22, s26;
	v2 =	vld [tilespmem:s20+$0x300]  }
0x342: {  	s14 =	sadd.s32 $0xFFFFFFFF, s14;
	[smem:$0x7E0] =	sst s11;
	s23 =	sadd.s32 $0x600, s12  }
0x343: {  	s30 =	sadd.s32 $0x10, s30;
	s13 =	sadd.s32 $0x380, s12;
	[dreg:$0xa] =	wrdreg s23  }
0x344: {  	s28 =	sadd.s32 $0x800, s28;
	s18 =	sadd.s32 $0x480, s12;
	[smem:$0x7E1] =	sst s13;
	v4 =	vld [tilespmem:s20+$0x500]  }
0x345: {  	s8 =	sadd.s32 $0x680, s17;
	s15 =	sadd.s32 $0x300, s12;
	[dreg:$0x1e] =	wrdreg s18;
	v3 =	vshll.u32 v1, $0x4  }
0x346: {  	s26 =	sadd.s32 $0x800, s26;
	s23 =	sadd.s32 $0x500, s17;
	[smem:$0x7DE] =	sst s15;
	v2 =	vshll.u32 v2, $0x4;
	(v2sf) =	vpush v3, $0x0  }
0x347: {  	s10 =	sadd.s32 $0x200, s12;
	s13 =	sadd.s32 $0x280, s17;
	[dreg:$0x14] =	wrdreg s23;
	(v2sf) =	vpush v2, $0x0  }
0x348: {  	s5 =	sadd.s32 $0x680, s12;
	s18 =	sadd.s32 $0x580, s12;
	[smem:$0x7DD] =	sst s13  }
0x349: {  	s6 =	sadd.s32 $0x700, s12;
	[dreg:$0x15] =	wrdreg s18;
	s23 =	sadd.s32 $0x400, s17;
	v1 =	vshll.u32 v4, $0x4  }
0x34a: {  	s19 =	sadd.s32 s22, s29;
	s2 =	sadd.s32 $0x200, s17;
	[smem:$0x7E5] =	sst s23;
	(v2sf) =	vpush v1, $0x0  }
0x34b: {  	s9 =	sadd.s32 $0x280, s12;
	s0 =	sadd.s32 $0x280, s19;
	[smem:$0x7DB] =	sst s2  }
0x34c: {  	s13 =	sadd.s32 $0x100, s17;
	s25 =	sadd.s32 $0x600, s19;
	[smem:$0x7DC] =	sst s0  }
0x34d: {  	s22 =	sadd.s32 $0x180, s12;
	s1 =	sadd.s32 $0x200, s19;
	[dreg:$0x9] =	wrdreg s25;
	(v2sf) =	vpush v3, $0x1  }
0x34e: {  	s29 =	sadd.s32 $0x800, s29;
	s7 =	sadd.s32 $0x300, s19;
	[smem:$0x7DA] =	sst s1  }
0x34f: {  	s16 =	sadd.s32 $0x180, s19;
	s2 =	sadd.s32 $0x480, s17;
	[smem:$0x7DF] =	sst s7;
	(v2sf) =	vpush v2, $0x1  }
0x350: {  	s11 =	sadd.s32 $0x500, s19;
	s15 =	sadd.s32 $0x400, s19;
	[dreg:$0x1c] =	wrdreg s2;
	(v2sf) =	vpush v1, $0x1  }
0x351: {  	s18 =	sadd.s32 $0x100, s19;
	s3 =	sadd.s32 $0x80, s19;
	[dreg:$0x18] =	wrdreg s11  }
0x352: {  	s1 =	sadd.s32 $0x700, s19;
	s25 =	sadd.s32 $0x180, s17;
	[smem:$0x7E4] =	sst s15;
	(v2sf) =	vpush v3, $0x2  }
0x353: {  	s21 =	sadd.s32 $0x480, s19;
	s7 =	sadd.s32 $0x500, s12;
	s15 =	rddreg [dreg:$0x6]  }
0x354: {  	s11 =	sadd.s32 $0x680, s19;
	[dreg:$0x19] =	wrdreg s7;
	s7 =	sadd.s32 $0x380, s19  }
0x355: {  	s2 =	sadd.s32 $0x600, s17;
	[smem:$0x7E2] =	sst s7;
	s7 =	spop (v2sf)  }
0x356: {  	s20 =	sadd.s32 $0x80, s12;
	(v2sf) =	vpush v2, $0x2;
	s7 =	sand.u32 $0x1FFFFFF0, s7;
	s31 =	spop (v2sf)  }
0x357: {  	[dreg:$0x1d] =	wrdreg s21;
	s23 =	sadd.s32 s15, s7;
	s31 =	sand.u32 $0x1FFFFFF0, s31  }
0x358: {  	(v2sf) =	vpush v1, $0x2;
	[tilespmem:s12], [sflag:$0x1] =	stream.linear.gather [hbm4b:s23+s24], $0x80, $0x38;
	[tilespmem:$0x1A800] =	vst v63  }
0x359: {  	s21 =	sadd.s32 $0x580, s19;
	s0 =	sadd.s32 s4, s31;
	s23 =	spop (v2sf)  }
0x35a: {  	(v2sf) =	vpush v3, $0x3;
	[tilespmem:s19], [sflag:$0x1] =	stream.linear.gather [hbm4b:s0+s24], $0x80, $0x38;
	[tilespmem:$0x1A800] =	vst v63  }
0x35b: {  	[dreg:$0xc] =	wrdreg s2;
	s2 =	sadd.s32 $0x100, s12;
	s0 =	sand.u32 $0x1FFFFFF0, s23  }
0x35c: {  	[dreg:$0x13] =	wrdreg s21;
	(v2sf) =	vpush v2, $0x3;
	s23 =	spop (v2sf);
	s15 =	sadd.s32 s4, s0  }
0x35d: {  	[tilespmem:s17], [sflag:$0x1] =	stream.linear.gather [hbm4b:s15+s24], $0x80, $0x38;
	[tilespmem:$0x1A800] =	vst v63  }
0x35e: {  	(v2sf) =	vpush v1, $0x3;
	s23 =	sand.u32 $0x1FFFFFF0, s23;
	s0 =	spop (v2sf);
	s15 =	rddreg [dreg:$0x6]  }
0x35f: {  	s21 =	sadd.s32 $0x80, s17;
	s15 =	sadd.s32 s15, s23;
	s23 =	spop (v2sf)  }
0x360: {  	(v2sf) =	vpush v3, $0x4;
	[tilespmem:s20], [sflag:$0x1] =	stream.linear.gather [hbm4b:s15+s24], $0x80, $0x38;
	[tilespmem:$0x1A800] =	vst v63  }
0x361: {  	s0 =	sand.u32 $0x1FFFFFF0, s0;
	s20 =	sand.u32 $0x1FFFFFF0, s23;
	s23 =	spop (v2sf)  }
0x362: {  	s7 =	sadd.s32 $0x400, s12;
	(v2sf) =	vpush v2, $0x4;
	s0 =	sadd.s32 s4, s0;
	s15 =	sand.u32 $0x1FFFFFF0, s23  }
0x363: {  	[tilespmem:s3], [sflag:$0x1] =	stream.linear.gather [hbm4b:s0+s24], $0x80, $0x38;
	[tilespmem:$0x1A800] =	vst v63  }
0x364: {  	s3 =	sadd.s32 s4, s20;
	s20 =	smov.u32 s5;
	s5 =	rddreg [dreg:$0x6]  }
0x365: {  	s31 =	sadd.s32 $0x780, s12;
	(v2sf) =	vpush v1, $0x4;
	s23 =	spop (v2sf);
	s0 =	sadd.s32 s5, s15  }
0x366: {  	[tilespmem:s21], [sflag:$0x1] =	stream.linear.gather [hbm4b:s3+s24], $0x80, $0x38;
	[tilespmem:$0x1A800] =	vst v63  }
0x367: {  	(v2sf) =	vpush v3, $0x5;
	s15 =	rddreg [dreg:$0x6];
	s21 =	sand.u32 $0x1FFFFFF0, s23;
	s23 =	spop (v2sf)  }
0x368: {  	[tilespmem:s2], [sflag:$0x1] =	stream.linear.gather [hbm4b:s0+s24], $0x80, $0x38;
	[tilespmem:$0x1A800] =	vst v63  }
0x369: {  	(v2sf) =	vpush v2, $0x5;
	s2 =	sadd.s32 s4, s21;
	s3 =	sand.u32 $0x1FFFFFF0, s23;
	s5 =	spop (v2sf)  }
0x36a: {  	[tilespmem:s18], [sflag:$0x1] =	stream.linear.gather [hbm4b:s2+s24], $0x80, $0x38;
	[tilespmem:$0x1A800] =	vst v63  }
0x36b: {  	s18 =	sadd.s32 s4, s3;
	s21 =	sand.u32 $0x1FFFFFF0, s5;
	s23 =	spop (v2sf)  }
0x36c: {  	(v2sf) =	vpush v1, $0x5;
	[tilespmem:s13], [sflag:$0x1] =	stream.linear.gather [hbm4b:s18+s24], $0x80, $0x38;
	[tilespmem:$0x1A800] =	vst v63  }
0x36d: {  	s5 =	sadd.s32 s15, s21;
	s13 =	sand.u32 $0x1FFFFFF0, s23;
	s18 =	spop (v2sf)  }
0x36e: {  	(v2sf) =	vpush v3, $0x6;
	[tilespmem:s22], [sflag:$0x1] =	stream.linear.gather [hbm4b:s5+s24], $0x80, $0x38;
	[tilespmem:$0x1A800] =	vst v63  }
0x36f: {  	s21 =	sadd.s32 s4, s13;
	s22 =	sand.u32 $0x1FFFFFF0, s18;
	s23 =	spop (v2sf)  }
0x370: {  	(v2sf) =	vpush v2, $0x6;
	[tilespmem:s16], [sflag:$0x1] =	stream.linear.gather [hbm4b:s21+s24], $0x80, $0x38;
	[tilespmem:$0x1A800] =	vst v63  }
0x371: {  	(v2sf) =	vpush v1, $0x6;
	s2 =	sadd.s32 s4, s22;
	s3 =	sand.u32 $0x1FFFFFF0, s23;
	s5 =	spop (v2sf)  }
0x372: {  	s16 =	smov.u32 s8;
	s8 =	sadd.s32 s15, s3;
	s13 =	sand.u32 $0x1FFFFFF0, s5  }
0x373: {  	[tilespmem:s25], [sflag:$0x1] =	stream.linear.gather [hbm4b:s2+s24], $0x80, $0x38;
	[tilespmem:$0x1A800] =	vst v63  }
0x374: {  	(v2sf) =	vpush v3, $0x7;
	s18 =	spop (v2sf);
	s21 =	sadd.s32 s4, s13;
	s25 =	sld [smem:$0x7DA]  }
0x375: {  	[tilespmem:s10], [sflag:$0x1] =	stream.linear.gather [hbm4b:s8+s24], $0x80, $0x38;
	[tilespmem:$0x1A800] =	vst v63  }
0x376: {  	(v2sf) =	vpush v2, $0x7;
	s22 =	sand.u32 $0x1FFFFFF0, s18;
	s23 =	spop (v2sf);
	s10 =	sld [smem:$0x7DB]  }
0x377: {  	[tilespmem:s25], [sflag:$0x1] =	stream.linear.gather [hbm4b:s21+s24], $0x80, $0x38;
	[tilespmem:$0x1A800] =	vst v63  }
0x378: {  	s2 =	sadd.s32 s4, s22;
	s3 =	sand.u32 $0x1FFFFFF0, s23;
	s8 =	spop (v2sf)  }
0x379: {  	[tilespmem:s10], [sflag:$0x1] =	stream.linear.gather [hbm4b:s2+s24], $0x80, $0x38;
	[tilespmem:$0x1A800] =	vst v63  }
0x37a: {  	s12 =	sadd.s32 $0x700, s17;
	(v2sf) =	vpush v1, $0x7;
	s13 =	sadd.s32 s15, s3;
	s18 =	sand.u32 $0x1FFFFFF0, s8  }
0x37b: {  	s21 =	spop (v2sf);
	s8 =	sld [smem:$0x7DC];
	s22 =	sadd.s32 s4, s18  }
0x37c: {  	(v2sf) =	vpush v3, $0x8;
	[tilespmem:s9], [sflag:$0x1] =	stream.linear.gather [hbm4b:s13+s24], $0x80, $0x38;
	[tilespmem:$0x1A800] =	vst v63  }
0x37d: {  	(v2sf) =	vpush v2, $0x8;
	s23 =	sand.u32 $0x1FFFFFF0, s21;
	s18 =	sld [smem:$0x7DD];
	s25 =	spop (v2sf)  }
0x37e: {  	[tilespmem:s8], [sflag:$0x1] =	stream.linear.gather [hbm4b:s22+s24], $0x80, $0x38;
	[tilespmem:$0x1A800] =	vst v63  }
0x37f: {  	s9 =	sadd.s32 s4, s23;
	s10 =	sand.u32 $0x1FFFFFF0, s25;
	s13 =	spop (v2sf)  }
0x380: {  	s25 =	sld [smem:$0x7DE];
	s22 =	sand.u32 $0x1FFFFFF0, s13;
	s23 =	spop (v2sf)  }
0x381: {  	(v2sf) =	vpush v1, $0x8;
	[tilespmem:s18], [sflag:$0x1] =	stream.linear.gather [hbm4b:s9+s24], $0x80, $0x38;
	[tilespmem:$0x1A800] =	vst v63  }
0x382: {  	(v2sf) =	vpush v3, $0x9;
	s21 =	sadd.s32 s15, s10;
	s2 =	sadd.s32 s4, s22;
	s3 =	sand.u32 $0x1FFFFFF0, s23  }
0x383: {  	s9 =	sld [smem:$0x7DF];
	s8 =	spop (v2sf);
	s10 =	sadd.s32 s4, s3  }
0x384: {  	(v2sf) =	vpush v2, $0x9;
	[tilespmem:s25], [sflag:$0x1] =	stream.linear.gather [hbm4b:s21+s24], $0x80, $0x38;
	[tilespmem:$0x1A800] =	vst v63  }
0x385: {  	s13 =	sand.u32 $0x1FFFFFF0, s8;
	s18 =	spop (v2sf);
	s21 =	sld [smem:$0x7E0]  }
0x386: {  	(v2sf) =	vpush v1, $0x9;
	[tilespmem:s9], [sflag:$0x1] =	stream.linear.gather [hbm4b:s2+s24], $0x80, $0x38;
	[tilespmem:$0x1A800] =	vst v63  }
0x387: {  	(v2sf) =	vpush v3, $0xA;
	s8 =	sld [smem:$0x7E1];
	s22 =	sadd.s32 s15, s13;
	s23 =	sand.u32 $0x1FFFFFF0, s18  }
0x388: {  	[tilespmem:s21], [sflag:$0x1] =	stream.linear.gather [hbm4b:s10+s24], $0x80, $0x38;
	[tilespmem:$0x1A800] =	vst v63  }
0x389: {  	s25 =	spop (v2sf);
	(v2sf) =	vpush v2, $0xA;
	s18 =	sld [smem:$0x7E2];
	s9 =	sadd.s32 s4, s23  }
0x38a: {  	[tilespmem:s8], [sflag:$0x1] =	stream.linear.gather [hbm4b:s22+s24], $0x80, $0x38;
	[tilespmem:$0x1A800] =	vst v63  }
0x38b: {  	s10 =	sand.u32 $0x1FFFFFF0, s25;
	s25 =	sld [smem:$0x7E3];
	s13 =	spop (v2sf)  }
0x38c: {  	s21 =	sadd.s32 s4, s10;
	s22 =	sand.u32 $0x1FFFFFF0, s13;
	s23 =	spop (v2sf)  }
0x38d: {  	(v2sf) =	vpush v1, $0xA;
	[tilespmem:s18], [sflag:$0x1] =	stream.linear.gather [hbm4b:s9+s24], $0x80, $0x38;
	[tilespmem:$0x1A800] =	vst v63  }
0x38e: {  	s2 =	sadd.s32 s15, s22;
	s5 =	sand.u32 $0x1FFFFFF0, s23;
	s18 =	sld [smem:$0x7E4]  }
0x38f: {  	(v2sf) =	vpush v3, $0xB;
	[tilespmem:s25], [sflag:$0x1] =	stream.linear.gather [hbm4b:s21+s24], $0x80, $0x38;
	[tilespmem:$0x1A800] =	vst v63  }
0x390: {  	s8 =	spop (v2sf);
	s9 =	sadd.s32 s4, s5;
	s25 =	sld [smem:$0x7E5]  }
0x391: {  	s10 =	sand.u32 $0x1FFFFFF0, s8;
	s8 =	rddreg [dreg:$0x1e];
	s13 =	spop (v2sf)  }
0x392: {  	(v2sf) =	vpush v2, $0xB;
	[tilespmem:s7], [sflag:$0x1] =	stream.linear.gather [hbm4b:s2+s24], $0x80, $0x38;
	[tilespmem:$0x1A800] =	vst v63  }
0x393: {  	s21 =	sadd.s32 s4, s10;
	s22 =	sand.u32 $0x1FFFFFF0, s13;
	s23 =	spop (v2sf)  }
0x394: {  	(v2sf) =	vpush v1, $0xB;
	[tilespmem:s18], [sflag:$0x1] =	stream.linear.gather [hbm4b:s9+s24], $0x80, $0x38;
	[tilespmem:$0x1A800] =	vst v63  }
0x395: {  	s2 =	sadd.s32 s15, s22;
	s3 =	sand.u32 $0x1FFFFFF0, s23;
	s7 =	spop (v2sf)  }
0x396: {  	s9 =	sadd.s32 s4, s3;
	s10 =	sand.u32 $0x1FFFFFF0, s7;
	s13 =	spop (v2sf)  }
0x397: {  	[tilespmem:s25], [sflag:$0x1] =	stream.linear.gather [hbm4b:s21+s24], $0x80, $0x38;
	[tilespmem:$0x1A800] =	vst v63  }
0x398: {  	(v2sf) =	vpush v3, $0xC;
	s18 =	rddreg [dreg:$0x1d];
	s21 =	sadd.s32 s4, s10;
	s23 =	spop (v2sf)  }
0x399: {  	[tilespmem:s8], [sflag:$0x1] =	stream.linear.gather [hbm4b:s2+s24], $0x80, $0x38;
	[tilespmem:$0x1A800] =	vst v63  }
0x39a: {  	(v2sf) =	vpush v2, $0xC;
	s22 =	sand.u32 $0x1FFFFFF0, s13;
	s25 =	rddreg [dreg:$0x1c];
	s3 =	sand.u32 $0x1FFFFFF0, s23  }
0x39b: {  	[tilespmem:s18], [sflag:$0x1] =	stream.linear.gather [hbm4b:s9+s24], $0x80, $0x38;
	[tilespmem:$0x1A800] =	vst v63  }
0x39c: {  	(v2sf) =	vpush v1, $0xC;
	s2 =	sadd.s32 s15, s22;
	s8 =	rddreg [dreg:$0x19];
	s7 =	spop (v2sf)  }
0x39d: {  	[tilespmem:s25], [sflag:$0x1] =	stream.linear.gather [hbm4b:s21+s24], $0x80, $0x38;
	[tilespmem:$0x1A800] =	vst v63  }
0x39e: {  	s9 =	sadd.s32 s4, s3;
	s18 =	rddreg [dreg:$0x18];
	s13 =	spop (v2sf)  }
0x39f: {  	(v2sf) =	vpush v3, $0xD;
	s10 =	sand.u32 $0x1FFFFFF0, s7;
	s25 =	rddreg [dreg:$0x14];
	s22 =	sand.u32 $0x1FFFFFF0, s13  }
0x3a0: {  	[tilespmem:s8], [sflag:$0x1] =	stream.linear.gather [hbm4b:s2+s24], $0x80, $0x38;
	[tilespmem:$0x1A800] =	vst v63  }
0x3a1: {  	(v2sf) =	vpush v2, $0xD;
	s21 =	sadd.s32 s4, s10;
	s23 =	spop (v2sf);
	s2 =	sadd.s32 s15, s22  }
0x3a2: {  	[tilespmem:s18], [sflag:$0x1] =	stream.linear.gather [hbm4b:s9+s24], $0x80, $0x38;
	[tilespmem:$0x1A800] =	vst v63  }
0x3a3: {  	s8 =	rddreg [dreg:$0x15];
	s3 =	sand.u32 $0x1FFFFFF0, s23;
	s7 =	spop (v2sf)  }
0x3a4: {  	[tilespmem:s25], [sflag:$0x1] =	stream.linear.gather [hbm4b:s21+s24], $0x80, $0x38;
	[tilespmem:$0x1A800] =	vst v63  }
0x3a5: {  	s9 =	sadd.s32 s4, s3;
	s18 =	rddreg [dreg:$0x13];
	s10 =	sand.u32 $0x1FFFFFF0, s7  }
0x3a6: {  	[tilespmem:s8], [sflag:$0x1] =	stream.linear.gather [hbm4b:s2+s24], $0x80, $0x38;
	[tilespmem:$0x1A800] =	vst v63  }
0x3a7: {  	s13 =	spop (v2sf);
	s21 =	sadd.s32 s4, s10;
	s25 =	rddreg [dreg:$0xb]  }
0x3a8: {  	[tilespmem:s18], [sflag:$0x1] =	stream.linear.gather [hbm4b:s9+s24], $0x80, $0x38;
	[tilespmem:$0x1A800] =	vst v63  }
0x3a9: {  	s22 =	sand.u32 $0x1FFFFFF0, s13;
	s10 =	rddreg [dreg:$0xa];
	s23 =	spop (v2sf)  }
0x3aa: {  	[tilespmem:s25], [sflag:$0x1] =	stream.linear.gather [hbm4b:s21+s24], $0x80, $0x38;
	[tilespmem:$0x1A800] =	vst v63  }
0x3ab: {  	(v2sf) =	vpush v1, $0xD;
	s7 =	sadd.s32 s15, s22;
	s22 =	rddreg [dreg:$0x9];
	s9 =	spop (v2sf)  }
0x3ac: {  	(v2sf) =	vpush v3, $0xE;
	[tilespmem:s10], [sflag:$0x1] =	stream.linear.gather [hbm4b:s7+s24], $0x80, $0x38;
	[tilespmem:$0x1A800] =	vst v63  }
.Ltmp6:
0x3ad: {  	(v2sf) =	vpush v2, $0xE;
	s8 =	sand.u32 $0x1FFFFFF0, s23;
	s18 =	sand.u32 $0x1FFFFFF0, s9;
	(pc) =	sbr.rel @p1 .LBB2_11-.Ltmp6, $4  }
0x3ae: {  	(v2sf) =	vpush v1, $0xE;
	s13 =	sadd.s32 s4, s8;
	s21 =	spop (v2sf);
	s23 =	sadd.s32 s4, s18  }
0x3af: {  	(v2sf) =	vpush v3, $0xF;
	[tilespmem:s22], [sflag:$0x1] =	stream.linear.gather [hbm4b:s13+s24], $0x80, $0x38;
	[tilespmem:$0x1A800] =	vst v63  }
0x3b0: {  	(v2sf) =	vpush v2, $0xF;
	s25 =	rddreg [dreg:$0xc];
	s2 =	sand.u32 $0x1FFFFFF0, s21;
	s3 =	spop (v2sf)  }
0x3b1: {  	(v2sf) =	vpush v1, $0xF;
	[tilespmem:s25], [sflag:$0x1] =	stream.linear.gather [hbm4b:s23+s24], $0x80, $0x38;
	[tilespmem:$0x1A800] =	vst v63  }
.LBB2_12:
0x3b2: {  	_ =	sdelay $0x3  }
0x3b3: {  	s0 =	sadd.s32 s15, s2;
	s29 =	sand.u32 $0x1FFFFFF0, s3  }
0x3b4: {  	[tilespmem:s20], [sflag:$0x1] =	stream.linear.gather [hbm4b:s0+s24], $0x80, $0x38;
	[tilespmem:$0x1A800] =	vst v63  }
0x3b5: {  	s2 =	sadd.s32 s4, s29  }
0x3b6: {  	[tilespmem:s11], [sflag:$0x1] =	stream.linear.gather [hbm4b:s2+s24], $0x80, $0x38;
	[tilespmem:$0x1A800] =	vst v63  }
0x3b7: {  	s30 =	spop (v2sf)  }
0x3b8: {  	s5 =	sand.u32 $0x1FFFFFF0, s30;
	s7 =	spop (v2sf)  }
0x3b9: {  	s8 =	sadd.s32 s4, s5;
	s9 =	sand.u32 $0x1FFFFFF0, s7;
	s10 =	spop (v2sf)  }
0x3ba: {  	[tilespmem:s16], [sflag:$0x1] =	stream.linear.gather [hbm4b:s8+s24], $0x80, $0x38;
	[tilespmem:$0x1A800] =	vst v63  }
0x3bb: {  	s11 =	sadd.s32 s15, s9;
	s13 =	sand.u32 $0x1FFFFFF0, s10;
	s14 =	spop (v2sf)  }
0x3bc: {  	[tilespmem:s6], [sflag:$0x1] =	stream.linear.gather [hbm4b:s11+s24], $0x80, $0x38;
	[tilespmem:$0x1A800] =	vst v63  }
0x3bd: {  	s16 =	sadd.s32 s4, s13;
	s18 =	sand.u32 $0x1FFFFFF0, s14;
	s20 =	spop (v2sf)  }
0x3be: {  	[tilespmem:s1], [sflag:$0x1] =	stream.linear.gather [hbm4b:s16+s24], $0x80, $0x38;
	[tilespmem:$0x1A800] =	vst v63  }
0x3bf: {  	s21 =	sadd.s32 s4, s18;
	s22 =	sand.u32 $0x1FFFFFF0, s20;
	s23 =	spop (v2sf)  }
0x3c0: {  	[tilespmem:s12], [sflag:$0x1] =	stream.linear.gather [hbm4b:s21+s24], $0x80, $0x38;
	[tilespmem:$0x1A800] =	vst v63  }
0x3c1: {  	s25 =	sadd.s32 s15, s22;
	s26 =	sand.u32 $0x1FFFFFF0, s23;
	s28 =	spop (v2sf)  }
0x3c2: {  	[tilespmem:s31], [sflag:$0x1] =	stream.linear.gather [hbm4b:s25+s24], $0x80, $0x38;
	[tilespmem:$0x1A800] =	vst v63  }
0x3c3: {  	s29 =	sadd.s32 $0x780, s19;
	s2 =	sadd.s32 s4, s26;
	s3 =	sand.u32 $0x1FFFFFF0, s28  }
0x3c4: {  	[tilespmem:s29], [sflag:$0x1] =	stream.linear.gather [hbm4b:s2+s24], $0x80, $0x38;
	[tilespmem:$0x1A800] =	vst v63  }
0x3c5: {  	s30 =	sadd.s32 $0x780, s17;
	s31 =	sadd.s32 s4, s3;
	s2 =	simm.s32 $0x1  }
0x3c6: {  	[tilespmem:s30], [sflag:$0x1] =	stream.linear.gather [hbm4b:s31+s24], $0x80, $0x38;
	[tilespmem:$0x1A800] =	vst v63  }
0x3c7: {  	_ =	swait.ge [sflag:s2], $0x80  }
0x3c8: {  	[sflag:s2] =	ssyncset.done $0x0  }
0x3c9: {  	[sflag:s2] =	ssyncadd.s32 $0xFFFFFF80  }
0x3ca: {  	_ =	swait.ge [sflag:s2], $0x80  }
0x3cb: {  	[sflag:s2] =	ssyncset.done $0x0  }
0x3cc: {  	[sflag:s2] =	ssyncadd.s32 $0xFFFFFF80  }
0x3cd: {  	_ =	swait.ge [sflag:s2], $0x80  }
0x3ce: {  	s0 =	simm.s32 $0x7F;
	[sflag:s2] =	ssyncset.done $0x0  }
.LBB2_13:
0x3cf: {  	p1 =	sne.s32 s0, $0x1;
	s0 =	sadd.s32 $0xFFFFFFFF, s0;
	[sflag:s2] =	ssyncadd.s32 $0xFFFFFF80  }
0x3d0: {  	_ =	swait.ge [sflag:s2], $0x80  }
0x3d1: {  	[sflag:s2] =	ssyncset.done $0x0  }
0x3d2: {  	[sflag:s2] =	ssyncadd.s32 $0xFFFFFF80  }
.Ltmp7:
0x3d3: {  	_ =	swait.ge [sflag:s2], $0x80;
	(pc) =	sbr.rel @p1 .LBB2_13-.Ltmp7, $4  }
0x3d4: {  	[sflag:s2] =	ssyncset.done $0x0  }
0x3d5: {  	[sflag:s2] =	ssyncadd.s32 $0xFFFFFF80  }
0x3d6: {  	_ =	swait.ge [sflag:s2], $0x80  }
0x3d7: {  	[sflag:s2] =	ssyncset.done $0x0  }
.Ltmp8:
0x3d8: {  	(pc) =	sbr.rel @p0 .LBB2_10-.Ltmp8, $4  }
0x3d9: {  	s31 =	sld [smem:$0x7E6]  }
0x3da: {  	[sflag:s2] =	ssyncadd.s32 $0xFFFFFF80;
	s18 =	simm.s32 $0x103  }
0x3db: {  	s19 =	simm.s32 $0x8700;
	s20 =	simm.s32 $0x700;
	s21 =	simm.s32 $0x10700  }
0x3dc: {  	s17 =	simm.s32 $0x8;
	p1 =	por $0x0, $0x0;
	s2 =	sadd.s32 $0x8, s31  }
0x3dd: {  	v1 =	vld [tilespmem:s21+$0xFFFFFF10]  }
0x3de: {  	v2 =	vld [tilespmem:s19+$0xFFFFFF10]  }
0x3df: {  	v3 =	vld [tilespmem:s21+$0xFFFFFF00]  }
0x3e0: {  	v4 =	vld [tilespmem:s19+$0xFFFFFF00]  }
0x3e1: {  	v5 =	vld [tilespmem:s20+$0xFFFFFF10]  }
0x3e2: {  	v6 =	vld [tilespmem:s20+$0xFFFFFF00];
	_ =	sdelay $0x1  }
0x3e3: {  	v7 =	vsub.f32 v2, v1  }
0x3e4: {  	v8 =	vsub.f32 v4, v3  }
0x3e5: {  	v7 =	vmul.f32 v7, v5  }
0x3e6: {  	v8 =	vmul.f32 v8, v6  }
0x3e7: {  	v9 =	vand.u32 $0x7FFFFFFF, v7  }
0x3e8: {  	v10 =	vand.u32 $0x7FFFFFFF, v8;
	v9 =	vsub.f32 $0.0e+00, v9  }
0x3e9: {  	v10 =	vsub.f32 $0.0e+00, v10  }
0x3ea: {  	v9 =	vmul.f32 $1.442695020e+00, v9  }
0x3eb: {  	v10 =	vmul.f32 $1.442695020e+00, v10  }
0x3ec: {  	(erf) = vpow2.f32 v9  }
0x3ed: {  	(erf) = vpow2.f32 v10;
	_ =	sdelay $0x7  }
0x3ee: {  	v9 =	vpop (erf)  }
0x3ef: {  	v28 =	vadd.f32 $2.000000000e+00, v9;
	v11 =	vpop (erf)  }
0x3f0: {  	v12 =	vadd.f32 $2.000000000e+00, v11  }
0x3f1: {  	(erf) = vrcp.f32 v28  }
0x3f2: {  	(erf) = vrcp.f32 v12;
	_ =	sdelay $0x7  }
0x3f3: {  	v10 =	vpop (erf)  }
0x3f4: {  	v9 =	vmul.f32 v10, v9;
	v29 =	vpop (erf)  }
0x3f5: {  	v10 =	vmul.f32 v29, v11  }
0x3f6: {  	v30 =	vmul.f32 v9, v9  }
0x3f7: {  	v31 =	vmul.f32 v10, v10  }
0x3f8: {  	v13 =	vmul.f32 $1.428571490e-01, v30  }
0x3f9: {  	v14 =	vmul.f32 $1.428571490e-01, v31  }
0x3fa: {  	v13 =	vadd.f32 $2.000000030e-01, v13  }
0x3fb: {  	v14 =	vadd.f32 $2.000000030e-01, v14  }
0x3fc: {  	v13 =	vmul.f32 v13, v30  }
0x3fd: {  	v14 =	vmul.f32 v14, v31  }
0x3fe: {  	v13 =	vadd.f32 $3.333333430e-01, v13  }
0x3ff: {  	v2 =	vmul.f32 v2, v2;
	v5 =	vmul.f32 v5, v5;
	v14 =	vadd.f32 $3.333333430e-01, v14  }
0x400: {  	v11 =	vmul.f32 v13, v30  }
0x401: {  	v4 =	vmul.f32 v4, v4;
	v2 =	vadd.f32 v2, v5;
	v5 =	vmul.f32 v14, v31  }
0x402: {  	v6 =	vmul.f32 v6, v6;
	v9 =	vadd.f32 v9, v9;
	v11 =	vadd.f32 $1.000000000e+00, v11  }
0x403: {  	v1 =	vmul.f32 v1, v1;
	v10 =	vadd.f32 v10, v10;
	v5 =	vadd.f32 $1.000000000e+00, v5  }
0x404: {  	v3 =	vmul.f32 v3, v3;
	v4 =	vadd.f32 v4, v6;
	v6 =	vmul.f32 v11, v9  }
0x405: {  	v7 =	vmin.f32 v7, $0.0e+00;
	v1 =	vadd.f32 v1, v2;
	v5 =	vmul.f32 v5, v10  }
0x406: {  	v3 =	vadd.f32 v3, v4;
	v2 =	vsub.f32 v7, v6;
	v6 =	vmin.f32 v8, $0.0e+00  }
0x407: {  	v4 =	vsub.f32 v6, v5  }
0x408: {  	v1 =	vmul.f32 $3.124999920e-07, v1;
	v3 =	vmul.f32 $3.124999920e-07, v3  }
0x409: {  	s0 =	simm.s32 $0x100;
	v2 =	vmul.f32 $3.125000000e-02, v2;
	v4 =	vmul.f32 $3.125000000e-02, v4  }
0x40a: {  	v5 =	vor.u32 s0, v0  }
0x40b: {  	v1 =	vsub.f32 v1, v2;
	v3 =	vsub.f32 v3, v4;
	_ =	sdelay $0x1  }
0x40c: {  	v1 =	vadd.f32 v1, v3  }
0x40d: {  	s17 =	simm.s32 $0x18600  }
0x40e: {  	[tilespmem:v5+s17+$0x0] =	vst.idx.msk $0xffff, v1  }
0x40f: {  	v1 =	vld [tilespmem:s21+$0xFFFFFF90]  }
0x410: {  	v2 =	vld [tilespmem:s19+$0xFFFFFF80]  }
0x411: {  	v3 =	vld [tilespmem:s19+$0xFFFFFF90]  }
0x412: {  	v4 =	vld [tilespmem:s21+$0xFFFFFF80]  }
0x413: {  	v5 =	vld [tilespmem:s20+$0xFFFFFF90]  }
0x414: {  	v6 =	vld [tilespmem:s20+$0xFFFFFF80];
	_ =	sdelay $0x1  }
0x415: {  	v7 =	vsub.f32 v3, v1  }
0x416: {  	v8 =	vsub.f32 v2, v4  }
0x417: {  	v7 =	vmul.f32 v7, v5  }
0x418: {  	v8 =	vmul.f32 v8, v6  }
0x419: {  	v32 =	vand.u32 $0x7FFFFFFF, v7  }
0x41a: {  	v33 =	vand.u32 $0x7FFFFFFF, v8;
	v9 =	vsub.f32 $0.0e+00, v32  }
0x41b: {  	v10 =	vsub.f32 $0.0e+00, v33  }
0x41c: {  	v9 =	vmul.f32 $1.442695020e+00, v9  }
0x41d: {  	v10 =	vmul.f32 $1.442695020e+00, v10  }
0x41e: {  	(erf) = vpow2.f32 v9  }
0x41f: {  	(erf) = vpow2.f32 v10;
	_ =	sdelay $0x7  }
0x420: {  	v9 =	vpop (erf)  }
0x421: {  	v34 =	vadd.f32 $2.000000000e+00, v9;
	v35 =	vpop (erf)  }
0x422: {  	v36 =	vadd.f32 $2.000000000e+00, v35  }
0x423: {  	(erf) = vrcp.f32 v34  }
0x424: {  	(erf) = vrcp.f32 v36;
	_ =	sdelay $0x7  }
0x425: {  	v10 =	vpop (erf)  }
0x426: {  	v37 =	vpop (erf)  }
0x427: {  	v9 =	vmul.f32 v10, v9;
	v10 =	vmul.f32 v37, v35;
	_ =	sdelay $0x1  }
0x428: {  	v38 =	vmul.f32 v9, v9;
	v39 =	vmul.f32 v10, v10;
	_ =	sdelay $0x1  }
0x429: {  	v40 =	vmul.f32 $1.428571490e-01, v38;
	v41 =	vmul.f32 $1.428571490e-01, v39;
	_ =	sdelay $0x1  }
0x42a: {  	v13 =	vadd.f32 $2.000000030e-01, v40;
	v14 =	vadd.f32 $2.000000030e-01, v41;
	_ =	sdelay $0x1  }
0x42b: {  	v13 =	vmul.f32 v13, v38;
	v14 =	vmul.f32 v14, v39  }
0x42c: {  	v3 =	vmul.f32 v3, v3  }
0x42d: {  	v5 =	vmul.f32 v5, v5;
	v13 =	vadd.f32 $3.333333430e-01, v13;
	v14 =	vadd.f32 $3.333333430e-01, v14  }
0x42e: {  	v2 =	vmul.f32 v2, v2  }
0x42f: {  	v3 =	vadd.f32 v3, v5;
	v11 =	vmul.f32 v13, v38;
	v5 =	vmul.f32 v14, v39  }
0x430: {  	v6 =	vmul.f32 v6, v6;
	v9 =	vadd.f32 v9, v9;
	v10 =	vadd.f32 v10, v10  }
0x431: {  	v1 =	vmul.f32 v1, v1;
	v11 =	vadd.f32 $1.000000000e+00, v11;
	v5 =	vadd.f32 $1.000000000e+00, v5  }
0x432: {  	v4 =	vmul.f32 v4, v4;
	v2 =	vadd.f32 v2, v6  }
0x433: {  	v1 =	vadd.f32 v1, v3;
	v3 =	vmul.f32 v11, v9;
	v5 =	vmul.f32 v5, v10  }
0x434: {  	v6 =	vmin.f32 v7, $0.0e+00;
	v7 =	vmin.f32 v8, $0.0e+00;
	v2 =	vadd.f32 v4, v2  }
0x435: {  	v3 =	vsub.f32 v6, v3;
	v4 =	vsub.f32 v7, v5  }
0x436: {  	v2 =	vmul.f32 $3.124999920e-07, v2;
	v1 =	vmul.f32 $3.124999920e-07, v1  }
0x437: {  	s30 =	simm.s32 $0x101;
	v3 =	vmul.f32 $3.125000000e-02, v3;
	v4 =	vmul.f32 $3.125000000e-02, v4  }
0x438: {  	v5 =	vor.u32 s30, v0  }
0x439: {  	v1 =	vsub.f32 v1, v3;
	v2 =	vsub.f32 v2, v4;
	_ =	sdelay $0x1  }
0x43a: {  	v1 =	vadd.f32 v1, v2;
	_ =	sdelay $0x1  }
0x43b: {  	[tilespmem:v5+s17+$0x0] =	vst.idx.msk $0xffff, v1  }
0x43c: {  	v1 =	vld [tilespmem:s21+$0x0]  }
0x43d: {  	v2 =	vld [tilespmem:s21+$0x10]  }
0x43e: {  	v3 =	vld [tilespmem:s19+$0x0]  }
0x43f: {  	v4 =	vld [tilespmem:s19+$0x10]  }
0x440: {  	v5 =	vld [tilespmem:s20+$0x0]  }
0x441: {  	v6 =	vld [tilespmem:s20+$0x10];
	_ =	sdelay $0x1  }
0x442: {  	v7 =	vsub.f32 v3, v1  }
0x443: {  	v8 =	vsub.f32 v4, v2  }
0x444: {  	v7 =	vmul.f32 v7, v5  }
0x445: {  	v8 =	vmul.f32 v8, v6  }
0x446: {  	v42 =	vand.u32 $0x7FFFFFFF, v7  }
0x447: {  	v43 =	vand.u32 $0x7FFFFFFF, v8;
	v9 =	vsub.f32 $0.0e+00, v42  }
0x448: {  	v10 =	vsub.f32 $0.0e+00, v43  }
0x449: {  	v9 =	vmul.f32 $1.442695020e+00, v9  }
0x44a: {  	v10 =	vmul.f32 $1.442695020e+00, v10  }
0x44b: {  	(erf) = vpow2.f32 v9  }
0x44c: {  	(erf) = vpow2.f32 v10;
	_ =	sdelay $0x7  }
0x44d: {  	v9 =	vpop (erf)  }
0x44e: {  	v44 =	vadd.f32 $2.000000000e+00, v9;
	v45 =	vpop (erf)  }
0x44f: {  	v46 =	vadd.f32 $2.000000000e+00, v45  }
0x450: {  	(erf) = vrcp.f32 v44  }
0x451: {  	(erf) = vrcp.f32 v46;
	_ =	sdelay $0x7  }
0x452: {  	v10 =	vpop (erf)  }
0x453: {  	v9 =	vmul.f32 v10, v9;
	v47 =	vpop (erf)  }
0x454: {  	v10 =	vmul.f32 v47, v45  }
0x455: {  	v48 =	vmul.f32 v9, v9  }
0x456: {  	v49 =	vmul.f32 v10, v10  }
0x457: {  	v50 =	vmul.f32 $1.428571490e-01, v48  }
0x458: {  	v51 =	vmul.f32 $1.428571490e-01, v49  }
0x459: {  	v13 =	vadd.f32 $2.000000030e-01, v50  }
0x45a: {  	v14 =	vadd.f32 $2.000000030e-01, v51  }
0x45b: {  	v13 =	vmul.f32 v13, v48  }
0x45c: {  	v14 =	vmul.f32 v14, v49  }
0x45d: {  	v13 =	vadd.f32 $3.333333430e-01, v13  }
0x45e: {  	v4 =	vmul.f32 v4, v4;
	v6 =	vmul.f32 v6, v6;
	v14 =	vadd.f32 $3.333333430e-01, v14  }
0x45f: {  	v11 =	vmul.f32 v13, v48  }
0x460: {  	v3 =	vmul.f32 v3, v3;
	v4 =	vadd.f32 v4, v6;
	v12 =	vmul.f32 v14, v49  }
0x461: {  	v5 =	vmul.f32 v5, v5;
	v9 =	vadd.f32 v9, v9;
	v11 =	vadd.f32 $1.000000000e+00, v11  }
0x462: {  	v2 =	vmul.f32 v2, v2;
	v10 =	vadd.f32 v10, v10;
	v12 =	vadd.f32 $1.000000000e+00, v12  }
0x463: {  	v1 =	vmul.f32 v1, v1;
	v3 =	vadd.f32 v3, v5;
	v5 =	vmul.f32 v11, v9  }
0x464: {  	v6 =	vmin.f32 v7, $0.0e+00;
	v2 =	vadd.f32 v2, v4;
	v7 =	vmul.f32 v12, v10  }
0x465: {  	v1 =	vadd.f32 v1, v3;
	v4 =	vsub.f32 v6, v5;
	v5 =	vmin.f32 v8, $0.0e+00  }
0x466: {  	v3 =	vsub.f32 v5, v7  }
0x467: {  	v2 =	vmul.f32 $3.124999920e-07, v2;
	v1 =	vmul.f32 $3.124999920e-07, v1  }
0x468: {  	s31 =	simm.s32 $0x102;
	v4 =	vmul.f32 $3.125000000e-02, v4;
	v3 =	vmul.f32 $3.125000000e-02, v3  }
0x469: {  	v5 =	vor.u32 s31, v0  }
0x46a: {  	v1 =	vsub.f32 v1, v4;
	v2 =	vsub.f32 v2, v3;
	_ =	sdelay $0x1  }
0x46b: {  	v1 =	vadd.f32 v2, v1;
	_ =	sdelay $0x1  }
0x46c: {  	[tilespmem:v5+s17+$0x0] =	vst.idx.msk $0xffff, v1  }
0x46d: {  	v1 =	vld [tilespmem:s21+$0x80]  }
0x46e: {  	v2 =	vld [tilespmem:s21+$0x90]  }
0x46f: {  	v3 =	vld [tilespmem:s19+$0x80]  }
0x470: {  	v4 =	vld [tilespmem:s19+$0x90]  }
0x471: {  	v5 =	vld [tilespmem:s20+$0x80]  }
0x472: {  	v6 =	vld [tilespmem:s20+$0x90];
	_ =	sdelay $0x1  }
0x473: {  	v7 =	vsub.f32 v3, v1  }
0x474: {  	v8 =	vsub.f32 v4, v2  }
0x475: {  	v7 =	vmul.f32 v7, v5  }
0x476: {  	v8 =	vmul.f32 v8, v6  }
0x477: {  	v52 =	vand.u32 $0x7FFFFFFF, v7  }
0x478: {  	v53 =	vand.u32 $0x7FFFFFFF, v8;
	v9 =	vsub.f32 $0.0e+00, v52  }
0x479: {  	v10 =	vsub.f32 $0.0e+00, v53  }
0x47a: {  	v9 =	vmul.f32 $1.442695020e+00, v9  }
0x47b: {  	v10 =	vmul.f32 $1.442695020e+00, v10  }
0x47c: {  	(erf) = vpow2.f32 v9  }
0x47d: {  	(erf) = vpow2.f32 v10;
	_ =	sdelay $0x7  }
0x47e: {  	v9 =	vpop (erf)  }
0x47f: {  	v54 =	vadd.f32 $2.000000000e+00, v9;
	v55 =	vpop (erf)  }
0x480: {  	v56 =	vadd.f32 $2.000000000e+00, v55  }
0x481: {  	(erf) = vrcp.f32 v54  }
0x482: {  	(erf) = vrcp.f32 v56;
	_ =	sdelay $0x7  }
0x483: {  	v10 =	vpop (erf)  }
0x484: {  	v57 =	vpop (erf)  }
0x485: {  	v9 =	vmul.f32 v10, v9;
	v10 =	vmul.f32 v57, v55;
	_ =	sdelay $0x1  }
0x486: {  	v58 =	vmul.f32 v9, v9;
	v59 =	vmul.f32 v10, v10;
	_ =	sdelay $0x1  }
0x487: {  	v60 =	vmul.f32 $1.428571490e-01, v58;
	v61 =	vmul.f32 $1.428571490e-01, v59;
	_ =	sdelay $0x1  }
0x488: {  	v13 =	vadd.f32 $2.000000030e-01, v60;
	v14 =	vadd.f32 $2.000000030e-01, v61  }
0x489: {  	v3 =	vmul.f32 v3, v3  }
0x48a: {  	v13 =	vmul.f32 v13, v58;
	v14 =	vmul.f32 v14, v59  }
0x48b: {  	v4 =	vmul.f32 v4, v4;
	v5 =	vmul.f32 v5, v5  }
0x48c: {  	v6 =	vmul.f32 v6, v6;
	v13 =	vadd.f32 $3.333333430e-01, v13;
	v14 =	vadd.f32 $3.333333430e-01, v14  }
0x48d: {  	v1 =	vmul.f32 v1, v1;
	v3 =	vadd.f32 v3, v5  }
0x48e: {  	v5 =	vadd.f32 v4, v6;
	v11 =	vmul.f32 v13, v58;
	v4 =	vmul.f32 v14, v59  }
0x48f: {  	v63 =	vmul.f32 v2, v2;
	v6 =	vadd.f32 v9, v9;
	v10 =	vadd.f32 v10, v10  }
0x490: {  	v62 =	vadd.f32 $1.000000000e+00, v11;
	v12 =	vadd.f32 $1.000000000e+00, v4  }
0x491: {  	v2 =	vmin.f32 v8, $0.0e+00;
	v1 =	vadd.f32 v1, v3;
	v3 =	vadd.f32 v63, v5  }
0x492: {  	s22 =	simm.s32 $0x107;
	v4 =	vmin.f32 v7, $0.0e+00;
	v5 =	vmul.f32 v62, v6;
	v6 =	vmul.f32 v12, v10  }
.LBB2_16:
0x493: {  	s19 =	sadd.s32 $0x200, s19;
	s20 =	sadd.s32 $0x200, s20;
	s21 =	sadd.s32 $0x200, s21  }
0x494: {  	p0 =	sne.s32 s22, $0x1FF;
	v4 =	vsub.f32 v4, v5;
	s0 =	smov.u32 s22;
	s22 =	sadd.s32 $0x4, s22;
	v2 =	vsub.f32 v2, v6  }
0x495: {  	v1 =	vmul.f32 $3.124999920e-07, v1;
	v3 =	vmul.f32 $3.124999920e-07, v3  }
0x496: {  	v4 =	vmul.f32 $3.125000000e-02, v4;
	v2 =	vmul.f32 $3.125000000e-02, v2  }
0x497: {  	v5 =	vor.u32 s18, v0;
	s18 =	smov.u32 s0  }
0x498: {  	v1 =	vsub.f32 v1, v4;
	v2 =	vsub.f32 v3, v2;
	_ =	sdelay $0x1  }
0x499: {  	v1 =	vadd.f32 v2, v1;
	_ =	sdelay $0x1  }
0x49a: {  	[tilespmem:v5+s17+$0x0] =	vst.idx.msk $0xffff, v1  }
0x49b: {  	v1 =	vld [tilespmem:s20+$0xFFFFFF10]  }
0x49c: {  	v2 =	vld [tilespmem:s21+$0xFFFFFF10]  }
0x49d: {  	v3 =	vld [tilespmem:s19+$0xFFFFFF10]  }
0x49e: {  	v4 =	vld [tilespmem:s21+$0xFFFFFF00]  }
0x49f: {  	v5 =	vld [tilespmem:s19+$0xFFFFFF00];
	_ =	sdelay $0x1  }
0x4a0: {  	v6 =	vld [tilespmem:s20+$0xFFFFFF00]  }
0x4a1: {  	v8 =	vmul.f32 v1, v1;
	v7 =	vsub.f32 v3, v2;
	v3 =	vmul.f32 v3, v3;
	_ =	sdelay $0x1  }
0x4a2: {  	v9 =	vsub.f32 v5, v4;
	v1 =	vmul.f32 v7, v1;
	v3 =	vadd.f32 v3, v8  }
0x4a3: {  	v2 =	vmul.f32 v2, v2;
	v5 =	vmul.f32 v5, v5  }
0x4a4: {  	v7 =	vmul.f32 v9, v6;
	v6 =	vmul.f32 v6, v6;
	v8 =	vand.u32 $0x7FFFFFFF, v1  }
0x4a5: {  	v2 =	vadd.f32 v2, v3;
	v8 =	vsub.f32 $0.0e+00, v8  }
0x4a6: {  	v4 =	vmul.f32 v4, v4;
	v3 =	vand.u32 $0x7FFFFFFF, v7;
	v5 =	vadd.f32 v5, v6  }
0x4a7: {  	v3 =	vsub.f32 $0.0e+00, v3;
	v6 =	vmul.f32 $1.442695020e+00, v8  }
0x4a8: {  	v4 =	vadd.f32 v4, v5  }
0x4a9: {  	v3 =	vmul.f32 $1.442695020e+00, v3;
	(erf) = vpow2.f32 v6;
	_ =	sdelay $0x1  }
0x4aa: {  	(erf) = vpow2.f32 v3;
	_ =	sdelay $0x6  }
0x4ab: {  	v3 =	vpop (erf)  }
0x4ac: {  	v5 =	vadd.f32 $2.000000000e+00, v3  }
0x4ad: {  	v6 =	vpop (erf)  }
0x4ae: {  	v8 =	vadd.f32 $2.000000000e+00, v6;
	(erf) = vrcp.f32 v5;
	_ =	sdelay $0x1  }
0x4af: {  	(erf) = vrcp.f32 v8;
	_ =	sdelay $0x6  }
0x4b0: {  	v5 =	vpop (erf)  }
0x4b1: {  	v3 =	vmul.f32 v5, v3  }
0x4b2: {  	v5 =	vpop (erf)  }
0x4b3: {  	v5 =	vmul.f32 v5, v6;
	v6 =	vmul.f32 v3, v3;
	_ =	sdelay $0x1  }
0x4b4: {  	v8 =	vmul.f32 v5, v5;
	v9 =	vmul.f32 $1.428571490e-01, v6;
	_ =	sdelay $0x1  }
0x4b5: {  	v10 =	vmul.f32 $1.428571490e-01, v8;
	v9 =	vadd.f32 $2.000000030e-01, v9;
	_ =	sdelay $0x1  }
0x4b6: {  	v10 =	vadd.f32 $2.000000030e-01, v10;
	v9 =	vmul.f32 v9, v6;
	_ =	sdelay $0x1  }
0x4b7: {  	v10 =	vmul.f32 v10, v8;
	v9 =	vadd.f32 $3.333333430e-01, v9;
	_ =	sdelay $0x1  }
0x4b8: {  	v10 =	vadd.f32 $3.333333430e-01, v10;
	v6 =	vmul.f32 v9, v6;
	_ =	sdelay $0x1  }
0x4b9: {  	v3 =	vadd.f32 v3, v3;
	v8 =	vmul.f32 v10, v8;
	v6 =	vadd.f32 $1.000000000e+00, v6;
	_ =	sdelay $0x1  }
0x4ba: {  	v5 =	vadd.f32 v5, v5;
	v8 =	vadd.f32 $1.000000000e+00, v8;
	v3 =	vmul.f32 v6, v3  }
0x4bb: {  	v1 =	vmin.f32 v1, $0.0e+00  }
0x4bc: {  	v5 =	vmul.f32 v8, v5;
	v1 =	vsub.f32 v1, v3  }
0x4bd: {  	v3 =	vmin.f32 v7, $0.0e+00  }
0x4be: {  	v3 =	vsub.f32 v3, v5;
	v1 =	vmul.f32 $3.125000000e-02, v1  }
0x4bf: {  	v2 =	vmul.f32 $3.124999920e-07, v2  }
0x4c0: {  	s0 =	sadd.s32 $0xFFFFFFFD, s18;
	v4 =	vmul.f32 $3.124999920e-07, v4;
	v3 =	vmul.f32 $3.125000000e-02, v3  }
0x4c1: {  	v5 =	vor.u32 s0, v0  }
0x4c2: {  	v1 =	vsub.f32 v2, v1;
	v3 =	vsub.f32 v4, v3;
	_ =	sdelay $0x1  }
0x4c3: {  	v1 =	vadd.f32 v1, v3;
	_ =	sdelay $0x1  }
0x4c4: {  	[tilespmem:v5+s17+$0x0] =	vst.idx.msk $0xffff, v1  }
0x4c5: {  	v1 =	vld [tilespmem:s21+$0xFFFFFF90]  }
0x4c6: {  	v2 =	vld [tilespmem:s19+$0xFFFFFF80]  }
0x4c7: {  	v3 =	vld [tilespmem:s19+$0xFFFFFF90]  }
0x4c8: {  	v4 =	vld [tilespmem:s21+$0xFFFFFF80]  }
0x4c9: {  	v5 =	vld [tilespmem:s20+$0xFFFFFF90]  }
0x4ca: {  	v6 =	vld [tilespmem:s20+$0xFFFFFF80];
	_ =	sdelay $0x1  }
0x4cb: {  	v7 =	vsub.f32 v3, v1  }
0x4cc: {  	v3 =	vmul.f32 v3, v3;
	v8 =	vsub.f32 v2, v4  }
0x4cd: {  	v7 =	vmul.f32 v7, v5;
	v5 =	vmul.f32 v5, v5  }
0x4ce: {  	v8 =	vmul.f32 v8, v6;
	v6 =	vmul.f32 v6, v6  }
0x4cf: {  	v1 =	vmul.f32 v1, v1;
	v9 =	vand.u32 $0x7FFFFFFF, v7;
	v3 =	vadd.f32 v3, v5  }
0x4d0: {  	v5 =	vand.u32 $0x7FFFFFFF, v8;
	v9 =	vsub.f32 $0.0e+00, v9  }
0x4d1: {  	v5 =	vsub.f32 $0.0e+00, v5;
	v1 =	vadd.f32 v1, v3  }
0x4d2: {  	v3 =	vmul.f32 $1.442695020e+00, v9  }
0x4d3: {  	v5 =	vmul.f32 $1.442695020e+00, v5  }
0x4d4: {  	(erf) = vpow2.f32 v3  }
0x4d5: {  	(erf) = vpow2.f32 v5;
	_ =	sdelay $0x7  }
0x4d6: {  	v3 =	vpop (erf)  }
0x4d7: {  	v5 =	vadd.f32 $2.000000000e+00, v3;
	v9 =	vpop (erf)  }
0x4d8: {  	v10 =	vadd.f32 $2.000000000e+00, v9  }
0x4d9: {  	(erf) = vrcp.f32 v5  }
0x4da: {  	(erf) = vrcp.f32 v10;
	_ =	sdelay $0x7  }
0x4db: {  	v5 =	vpop (erf)  }
0x4dc: {  	v3 =	vmul.f32 v5, v3;
	v5 =	vpop (erf)  }
0x4dd: {  	v5 =	vmul.f32 v5, v9  }
0x4de: {  	v9 =	vmul.f32 v3, v3  }
0x4df: {  	v10 =	vmul.f32 v5, v5  }
0x4e0: {  	v11 =	vmul.f32 $1.428571490e-01, v9  }
0x4e1: {  	v12 =	vmul.f32 $1.428571490e-01, v10  }
0x4e2: {  	v11 =	vadd.f32 $2.000000030e-01, v11  }
0x4e3: {  	v12 =	vadd.f32 $2.000000030e-01, v12  }
0x4e4: {  	v11 =	vmul.f32 v11, v9  }
0x4e5: {  	v12 =	vmul.f32 v12, v10  }
0x4e6: {  	v11 =	vadd.f32 $3.333333430e-01, v11  }
0x4e7: {  	v12 =	vadd.f32 $3.333333430e-01, v12  }
0x4e8: {  	v9 =	vmul.f32 v11, v9  }
0x4e9: {  	v10 =	vmul.f32 v12, v10  }
0x4ea: {  	v2 =	vmul.f32 v2, v2;
	v3 =	vadd.f32 v3, v3;
	v9 =	vadd.f32 $1.000000000e+00, v9  }
0x4eb: {  	v5 =	vadd.f32 v5, v5;
	v10 =	vadd.f32 $1.000000000e+00, v10  }
0x4ec: {  	v4 =	vmul.f32 v4, v4;
	v2 =	vadd.f32 v2, v6;
	v3 =	vmul.f32 v9, v3  }
0x4ed: {  	v6 =	vmin.f32 v7, $0.0e+00;
	v5 =	vmul.f32 v10, v5  }
0x4ee: {  	v7 =	vmin.f32 v8, $0.0e+00;
	v2 =	vadd.f32 v4, v2;
	v3 =	vsub.f32 v6, v3  }
0x4ef: {  	v4 =	vsub.f32 v7, v5  }
0x4f0: {  	v1 =	vmul.f32 $3.124999920e-07, v1;
	v2 =	vmul.f32 $3.124999920e-07, v2  }
0x4f1: {  	s0 =	sadd.s32 $0xFFFFFFFE, s18;
	v3 =	vmul.f32 $3.125000000e-02, v3;
	v4 =	vmul.f32 $3.125000000e-02, v4  }
0x4f2: {  	v5 =	vor.u32 s0, v0  }
0x4f3: {  	v1 =	vsub.f32 v1, v3;
	v2 =	vsub.f32 v2, v4;
	_ =	sdelay $0x1  }
0x4f4: {  	v1 =	vadd.f32 v1, v2;
	_ =	sdelay $0x1  }
0x4f5: {  	[tilespmem:v5+s17+$0x0] =	vst.idx.msk $0xffff, v1  }
0x4f6: {  	v1 =	vld [tilespmem:s21+$0x0]  }
0x4f7: {  	v2 =	vld [tilespmem:s21+$0x10]  }
0x4f8: {  	v3 =	vld [tilespmem:s19+$0x0]  }
0x4f9: {  	v4 =	vld [tilespmem:s19+$0x10]  }
0x4fa: {  	v5 =	vld [tilespmem:s20+$0x0]  }
0x4fb: {  	v6 =	vld [tilespmem:s20+$0x10];
	_ =	sdelay $0x1  }
0x4fc: {  	v8 =	vmul.f32 v2, v2;
	v7 =	vsub.f32 v3, v1  }
0x4fd: {  	v3 =	vmul.f32 v3, v3;
	v2 =	vsub.f32 v4, v2;
	v4 =	vmul.f32 v4, v4  }
0x4fe: {  	v7 =	vmul.f32 v7, v5;
	v5 =	vmul.f32 v5, v5  }
0x4ff: {  	v2 =	vmul.f32 v2, v6;
	v6 =	vmul.f32 v6, v6  }
0x500: {  	v1 =	vmul.f32 v1, v1;
	v9 =	vand.u32 $0x7FFFFFFF, v7;
	v3 =	vadd.f32 v3, v5  }
0x501: {  	v5 =	vsub.f32 $0.0e+00, v9;
	v9 =	vand.u32 $0x7FFFFFFF, v2;
	v4 =	vadd.f32 v4, v6  }
0x502: {  	v1 =	vadd.f32 v1, v3;
	v3 =	vsub.f32 $0.0e+00, v9  }
0x503: {  	v5 =	vmul.f32 $1.442695020e+00, v5;
	v4 =	vadd.f32 v8, v4  }
0x504: {  	v3 =	vmul.f32 $1.442695020e+00, v3  }
0x505: {  	(erf) = vpow2.f32 v5  }
0x506: {  	(erf) = vpow2.f32 v3;
	_ =	sdelay $0x7  }
0x507: {  	v3 =	vpop (erf)  }
0x508: {  	v5 =	vadd.f32 $2.000000000e+00, v3;
	v6 =	vpop (erf)  }
0x509: {  	v8 =	vadd.f32 $2.000000000e+00, v6  }
0x50a: {  	(erf) = vrcp.f32 v5  }
0x50b: {  	(erf) = vrcp.f32 v8;
	_ =	sdelay $0x7  }
0x50c: {  	v5 =	vpop (erf)  }
0x50d: {  	v3 =	vmul.f32 v5, v3;
	v5 =	vpop (erf)  }
0x50e: {  	v5 =	vmul.f32 v5, v6  }
0x50f: {  	v6 =	vmul.f32 v3, v3  }
0x510: {  	v8 =	vmul.f32 v5, v5  }
0x511: {  	v9 =	vmul.f32 $1.428571490e-01, v6  }
0x512: {  	v10 =	vmul.f32 $1.428571490e-01, v8  }
0x513: {  	v9 =	vadd.f32 $2.000000030e-01, v9  }
0x514: {  	v10 =	vadd.f32 $2.000000030e-01, v10  }
0x515: {  	v9 =	vmul.f32 v9, v6  }
0x516: {  	v10 =	vmul.f32 v10, v8  }
0x517: {  	v9 =	vadd.f32 $3.333333430e-01, v9  }
0x518: {  	v10 =	vadd.f32 $3.333333430e-01, v10  }
0x519: {  	v6 =	vmul.f32 v9, v6  }
0x51a: {  	v8 =	vmul.f32 v10, v8  }
0x51b: {  	v3 =	vadd.f32 v3, v3;
	v6 =	vadd.f32 $1.000000000e+00, v6  }
0x51c: {  	v5 =	vadd.f32 v5, v5;
	v8 =	vadd.f32 $1.000000000e+00, v8  }
0x51d: {  	v3 =	vmul.f32 v6, v3  }
0x51e: {  	v6 =	vmin.f32 v7, $0.0e+00;
	v5 =	vmul.f32 v8, v5  }
0x51f: {  	v2 =	vmin.f32 v2, $0.0e+00;
	v3 =	vsub.f32 v6, v3  }
0x520: {  	v2 =	vsub.f32 v2, v5  }
0x521: {  	v4 =	vmul.f32 $3.124999920e-07, v4;
	v3 =	vmul.f32 $3.125000000e-02, v3  }
0x522: {  	s0 =	sadd.s32 $0xFFFFFFFF, s18;
	v1 =	vmul.f32 $3.124999920e-07, v1;
	v2 =	vmul.f32 $3.125000000e-02, v2  }
0x523: {  	v5 =	vor.u32 s0, v0  }
0x524: {  	v1 =	vsub.f32 v1, v3;
	v2 =	vsub.f32 v4, v2;
	_ =	sdelay $0x1  }
0x525: {  	v1 =	vadd.f32 v2, v1;
	_ =	sdelay $0x1  }
0x526: {  	[tilespmem:v5+s17+$0x0] =	vst.idx.msk $0xffff, v1  }
0x527: {  	v1 =	vld [tilespmem:s21+$0x80]  }
0x528: {  	v2 =	vld [tilespmem:s21+$0x90]  }
0x529: {  	v3 =	vld [tilespmem:s19+$0x80]  }
0x52a: {  	v4 =	vld [tilespmem:s19+$0x90]  }
0x52b: {  	v5 =	vld [tilespmem:s20+$0x80]  }
0x52c: {  	v6 =	vld [tilespmem:s20+$0x90];
	_ =	sdelay $0x1  }
0x52d: {  	v7 =	vsub.f32 v3, v1;
	v1 =	vmul.f32 v1, v1  }
0x52e: {  	v3 =	vmul.f32 v3, v3;
	v8 =	vsub.f32 v4, v2;
	v4 =	vmul.f32 v4, v4  }
0x52f: {  	v7 =	vmul.f32 v7, v5;
	v5 =	vmul.f32 v5, v5  }
0x530: {  	v8 =	vmul.f32 v8, v6;
	v6 =	vmul.f32 v6, v6  }
0x531: {  	v9 =	vand.u32 $0x7FFFFFFF, v7;
	v3 =	vadd.f32 v3, v5;
	v5 =	vmul.f32 v2, v2  }
0x532: {  	v9 =	vsub.f32 $0.0e+00, v9;
	v2 =	vand.u32 $0x7FFFFFFF, v8;
	v6 =	vadd.f32 v4, v6  }
0x533: {  	v1 =	vadd.f32 v1, v3;
	v10 =	vsub.f32 $0.0e+00, v2;
	v2 =	vmin.f32 v8, $0.0e+00  }
0x534: {  	v4 =	vmin.f32 v7, $0.0e+00;
	v8 =	vmul.f32 $1.442695020e+00, v9;
	v3 =	vadd.f32 v5, v6  }
0x535: {  	v5 =	vmul.f32 $1.442695020e+00, v10  }
0x536: {  	(erf) = vpow2.f32 v8  }
0x537: {  	(erf) = vpow2.f32 v5;
	_ =	sdelay $0x7  }
0x538: {  	v5 =	vpop (erf)  }
0x539: {  	v6 =	vadd.f32 $2.000000000e+00, v5;
	v7 =	vpop (erf)  }
0x53a: {  	v8 =	vadd.f32 $2.000000000e+00, v7  }
0x53b: {  	(erf) = vrcp.f32 v6  }
0x53c: {  	(erf) = vrcp.f32 v8;
	_ =	sdelay $0x7  }
0x53d: {  	v6 =	vpop (erf)  }
0x53e: {  	v5 =	vmul.f32 v6, v5;
	v6 =	vpop (erf)  }
0x53f: {  	v6 =	vmul.f32 v6, v7  }
0x540: {  	v7 =	vmul.f32 v5, v5  }
0x541: {  	v8 =	vmul.f32 v6, v6  }
0x542: {  	v9 =	vmul.f32 $1.428571490e-01, v7  }
0x543: {  	v10 =	vmul.f32 $1.428571490e-01, v8  }
0x544: {  	v9 =	vadd.f32 $2.000000030e-01, v9  }
0x545: {  	v10 =	vadd.f32 $2.000000030e-01, v10  }
0x546: {  	v9 =	vmul.f32 v9, v7  }
0x547: {  	v10 =	vmul.f32 v10, v8  }
0x548: {  	v9 =	vadd.f32 $3.333333430e-01, v9  }
0x549: {  	v10 =	vadd.f32 $3.333333430e-01, v10  }
0x54a: {  	v7 =	vmul.f32 v9, v7  }
.Ltmp9:
0x54b: {  	v8 =	vmul.f32 v10, v8;
	(pc) =	sbr.rel @p0 .LBB2_16-.Ltmp9, $4  }
0x54c: {  	v5 =	vadd.f32 v5, v5;
	v7 =	vadd.f32 $1.000000000e+00, v7  }
0x54d: {  	v6 =	vadd.f32 v6, v6;
	v8 =	vadd.f32 $1.000000000e+00, v8  }
0x54e: {  	v5 =	vmul.f32 v7, v5  }
0x54f: {  	v6 =	vmul.f32 v8, v6  }
0x550: {  	_ = 	snop  }
0x551: {  	v4 =	vsub.f32 v4, v5;
	v2 =	vsub.f32 v2, v6  }
0x552: {  	v1 =	vmul.f32 $3.124999920e-07, v1;
	v3 =	vmul.f32 $3.124999920e-07, v3  }
0x553: {  	v4 =	vmul.f32 $3.125000000e-02, v4;
	v2 =	vmul.f32 $3.125000000e-02, v2  }
0x554: {  	v58 =	vor.u32 s18, v0  }
0x555: {  	v1 =	vsub.f32 v1, v4;
	v2 =	vsub.f32 v3, v2;
	_ =	sdelay $0x1  }
0x556: {  	v1 =	vadd.f32 v2, v1  }
0x557: {  	s0 =	simm.s32 $0x0  }
0x558: {  	s0 =	sand.u32 $0x1F0, s0;
	[tilespmem:v58+s17+$0x0] =	vst.idx.msk $0xffff, v1  }
0x559: {  	v1 =	vld [tilespmem:s0+$0x18800]  }
0x55a: {  	v2 =	vld [tilespmem:s17+$0x0];
	_ =	sdelay $0x1  }
0x55b: {  	v3 =	vld [tilespmem:s0+$0x18A00];
	_ =	sdelay $0x1  }
0x55c: {  	v59 =	vld [tilespmem:s0+$0x18C00]  }
0x55d: {  	v1 =	vadd.f32 v1, v2  }
0x55e: {  	v2 =	vld [tilespmem:s0+$0x18E00]  }
0x55f: {  	v1 =	vadd.f32 v3, v1  }
0x560: {  	v3 =	vld [tilespmem:s0+$0x19000]  }
0x561: {  	v1 =	vadd.f32 v59, v1  }
0x562: {  	v60 =	vld [tilespmem:s0+$0x19200]  }
0x563: {  	v1 =	vadd.f32 v2, v1  }
0x564: {  	v2 =	vld [tilespmem:s0+$0x19400]  }
0x565: {  	v1 =	vadd.f32 v3, v1  }
0x566: {  	v3 =	vld [tilespmem:s0+$0x19600]  }
0x567: {  	v1 =	vadd.f32 v60, v1  }
0x568: {  	v61 =	vld [tilespmem:s0+$0x19800]  }
0x569: {  	v1 =	vadd.f32 v2, v1  }
0x56a: {  	v2 =	vld [tilespmem:s0+$0x19A00]  }
0x56b: {  	v1 =	vadd.f32 v3, v1  }
0x56c: {  	v3 =	vld [tilespmem:s0+$0x19C00]  }
0x56d: {  	v1 =	vadd.f32 v61, v1  }
0x56e: {  	v62 =	vld [tilespmem:s0+$0x19E00]  }
0x56f: {  	v1 =	vadd.f32 v2, v1  }
0x570: {  	v2 =	vld [tilespmem:s0+$0x1A000]  }
0x571: {  	v1 =	vadd.f32 v3, v1  }
0x572: {  	v3 =	vld [tilespmem:s0+$0x1A200]  }
0x573: {  	v1 =	vadd.f32 v62, v1  }
0x574: {  	v63 =	vld [tilespmem:s0+$0x1A400]  }
0x575: {  	v1 =	vadd.f32 v2, v1;
	_ =	sdelay $0x1  }
0x576: {  	v1 =	vadd.f32 v3, v1;
	_ =	sdelay $0x1  }
0x577: {  	v1 =	vadd.f32 v63, v1  }
0x578: {  	s2 =	simm.s32 $0x10;
	s0 =	simm.s32 $0x1A600  }
0x579: {  	s2 =	sand.u32 $0x1F0, s2;
	[tilespmem:s0+$0x0] =	vst v1  }
0x57a: {  	s5 =	simm.s32 $0x20;
	s3 =	simm.s32 $0x18610;
	v1 =	vld [tilespmem:s2+$0x18800]  }
.LBB2_18:
0x57b: {  	p0 =	sne.s32 s5, $0x1F0;
	v2 =	vld [tilespmem:s3+$0x0];
	_ =	sdelay $0x1  }
0x57c: {  	v3 =	vld [tilespmem:s2+$0x18A00];
	_ =	sdelay $0x1  }
0x57d: {  	v4 =	vld [tilespmem:s2+$0x18C00]  }
0x57e: {  	v1 =	vadd.f32 v1, v2  }
0x57f: {  	v2 =	vld [tilespmem:s2+$0x18E00]  }
0x580: {  	v1 =	vadd.f32 v3, v1  }
0x581: {  	v3 =	vld [tilespmem:s2+$0x19000]  }
0x582: {  	v1 =	vadd.f32 v4, v1  }
0x583: {  	v4 =	vld [tilespmem:s2+$0x19200]  }
0x584: {  	v1 =	vadd.f32 v2, v1  }
0x585: {  	v2 =	vld [tilespmem:s2+$0x19400]  }
0x586: {  	v1 =	vadd.f32 v3, v1  }
0x587: {  	v3 =	vld [tilespmem:s2+$0x19600]  }
0x588: {  	v1 =	vadd.f32 v4, v1  }
0x589: {  	v4 =	vld [tilespmem:s2+$0x19800]  }
0x58a: {  	v1 =	vadd.f32 v2, v1  }
0x58b: {  	v2 =	vld [tilespmem:s2+$0x19A00]  }
0x58c: {  	v1 =	vadd.f32 v3, v1  }
0x58d: {  	v3 =	vld [tilespmem:s2+$0x19C00]  }
0x58e: {  	v1 =	vadd.f32 v4, v1  }
0x58f: {  	v4 =	vld [tilespmem:s2+$0x19E00]  }
0x590: {  	v1 =	vadd.f32 v2, v1  }
0x591: {  	v2 =	vld [tilespmem:s2+$0x1A000]  }
0x592: {  	v1 =	vadd.f32 v3, v1  }
0x593: {  	v3 =	vld [tilespmem:s2+$0x1A200]  }
0x594: {  	v1 =	vadd.f32 v4, v1  }
0x595: {  	v4 =	vld [tilespmem:s2+$0x1A400]  }
0x596: {  	v1 =	vadd.f32 v2, v1;
	_ =	sdelay $0x1  }
0x597: {  	v1 =	vadd.f32 v3, v1  }
.Ltmp10:
0x598: {  	(pc) =	sbr.rel @p0 .LBB2_18-.Ltmp10, $4  }
0x599: {  	v1 =	vadd.f32 v4, v1  }
0x59a: {  	s0 =	sadd.s32 $0x10, s0  }
0x59b: {  	s2 =	sand.u32 $0x1F0, s5;
	[tilespmem:s0+$0x0] =	vst v1  }
0x59c: {  	s3 =	sadd.s32 $0x10, s3;
	s5 =	sadd.s32 $0x10, s5;
	v1 =	vld [tilespmem:s2+$0x18800]  }
0x59d: {  	v2 =	vld [tilespmem:s3+$0x0];
	_ =	sdelay $0x1  }
0x59e: {  	v3 =	vld [tilespmem:s2+$0x18A00];
	_ =	sdelay $0x1  }
0x59f: {  	v4 =	vld [tilespmem:s2+$0x18C00]  }
0x5a0: {  	v1 =	vadd.f32 v1, v2  }
0x5a1: {  	v2 =	vld [tilespmem:s2+$0x18E00]  }
0x5a2: {  	v1 =	vadd.f32 v3, v1  }
0x5a3: {  	v3 =	vld [tilespmem:s2+$0x19000]  }
0x5a4: {  	v1 =	vadd.f32 v4, v1  }
0x5a5: {  	v60 =	vld [tilespmem:s2+$0x19200]  }
0x5a6: {  	v1 =	vadd.f32 v2, v1  }
0x5a7: {  	v2 =	vld [tilespmem:s2+$0x19400]  }
0x5a8: {  	v1 =	vadd.f32 v3, v1  }
0x5a9: {  	v3 =	vld [tilespmem:s2+$0x19600]  }
0x5aa: {  	v1 =	vadd.f32 v60, v1  }
0x5ab: {  	v61 =	vld [tilespmem:s2+$0x19800]  }
0x5ac: {  	v1 =	vadd.f32 v2, v1  }
0x5ad: {  	v2 =	vld [tilespmem:s2+$0x19A00]  }
0x5ae: {  	v1 =	vadd.f32 v3, v1  }
0x5af: {  	v3 =	vld [tilespmem:s2+$0x19C00]  }
0x5b0: {  	v1 =	vadd.f32 v61, v1  }
0x5b1: {  	v62 =	vld [tilespmem:s2+$0x19E00]  }
0x5b2: {  	v1 =	vadd.f32 v2, v1  }
0x5b3: {  	v2 =	vld [tilespmem:s2+$0x1A000]  }
0x5b4: {  	v1 =	vadd.f32 v3, v1  }
0x5b5: {  	v3 =	vld [tilespmem:s2+$0x1A200]  }
0x5b6: {  	v1 =	vadd.f32 v62, v1  }
0x5b7: {  	v63 =	vld [tilespmem:s2+$0x1A400]  }
0x5b8: {  	v1 =	vadd.f32 v2, v1;
	_ =	sdelay $0x1  }
0x5b9: {  	v1 =	vadd.f32 v3, v1;
	_ =	sdelay $0x1  }
0x5ba: {  	s28 =	sld [smem:$0x7FC];
	v1 =	vadd.f32 v63, v1  }
0x5bb: {  	s0 =	sadd.s32 $0x10, s0  }
0x5bc: {  	s29 =	simm.s32 $0x1A600;
	s2 =	simm.s32 $0x2;
	[tilespmem:s0+$0x0] =	vst v1  }
0x5bd: {  	[hbm4b:s28+s24] =	stream.linear.scatter [tilespmem:s29], [sflag:$0x2], $0x200, $0x38;
	[tilespmem:$0x1A800] =	vst v63  }
0x5be: {  	_ =	swait.ge [sflag:s2], $0x200  }
0x5bf: {  	s30 =	sld [smem:$0x7F8]  }
0x5c0: {  	s31 =	sld [smem:$0x7FD];
	_ =	sdelay $0x1  }
0x5c1: {  	s3 =	sadd.s32 $0x1, s30  }
0x5c2: {  	p0 =	sne.s32 s3, s31  }
.Ltmp11:
0x5c3: {  	_ = 	snop;
	(pc) =	sbr.rel @p0 .LBB2_1-.Ltmp11, $3  }
0x5c4: {  	_ =	sdelay $0x1  }
0x5c5: {  	[sflag:s2] =	ssyncset.done $0x0  }
0x5c6: {  	[sflag:s2] =	ssyncadd.s32 $0xFFFFFE00  }
0x5c7: {  	_ =	sfence.sel $0x180000  }
0x5c8: {  	[bflag:$0x0] =	sbarrier.arrive $0xFFFF  }
0x5c9: {  	_ =	strace $0x90000047  }
0x5ca: {  	s0 =	stileid.u32;
	[bflag:$0x2] =	sbarrier.arrive $0xFFFF  }
0x5cb: {  	p0 =	sne.s32 s0, $0x0;
	s0 =	rddreg [dreg:$0x5]  }
0x5cc: {  	s0 =	sadd.s32 @!p0 $0x100000, s0  }
0x5cd: {  	[sflag:s0] =	ssyncadd.tile.s32 @!p0 $0x1;
	_ =	shalt  }
.Lfunc_end2:
_tile_overlayer_lowered:
.L_overlay_start_2:
0x5ce: {  	(tag) =	ssettag $0x2  }
0x5cf: {  	s0 =	rddreg [dreg:$0x0];
	s2 =	stileid.u32  }
0x5d0: {  	s1 =	rddreg [dreg:$0x1];
	p0 =	sne.s32 s2, $0x0  }
0x5d1: {  	s3 =	rddreg [dreg:$0x2];
	[bflag:$0x3] =	sbarrier.arrive $0xFFFF;
	s2 =	simm.s32 @!p0 $0x1C02  }
0x5d2: {  	[timem:s3], [sflag:s2] =	dma.local @!p0 [hbm:s0], s1  }
0x5d3: {  	s0 =	simm.s32 @!p0 $0x2  }
0x5d4: {  	_ =	swait.ge @!p0 [sflag:s0], s1  }
0x5d5: {  	s1 =	ssub.s32 @!p0 $0x0, s1;
	[sflag:s0] =	ssyncset.done @!p0 $0x0  }
0x5d6: {  	[sflag:s0] =	ssyncadd.s32 @!p0 s1  }
0x5d7: {  	[bflag:$0x3] =	sbarrier.arrive $0xFFFF  }
0x5d8: {  	_ =	shalt  }

</sc_bundles>
